<compile_context>
chip_gen: v7x
topology: tpu7x:2x2x1
jax: 0.10.2.dev20260603
libtpu: 0.0.44.dev20260713+nightly
codegen_flags: <defaults>
</compile_context>

<pallas_src>
import functools

import jax
import jax.numpy as jnp
from jax import lax
from jax.experimental import pallas as pl
from jax.experimental.pallas import tpu as pltpu
from jax.experimental.pallas import tpu_sc as plsc

_NC = 2
_NS = 16
_NW = _NC * _NS

_SUB = 128
_CH = 256
_NBUF = 2


def _sc_gather_call(n_pad, d, k_chunks, row_off):
    n_sub = _CH // _SUB

    mesh = plsc.VectorSubcoreMesh(
        core_axis_name="c", subcore_axis_name="s",
        num_cores=_NC, num_subcores=_NS,
    )

    @functools.partial(
        pl.kernel,
        out_type=(
            jax.ShapeDtypeStruct((n_pad, d), jnp.float32),
            jax.ShapeDtypeStruct((n_pad, d), jnp.float32),
            jax.ShapeDtypeStruct((n_pad, d), jnp.float32),
        ),
        mesh=mesh,
        scratch_types=[
            pltpu.VMEM((_NBUF * _CH * 4 // 128, 128), jnp.int32),
            pltpu.VMEM((_NBUF * _CH,), jnp.int32),
            pltpu.VMEM((_NBUF * _CH,), jnp.int32),
            pltpu.VMEM((_NBUF * _CH,), jnp.int32),
            pltpu.VMEM((_NBUF * _CH, d), jnp.float32),
            pltpu.VMEM((_NBUF * _CH, d), jnp.float32),
            pltpu.VMEM((_NBUF * _CH, d), jnp.float32),
            pltpu.SemaphoreType.DMA,
            pltpu.SemaphoreType.DMA,
            pltpu.SemaphoreType.DMA,
        ],
        compiler_params=pltpu.CompilerParams(
            use_tc_tiling_on_sc=False, needs_layout_passes=False),
    )
    def sc_gather(atom_hbm, bond_hbm, bg_hbm,
                  out_at, out_bi, out_bj,
                  bg_v, iat_v, ibi_v, ibj_v, rat_v, rbi_v, rbj_v,
                  sem_at, sem_bi, sem_bj):
        wid = lax.axis_index("s") * _NC + lax.axis_index("c")
        row_base = wid * (k_chunks * _CH)
        lane4 = lax.iota(jnp.int32, 16) * 4

        def fire(k):
            par = lax.rem(k, _NBUF)
            row0 = row_base + k * _CH
            i_off = par * _CH
            pltpu.sync_copy(bg_hbm.at[pl.ds((row_off + row0) * 4 // 128,
                                            _CH * 4 // 128)],
                            bg_v.at[pl.ds(i_off * 4 // 128, _CH * 4 // 128)])
            for v in range(_CH // 16):
                src0 = (i_off + v * 16) * 4 + lane4
                dst16 = pl.ds(i_off + v * 16, 16)
                iat_v[dst16] = plsc.load_gather(
                    bg_v, [src0 >> 7, src0 & 127])
                ibi_v[dst16] = plsc.load_gather(
                    bg_v, [(src0 + 1) >> 7, (src0 + 1) & 127])
                ibj_v[dst16] = plsc.load_gather(
                    bg_v, [(src0 + 2) >> 7, (src0 + 2) & 127])
            for j in range(n_sub):
                dst = pl.ds(par * _CH + j * _SUB, _SUB)
                isl = pl.ds(i_off + j * _SUB, _SUB)
                pltpu.async_copy(
                    atom_hbm.at[iat_v.at[isl]], rat_v.at[dst], sem_at)
                pltpu.async_copy(
                    bond_hbm.at[ibi_v.at[isl]], rbi_v.at[dst], sem_bi)
                pltpu.async_copy(
                    bond_hbm.at[ibj_v.at[isl]], rbj_v.at[dst], sem_bj)

        def drain_store(k):
            par = lax.rem(k, _NBUF)
            buf = pl.ds(par * _CH, _CH)
            row0 = row_base + k * _CH
            dst = out_at.at[pl.ds(row0, _CH)]
            dst_bi = out_bi.at[pl.ds(row0, _CH)]
            dst_bj = out_bj.at[pl.ds(row0, _CH)]
            pltpu.make_async_copy(dst, rat_v.at[buf], sem_at).wait()
            pltpu.make_async_copy(dst_bi, rbi_v.at[buf], sem_bi).wait()
            pltpu.make_async_copy(dst_bj, rbj_v.at[buf], sem_bj).wait()
            pltpu.sync_copy(rat_v.at[buf], dst)
            pltpu.sync_copy(rbi_v.at[buf], dst_bi)
            pltpu.sync_copy(rbj_v.at[buf], dst_bj)

        fire(0)

        def body(k, carry):
            @pl.when(k + 1 < k_chunks)
            def _():
                fire(k + 1)
            drain_store(k)
            return carry

        lax.fori_loop(0, k_chunks, body, 0)

    return sc_gather


def _tc_mlp_call(n, d, blk, n_rows, blk_off, aliased):
    grid = (n_rows // (2 * blk),)

    def body(*refs):
        bi_ref, bj_ref, ang_ref, at_ref, w_ref, b_ref, out_ref = refs[-7:]
        w = w_ref[...]
        b = b_ref[...]
        ang = ang_ref[...]

        def half(h):
            sl = slice(h * d, (h + 1) * d)
            x = jnp.concatenate(
                [bi_ref[:, sl], bj_ref[:, sl], ang[:, sl], at_ref[:, sl]],
                axis=1)
            z = jnp.dot(x, w, preferred_element_type=jnp.float32) + b
            c = z[:, :d]
            g = z[:, d:]
            return c * jax.nn.sigmoid(c) * jax.nn.sigmoid(g) + ang[:, sl]

        h0 = half(0)
        h1 = half(1)
        out_ref[...] = jnp.concatenate(
            [h0[:, None, :], h1[:, None, :]], axis=1).reshape(2 * blk, d)

    row_spec = pl.BlockSpec((blk, 2 * d), lambda i: (i, 0))
    ang_spec = pl.BlockSpec((blk, 2 * d), lambda i: (i + blk_off, 0))
    in_specs = [
        row_spec,
        row_spec,
        ang_spec,
        row_spec,
        pl.BlockSpec((4 * d, 2 * d), lambda i: (0, 0)),
        pl.BlockSpec((1, 2 * d), lambda i: (0, 0)),
    ]
    aliases = {}
    if aliased:
        in_specs = [pl.BlockSpec(memory_space=pltpu.MemorySpace.HBM)] + in_specs
        aliases = {0: 0}
    return pl.pallas_call(
        body,
        grid=grid,
        in_specs=in_specs,
        out_specs=pl.BlockSpec((2 * blk, d), lambda i: (i + blk_off, 0)),
        out_shape=jax.ShapeDtypeStruct((n, d), jnp.float32),
        input_output_aliases=aliases,
    )


def kernel(atom_feas, bond_feas, angle_feas, bond_graph,
           W_core, b_core, W_gate, b_gate):
    n, d = angle_feas.shape
    per_w = _CH * _NW
    k_chunks = -(-n // per_w)
    n_pad = k_chunks * per_w
    bg = jnp.pad(bond_graph, ((0, n_pad - n), (0, 0)))

    w_cat = jnp.concatenate([W_core, W_gate], axis=1)
    b_cat = jnp.concatenate([b_core, b_gate]).reshape(1, 2 * d)
    ang2 = angle_feas.reshape(n // 2, 2 * d)

    blk = 800
    k0 = k_chunks // 2 + 1
    k1 = k_chunks - k0
    n0 = k0 * per_w
    n1_valid = n - n0
    assert n0 % (2 * blk) == 0 and n1_valid % (2 * blk) == 0

    bgs = jnp.pad(bg, ((0, 0), (0, 1))).reshape(n_pad * 4 // 128, 128)

    def stage_gather(k_cnt, lo):
        return _sc_gather_call(k_cnt * per_w, d, k_cnt, lo)(
            atom_feas, bond_feas, bgs)

    g_at0, g_bi0, g_bj0 = stage_gather(k0, 0)
    g_at1, g_bi1, g_bj1 = stage_gather(k1, n0)

    def pair(x):
        return x.reshape(x.shape[0] // 2, 2 * d)

    out0 = _tc_mlp_call(n, d, blk, n0, 0, False)(
        pair(g_bi0), pair(g_bj0), ang2, pair(g_at0), w_cat, b_cat)
    out = _tc_mlp_call(n, d, blk, n1_valid, n0 // (2 * blk), True)(
        out0, pair(g_bi1), pair(g_bj1), ang2, pair(g_at1), w_cat, b_cat)
    return out

# --- scband reference (transcript-rebuilt; emitter-appended) ---
"""Pipeline reference for scband-angle-update-17437567222209 (READ-ONLY COPY).

The authoritative reference and input builder live on the scoring server;
editing this copy changes nothing except your own understanding.
"""

import jax, jax.numpy as jnp
import numpy as np

N_ATOMS = 50000
N_BONDS = 800000
N_ANGLES = 400000
ATOM_DIM = 64
BOND_DIM = 64
ANGLE_DIM = 64
IN_DIM = ATOM_DIM + 2 * BOND_DIM + ANGLE_DIM  # 256


def setup_inputs(seed: int = 0) -> dict:
    key = jax.random.key(seed)
    ks = jax.random.split(key, 8)
    atom_feas = jax.random.normal(ks[0], (N_ATOMS, ATOM_DIM), dtype=jnp.float32)
    bond_feas = jax.random.normal(ks[1], (N_BONDS, BOND_DIM), dtype=jnp.float32)
    angle_feas = jax.random.normal(ks[2], (N_ANGLES, ANGLE_DIM), dtype=jnp.float32)
    bond_graph = jax.random.randint(ks[3], (N_ANGLES, 3), 0, N_ATOMS, dtype=jnp.int32)
    scale = 1.0 / np.sqrt(IN_DIM)
    W_core = jax.random.normal(ks[4], (IN_DIM, ANGLE_DIM), dtype=jnp.float32) * scale
    b_core = jnp.zeros((ANGLE_DIM,), dtype=jnp.float32)
    W_gate = jax.random.normal(ks[5], (IN_DIM, ANGLE_DIM), dtype=jnp.float32) * scale
    b_gate = jnp.zeros((ANGLE_DIM,), dtype=jnp.float32)
    return {
        "atom_feas": atom_feas,
        "bond_feas": bond_feas,
        "angle_feas": angle_feas,
        "bond_graph": bond_graph,
        "W_core": W_core,
        "b_core": b_core,
        "W_gate": W_gate,
        "b_gate": b_gate,
    }


def reference(atom_feas, bond_feas, angle_feas, bond_graph, W_core, b_core, W_gate, b_gate):
    # torch.index_select gathers
    center_atoms = jnp.take(atom_feas, bond_graph[:, 0], axis=0)
    bond_feas_i = jnp.take(bond_feas, bond_graph[:, 1], axis=0)
    bond_feas_j = jnp.take(bond_feas, bond_graph[:, 2], axis=0)
    total_fea = jnp.concatenate([bond_feas_i, bond_feas_j, angle_feas, center_atoms], axis=1)
    # GatedMLP with hidden_dim=0, gMLP_norm=None: silu(Linear(x)) * sigmoid(Linear(x))
    core = jax.nn.silu(total_fea @ W_core + b_core)
    gate = jax.nn.sigmoid(total_fea @ W_gate + b_gate)
    new_angle_feas = core * gate
    # resnet residual; angle_norm is None
    new_angle_feas = new_angle_feas + angle_feas
    return new_angle_feas

if __name__ == "__main__":
    import jax
    _d = setup_inputs()
    print(jax.jit(kernel)(*tuple(_d.values())))

</pallas_src>

<mosaic_0001>
#map = affine_map<(d0, d1) -> (0, 0)>
module attributes {stable_mosaic.version = 14 : i64} {
  func.func @sc_gather(%arg0: i32, %arg1: i32, %arg2: memref<50000x64xf32, #tpu.memory_space<hbm>>, %arg3: memref<800000x64xf32, #tpu.memory_space<hbm>>, %arg4: memref<12544x128xi32, #tpu.memory_space<hbm>>, %arg5: memref<196608x64xf32, #tpu.memory_space<hbm>>, %arg6: memref<196608x64xf32, #tpu.memory_space<hbm>>, %arg7: memref<196608x64xf32, #tpu.memory_space<hbm>>, %arg8: memref<16x128xi32, #tpu.memory_space<vmem>>, %arg9: memref<512xi32, #tpu.memory_space<vmem>>, %arg10: memref<512xi32, #tpu.memory_space<vmem>>, %arg11: memref<512xi32, #tpu.memory_space<vmem>>, %arg12: memref<512x64xf32, #tpu.memory_space<vmem>>, %arg13: memref<512x64xf32, #tpu.memory_space<vmem>>, %arg14: memref<512x64xf32, #tpu.memory_space<vmem>>, %arg15: memref<!tpu.dma_semaphore, #tpu.memory_space<semaphore_mem>>, %arg16: memref<!tpu.dma_semaphore, #tpu.memory_space<semaphore_mem>>, %arg17: memref<!tpu.dma_semaphore, #tpu.memory_space<semaphore_mem>>) attributes {dimension_semantics = [#tpu.dimension_semantics<core_parallel>, #tpu.dimension_semantics<subcore_parallel>], iteration_bounds = array<i64: 2, 16>, scalar_prefetch = 0 : i64, scratch_operands = 10 : i64, tpu.core_type = #tpu.core_type<sc_vector_subcore>, window_params = [{transform_indices = #map}, {transform_indices = #map}, {transform_indices = #map}, {transform_indices = #map}, {transform_indices = #map}, {transform_indices = #map}]} {
    %mul3A = arith.constant 2 : i32
    %mul3A_0 = arith.muli %arg1, %mul3A : i32
    %add3A = arith.addi %mul3A_0, %arg0 : i32
    %mul3A_1 = arith.constant 6144 : i32
    %mul3A_2 = arith.muli %add3A, %mul3A_1 : i32
    %iota3A = tpu.iota {dimensions = array<i32: 0>} : vector<16xi32>
    %mul3A_3 = arith.constant 4 : i32
    %mul3A_4 = vector.broadcast %mul3A_3 : i32 to vector<16xi32>
    %mul3A_5 = arith.muli %iota3A, %mul3A_4 : vector<16xi32>
    %rem3A = arith.constant 0 : i32
    %rem3A_6 = arith.constant 2 : i32
    %rem3A_7 = arith.remsi %rem3A, %rem3A_6 : i32
    %add3A_8 = arith.constant 0 : i32
    %add3A_9 = arith.addi %mul3A_2, %add3A_8 : i32
    %mul3A_10 = arith.constant 256 : i32
    %mul3A_11 = arith.muli %rem3A_7, %mul3A_10 : i32
    %add3A_12 = arith.constant 204800 : i32
    %add3A_13 = arith.addi %add3A_12, %add3A_9 : i32
    %mul3A_14 = arith.constant 4 : i32
    %mul3A_15 = arith.muli %add3A_13, %mul3A_14 : i32
    %jit3A = arith.constant 128 : i32
    %div3A = arith.divsi %mul3A_15, %jit3A : i32
    %sign3A = arith.constant 0 : i32
    %sign3A_16 = arith.cmpi sgt, %mul3A_15, %sign3A : i32
    %sign3A_17 = arith.extui %sign3A_16 : i1 to i32
    %sign3A_18 = arith.constant 0 : i32
    %sign3A_19 = arith.cmpi slt, %mul3A_15, %sign3A_18 : i32
    %sign3A_20 = arith.extui %sign3A_19 : i1 to i32
    %sign3A_21 = arith.subi %sign3A_17, %sign3A_20 : i32
    %sign3A_22 = arith.constant 0 : i32
    %sign3A_23 = arith.cmpi sgt, %jit3A, %sign3A_22 : i32
    %sign3A_24 = arith.extui %sign3A_23 : i1 to i32
    %sign3A_25 = arith.constant 0 : i32
    %sign3A_26 = arith.cmpi slt, %jit3A, %sign3A_25 : i32
    %sign3A_27 = arith.extui %sign3A_26 : i1 to i32
    %sign3A_28 = arith.subi %sign3A_24, %sign3A_27 : i32
    %ne3A = arith.cmpi ne, %sign3A_21, %sign3A_28 : i32
    %rem3A_29 = arith.remsi %mul3A_15, %jit3A : i32
    %ne3A_30 = arith.constant 0 : i32
    %ne3A_31 = arith.cmpi ne, %rem3A_29, %ne3A_30 : i32
    %and3A = arith.andi %ne3A, %ne3A_31 : i1
    %sub3A = arith.constant 1 : i32
    %sub3A_32 = arith.subi %div3A, %sub3A : i32
    %select_n3A = arith.select %and3A, %sub3A_32, %div3A : i32
    %mul3A_33 = arith.constant 4 : i32
    %mul3A_34 = arith.muli %mul3A_11, %mul3A_33 : i32
    %jit3A_35 = arith.constant 128 : i32
    %div3A_36 = arith.divsi %mul3A_34, %jit3A_35 : i32
    %sign3A_37 = arith.constant 0 : i32
    %sign3A_38 = arith.cmpi sgt, %mul3A_34, %sign3A_37 : i32
    %sign3A_39 = arith.extui %sign3A_38 : i1 to i32
    %sign3A_40 = arith.constant 0 : i32
    %sign3A_41 = arith.cmpi slt, %mul3A_34, %sign3A_40 : i32
    %sign3A_42 = arith.extui %sign3A_41 : i1 to i32
    %sign3A_43 = arith.subi %sign3A_39, %sign3A_42 : i32
    %sign3A_44 = arith.constant 0 : i32
    %sign3A_45 = arith.cmpi sgt, %jit3A_35, %sign3A_44 : i32
    %sign3A_46 = arith.extui %sign3A_45 : i1 to i32
    %sign3A_47 = arith.constant 0 : i32
    %sign3A_48 = arith.cmpi slt, %jit3A_35, %sign3A_47 : i32
    %sign3A_49 = arith.extui %sign3A_48 : i1 to i32
    %sign3A_50 = arith.subi %sign3A_46, %sign3A_49 : i32
    %ne3A_51 = arith.cmpi ne, %sign3A_43, %sign3A_50 : i32
    %rem3A_52 = arith.remsi %mul3A_34, %jit3A_35 : i32
    %ne3A_53 = arith.constant 0 : i32
    %ne3A_54 = arith.cmpi ne, %rem3A_52, %ne3A_53 : i32
    %and3A_55 = arith.andi %ne3A_51, %ne3A_54 : i1
    %sub3A_56 = arith.constant 1 : i32
    %sub3A_57 = arith.subi %div3A_36, %sub3A_56 : i32
    %select_n3A_58 = arith.select %and3A_55, %sub3A_57, %div3A_36 : i32
    "tpu.region"() ({
      %run_scoped3A = tpu.sem_alloc : memref<!tpu.dma_semaphore, #tpu.memory_space<semaphore_mem>>
      %dma_start3A_860 = arith.constant 0 : i32
      %dma_start3A_861 = tpu.memref_slice %arg8[%select_n3A_58, %dma_start3A_860] : memref<16x128xi32, #tpu.memory_space<vmem>> -> memref<8x128xi32, #tpu.memory_space<vmem>>
      %dma_start3A_862 = arith.constant 0 : i32
      %dma_start3A_863 = tpu.memref_slice %arg4[%select_n3A, %dma_start3A_862] : memref<12544x128xi32, #tpu.memory_space<hbm>> -> memref<8x128xi32, #tpu.memory_space<hbm>>
      %dma_start3A_864 = arith.constant 0 : i32
      %dma_start3A_865 = tpu.memref_slice %arg8[%select_n3A_58, %dma_start3A_864] : memref<16x128xi32, #tpu.memory_space<vmem>> -> memref<8x128xi32, #tpu.memory_space<vmem>>
      %dma_start3A_866 = arith.constant 0 : i32
      %dma_start3A_867 = tpu.memref_slice %arg4[%select_n3A, %dma_start3A_866] : memref<12544x128xi32, #tpu.memory_space<hbm>> -> memref<8x128xi32, #tpu.memory_space<hbm>>
      tpu.enqueue_dma source(%dma_start3A_867 : memref<8x128xi32, #tpu.memory_space<hbm>>) target(%dma_start3A_865 : memref<8x128xi32, #tpu.memory_space<vmem>>) target_semaphore(%run_scoped3A : memref<!tpu.dma_semaphore, #tpu.memory_space<semaphore_mem>>)
      %dma_wait3A = arith.constant 0 : i32
      %dma_wait3A_868 = tpu.memref_slice %arg8[%select_n3A_58, %dma_wait3A] : memref<16x128xi32, #tpu.memory_space<vmem>> -> memref<8x128xi32, #tpu.memory_space<vmem>>
      %dma_wait3A_869 = arith.constant 0 : i32
      %dma_wait3A_870 = tpu.memref_slice %arg4[%select_n3A, %dma_wait3A_869] : memref<12544x128xi32, #tpu.memory_space<hbm>> -> memref<8x128xi32, #tpu.memory_space<hbm>>
      %dma_wait3A_871 = arith.constant 0 : i32
      %dma_wait3A_872 = tpu.memref_slice %arg8[%select_n3A_58, %dma_wait3A_871] : memref<16x128xi32, #tpu.memory_space<vmem>> -> memref<8x128xi32, #tpu.memory_space<vmem>>
      %dma_wait3A_873 = arith.constant 0 : i32
      %dma_wait3A_874 = tpu.memref_slice %arg4[%select_n3A, %dma_wait3A_873] : memref<12544x128xi32, #tpu.memory_space<hbm>> -> memref<8x128xi32, #tpu.memory_space<hbm>>
      tpu.wait_dma2 semaphore(%run_scoped3A : memref<!tpu.dma_semaphore, #tpu.memory_space<semaphore_mem>>) src(%dma_wait3A_874 : memref<8x128xi32, #tpu.memory_space<hbm>>) dst(%dma_wait3A_872 : memref<8x128xi32, #tpu.memory_space<vmem>>)
      tpu.yield
    }) : () -> ()
    %add3A_59 = arith.constant 0 : i32
    %add3A_60 = arith.addi %mul3A_11, %add3A_59 : i32
    %mul3A_61 = arith.constant 4 : i32
    %mul3A_62 = arith.muli %add3A_60, %mul3A_61 : i32
    %add3A_63 = vector.broadcast %mul3A_62 : i32 to vector<16xi32>
    %add3A_64 = arith.addi %add3A_63, %mul3A_5 : vector<16xi32>
    %add3A_65 = arith.constant 0 : i32
    %add3A_66 = arith.addi %mul3A_11, %add3A_65 : i32
    %shift_right_arithmetic3A = arith.constant 7 : i32
    %shift_right_arithmetic3A_67 = vector.broadcast %shift_right_arithmetic3A : i32 to vector<16xi32>
    %shift_right_arithmetic3A_68 = arith.shrsi %add3A_64, %shift_right_arithmetic3A_67 : vector<16xi32>
    %and3A_69 = arith.constant 127 : i32
    %and3A_70 = vector.broadcast %and3A_69 : i32 to vector<16xi32>
    %and3A_71 = arith.andi %add3A_64, %and3A_70 : vector<16xi32>
    %gather3A = tpu.vector_load_idx %arg8[%shift_right_arithmetic3A_68, %and3A_71] : memref<16x128xi32, #tpu.memory_space<vmem>>[vector<16xi32>, vector<16xi32>], vector<16xi32>,
    %swap3A = arith.index_cast %add3A_66 : i32 to index
    %swap3A_72 = tpu.vector_load %arg9[%swap3A] {strides = array<i32>} : memref<512xi32, #tpu.memory_space<vmem>>, vector<16xi32>,
    tpu.vector_store %arg9[%swap3A], %gather3A {strides = array<i32>} : memref<512xi32, #tpu.memory_space<vmem>>, vector<16xi32>,
    %add3A_73 = arith.constant 1 : i32
    %add3A_74 = vector.broadcast %add3A_73 : i32 to vector<16xi32>
    %add3A_75 = arith.addi %add3A_64, %add3A_74 : vector<16xi32>
    %shift_right_arithmetic3A_76 = arith.constant 7 : i32
    %shift_right_arithmetic3A_77 = vector.broadcast %shift_right_arithmetic3A_76 : i32 to vector<16xi32>
    %shift_right_arithmetic3A_78 = arith.shrsi %add3A_75, %shift_right_arithmetic3A_77 : vector<16xi32>
    %add3A_79 = arith.constant 1 : i32
    %add3A_80 = vector.broadcast %add3A_79 : i32 to vector<16xi32>
    %add3A_81 = arith.addi %add3A_64, %add3A_80 : vector<16xi32>
    %and3A_82 = arith.constant 127 : i32
    %and3A_83 = vector.broadcast %and3A_82 : i32 to vector<16xi32>
    %and3A_84 = arith.andi %add3A_81, %and3A_83 : vector<16xi32>
    %gather3A_85 = tpu.vector_load_idx %arg8[%shift_right_arithmetic3A_78, %and3A_84] : memref<16x128xi32, #tpu.memory_space<vmem>>[vector<16xi32>, vector<16xi32>], vector<16xi32>,
    %swap3A_86 = arith.index_cast %add3A_66 : i32 to index
    %swap3A_87 = tpu.vector_load %arg10[%swap3A_86] {strides = array<i32>} : memref<512xi32, #tpu.memory_space<vmem>>, vector<16xi32>,
    tpu.vector_store %arg10[%swap3A_86], %gather3A_85 {strides = array<i32>} : memref<512xi32, #tpu.memory_space<vmem>>, vector<16xi32>,
    %add3A_88 = arith.constant 2 : i32
    %add3A_89 = vector.broadcast %add3A_88 : i32 to vector<16xi32>
    %add3A_90 = arith.addi %add3A_64, %add3A_89 : vector<16xi32>
    %shift_right_arithmetic3A_91 = arith.constant 7 : i32
    %shift_right_arithmetic3A_92 = vector.broadcast %shift_right_arithmetic3A_91 : i32 to vector<16xi32>
    %shift_right_arithmetic3A_93 = arith.shrsi %add3A_90, %shift_right_arithmetic3A_92 : vector<16xi32>
    %add3A_94 = arith.constant 2 : i32
    %add3A_95 = vector.broadcast %add3A_94 : i32 to vector<16xi32>
    %add3A_96 = arith.addi %add3A_64, %add3A_95 : vector<16xi32>
    %and3A_97 = arith.constant 127 : i32
    %and3A_98 = vector.broadcast %and3A_97 : i32 to vector<16xi32>
    %and3A_99 = arith.andi %add3A_96, %and3A_98 : vector<16xi32>
    %gather3A_100 = tpu.vector_load_idx %arg8[%shift_right_arithmetic3A_93, %and3A_99] : memref<16x128xi32, #tpu.memory_space<vmem>>[vector<16xi32>, vector<16xi32>], vector<16xi32>,
    %swap3A_101 = arith.index_cast %add3A_66 : i32 to index
    %swap3A_102 = tpu.vector_load %arg11[%swap3A_101] {strides = array<i32>} : memref<512xi32, #tpu.memory_space<vmem>>, vector<16xi32>,
    tpu.vector_store %arg11[%swap3A_101], %gather3A_100 {strides = array<i32>} : memref<512xi32, #tpu.memory_space<vmem>>, vector<16xi32>,
    %add3A_103 = arith.constant 16 : i32
    %add3A_104 = arith.addi %mul3A_11, %add3A_103 : i32
    %mul3A_105 = arith.constant 4 : i32
    %mul3A_106 = arith.muli %add3A_104, %mul3A_105 : i32
    %add3A_107 = vector.broadcast %mul3A_106 : i32 to vector<16xi32>
    %add3A_108 = arith.addi %add3A_107, %mul3A_5 : vector<16xi32>
    %add3A_109 = arith.constant 16 : i32
    %add3A_110 = arith.addi %mul3A_11, %add3A_109 : i32
    %shift_right_arithmetic3A_111 = arith.constant 7 : i32
    %shift_right_arithmetic3A_112 = vector.broadcast %shift_right_arithmetic3A_111 : i32 to vector<16xi32>
    %shift_right_arithmetic3A_113 = arith.shrsi %add3A_108, %shift_right_arithmetic3A_112 : vector<16xi32>
    %and3A_114 = arith.constant 127 : i32
    %and3A_115 = vector.broadcast %and3A_114 : i32 to vector<16xi32>
    %and3A_116 = arith.andi %add3A_108, %and3A_115 : vector<16xi32>
    %gather3A_117 = tpu.vector_load_idx %arg8[%shift_right_arithmetic3A_113, %and3A_116] : memref<16x128xi32, #tpu.memory_space<vmem>>[vector<16xi32>, vector<16xi32>], vector<16xi32>,
    %swap3A_118 = arith.index_cast %add3A_110 : i32 to index
    %swap3A_119 = tpu.vector_load %arg9[%swap3A_118] {strides = array<i32>} : memref<512xi32, #tpu.memory_space<vmem>>, vector<16xi32>,
    tpu.vector_store %arg9[%swap3A_118], %gather3A_117 {strides = array<i32>} : memref<512xi32, #tpu.memory_space<vmem>>, vector<16xi32>,
    %add3A_120 = arith.constant 1 : i32
    %add3A_121 = vector.broadcast %add3A_120 : i32 to vector<16xi32>
    %add3A_122 = arith.addi %add3A_108, %add3A_121 : vector<16xi32>
    %shift_right_arithmetic3A_123 = arith.constant 7 : i32
    %shift_right_arithmetic3A_124 = vector.broadcast %shift_right_arithmetic3A_123 : i32 to vector<16xi32>
    %shift_right_arithmetic3A_125 = arith.shrsi %add3A_122, %shift_right_arithmetic3A_124 : vector<16xi32>
    %add3A_126 = arith.constant 1 : i32
    %add3A_127 = vector.broadcast %add3A_126 : i32 to vector<16xi32>
    %add3A_128 = arith.addi %add3A_108, %add3A_127 : vector<16xi32>
    %and3A_129 = arith.constant 127 : i32
    %and3A_130 = vector.broadcast %and3A_129 : i32 to vector<16xi32>
    %and3A_131 = arith.andi %add3A_128, %and3A_130 : vector<16xi32>
    %gather3A_132 = tpu.vector_load_idx %arg8[%shift_right_arithmetic3A_125, %and3A_131] : memref<16x128xi32, #tpu.memory_space<vmem>>[vector<16xi32>, vector<16xi32>], vector<16xi32>,
    %swap3A_133 = arith.index_cast %add3A_110 : i32 to index
    %swap3A_134 = tpu.vector_load %arg10[%swap3A_133] {strides = array<i32>} : memref<512xi32, #tpu.memory_space<vmem>>, vector<16xi32>,
    tpu.vector_store %arg10[%swap3A_133], %gather3A_132 {strides = array<i32>} : memref<512xi32, #tpu.memory_space<vmem>>, vector<16xi32>,
    %add3A_135 = arith.constant 2 : i32
    %add3A_136 = vector.broadcast %add3A_135 : i32 to vector<16xi32>
    %add3A_137 = arith.addi %add3A_108, %add3A_136 : vector<16xi32>
    %shift_right_arithmetic3A_138 = arith.constant 7 : i32
    %shift_right_arithmetic3A_139 = vector.broadcast %shift_right_arithmetic3A_138 : i32 to vector<16xi32>
    %shift_right_arithmetic3A_140 = arith.shrsi %add3A_137, %shift_right_arithmetic3A_139 : vector<16xi32>
    %add3A_141 = arith.constant 2 : i32
    %add3A_142 = vector.broadcast %add3A_141 : i32 to vector<16xi32>
    %add3A_143 = arith.addi %add3A_108, %add3A_142 : vector<16xi32>
    %and3A_144 = arith.constant 127 : i32
    %and3A_145 = vector.broadcast %and3A_144 : i32 to vector<16xi32>
    %and3A_146 = arith.andi %add3A_143, %and3A_145 : vector<16xi32>
    %gather3A_147 = tpu.vector_load_idx %arg8[%shift_right_arithmetic3A_140, %and3A_146] : memref<16x128xi32, #tpu.memory_space<vmem>>[vector<16xi32>, vector<16xi32>], vector<16xi32>,
    %swap3A_148 = arith.index_cast %add3A_110 : i32 to index
    %swap3A_149 = tpu.vector_load %arg11[%swap3A_148] {strides = array<i32>} : memref<512xi32, #tpu.memory_space<vmem>>, vector<16xi32>,
    tpu.vector_store %arg11[%swap3A_148], %gather3A_147 {strides = array<i32>} : memref<512xi32, #tpu.memory_space<vmem>>, vector<16xi32>,
    %add3A_150 = arith.constant 32 : i32
    %add3A_151 = arith.addi %mul3A_11, %add3A_150 : i32
    %mul3A_152 = arith.constant 4 : i32
    %mul3A_153 = arith.muli %add3A_151, %mul3A_152 : i32
    %add3A_154 = vector.broadcast %mul3A_153 : i32 to vector<16xi32>
    %add3A_155 = arith.addi %add3A_154, %mul3A_5 : vector<16xi32>
    %add3A_156 = arith.constant 32 : i32
    %add3A_157 = arith.addi %mul3A_11, %add3A_156 : i32
    %shift_right_arithmetic3A_158 = arith.constant 7 : i32
    %shift_right_arithmetic3A_159 = vector.broadcast %shift_right_arithmetic3A_158 : i32 to vector<16xi32>
    %shift_right_arithmetic3A_160 = arith.shrsi %add3A_155, %shift_right_arithmetic3A_159 : vector<16xi32>
    %and3A_161 = arith.constant 127 : i32
    %and3A_162 = vector.broadcast %and3A_161 : i32 to vector<16xi32>
    %and3A_163 = arith.andi %add3A_155, %and3A_162 : vector<16xi32>
    %gather3A_164 = tpu.vector_load_idx %arg8[%shift_right_arithmetic3A_160, %and3A_163] : memref<16x128xi32, #tpu.memory_space<vmem>>[vector<16xi32>, vector<16xi32>], vector<16xi32>,
    %swap3A_165 = arith.index_cast %add3A_157 : i32 to index
    %swap3A_166 = tpu.vector_load %arg9[%swap3A_165] {strides = array<i32>} : memref<512xi32, #tpu.memory_space<vmem>>, vector<16xi32>,
    tpu.vector_store %arg9[%swap3A_165], %gather3A_164 {strides = array<i32>} : memref<512xi32, #tpu.memory_space<vmem>>, vector<16xi32>,
    %add3A_167 = arith.constant 1 : i32
    %add3A_168 = vector.broadcast %add3A_167 : i32 to vector<16xi32>
    %add3A_169 = arith.addi %add3A_155, %add3A_168 : vector<16xi32>
    %shift_right_arithmetic3A_170 = arith.constant 7 : i32
    %shift_right_arithmetic3A_171 = vector.broadcast %shift_right_arithmetic3A_170 : i32 to vector<16xi32>
    %shift_right_arithmetic3A_172 = arith.shrsi %add3A_169, %shift_right_arithmetic3A_171 : vector<16xi32>
    %add3A_173 = arith.constant 1 : i32
    %add3A_174 = vector.broadcast %add3A_173 : i32 to vector<16xi32>
    %add3A_175 = arith.addi %add3A_155, %add3A_174 : vector<16xi32>
    %and3A_176 = arith.constant 127 : i32
    %and3A_177 = vector.broadcast %and3A_176 : i32 to vector<16xi32>
    %and3A_178 = arith.andi %add3A_175, %and3A_177 : vector<16xi32>
    %gather3A_179 = tpu.vector_load_idx %arg8[%shift_right_arithmetic3A_172, %and3A_178] : memref<16x128xi32, #tpu.memory_space<vmem>>[vector<16xi32>, vector<16xi32>], vector<16xi32>,
    %swap3A_180 = arith.index_cast %add3A_157 : i32 to index
    %swap3A_181 = tpu.vector_load %arg10[%swap3A_180] {strides = array<i32>} : memref<512xi32, #tpu.memory_space<vmem>>, vector<16xi32>,
    tpu.vector_store %arg10[%swap3A_180], %gather3A_179 {strides = array<i32>} : memref<512xi32, #tpu.memory_space<vmem>>, vector<16xi32>,
    %add3A_182 = arith.constant 2 : i32
    %add3A_183 = vector.broadcast %add3A_182 : i32 to vector<16xi32>
    %add3A_184 = arith.addi %add3A_155, %add3A_183 : vector<16xi32>
    %shift_right_arithmetic3A_185 = arith.constant 7 : i32
    %shift_right_arithmetic3A_186 = vector.broadcast %shift_right_arithmetic3A_185 : i32 to vector<16xi32>
    %shift_right_arithmetic3A_187 = arith.shrsi %add3A_184, %shift_right_arithmetic3A_186 : vector<16xi32>
    %add3A_188 = arith.constant 2 : i32
    %add3A_189 = vector.broadcast %add3A_188 : i32 to vector<16xi32>
    %add3A_190 = arith.addi %add3A_155, %add3A_189 : vector<16xi32>
    %and3A_191 = arith.constant 127 : i32
    %and3A_192 = vector.broadcast %and3A_191 : i32 to vector<16xi32>
    %and3A_193 = arith.andi %add3A_190, %and3A_192 : vector<16xi32>
    %gather3A_194 = tpu.vector_load_idx %arg8[%shift_right_arithmetic3A_187, %and3A_193] : memref<16x128xi32, #tpu.memory_space<vmem>>[vector<16xi32>, vector<16xi32>], vector<16xi32>,
    %swap3A_195 = arith.index_cast %add3A_157 : i32 to index
    %swap3A_196 = tpu.vector_load %arg11[%swap3A_195] {strides = array<i32>} : memref<512xi32, #tpu.memory_space<vmem>>, vector<16xi32>,
    tpu.vector_store %arg11[%swap3A_195], %gather3A_194 {strides = array<i32>} : memref<512xi32, #tpu.memory_space<vmem>>, vector<16xi32>,
    %add3A_197 = arith.constant 48 : i32
    %add3A_198 = arith.addi %mul3A_11, %add3A_197 : i32
    %mul3A_199 = arith.constant 4 : i32
    %mul3A_200 = arith.muli %add3A_198, %mul3A_199 : i32
    %add3A_201 = vector.broadcast %mul3A_200 : i32 to vector<16xi32>
    %add3A_202 = arith.addi %add3A_201, %mul3A_5 : vector<16xi32>
    %add3A_203 = arith.constant 48 : i32
    %add3A_204 = arith.addi %mul3A_11, %add3A_203 : i32
    %shift_right_arithmetic3A_205 = arith.constant 7 : i32
    %shift_right_arithmetic3A_206 = vector.broadcast %shift_right_arithmetic3A_205 : i32 to vector<16xi32>
    %shift_right_arithmetic3A_207 = arith.shrsi %add3A_202, %shift_right_arithmetic3A_206 : vector<16xi32>
    %and3A_208 = arith.constant 127 : i32
    %and3A_209 = vector.broadcast %and3A_208 : i32 to vector<16xi32>
    %and3A_210 = arith.andi %add3A_202, %and3A_209 : vector<16xi32>
    %gather3A_211 = tpu.vector_load_idx %arg8[%shift_right_arithmetic3A_207, %and3A_210] : memref<16x128xi32, #tpu.memory_space<vmem>>[vector<16xi32>, vector<16xi32>], vector<16xi32>,
    %swap3A_212 = arith.index_cast %add3A_204 : i32 to index
    %swap3A_213 = tpu.vector_load %arg9[%swap3A_212] {strides = array<i32>} : memref<512xi32, #tpu.memory_space<vmem>>, vector<16xi32>,
    tpu.vector_store %arg9[%swap3A_212], %gather3A_211 {strides = array<i32>} : memref<512xi32, #tpu.memory_space<vmem>>, vector<16xi32>,
    %add3A_214 = arith.constant 1 : i32
    %add3A_215 = vector.broadcast %add3A_214 : i32 to vector<16xi32>
    %add3A_216 = arith.addi %add3A_202, %add3A_215 : vector<16xi32>
    %shift_right_arithmetic3A_217 = arith.constant 7 : i32
    %shift_right_arithmetic3A_218 = vector.broadcast %shift_right_arithmetic3A_217 : i32 to vector<16xi32>
    %shift_right_arithmetic3A_219 = arith.shrsi %add3A_216, %shift_right_arithmetic3A_218 : vector<16xi32>
    %add3A_220 = arith.constant 1 : i32
    %add3A_221 = vector.broadcast %add3A_220 : i32 to vector<16xi32>
    %add3A_222 = arith.addi %add3A_202, %add3A_221 : vector<16xi32>
    %and3A_223 = arith.constant 127 : i32
    %and3A_224 = vector.broadcast %and3A_223 : i32 to vector<16xi32>
    %and3A_225 = arith.andi %add3A_222, %and3A_224 : vector<16xi32>
    %gather3A_226 = tpu.vector_load_idx %arg8[%shift_right_arithmetic3A_219, %and3A_225] : memref<16x128xi32, #tpu.memory_space<vmem>>[vector<16xi32>, vector<16xi32>], vector<16xi32>,
    %swap3A_227 = arith.index_cast %add3A_204 : i32 to index
    %swap3A_228 = tpu.vector_load %arg10[%swap3A_227] {strides = array<i32>} : memref<512xi32, #tpu.memory_space<vmem>>, vector<16xi32>,
    tpu.vector_store %arg10[%swap3A_227], %gather3A_226 {strides = array<i32>} : memref<512xi32, #tpu.memory_space<vmem>>, vector<16xi32>,
    %add3A_229 = arith.constant 2 : i32
    %add3A_230 = vector.broadcast %add3A_229 : i32 to vector<16xi32>
    %add3A_231 = arith.addi %add3A_202, %add3A_230 : vector<16xi32>
    %shift_right_arithmetic3A_232 = arith.constant 7 : i32
    %shift_right_arithmetic3A_233 = vector.broadcast %shift_right_arithmetic3A_232 : i32 to vector<16xi32>
    %shift_right_arithmetic3A_234 = arith.shrsi %add3A_231, %shift_right_arithmetic3A_233 : vector<16xi32>
    %add3A_235 = arith.constant 2 : i32
    %add3A_236 = vector.broadcast %add3A_235 : i32 to vector<16xi32>
    %add3A_237 = arith.addi %add3A_202, %add3A_236 : vector<16xi32>
    %and3A_238 = arith.constant 127 : i32
    %and3A_239 = vector.broadcast %and3A_238 : i32 to vector<16xi32>
    %and3A_240 = arith.andi %add3A_237, %and3A_239 : vector<16xi32>
    %gather3A_241 = tpu.vector_load_idx %arg8[%shift_right_arithmetic3A_234, %and3A_240] : memref<16x128xi32, #tpu.memory_space<vmem>>[vector<16xi32>, vector<16xi32>], vector<16xi32>,
    %swap3A_242 = arith.index_cast %add3A_204 : i32 to index
    %swap3A_243 = tpu.vector_load %arg11[%swap3A_242] {strides = array<i32>} : memref<512xi32, #tpu.memory_space<vmem>>, vector<16xi32>,
    tpu.vector_store %arg11[%swap3A_242], %gather3A_241 {strides = array<i32>} : memref<512xi32, #tpu.memory_space<vmem>>, vector<16xi32>,
    %add3A_244 = arith.constant 64 : i32
    %add3A_245 = arith.addi %mul3A_11, %add3A_244 : i32
    %mul3A_246 = arith.constant 4 : i32
    %mul3A_247 = arith.muli %add3A_245, %mul3A_246 : i32
    %add3A_248 = vector.broadcast %mul3A_247 : i32 to vector<16xi32>
    %add3A_249 = arith.addi %add3A_248, %mul3A_5 : vector<16xi32>
    %add3A_250 = arith.constant 64 : i32
    %add3A_251 = arith.addi %mul3A_11, %add3A_250 : i32
    %shift_right_arithmetic3A_252 = arith.constant 7 : i32
    %shift_right_arithmetic3A_253 = vector.broadcast %shift_right_arithmetic3A_252 : i32 to vector<16xi32>
    %shift_right_arithmetic3A_254 = arith.shrsi %add3A_249, %shift_right_arithmetic3A_253 : vector<16xi32>
    %and3A_255 = arith.constant 127 : i32
    %and3A_256 = vector.broadcast %and3A_255 : i32 to vector<16xi32>
    %and3A_257 = arith.andi %add3A_249, %and3A_256 : vector<16xi32>
    %gather3A_258 = tpu.vector_load_idx %arg8[%shift_right_arithmetic3A_254, %and3A_257] : memref<16x128xi32, #tpu.memory_space<vmem>>[vector<16xi32>, vector<16xi32>], vector<16xi32>,
    %swap3A_259 = arith.index_cast %add3A_251 : i32 to index
    %swap3A_260 = tpu.vector_load %arg9[%swap3A_259] {strides = array<i32>} : memref<512xi32, #tpu.memory_space<vmem>>, vector<16xi32>,
    tpu.vector_store %arg9[%swap3A_259], %gather3A_258 {strides = array<i32>} : memref<512xi32, #tpu.memory_space<vmem>>, vector<16xi32>,
    %add3A_261 = arith.constant 1 : i32
    %add3A_262 = vector.broadcast %add3A_261 : i32 to vector<16xi32>
    %add3A_263 = arith.addi %add3A_249, %add3A_262 : vector<16xi32>
    %shift_right_arithmetic3A_264 = arith.constant 7 : i32
    %shift_right_arithmetic3A_265 = vector.broadcast %shift_right_arithmetic3A_264 : i32 to vector<16xi32>
    %shift_right_arithmetic3A_266 = arith.shrsi %add3A_263, %shift_right_arithmetic3A_265 : vector<16xi32>
    %add3A_267 = arith.constant 1 : i32
    %add3A_268 = vector.broadcast %add3A_267 : i32 to vector<16xi32>
    %add3A_269 = arith.addi %add3A_249, %add3A_268 : vector<16xi32>
    %and3A_270 = arith.constant 127 : i32
    %and3A_271 = vector.broadcast %and3A_270 : i32 to vector<16xi32>
    %and3A_272 = arith.andi %add3A_269, %and3A_271 : vector<16xi32>
    %gather3A_273 = tpu.vector_load_idx %arg8[%shift_right_arithmetic3A_266, %and3A_272] : memref<16x128xi32, #tpu.memory_space<vmem>>[vector<16xi32>, vector<16xi32>], vector<16xi32>,
    %swap3A_274 = arith.index_cast %add3A_251 : i32 to index
    %swap3A_275 = tpu.vector_load %arg10[%swap3A_274] {strides = array<i32>} : memref<512xi32, #tpu.memory_space<vmem>>, vector<16xi32>,
    tpu.vector_store %arg10[%swap3A_274], %gather3A_273 {strides = array<i32>} : memref<512xi32, #tpu.memory_space<vmem>>, vector<16xi32>,
    %add3A_276 = arith.constant 2 : i32
    %add3A_277 = vector.broadcast %add3A_276 : i32 to vector<16xi32>
    %add3A_278 = arith.addi %add3A_249, %add3A_277 : vector<16xi32>
    %shift_right_arithmetic3A_279 = arith.constant 7 : i32
    %shift_right_arithmetic3A_280 = vector.broadcast %shift_right_arithmetic3A_279 : i32 to vector<16xi32>
    %shift_right_arithmetic3A_281 = arith.shrsi %add3A_278, %shift_right_arithmetic3A_280 : vector<16xi32>
    %add3A_282 = arith.constant 2 : i32
    %add3A_283 = vector.broadcast %add3A_282 : i32 to vector<16xi32>
    %add3A_284 = arith.addi %add3A_249, %add3A_283 : vector<16xi32>
    %and3A_285 = arith.constant 127 : i32
    %and3A_286 = vector.broadcast %and3A_285 : i32 to vector<16xi32>
    %and3A_287 = arith.andi %add3A_284, %and3A_286 : vector<16xi32>
    %gather3A_288 = tpu.vector_load_idx %arg8[%shift_right_arithmetic3A_281, %and3A_287] : memref<16x128xi32, #tpu.memory_space<vmem>>[vector<16xi32>, vector<16xi32>], vector<16xi32>,
    %swap3A_289 = arith.index_cast %add3A_251 : i32 to index
    %swap3A_290 = tpu.vector_load %arg11[%swap3A_289] {strides = array<i32>} : memref<512xi32, #tpu.memory_space<vmem>>, vector<16xi32>,
    tpu.vector_store %arg11[%swap3A_289], %gather3A_288 {strides = array<i32>} : memref<512xi32, #tpu.memory_space<vmem>>, vector<16xi32>,
    %add3A_291 = arith.constant 80 : i32
    %add3A_292 = arith.addi %mul3A_11, %add3A_291 : i32
    %mul3A_293 = arith.constant 4 : i32
    %mul3A_294 = arith.muli %add3A_292, %mul3A_293 : i32
    %add3A_295 = vector.broadcast %mul3A_294 : i32 to vector<16xi32>
    %add3A_296 = arith.addi %add3A_295, %mul3A_5 : vector<16xi32>
    %add3A_297 = arith.constant 80 : i32
    %add3A_298 = arith.addi %mul3A_11, %add3A_297 : i32
    %shift_right_arithmetic3A_299 = arith.constant 7 : i32
    %shift_right_arithmetic3A_300 = vector.broadcast %shift_right_arithmetic3A_299 : i32 to vector<16xi32>
    %shift_right_arithmetic3A_301 = arith.shrsi %add3A_296, %shift_right_arithmetic3A_300 : vector<16xi32>
    %and3A_302 = arith.constant 127 : i32
    %and3A_303 = vector.broadcast %and3A_302 : i32 to vector<16xi32>
    %and3A_304 = arith.andi %add3A_296, %and3A_303 : vector<16xi32>
    %gather3A_305 = tpu.vector_load_idx %arg8[%shift_right_arithmetic3A_301, %and3A_304] : memref<16x128xi32, #tpu.memory_space<vmem>>[vector<16xi32>, vector<16xi32>], vector<16xi32>,
    %swap3A_306 = arith.index_cast %add3A_298 : i32 to index
    %swap3A_307 = tpu.vector_load %arg9[%swap3A_306] {strides = array<i32>} : memref<512xi32, #tpu.memory_space<vmem>>, vector<16xi32>,
    tpu.vector_store %arg9[%swap3A_306], %gather3A_305 {strides = array<i32>} : memref<512xi32, #tpu.memory_space<vmem>>, vector<16xi32>,
    %add3A_308 = arith.constant 1 : i32
    %add3A_309 = vector.broadcast %add3A_308 : i32 to vector<16xi32>
    %add3A_310 = arith.addi %add3A_296, %add3A_309 : vector<16xi32>
    %shift_right_arithmetic3A_311 = arith.constant 7 : i32
    %shift_right_arithmetic3A_312 = vector.broadcast %shift_right_arithmetic3A_311 : i32 to vector<16xi32>
    %shift_right_arithmetic3A_313 = arith.shrsi %add3A_310, %shift_right_arithmetic3A_312 : vector<16xi32>
    %add3A_314 = arith.constant 1 : i32
    %add3A_315 = vector.broadcast %add3A_314 : i32 to vector<16xi32>
    %add3A_316 = arith.addi %add3A_296, %add3A_315 : vector<16xi32>
    %and3A_317 = arith.constant 127 : i32
    %and3A_318 = vector.broadcast %and3A_317 : i32 to vector<16xi32>
    %and3A_319 = arith.andi %add3A_316, %and3A_318 : vector<16xi32>
    %gather3A_320 = tpu.vector_load_idx %arg8[%shift_right_arithmetic3A_313, %and3A_319] : memref<16x128xi32, #tpu.memory_space<vmem>>[vector<16xi32>, vector<16xi32>], vector<16xi32>,
    %swap3A_321 = arith.index_cast %add3A_298 : i32 to index
    %swap3A_322 = tpu.vector_load %arg10[%swap3A_321] {strides = array<i32>} : memref<512xi32, #tpu.memory_space<vmem>>, vector<16xi32>,
    tpu.vector_store %arg10[%swap3A_321], %gather3A_320 {strides = array<i32>} : memref<512xi32, #tpu.memory_space<vmem>>, vector<16xi32>,
    %add3A_323 = arith.constant 2 : i32
    %add3A_324 = vector.broadcast %add3A_323 : i32 to vector<16xi32>
    %add3A_325 = arith.addi %add3A_296, %add3A_324 : vector<16xi32>
    %shift_right_arithmetic3A_326 = arith.constant 7 : i32
    %shift_right_arithmetic3A_327 = vector.broadcast %shift_right_arithmetic3A_326 : i32 to vector<16xi32>
    %shift_right_arithmetic3A_328 = arith.shrsi %add3A_325, %shift_right_arithmetic3A_327 : vector<16xi32>
    %add3A_329 = arith.constant 2 : i32
    %add3A_330 = vector.broadcast %add3A_329 : i32 to vector<16xi32>
    %add3A_331 = arith.addi %add3A_296, %add3A_330 : vector<16xi32>
    %and3A_332 = arith.constant 127 : i32
    %and3A_333 = vector.broadcast %and3A_332 : i32 to vector<16xi32>
    %and3A_334 = arith.andi %add3A_331, %and3A_333 : vector<16xi32>
    %gather3A_335 = tpu.vector_load_idx %arg8[%shift_right_arithmetic3A_328, %and3A_334] : memref<16x128xi32, #tpu.memory_space<vmem>>[vector<16xi32>, vector<16xi32>], vector<16xi32>,
    %swap3A_336 = arith.index_cast %add3A_298 : i32 to index
    %swap3A_337 = tpu.vector_load %arg11[%swap3A_336] {strides = array<i32>} : memref<512xi32, #tpu.memory_space<vmem>>, vector<16xi32>,
    tpu.vector_store %arg11[%swap3A_336], %gather3A_335 {strides = array<i32>} : memref<512xi32, #tpu.memory_space<vmem>>, vector<16xi32>,
    %add3A_338 = arith.constant 96 : i32
    %add3A_339 = arith.addi %mul3A_11, %add3A_338 : i32
    %mul3A_340 = arith.constant 4 : i32
    %mul3A_341 = arith.muli %add3A_339, %mul3A_340 : i32
    %add3A_342 = vector.broadcast %mul3A_341 : i32 to vector<16xi32>
    %add3A_343 = arith.addi %add3A_342, %mul3A_5 : vector<16xi32>
    %add3A_344 = arith.constant 96 : i32
    %add3A_345 = arith.addi %mul3A_11, %add3A_344 : i32
    %shift_right_arithmetic3A_346 = arith.constant 7 : i32
    %shift_right_arithmetic3A_347 = vector.broadcast %shift_right_arithmetic3A_346 : i32 to vector<16xi32>
    %shift_right_arithmetic3A_348 = arith.shrsi %add3A_343, %shift_right_arithmetic3A_347 : vector<16xi32>
    %and3A_349 = arith.constant 127 : i32
    %and3A_350 = vector.broadcast %and3A_349 : i32 to vector<16xi32>
    %and3A_351 = arith.andi %add3A_343, %and3A_350 : vector<16xi32>
    %gather3A_352 = tpu.vector_load_idx %arg8[%shift_right_arithmetic3A_348, %and3A_351] : memref<16x128xi32, #tpu.memory_space<vmem>>[vector<16xi32>, vector<16xi32>], vector<16xi32>,
    %swap3A_353 = arith.index_cast %add3A_345 : i32 to index
    %swap3A_354 = tpu.vector_load %arg9[%swap3A_353] {strides = array<i32>} : memref<512xi32, #tpu.memory_space<vmem>>, vector<16xi32>,
    tpu.vector_store %arg9[%swap3A_353], %gather3A_352 {strides = array<i32>} : memref<512xi32, #tpu.memory_space<vmem>>, vector<16xi32>,
    %add3A_355 = arith.constant 1 : i32
    %add3A_356 = vector.broadcast %add3A_355 : i32 to vector<16xi32>
    %add3A_357 = arith.addi %add3A_343, %add3A_356 : vector<16xi32>
    %shift_right_arithmetic3A_358 = arith.constant 7 : i32
    %shift_right_arithmetic3A_359 = vector.broadcast %shift_right_arithmetic3A_358 : i32 to vector<16xi32>
    %shift_right_arithmetic3A_360 = arith.shrsi %add3A_357, %shift_right_arithmetic3A_359 : vector<16xi32>
    %add3A_361 = arith.constant 1 : i32
    %add3A_362 = vector.broadcast %add3A_361 : i32 to vector<16xi32>
    %add3A_363 = arith.addi %add3A_343, %add3A_362 : vector<16xi32>
    %and3A_364 = arith.constant 127 : i32
    %and3A_365 = vector.broadcast %and3A_364 : i32 to vector<16xi32>
    %and3A_366 = arith.andi %add3A_363, %and3A_365 : vector<16xi32>
    %gather3A_367 = tpu.vector_load_idx %arg8[%shift_right_arithmetic3A_360, %and3A_366] : memref<16x128xi32, #tpu.memory_space<vmem>>[vector<16xi32>, vector<16xi32>], vector<16xi32>,
    %swap3A_368 = arith.index_cast %add3A_345 : i32 to index
    %swap3A_369 = tpu.vector_load %arg10[%swap3A_368] {strides = array<i32>} : memref<512xi32, #tpu.memory_space<vmem>>, vector<16xi32>,
    tpu.vector_store %arg10[%swap3A_368], %gather3A_367 {strides = array<i32>} : memref<512xi32, #tpu.memory_space<vmem>>, vector<16xi32>,
    %add3A_370 = arith.constant 2 : i32
    %add3A_371 = vector.broadcast %add3A_370 : i32 to vector<16xi32>
    %add3A_372 = arith.addi %add3A_343, %add3A_371 : vector<16xi32>
    %shift_right_arithmetic3A_373 = arith.constant 7 : i32
    %shift_right_arithmetic3A_374 = vector.broadcast %shift_right_arithmetic3A_373 : i32 to vector<16xi32>
    %shift_right_arithmetic3A_375 = arith.shrsi %add3A_372, %shift_right_arithmetic3A_374 : vector<16xi32>
    %add3A_376 = arith.constant 2 : i32
    %add3A_377 = vector.broadcast %add3A_376 : i32 to vector<16xi32>
    %add3A_378 = arith.addi %add3A_343, %add3A_377 : vector<16xi32>
    %and3A_379 = arith.constant 127 : i32
    %and3A_380 = vector.broadcast %and3A_379 : i32 to vector<16xi32>
    %and3A_381 = arith.andi %add3A_378, %and3A_380 : vector<16xi32>
    %gather3A_382 = tpu.vector_load_idx %arg8[%shift_right_arithmetic3A_375, %and3A_381] : memref<16x128xi32, #tpu.memory_space<vmem>>[vector<16xi32>, vector<16xi32>], vector<16xi32>,
    %swap3A_383 = arith.index_cast %add3A_345 : i32 to index
    %swap3A_384 = tpu.vector_load %arg11[%swap3A_383] {strides = array<i32>} : memref<512xi32, #tpu.memory_space<vmem>>, vector<16xi32>,
    tpu.vector_store %arg11[%swap3A_383], %gather3A_382 {strides = array<i32>} : memref<512xi32, #tpu.memory_space<vmem>>, vector<16xi32>,
    %add3A_385 = arith.constant 112 : i32
    %add3A_386 = arith.addi %mul3A_11, %add3A_385 : i32
    %mul3A_387 = arith.constant 4 : i32
    %mul3A_388 = arith.muli %add3A_386, %mul3A_387 : i32
    %add3A_389 = vector.broadcast %mul3A_388 : i32 to vector<16xi32>
    %add3A_390 = arith.addi %add3A_389, %mul3A_5 : vector<16xi32>
    %add3A_391 = arith.constant 112 : i32
    %add3A_392 = arith.addi %mul3A_11, %add3A_391 : i32
    %shift_right_arithmetic3A_393 = arith.constant 7 : i32
    %shift_right_arithmetic3A_394 = vector.broadcast %shift_right_arithmetic3A_393 : i32 to vector<16xi32>
    %shift_right_arithmetic3A_395 = arith.shrsi %add3A_390, %shift_right_arithmetic3A_394 : vector<16xi32>
    %and3A_396 = arith.constant 127 : i32
    %and3A_397 = vector.broadcast %and3A_396 : i32 to vector<16xi32>
    %and3A_398 = arith.andi %add3A_390, %and3A_397 : vector<16xi32>
    %gather3A_399 = tpu.vector_load_idx %arg8[%shift_right_arithmetic3A_395, %and3A_398] : memref<16x128xi32, #tpu.memory_space<vmem>>[vector<16xi32>, vector<16xi32>], vector<16xi32>,
    %swap3A_400 = arith.index_cast %add3A_392 : i32 to index
    %swap3A_401 = tpu.vector_load %arg9[%swap3A_400] {strides = array<i32>} : memref<512xi32, #tpu.memory_space<vmem>>, vector<16xi32>,
    tpu.vector_store %arg9[%swap3A_400], %gather3A_399 {strides = array<i32>} : memref<512xi32, #tpu.memory_space<vmem>>, vector<16xi32>,
    %add3A_402 = arith.constant 1 : i32
    %add3A_403 = vector.broadcast %add3A_402 : i32 to vector<16xi32>
    %add3A_404 = arith.addi %add3A_390, %add3A_403 : vector<16xi32>
    %shift_right_arithmetic3A_405 = arith.constant 7 : i32
    %shift_right_arithmetic3A_406 = vector.broadcast %shift_right_arithmetic3A_405 : i32 to vector<16xi32>
    %shift_right_arithmetic3A_407 = arith.shrsi %add3A_404, %shift_right_arithmetic3A_406 : vector<16xi32>
    %add3A_408 = arith.constant 1 : i32
    %add3A_409 = vector.broadcast %add3A_408 : i32 to vector<16xi32>
    %add3A_410 = arith.addi %add3A_390, %add3A_409 : vector<16xi32>
    %and3A_411 = arith.constant 127 : i32
    %and3A_412 = vector.broadcast %and3A_411 : i32 to vector<16xi32>
    %and3A_413 = arith.andi %add3A_410, %and3A_412 : vector<16xi32>
    %gather3A_414 = tpu.vector_load_idx %arg8[%shift_right_arithmetic3A_407, %and3A_413] : memref<16x128xi32, #tpu.memory_space<vmem>>[vector<16xi32>, vector<16xi32>], vector<16xi32>,
    %swap3A_415 = arith.index_cast %add3A_392 : i32 to index
    %swap3A_416 = tpu.vector_load %arg10[%swap3A_415] {strides = array<i32>} : memref<512xi32, #tpu.memory_space<vmem>>, vector<16xi32>,
    tpu.vector_store %arg10[%swap3A_415], %gather3A_414 {strides = array<i32>} : memref<512xi32, #tpu.memory_space<vmem>>, vector<16xi32>,
    %add3A_417 = arith.constant 2 : i32
    %add3A_418 = vector.broadcast %add3A_417 : i32 to vector<16xi32>
    %add3A_419 = arith.addi %add3A_390, %add3A_418 : vector<16xi32>
    %shift_right_arithmetic3A_420 = arith.constant 7 : i32
    %shift_right_arithmetic3A_421 = vector.broadcast %shift_right_arithmetic3A_420 : i32 to vector<16xi32>
    %shift_right_arithmetic3A_422 = arith.shrsi %add3A_419, %shift_right_arithmetic3A_421 : vector<16xi32>
    %add3A_423 = arith.constant 2 : i32
    %add3A_424 = vector.broadcast %add3A_423 : i32 to vector<16xi32>
    %add3A_425 = arith.addi %add3A_390, %add3A_424 : vector<16xi32>
    %and3A_426 = arith.constant 127 : i32
    %and3A_427 = vector.broadcast %and3A_426 : i32 to vector<16xi32>
    %and3A_428 = arith.andi %add3A_425, %and3A_427 : vector<16xi32>
    %gather3A_429 = tpu.vector_load_idx %arg8[%shift_right_arithmetic3A_422, %and3A_428] : memref<16x128xi32, #tpu.memory_space<vmem>>[vector<16xi32>, vector<16xi32>], vector<16xi32>,
    %swap3A_430 = arith.index_cast %add3A_392 : i32 to index
    %swap3A_431 = tpu.vector_load %arg11[%swap3A_430] {strides = array<i32>} : memref<512xi32, #tpu.memory_space<vmem>>, vector<16xi32>,
    tpu.vector_store %arg11[%swap3A_430], %gather3A_429 {strides = array<i32>} : memref<512xi32, #tpu.memory_space<vmem>>, vector<16xi32>,
    %add3A_432 = arith.constant 128 : i32
    %add3A_433 = arith.addi %mul3A_11, %add3A_432 : i32
    %mul3A_434 = arith.constant 4 : i32
    %mul3A_435 = arith.muli %add3A_433, %mul3A_434 : i32
    %add3A_436 = vector.broadcast %mul3A_435 : i32 to vector<16xi32>
    %add3A_437 = arith.addi %add3A_436, %mul3A_5 : vector<16xi32>
    %add3A_438 = arith.constant 128 : i32
    %add3A_439 = arith.addi %mul3A_11, %add3A_438 : i32
    %shift_right_arithmetic3A_440 = arith.constant 7 : i32
    %shift_right_arithmetic3A_441 = vector.broadcast %shift_right_arithmetic3A_440 : i32 to vector<16xi32>
    %shift_right_arithmetic3A_442 = arith.shrsi %add3A_437, %shift_right_arithmetic3A_441 : vector<16xi32>
    %and3A_443 = arith.constant 127 : i32
    %and3A_444 = vector.broadcast %and3A_443 : i32 to vector<16xi32>
    %and3A_445 = arith.andi %add3A_437, %and3A_444 : vector<16xi32>
    %gather3A_446 = tpu.vector_load_idx %arg8[%shift_right_arithmetic3A_442, %and3A_445] : memref<16x128xi32, #tpu.memory_space<vmem>>[vector<16xi32>, vector<16xi32>], vector<16xi32>,
    %swap3A_447 = arith.index_cast %add3A_439 : i32 to index
    %swap3A_448 = tpu.vector_load %arg9[%swap3A_447] {strides = array<i32>} : memref<512xi32, #tpu.memory_space<vmem>>, vector<16xi32>,
    tpu.vector_store %arg9[%swap3A_447], %gather3A_446 {strides = array<i32>} : memref<512xi32, #tpu.memory_space<vmem>>, vector<16xi32>,
    %add3A_449 = arith.constant 1 : i32
    %add3A_450 = vector.broadcast %add3A_449 : i32 to vector<16xi32>
    %add3A_451 = arith.addi %add3A_437, %add3A_450 : vector<16xi32>
    %shift_right_arithmetic3A_452 = arith.constant 7 : i32
    %shift_right_arithmetic3A_453 = vector.broadcast %shift_right_arithmetic3A_452 : i32 to vector<16xi32>
    %shift_right_arithmetic3A_454 = arith.shrsi %add3A_451, %shift_right_arithmetic3A_453 : vector<16xi32>
    %add3A_455 = arith.constant 1 : i32
    %add3A_456 = vector.broadcast %add3A_455 : i32 to vector<16xi32>
    %add3A_457 = arith.addi %add3A_437, %add3A_456 : vector<16xi32>
    %and3A_458 = arith.constant 127 : i32
    %and3A_459 = vector.broadcast %and3A_458 : i32 to vector<16xi32>
    %and3A_460 = arith.andi %add3A_457, %and3A_459 : vector<16xi32>
    %gather3A_461 = tpu.vector_load_idx %arg8[%shift_right_arithmetic3A_454, %and3A_460] : memref<16x128xi32, #tpu.memory_space<vmem>>[vector<16xi32>, vector<16xi32>], vector<16xi32>,
    %swap3A_462 = arith.index_cast %add3A_439 : i32 to index
    %swap3A_463 = tpu.vector_load %arg10[%swap3A_462] {strides = array<i32>} : memref<512xi32, #tpu.memory_space<vmem>>, vector<16xi32>,
    tpu.vector_store %arg10[%swap3A_462], %gather3A_461 {strides = array<i32>} : memref<512xi32, #tpu.memory_space<vmem>>, vector<16xi32>,
    %add3A_464 = arith.constant 2 : i32
    %add3A_465 = vector.broadcast %add3A_464 : i32 to vector<16xi32>
    %add3A_466 = arith.addi %add3A_437, %add3A_465 : vector<16xi32>
    %shift_right_arithmetic3A_467 = arith.constant 7 : i32
    %shift_right_arithmetic3A_468 = vector.broadcast %shift_right_arithmetic3A_467 : i32 to vector<16xi32>
    %shift_right_arithmetic3A_469 = arith.shrsi %add3A_466, %shift_right_arithmetic3A_468 : vector<16xi32>
    %add3A_470 = arith.constant 2 : i32
    %add3A_471 = vector.broadcast %add3A_470 : i32 to vector<16xi32>
    %add3A_472 = arith.addi %add3A_437, %add3A_471 : vector<16xi32>
    %and3A_473 = arith.constant 127 : i32
    %and3A_474 = vector.broadcast %and3A_473 : i32 to vector<16xi32>
    %and3A_475 = arith.andi %add3A_472, %and3A_474 : vector<16xi32>
    %gather3A_476 = tpu.vector_load_idx %arg8[%shift_right_arithmetic3A_469, %and3A_475] : memref<16x128xi32, #tpu.memory_space<vmem>>[vector<16xi32>, vector<16xi32>], vector<16xi32>,
    %swap3A_477 = arith.index_cast %add3A_439 : i32 to index
    %swap3A_478 = tpu.vector_load %arg11[%swap3A_477] {strides = array<i32>} : memref<512xi32, #tpu.memory_space<vmem>>, vector<16xi32>,
    tpu.vector_store %arg11[%swap3A_477], %gather3A_476 {strides = array<i32>} : memref<512xi32, #tpu.memory_space<vmem>>, vector<16xi32>,
    %add3A_479 = arith.constant 144 : i32
    %add3A_480 = arith.addi %mul3A_11, %add3A_479 : i32
    %mul3A_481 = arith.constant 4 : i32
    %mul3A_482 = arith.muli %add3A_480, %mul3A_481 : i32
    %add3A_483 = vector.broadcast %mul3A_482 : i32 to vector<16xi32>
    %add3A_484 = arith.addi %add3A_483, %mul3A_5 : vector<16xi32>
    %add3A_485 = arith.constant 144 : i32
    %add3A_486 = arith.addi %mul3A_11, %add3A_485 : i32
    %shift_right_arithmetic3A_487 = arith.constant 7 : i32
    %shift_right_arithmetic3A_488 = vector.broadcast %shift_right_arithmetic3A_487 : i32 to vector<16xi32>
    %shift_right_arithmetic3A_489 = arith.shrsi %add3A_484, %shift_right_arithmetic3A_488 : vector<16xi32>
    %and3A_490 = arith.constant 127 : i32
    %and3A_491 = vector.broadcast %and3A_490 : i32 to vector<16xi32>
    %and3A_492 = arith.andi %add3A_484, %and3A_491 : vector<16xi32>
    %gather3A_493 = tpu.vector_load_idx %arg8[%shift_right_arithmetic3A_489, %and3A_492] : memref<16x128xi32, #tpu.memory_space<vmem>>[vector<16xi32>, vector<16xi32>], vector<16xi32>,
    %swap3A_494 = arith.index_cast %add3A_486 : i32 to index
    %swap3A_495 = tpu.vector_load %arg9[%swap3A_494] {strides = array<i32>} : memref<512xi32, #tpu.memory_space<vmem>>, vector<16xi32>,
    tpu.vector_store %arg9[%swap3A_494], %gather3A_493 {strides = array<i32>} : memref<512xi32, #tpu.memory_space<vmem>>, vector<16xi32>,
    %add3A_496 = arith.constant 1 : i32
    %add3A_497 = vector.broadcast %add3A_496 : i32 to vector<16xi32>
    %add3A_498 = arith.addi %add3A_484, %add3A_497 : vector<16xi32>
    %shift_right_arithmetic3A_499 = arith.constant 7 : i32
    %shift_right_arithmetic3A_500 = vector.broadcast %shift_right_arithmetic3A_499 : i32 to vector<16xi32>
    %shift_right_arithmetic3A_501 = arith.shrsi %add3A_498, %shift_right_arithmetic3A_500 : vector<16xi32>
    %add3A_502 = arith.constant 1 : i32
    %add3A_503 = vector.broadcast %add3A_502 : i32 to vector<16xi32>
    %add3A_504 = arith.addi %add3A_484, %add3A_503 : vector<16xi32>
    %and3A_505 = arith.constant 127 : i32
    %and3A_506 = vector.broadcast %and3A_505 : i32 to vector<16xi32>
    %and3A_507 = arith.andi %add3A_504, %and3A_506 : vector<16xi32>
    %gather3A_508 = tpu.vector_load_idx %arg8[%shift_right_arithmetic3A_501, %and3A_507] : memref<16x128xi32, #tpu.memory_space<vmem>>[vector<16xi32>, vector<16xi32>], vector<16xi32>,
    %swap3A_509 = arith.index_cast %add3A_486 : i32 to index
    %swap3A_510 = tpu.vector_load %arg10[%swap3A_509] {strides = array<i32>} : memref<512xi32, #tpu.memory_space<vmem>>, vector<16xi32>,
    tpu.vector_store %arg10[%swap3A_509], %gather3A_508 {strides = array<i32>} : memref<512xi32, #tpu.memory_space<vmem>>, vector<16xi32>,
    %add3A_511 = arith.constant 2 : i32
    %add3A_512 = vector.broadcast %add3A_511 : i32 to vector<16xi32>
    %add3A_513 = arith.addi %add3A_484, %add3A_512 : vector<16xi32>
    %shift_right_arithmetic3A_514 = arith.constant 7 : i32
    %shift_right_arithmetic3A_515 = vector.broadcast %shift_right_arithmetic3A_514 : i32 to vector<16xi32>
    %shift_right_arithmetic3A_516 = arith.shrsi %add3A_513, %shift_right_arithmetic3A_515 : vector<16xi32>
    %add3A_517 = arith.constant 2 : i32
    %add3A_518 = vector.broadcast %add3A_517 : i32 to vector<16xi32>
    %add3A_519 = arith.addi %add3A_484, %add3A_518 : vector<16xi32>
    %and3A_520 = arith.constant 127 : i32
    %and3A_521 = vector.broadcast %and3A_520 : i32 to vector<16xi32>
    %and3A_522 = arith.andi %add3A_519, %and3A_521 : vector<16xi32>
    %gather3A_523 = tpu.vector_load_idx %arg8[%shift_right_arithmetic3A_516, %and3A_522] : memref<16x128xi32, #tpu.memory_space<vmem>>[vector<16xi32>, vector<16xi32>], vector<16xi32>,
    %swap3A_524 = arith.index_cast %add3A_486 : i32 to index
    %swap3A_525 = tpu.vector_load %arg11[%swap3A_524] {strides = array<i32>} : memref<512xi32, #tpu.memory_space<vmem>>, vector<16xi32>,
    tpu.vector_store %arg11[%swap3A_524], %gather3A_523 {strides = array<i32>} : memref<512xi32, #tpu.memory_space<vmem>>, vector<16xi32>,
    %add3A_526 = arith.constant 160 : i32
    %add3A_527 = arith.addi %mul3A_11, %add3A_526 : i32
    %mul3A_528 = arith.constant 4 : i32
    %mul3A_529 = arith.muli %add3A_527, %mul3A_528 : i32
    %add3A_530 = vector.broadcast %mul3A_529 : i32 to vector<16xi32>
    %add3A_531 = arith.addi %add3A_530, %mul3A_5 : vector<16xi32>
    %add3A_532 = arith.constant 160 : i32
    %add3A_533 = arith.addi %mul3A_11, %add3A_532 : i32
    %shift_right_arithmetic3A_534 = arith.constant 7 : i32
    %shift_right_arithmetic3A_535 = vector.broadcast %shift_right_arithmetic3A_534 : i32 to vector<16xi32>
    %shift_right_arithmetic3A_536 = arith.shrsi %add3A_531, %shift_right_arithmetic3A_535 : vector<16xi32>
    %and3A_537 = arith.constant 127 : i32
    %and3A_538 = vector.broadcast %and3A_537 : i32 to vector<16xi32>
    %and3A_539 = arith.andi %add3A_531, %and3A_538 : vector<16xi32>
    %gather3A_540 = tpu.vector_load_idx %arg8[%shift_right_arithmetic3A_536, %and3A_539] : memref<16x128xi32, #tpu.memory_space<vmem>>[vector<16xi32>, vector<16xi32>], vector<16xi32>,
    %swap3A_541 = arith.index_cast %add3A_533 : i32 to index
    %swap3A_542 = tpu.vector_load %arg9[%swap3A_541] {strides = array<i32>} : memref<512xi32, #tpu.memory_space<vmem>>, vector<16xi32>,
    tpu.vector_store %arg9[%swap3A_541], %gather3A_540 {strides = array<i32>} : memref<512xi32, #tpu.memory_space<vmem>>, vector<16xi32>,
    %add3A_543 = arith.constant 1 : i32
    %add3A_544 = vector.broadcast %add3A_543 : i32 to vector<16xi32>
    %add3A_545 = arith.addi %add3A_531, %add3A_544 : vector<16xi32>
    %shift_right_arithmetic3A_546 = arith.constant 7 : i32
    %shift_right_arithmetic3A_547 = vector.broadcast %shift_right_arithmetic3A_546 : i32 to vector<16xi32>
    %shift_right_arithmetic3A_548 = arith.shrsi %add3A_545, %shift_right_arithmetic3A_547 : vector<16xi32>
    %add3A_549 = arith.constant 1 : i32
    %add3A_550 = vector.broadcast %add3A_549 : i32 to vector<16xi32>
    %add3A_551 = arith.addi %add3A_531, %add3A_550 : vector<16xi32>
    %and3A_552 = arith.constant 127 : i32
    %and3A_553 = vector.broadcast %and3A_552 : i32 to vector<16xi32>
    %and3A_554 = arith.andi %add3A_551, %and3A_553 : vector<16xi32>
    %gather3A_555 = tpu.vector_load_idx %arg8[%shift_right_arithmetic3A_548, %and3A_554] : memref<16x128xi32, #tpu.memory_space<vmem>>[vector<16xi32>, vector<16xi32>], vector<16xi32>,
    %swap3A_556 = arith.index_cast %add3A_533 : i32 to index
    %swap3A_557 = tpu.vector_load %arg10[%swap3A_556] {strides = array<i32>} : memref<512xi32, #tpu.memory_space<vmem>>, vector<16xi32>,
    tpu.vector_store %arg10[%swap3A_556], %gather3A_555 {strides = array<i32>} : memref<512xi32, #tpu.memory_space<vmem>>, vector<16xi32>,
    %add3A_558 = arith.constant 2 : i32
    %add3A_559 = vector.broadcast %add3A_558 : i32 to vector<16xi32>
    %add3A_560 = arith.addi %add3A_531, %add3A_559 : vector<16xi32>
    %shift_right_arithmetic3A_561 = arith.constant 7 : i32
    %shift_right_arithmetic3A_562 = vector.broadcast %shift_right_arithmetic3A_561 : i32 to vector<16xi32>
    %shift_right_arithmetic3A_563 = arith.shrsi %add3A_560, %shift_right_arithmetic3A_562 : vector<16xi32>
    %add3A_564 = arith.constant 2 : i32
    %add3A_565 = vector.broadcast %add3A_564 : i32 to vector<16xi32>
    %add3A_566 = arith.addi %add3A_531, %add3A_565 : vector<16xi32>
    %and3A_567 = arith.constant 127 : i32
    %and3A_568 = vector.broadcast %and3A_567 : i32 to vector<16xi32>
    %and3A_569 = arith.andi %add3A_566, %and3A_568 : vector<16xi32>
    %gather3A_570 = tpu.vector_load_idx %arg8[%shift_right_arithmetic3A_563, %and3A_569] : memref<16x128xi32, #tpu.memory_space<vmem>>[vector<16xi32>, vector<16xi32>], vector<16xi32>,
    %swap3A_571 = arith.index_cast %add3A_533 : i32 to index
    %swap3A_572 = tpu.vector_load %arg11[%swap3A_571] {strides = array<i32>} : memref<512xi32, #tpu.memory_space<vmem>>, vector<16xi32>,
    tpu.vector_store %arg11[%swap3A_571], %gather3A_570 {strides = array<i32>} : memref<512xi32, #tpu.memory_space<vmem>>, vector<16xi32>,
    %add3A_573 = arith.constant 176 : i32
    %add3A_574 = arith.addi %mul3A_11, %add3A_573 : i32
    %mul3A_575 = arith.constant 4 : i32
    %mul3A_576 = arith.muli %add3A_574, %mul3A_575 : i32
    %add3A_577 = vector.broadcast %mul3A_576 : i32 to vector<16xi32>
    %add3A_578 = arith.addi %add3A_577, %mul3A_5 : vector<16xi32>
    %add3A_579 = arith.constant 176 : i32
    %add3A_580 = arith.addi %mul3A_11, %add3A_579 : i32
    %shift_right_arithmetic3A_581 = arith.constant 7 : i32
    %shift_right_arithmetic3A_582 = vector.broadcast %shift_right_arithmetic3A_581 : i32 to vector<16xi32>
    %shift_right_arithmetic3A_583 = arith.shrsi %add3A_578, %shift_right_arithmetic3A_582 : vector<16xi32>
    %and3A_584 = arith.constant 127 : i32
    %and3A_585 = vector.broadcast %and3A_584 : i32 to vector<16xi32>
    %and3A_586 = arith.andi %add3A_578, %and3A_585 : vector<16xi32>
    %gather3A_587 = tpu.vector_load_idx %arg8[%shift_right_arithmetic3A_583, %and3A_586] : memref<16x128xi32, #tpu.memory_space<vmem>>[vector<16xi32>, vector<16xi32>], vector<16xi32>,
    %swap3A_588 = arith.index_cast %add3A_580 : i32 to index
    %swap3A_589 = tpu.vector_load %arg9[%swap3A_588] {strides = array<i32>} : memref<512xi32, #tpu.memory_space<vmem>>, vector<16xi32>,
    tpu.vector_store %arg9[%swap3A_588], %gather3A_587 {strides = array<i32>} : memref<512xi32, #tpu.memory_space<vmem>>, vector<16xi32>,
    %add3A_590 = arith.constant 1 : i32
    %add3A_591 = vector.broadcast %add3A_590 : i32 to vector<16xi32>
    %add3A_592 = arith.addi %add3A_578, %add3A_591 : vector<16xi32>
    %shift_right_arithmetic3A_593 = arith.constant 7 : i32
    %shift_right_arithmetic3A_594 = vector.broadcast %shift_right_arithmetic3A_593 : i32 to vector<16xi32>
    %shift_right_arithmetic3A_595 = arith.shrsi %add3A_592, %shift_right_arithmetic3A_594 : vector<16xi32>
    %add3A_596 = arith.constant 1 : i32
    %add3A_597 = vector.broadcast %add3A_596 : i32 to vector<16xi32>
    %add3A_598 = arith.addi %add3A_578, %add3A_597 : vector<16xi32>
    %and3A_599 = arith.constant 127 : i32
    %and3A_600 = vector.broadcast %and3A_599 : i32 to vector<16xi32>
    %and3A_601 = arith.andi %add3A_598, %and3A_600 : vector<16xi32>
    %gather3A_602 = tpu.vector_load_idx %arg8[%shift_right_arithmetic3A_595, %and3A_601] : memref<16x128xi32, #tpu.memory_space<vmem>>[vector<16xi32>, vector<16xi32>], vector<16xi32>,
    %swap3A_603 = arith.index_cast %add3A_580 : i32 to index
    %swap3A_604 = tpu.vector_load %arg10[%swap3A_603] {strides = array<i32>} : memref<512xi32, #tpu.memory_space<vmem>>, vector<16xi32>,
    tpu.vector_store %arg10[%swap3A_603], %gather3A_602 {strides = array<i32>} : memref<512xi32, #tpu.memory_space<vmem>>, vector<16xi32>,
    %add3A_605 = arith.constant 2 : i32
    %add3A_606 = vector.broadcast %add3A_605 : i32 to vector<16xi32>
    %add3A_607 = arith.addi %add3A_578, %add3A_606 : vector<16xi32>
    %shift_right_arithmetic3A_608 = arith.constant 7 : i32
    %shift_right_arithmetic3A_609 = vector.broadcast %shift_right_arithmetic3A_608 : i32 to vector<16xi32>
    %shift_right_arithmetic3A_610 = arith.shrsi %add3A_607, %shift_right_arithmetic3A_609 : vector<16xi32>
    %add3A_611 = arith.constant 2 : i32
    %add3A_612 = vector.broadcast %add3A_611 : i32 to vector<16xi32>
    %add3A_613 = arith.addi %add3A_578, %add3A_612 : vector<16xi32>
    %and3A_614 = arith.constant 127 : i32
    %and3A_615 = vector.broadcast %and3A_614 : i32 to vector<16xi32>
    %and3A_616 = arith.andi %add3A_613, %and3A_615 : vector<16xi32>
    %gather3A_617 = tpu.vector_load_idx %arg8[%shift_right_arithmetic3A_610, %and3A_616] : memref<16x128xi32, #tpu.memory_space<vmem>>[vector<16xi32>, vector<16xi32>], vector<16xi32>,
    %swap3A_618 = arith.index_cast %add3A_580 : i32 to index
    %swap3A_619 = tpu.vector_load %arg11[%swap3A_618] {strides = array<i32>} : memref<512xi32, #tpu.memory_space<vmem>>, vector<16xi32>,
    tpu.vector_store %arg11[%swap3A_618], %gather3A_617 {strides = array<i32>} : memref<512xi32, #tpu.memory_space<vmem>>, vector<16xi32>,
    %add3A_620 = arith.constant 192 : i32
    %add3A_621 = arith.addi %mul3A_11, %add3A_620 : i32
    %mul3A_622 = arith.constant 4 : i32
    %mul3A_623 = arith.muli %add3A_621, %mul3A_622 : i32
    %add3A_624 = vector.broadcast %mul3A_623 : i32 to vector<16xi32>
    %add3A_625 = arith.addi %add3A_624, %mul3A_5 : vector<16xi32>
    %add3A_626 = arith.constant 192 : i32
    %add3A_627 = arith.addi %mul3A_11, %add3A_626 : i32
    %shift_right_arithmetic3A_628 = arith.constant 7 : i32
    %shift_right_arithmetic3A_629 = vector.broadcast %shift_right_arithmetic3A_628 : i32 to vector<16xi32>
    %shift_right_arithmetic3A_630 = arith.shrsi %add3A_625, %shift_right_arithmetic3A_629 : vector<16xi32>
    %and3A_631 = arith.constant 127 : i32
    %and3A_632 = vector.broadcast %and3A_631 : i32 to vector<16xi32>
    %and3A_633 = arith.andi %add3A_625, %and3A_632 : vector<16xi32>
    %gather3A_634 = tpu.vector_load_idx %arg8[%shift_right_arithmetic3A_630, %and3A_633] : memref<16x128xi32, #tpu.memory_space<vmem>>[vector<16xi32>, vector<16xi32>], vector<16xi32>,
    %swap3A_635 = arith.index_cast %add3A_627 : i32 to index
    %swap3A_636 = tpu.vector_load %arg9[%swap3A_635] {strides = array<i32>} : memref<512xi32, #tpu.memory_space<vmem>>, vector<16xi32>,
    tpu.vector_store %arg9[%swap3A_635], %gather3A_634 {strides = array<i32>} : memref<512xi32, #tpu.memory_space<vmem>>, vector<16xi32>,
    %add3A_637 = arith.constant 1 : i32
    %add3A_638 = vector.broadcast %add3A_637 : i32 to vector<16xi32>
    %add3A_639 = arith.addi %add3A_625, %add3A_638 : vector<16xi32>
    %shift_right_arithmetic3A_640 = arith.constant 7 : i32
    %shift_right_arithmetic3A_641 = vector.broadcast %shift_right_arithmetic3A_640 : i32 to vector<16xi32>
    %shift_right_arithmetic3A_642 = arith.shrsi %add3A_639, %shift_right_arithmetic3A_641 : vector<16xi32>
    %add3A_643 = arith.constant 1 : i32
    %add3A_644 = vector.broadcast %add3A_643 : i32 to vector<16xi32>
    %add3A_645 = arith.addi %add3A_625, %add3A_644 : vector<16xi32>
    %and3A_646 = arith.constant 127 : i32
    %and3A_647 = vector.broadcast %and3A_646 : i32 to vector<16xi32>
    %and3A_648 = arith.andi %add3A_645, %and3A_647 : vector<16xi32>
    %gather3A_649 = tpu.vector_load_idx %arg8[%shift_right_arithmetic3A_642, %and3A_648] : memref<16x128xi32, #tpu.memory_space<vmem>>[vector<16xi32>, vector<16xi32>], vector<16xi32>,
    %swap3A_650 = arith.index_cast %add3A_627 : i32 to index
    %swap3A_651 = tpu.vector_load %arg10[%swap3A_650] {strides = array<i32>} : memref<512xi32, #tpu.memory_space<vmem>>, vector<16xi32>,
    tpu.vector_store %arg10[%swap3A_650], %gather3A_649 {strides = array<i32>} : memref<512xi32, #tpu.memory_space<vmem>>, vector<16xi32>,
    %add3A_652 = arith.constant 2 : i32
    %add3A_653 = vector.broadcast %add3A_652 : i32 to vector<16xi32>
    %add3A_654 = arith.addi %add3A_625, %add3A_653 : vector<16xi32>
    %shift_right_arithmetic3A_655 = arith.constant 7 : i32
    %shift_right_arithmetic3A_656 = vector.broadcast %shift_right_arithmetic3A_655 : i32 to vector<16xi32>
    %shift_right_arithmetic3A_657 = arith.shrsi %add3A_654, %shift_right_arithmetic3A_656 : vector<16xi32>
    %add3A_658 = arith.constant 2 : i32
    %add3A_659 = vector.broadcast %add3A_658 : i32 to vector<16xi32>
    %add3A_660 = arith.addi %add3A_625, %add3A_659 : vector<16xi32>
    %and3A_661 = arith.constant 127 : i32
    %and3A_662 = vector.broadcast %and3A_661 : i32 to vector<16xi32>
    %and3A_663 = arith.andi %add3A_660, %and3A_662 : vector<16xi32>
    %gather3A_664 = tpu.vector_load_idx %arg8[%shift_right_arithmetic3A_657, %and3A_663] : memref<16x128xi32, #tpu.memory_space<vmem>>[vector<16xi32>, vector<16xi32>], vector<16xi32>,
    %swap3A_665 = arith.index_cast %add3A_627 : i32 to index
    %swap3A_666 = tpu.vector_load %arg11[%swap3A_665] {strides = array<i32>} : memref<512xi32, #tpu.memory_space<vmem>>, vector<16xi32>,
    tpu.vector_store %arg11[%swap3A_665], %gather3A_664 {strides = array<i32>} : memref<512xi32, #tpu.memory_space<vmem>>, vector<16xi32>,
    %add3A_667 = arith.constant 208 : i32
    %add3A_668 = arith.addi %mul3A_11, %add3A_667 : i32
    %mul3A_669 = arith.constant 4 : i32
    %mul3A_670 = arith.muli %add3A_668, %mul3A_669 : i32
    %add3A_671 = vector.broadcast %mul3A_670 : i32 to vector<16xi32>
    %add3A_672 = arith.addi %add3A_671, %mul3A_5 : vector<16xi32>
    %add3A_673 = arith.constant 208 : i32
    %add3A_674 = arith.addi %mul3A_11, %add3A_673 : i32
    %shift_right_arithmetic3A_675 = arith.constant 7 : i32
    %shift_right_arithmetic3A_676 = vector.broadcast %shift_right_arithmetic3A_675 : i32 to vector<16xi32>
    %shift_right_arithmetic3A_677 = arith.shrsi %add3A_672, %shift_right_arithmetic3A_676 : vector<16xi32>
    %and3A_678 = arith.constant 127 : i32
    %and3A_679 = vector.broadcast %and3A_678 : i32 to vector<16xi32>
    %and3A_680 = arith.andi %add3A_672, %and3A_679 : vector<16xi32>
    %gather3A_681 = tpu.vector_load_idx %arg8[%shift_right_arithmetic3A_677, %and3A_680] : memref<16x128xi32, #tpu.memory_space<vmem>>[vector<16xi32>, vector<16xi32>], vector<16xi32>,
    %swap3A_682 = arith.index_cast %add3A_674 : i32 to index
    %swap3A_683 = tpu.vector_load %arg9[%swap3A_682] {strides = array<i32>} : memref<512xi32, #tpu.memory_space<vmem>>, vector<16xi32>,
    tpu.vector_store %arg9[%swap3A_682], %gather3A_681 {strides = array<i32>} : memref<512xi32, #tpu.memory_space<vmem>>, vector<16xi32>,
    %add3A_684 = arith.constant 1 : i32
    %add3A_685 = vector.broadcast %add3A_684 : i32 to vector<16xi32>
    %add3A_686 = arith.addi %add3A_672, %add3A_685 : vector<16xi32>
    %shift_right_arithmetic3A_687 = arith.constant 7 : i32
    %shift_right_arithmetic3A_688 = vector.broadcast %shift_right_arithmetic3A_687 : i32 to vector<16xi32>
    %shift_right_arithmetic3A_689 = arith.shrsi %add3A_686, %shift_right_arithmetic3A_688 : vector<16xi32>
    %add3A_690 = arith.constant 1 : i32
    %add3A_691 = vector.broadcast %add3A_690 : i32 to vector<16xi32>
    %add3A_692 = arith.addi %add3A_672, %add3A_691 : vector<16xi32>
    %and3A_693 = arith.constant 127 : i32
    %and3A_694 = vector.broadcast %and3A_693 : i32 to vector<16xi32>
    %and3A_695 = arith.andi %add3A_692, %and3A_694 : vector<16xi32>
    %gather3A_696 = tpu.vector_load_idx %arg8[%shift_right_arithmetic3A_689, %and3A_695] : memref<16x128xi32, #tpu.memory_space<vmem>>[vector<16xi32>, vector<16xi32>], vector<16xi32>,
    %swap3A_697 = arith.index_cast %add3A_674 : i32 to index
    %swap3A_698 = tpu.vector_load %arg10[%swap3A_697] {strides = array<i32>} : memref<512xi32, #tpu.memory_space<vmem>>, vector<16xi32>,
    tpu.vector_store %arg10[%swap3A_697], %gather3A_696 {strides = array<i32>} : memref<512xi32, #tpu.memory_space<vmem>>, vector<16xi32>,
    %add3A_699 = arith.constant 2 : i32
    %add3A_700 = vector.broadcast %add3A_699 : i32 to vector<16xi32>
    %add3A_701 = arith.addi %add3A_672, %add3A_700 : vector<16xi32>
    %shift_right_arithmetic3A_702 = arith.constant 7 : i32
    %shift_right_arithmetic3A_703 = vector.broadcast %shift_right_arithmetic3A_702 : i32 to vector<16xi32>
    %shift_right_arithmetic3A_704 = arith.shrsi %add3A_701, %shift_right_arithmetic3A_703 : vector<16xi32>
    %add3A_705 = arith.constant 2 : i32
    %add3A_706 = vector.broadcast %add3A_705 : i32 to vector<16xi32>
    %add3A_707 = arith.addi %add3A_672, %add3A_706 : vector<16xi32>
    %and3A_708 = arith.constant 127 : i32
    %and3A_709 = vector.broadcast %and3A_708 : i32 to vector<16xi32>
    %and3A_710 = arith.andi %add3A_707, %and3A_709 : vector<16xi32>
    %gather3A_711 = tpu.vector_load_idx %arg8[%shift_right_arithmetic3A_704, %and3A_710] : memref<16x128xi32, #tpu.memory_space<vmem>>[vector<16xi32>, vector<16xi32>], vector<16xi32>,
    %swap3A_712 = arith.index_cast %add3A_674 : i32 to index
    %swap3A_713 = tpu.vector_load %arg11[%swap3A_712] {strides = array<i32>} : memref<512xi32, #tpu.memory_space<vmem>>, vector<16xi32>,
    tpu.vector_store %arg11[%swap3A_712], %gather3A_711 {strides = array<i32>} : memref<512xi32, #tpu.memory_space<vmem>>, vector<16xi32>,
    %add3A_714 = arith.constant 224 : i32
    %add3A_715 = arith.addi %mul3A_11, %add3A_714 : i32
    %mul3A_716 = arith.constant 4 : i32
    %mul3A_717 = arith.muli %add3A_715, %mul3A_716 : i32
    %add3A_718 = vector.broadcast %mul3A_717 : i32 to vector<16xi32>
    %add3A_719 = arith.addi %add3A_718, %mul3A_5 : vector<16xi32>
    %add3A_720 = arith.constant 224 : i32
    %add3A_721 = arith.addi %mul3A_11, %add3A_720 : i32
    %shift_right_arithmetic3A_722 = arith.constant 7 : i32
    %shift_right_arithmetic3A_723 = vector.broadcast %shift_right_arithmetic3A_722 : i32 to vector<16xi32>
    %shift_right_arithmetic3A_724 = arith.shrsi %add3A_719, %shift_right_arithmetic3A_723 : vector<16xi32>
    %and3A_725 = arith.constant 127 : i32
    %and3A_726 = vector.broadcast %and3A_725 : i32 to vector<16xi32>
    %and3A_727 = arith.andi %add3A_719, %and3A_726 : vector<16xi32>
    %gather3A_728 = tpu.vector_load_idx %arg8[%shift_right_arithmetic3A_724, %and3A_727] : memref<16x128xi32, #tpu.memory_space<vmem>>[vector<16xi32>, vector<16xi32>], vector<16xi32>,
    %swap3A_729 = arith.index_cast %add3A_721 : i32 to index
    %swap3A_730 = tpu.vector_load %arg9[%swap3A_729] {strides = array<i32>} : memref<512xi32, #tpu.memory_space<vmem>>, vector<16xi32>,
    tpu.vector_store %arg9[%swap3A_729], %gather3A_728 {strides = array<i32>} : memref<512xi32, #tpu.memory_space<vmem>>, vector<16xi32>,
    %add3A_731 = arith.constant 1 : i32
    %add3A_732 = vector.broadcast %add3A_731 : i32 to vector<16xi32>
    %add3A_733 = arith.addi %add3A_719, %add3A_732 : vector<16xi32>
    %shift_right_arithmetic3A_734 = arith.constant 7 : i32
    %shift_right_arithmetic3A_735 = vector.broadcast %shift_right_arithmetic3A_734 : i32 to vector<16xi32>
    %shift_right_arithmetic3A_736 = arith.shrsi %add3A_733, %shift_right_arithmetic3A_735 : vector<16xi32>
    %add3A_737 = arith.constant 1 : i32
    %add3A_738 = vector.broadcast %add3A_737 : i32 to vector<16xi32>
    %add3A_739 = arith.addi %add3A_719, %add3A_738 : vector<16xi32>
    %and3A_740 = arith.constant 127 : i32
    %and3A_741 = vector.broadcast %and3A_740 : i32 to vector<16xi32>
    %and3A_742 = arith.andi %add3A_739, %and3A_741 : vector<16xi32>
    %gather3A_743 = tpu.vector_load_idx %arg8[%shift_right_arithmetic3A_736, %and3A_742] : memref<16x128xi32, #tpu.memory_space<vmem>>[vector<16xi32>, vector<16xi32>], vector<16xi32>,
    %swap3A_744 = arith.index_cast %add3A_721 : i32 to index
    %swap3A_745 = tpu.vector_load %arg10[%swap3A_744] {strides = array<i32>} : memref<512xi32, #tpu.memory_space<vmem>>, vector<16xi32>,
    tpu.vector_store %arg10[%swap3A_744], %gather3A_743 {strides = array<i32>} : memref<512xi32, #tpu.memory_space<vmem>>, vector<16xi32>,
    %add3A_746 = arith.constant 2 : i32
    %add3A_747 = vector.broadcast %add3A_746 : i32 to vector<16xi32>
    %add3A_748 = arith.addi %add3A_719, %add3A_747 : vector<16xi32>
    %shift_right_arithmetic3A_749 = arith.constant 7 : i32
    %shift_right_arithmetic3A_750 = vector.broadcast %shift_right_arithmetic3A_749 : i32 to vector<16xi32>
    %shift_right_arithmetic3A_751 = arith.shrsi %add3A_748, %shift_right_arithmetic3A_750 : vector<16xi32>
    %add3A_752 = arith.constant 2 : i32
    %add3A_753 = vector.broadcast %add3A_752 : i32 to vector<16xi32>
    %add3A_754 = arith.addi %add3A_719, %add3A_753 : vector<16xi32>
    %and3A_755 = arith.constant 127 : i32
    %and3A_756 = vector.broadcast %and3A_755 : i32 to vector<16xi32>
    %and3A_757 = arith.andi %add3A_754, %and3A_756 : vector<16xi32>
    %gather3A_758 = tpu.vector_load_idx %arg8[%shift_right_arithmetic3A_751, %and3A_757] : memref<16x128xi32, #tpu.memory_space<vmem>>[vector<16xi32>, vector<16xi32>], vector<16xi32>,
    %swap3A_759 = arith.index_cast %add3A_721 : i32 to index
    %swap3A_760 = tpu.vector_load %arg11[%swap3A_759] {strides = array<i32>} : memref<512xi32, #tpu.memory_space<vmem>>, vector<16xi32>,
    tpu.vector_store %arg11[%swap3A_759], %gather3A_758 {strides = array<i32>} : memref<512xi32, #tpu.memory_space<vmem>>, vector<16xi32>,
    %add3A_761 = arith.constant 240 : i32
    %add3A_762 = arith.addi %mul3A_11, %add3A_761 : i32
    %mul3A_763 = arith.constant 4 : i32
    %mul3A_764 = arith.muli %add3A_762, %mul3A_763 : i32
    %add3A_765 = vector.broadcast %mul3A_764 : i32 to vector<16xi32>
    %add3A_766 = arith.addi %add3A_765, %mul3A_5 : vector<16xi32>
    %add3A_767 = arith.constant 240 : i32
    %add3A_768 = arith.addi %mul3A_11, %add3A_767 : i32
    %shift_right_arithmetic3A_769 = arith.constant 7 : i32
    %shift_right_arithmetic3A_770 = vector.broadcast %shift_right_arithmetic3A_769 : i32 to vector<16xi32>
    %shift_right_arithmetic3A_771 = arith.shrsi %add3A_766, %shift_right_arithmetic3A_770 : vector<16xi32>
    %and3A_772 = arith.constant 127 : i32
    %and3A_773 = vector.broadcast %and3A_772 : i32 to vector<16xi32>
    %and3A_774 = arith.andi %add3A_766, %and3A_773 : vector<16xi32>
    %gather3A_775 = tpu.vector_load_idx %arg8[%shift_right_arithmetic3A_771, %and3A_774] : memref<16x128xi32, #tpu.memory_space<vmem>>[vector<16xi32>, vector<16xi32>], vector<16xi32>,
    %swap3A_776 = arith.index_cast %add3A_768 : i32 to index
    %swap3A_777 = tpu.vector_load %arg9[%swap3A_776] {strides = array<i32>} : memref<512xi32, #tpu.memory_space<vmem>>, vector<16xi32>,
    tpu.vector_store %arg9[%swap3A_776], %gather3A_775 {strides = array<i32>} : memref<512xi32, #tpu.memory_space<vmem>>, vector<16xi32>,
    %add3A_778 = arith.constant 1 : i32
    %add3A_779 = vector.broadcast %add3A_778 : i32 to vector<16xi32>
    %add3A_780 = arith.addi %add3A_766, %add3A_779 : vector<16xi32>
    %shift_right_arithmetic3A_781 = arith.constant 7 : i32
    %shift_right_arithmetic3A_782 = vector.broadcast %shift_right_arithmetic3A_781 : i32 to vector<16xi32>
    %shift_right_arithmetic3A_783 = arith.shrsi %add3A_780, %shift_right_arithmetic3A_782 : vector<16xi32>
    %add3A_784 = arith.constant 1 : i32
    %add3A_785 = vector.broadcast %add3A_784 : i32 to vector<16xi32>
    %add3A_786 = arith.addi %add3A_766, %add3A_785 : vector<16xi32>
    %and3A_787 = arith.constant 127 : i32
    %and3A_788 = vector.broadcast %and3A_787 : i32 to vector<16xi32>
    %and3A_789 = arith.andi %add3A_786, %and3A_788 : vector<16xi32>
    %gather3A_790 = tpu.vector_load_idx %arg8[%shift_right_arithmetic3A_783, %and3A_789] : memref<16x128xi32, #tpu.memory_space<vmem>>[vector<16xi32>, vector<16xi32>], vector<16xi32>,
    %swap3A_791 = arith.index_cast %add3A_768 : i32 to index
    %swap3A_792 = tpu.vector_load %arg10[%swap3A_791] {strides = array<i32>} : memref<512xi32, #tpu.memory_space<vmem>>, vector<16xi32>,
    tpu.vector_store %arg10[%swap3A_791], %gather3A_790 {strides = array<i32>} : memref<512xi32, #tpu.memory_space<vmem>>, vector<16xi32>,
    %add3A_793 = arith.constant 2 : i32
    %add3A_794 = vector.broadcast %add3A_793 : i32 to vector<16xi32>
    %add3A_795 = arith.addi %add3A_766, %add3A_794 : vector<16xi32>
    %shift_right_arithmetic3A_796 = arith.constant 7 : i32
    %shift_right_arithmetic3A_797 = vector.broadcast %shift_right_arithmetic3A_796 : i32 to vector<16xi32>
    %shift_right_arithmetic3A_798 = arith.shrsi %add3A_795, %shift_right_arithmetic3A_797 : vector<16xi32>
    %add3A_799 = arith.constant 2 : i32
    %add3A_800 = vector.broadcast %add3A_799 : i32 to vector<16xi32>
    %add3A_801 = arith.addi %add3A_766, %add3A_800 : vector<16xi32>
    %and3A_802 = arith.constant 127 : i32
    %and3A_803 = vector.broadcast %and3A_802 : i32 to vector<16xi32>
    %and3A_804 = arith.andi %add3A_801, %and3A_803 : vector<16xi32>
    %gather3A_805 = tpu.vector_load_idx %arg8[%shift_right_arithmetic3A_798, %and3A_804] : memref<16x128xi32, #tpu.memory_space<vmem>>[vector<16xi32>, vector<16xi32>], vector<16xi32>,
    %swap3A_806 = arith.index_cast %add3A_768 : i32 to index
    %swap3A_807 = tpu.vector_load %arg11[%swap3A_806] {strides = array<i32>} : memref<512xi32, #tpu.memory_space<vmem>>, vector<16xi32>,
    tpu.vector_store %arg11[%swap3A_806], %gather3A_805 {strides = array<i32>} : memref<512xi32, #tpu.memory_space<vmem>>, vector<16xi32>,
    %mul3A_808 = arith.constant 256 : i32
    %mul3A_809 = arith.muli %rem3A_7, %mul3A_808 : i32
    %add3A_810 = arith.constant 0 : i32
    %add3A_811 = arith.addi %mul3A_809, %add3A_810 : i32
    %add3A_812 = arith.constant 0 : i32
    %add3A_813 = arith.addi %mul3A_11, %add3A_812 : i32
    %dma_start3A = arith.constant 0 : i32
    %dma_start3A_814 = tpu.memref_slice %arg12[%add3A_811, %dma_start3A] : memref<512x64xf32, #tpu.memory_space<vmem>> -> memref<128x64xf32, #tpu.memory_space<vmem>>
    %dma_start3A_815 = tpu.memref_slice %arg9[%add3A_813] : memref<512xi32, #tpu.memory_space<vmem>> -> memref<128xi32, #tpu.memory_space<vmem>>
    %dma_start3A_816 = arith.constant 0 : i32
    %dma_start3A_817 = arith.constant 0 : i32
    %dma_start3A_818 = tpu.memref_slice %arg2[%dma_start3A_816, %dma_start3A_817] : memref<50000x64xf32, #tpu.memory_space<hbm>> -> memref<50000x64xf32, #tpu.memory_space<hbm>>
    tpu.enqueue_indirect_dma source(%dma_start3A_818 : memref<50000x64xf32, #tpu.memory_space<hbm>>) target(%dma_start3A_814 : memref<128x64xf32, #tpu.memory_space<vmem>>) offsets(%dma_start3A_815 : memref<128xi32, #tpu.memory_space<vmem>>) semaphore(%arg15 : memref<!tpu.dma_semaphore, #tpu.memory_space<semaphore_mem>>)
    %dma_start3A_819 = arith.constant 0 : i32
    %dma_start3A_820 = tpu.memref_slice %arg13[%add3A_811, %dma_start3A_819] : memref<512x64xf32, #tpu.memory_space<vmem>> -> memref<128x64xf32, #tpu.memory_space<vmem>>
    %dma_start3A_821 = tpu.memref_slice %arg10[%add3A_813] : memref<512xi32, #tpu.memory_space<vmem>> -> memref<128xi32, #tpu.memory_space<vmem>>
    %dma_start3A_822 = arith.constant 0 : i32
    %dma_start3A_823 = arith.constant 0 : i32
    %dma_start3A_824 = tpu.memref_slice %arg3[%dma_start3A_822, %dma_start3A_823] : memref<800000x64xf32, #tpu.memory_space<hbm>> -> memref<800000x64xf32, #tpu.memory_space<hbm>>
    tpu.enqueue_indirect_dma source(%dma_start3A_824 : memref<800000x64xf32, #tpu.memory_space<hbm>>) target(%dma_start3A_820 : memref<128x64xf32, #tpu.memory_space<vmem>>) offsets(%dma_start3A_821 : memref<128xi32, #tpu.memory_space<vmem>>) semaphore(%arg16 : memref<!tpu.dma_semaphore, #tpu.memory_space<semaphore_mem>>)
    %dma_start3A_825 = arith.constant 0 : i32
    %dma_start3A_826 = tpu.memref_slice %arg14[%add3A_811, %dma_start3A_825] : memref<512x64xf32, #tpu.memory_space<vmem>> -> memref<128x64xf32, #tpu.memory_space<vmem>>
    %dma_start3A_827 = tpu.memref_slice %arg11[%add3A_813] : memref<512xi32, #tpu.memory_space<vmem>> -> memref<128xi32, #tpu.memory_space<vmem>>
    %dma_start3A_828 = arith.constant 0 : i32
    %dma_start3A_829 = arith.constant 0 : i32
    %dma_start3A_830 = tpu.memref_slice %arg3[%dma_start3A_828, %dma_start3A_829] : memref<800000x64xf32, #tpu.memory_space<hbm>> -> memref<800000x64xf32, #tpu.memory_space<hbm>>
    tpu.enqueue_indirect_dma source(%dma_start3A_830 : memref<800000x64xf32, #tpu.memory_space<hbm>>) target(%dma_start3A_826 : memref<128x64xf32, #tpu.memory_space<vmem>>) offsets(%dma_start3A_827 : memref<128xi32, #tpu.memory_space<vmem>>) semaphore(%arg17 : memref<!tpu.dma_semaphore, #tpu.memory_space<semaphore_mem>>)
    %mul3A_831 = arith.constant 256 : i32
    %mul3A_832 = arith.muli %rem3A_7, %mul3A_831 : i32
    %add3A_833 = arith.constant 128 : i32
    %add3A_834 = arith.addi %mul3A_832, %add3A_833 : i32
    %add3A_835 = arith.constant 128 : i32
    %add3A_836 = arith.addi %mul3A_11, %add3A_835 : i32
    %dma_start3A_837 = arith.constant 0 : i32
    %dma_start3A_838 = tpu.memref_slice %arg12[%add3A_834, %dma_start3A_837] : memref<512x64xf32, #tpu.memory_space<vmem>> -> memref<128x64xf32, #tpu.memory_space<vmem>>
    %dma_start3A_839 = tpu.memref_slice %arg9[%add3A_836] : memref<512xi32, #tpu.memory_space<vmem>> -> memref<128xi32, #tpu.memory_space<vmem>>
    %dma_start3A_840 = arith.constant 0 : i32
    %dma_start3A_841 = arith.constant 0 : i32
    %dma_start3A_842 = tpu.memref_slice %arg2[%dma_start3A_840, %dma_start3A_841] : memref<50000x64xf32, #tpu.memory_space<hbm>> -> memref<50000x64xf32, #tpu.memory_space<hbm>>
    tpu.enqueue_indirect_dma source(%dma_start3A_842 : memref<50000x64xf32, #tpu.memory_space<hbm>>) target(%dma_start3A_838 : memref<128x64xf32, #tpu.memory_space<vmem>>) offsets(%dma_start3A_839 : memref<128xi32, #tpu.memory_space<vmem>>) semaphore(%arg15 : memref<!tpu.dma_semaphore, #tpu.memory_space<semaphore_mem>>)
    %dma_start3A_843 = arith.constant 0 : i32
    %dma_start3A_844 = tpu.memref_slice %arg13[%add3A_834, %dma_start3A_843] : memref<512x64xf32, #tpu.memory_space<vmem>> -> memref<128x64xf32, #tpu.memory_space<vmem>>
    %dma_start3A_845 = tpu.memref_slice %arg10[%add3A_836] : memref<512xi32, #tpu.memory_space<vmem>> -> memref<128xi32, #tpu.memory_space<vmem>>
    %dma_start3A_846 = arith.constant 0 : i32
    %dma_start3A_847 = arith.constant 0 : i32
    %dma_start3A_848 = tpu.memref_slice %arg3[%dma_start3A_846, %dma_start3A_847] : memref<800000x64xf32, #tpu.memory_space<hbm>> -> memref<800000x64xf32, #tpu.memory_space<hbm>>
    tpu.enqueue_indirect_dma source(%dma_start3A_848 : memref<800000x64xf32, #tpu.memory_space<hbm>>) target(%dma_start3A_844 : memref<128x64xf32, #tpu.memory_space<vmem>>) offsets(%dma_start3A_845 : memref<128xi32, #tpu.memory_space<vmem>>) semaphore(%arg16 : memref<!tpu.dma_semaphore, #tpu.memory_space<semaphore_mem>>)
    %dma_start3A_849 = arith.constant 0 : i32
    %dma_start3A_850 = tpu.memref_slice %arg14[%add3A_834, %dma_start3A_849] : memref<512x64xf32, #tpu.memory_space<vmem>> -> memref<128x64xf32, #tpu.memory_space<vmem>>
    %dma_start3A_851 = tpu.memref_slice %arg11[%add3A_836] : memref<512xi32, #tpu.memory_space<vmem>> -> memref<128xi32, #tpu.memory_space<vmem>>
    %dma_start3A_852 = arith.constant 0 : i32
    %dma_start3A_853 = arith.constant 0 : i32
    %dma_start3A_854 = tpu.memref_slice %arg3[%dma_start3A_852, %dma_start3A_853] : memref<800000x64xf32, #tpu.memory_space<hbm>> -> memref<800000x64xf32, #tpu.memory_space<hbm>>
    tpu.enqueue_indirect_dma source(%dma_start3A_854 : memref<800000x64xf32, #tpu.memory_space<hbm>>) target(%dma_start3A_850 : memref<128x64xf32, #tpu.memory_space<vmem>>) offsets(%dma_start3A_851 : memref<128xi32, #tpu.memory_space<vmem>>) semaphore(%arg17 : memref<!tpu.dma_semaphore, #tpu.memory_space<semaphore_mem>>)
    %scan3A = arith.constant 0 : i32
    %scan3A_855 = arith.constant 0 : i32
    %scan3A_856 = arith.constant 24 : i32
    %scan3A_857 = arith.addi %scan3A_855, %scan3A_856 : i32
    %scan3A_858 = arith.constant 1 : i32
    scf.for %scan3A_860 = %scan3A_855 to %scan3A_857 step %scan3A_858  : i32 {
      %add3A_861 = arith.constant 1 : i32
      %add3A_862 = arith.addi %scan3A_860, %add3A_861 : i32
      %lt3A = arith.constant 24 : i32
      %lt3A_863 = arith.cmpi slt, %add3A_862, %lt3A : i32
      %convert_element_type3A = arith.extui %lt3A_863 : i1 to i32
      %cond3A = arith.constant 0 : i32
      %cond3A_864 = arith.cmpi ne, %convert_element_type3A, %cond3A : i32
      scf.if %cond3A_864 {
        %add3A_895 = arith.constant 1 : i32
        %add3A_896 = arith.addi %scan3A_860, %add3A_895 : i32
        %rem3A_897 = arith.constant 2 : i32
        %rem3A_898 = arith.remsi %add3A_896, %rem3A_897 : i32
        %mul3A_899 = arith.constant 256 : i32
        %mul3A_900 = arith.muli %add3A_896, %mul3A_899 : i32
        %add3A_901 = arith.addi %mul3A_2, %mul3A_900 : i32
        %mul3A_902 = arith.constant 256 : i32
        %mul3A_903 = arith.muli %rem3A_898, %mul3A_902 : i32
        %add3A_904 = arith.constant 204800 : i32
        %add3A_905 = arith.addi %add3A_904, %add3A_901 : i32
        %mul3A_906 = arith.constant 4 : i32
        %mul3A_907 = arith.muli %add3A_905, %mul3A_906 : i32
        %jit3A_908 = arith.constant 128 : i32
        %div3A_909 = arith.divsi %mul3A_907, %jit3A_908 : i32
        %sign3A_910 = arith.constant 0 : i32
        %sign3A_911 = arith.cmpi sgt, %mul3A_907, %sign3A_910 : i32
        %sign3A_912 = arith.extui %sign3A_911 : i1 to i32
        %sign3A_913 = arith.constant 0 : i32
        %sign3A_914 = arith.cmpi slt, %mul3A_907, %sign3A_913 : i32
        %sign3A_915 = arith.extui %sign3A_914 : i1 to i32
        %sign3A_916 = arith.subi %sign3A_912, %sign3A_915 : i32
        %sign3A_917 = arith.constant 0 : i32
        %sign3A_918 = arith.cmpi sgt, %jit3A_908, %sign3A_917 : i32
        %sign3A_919 = arith.extui %sign3A_918 : i1 to i32
        %sign3A_920 = arith.constant 0 : i32
        %sign3A_921 = arith.cmpi slt, %jit3A_908, %sign3A_920 : i32
        %sign3A_922 = arith.extui %sign3A_921 : i1 to i32
        %sign3A_923 = arith.subi %sign3A_919, %sign3A_922 : i32
        %ne3A_924 = arith.cmpi ne, %sign3A_916, %sign3A_923 : i32
        %rem3A_925 = arith.remsi %mul3A_907, %jit3A_908 : i32
        %ne3A_926 = arith.constant 0 : i32
        %ne3A_927 = arith.cmpi ne, %rem3A_925, %ne3A_926 : i32
        %and3A_928 = arith.andi %ne3A_924, %ne3A_927 : i1
        %sub3A_929 = arith.constant 1 : i32
        %sub3A_930 = arith.subi %div3A_909, %sub3A_929 : i32
        %select_n3A_931 = arith.select %and3A_928, %sub3A_930, %div3A_909 : i32
        %mul3A_932 = arith.constant 4 : i32
        %mul3A_933 = arith.muli %mul3A_903, %mul3A_932 : i32
        %jit3A_934 = arith.constant 128 : i32
        %div3A_935 = arith.divsi %mul3A_933, %jit3A_934 : i32
        %sign3A_936 = arith.constant 0 : i32
        %sign3A_937 = arith.cmpi sgt, %mul3A_933, %sign3A_936 : i32
        %sign3A_938 = arith.extui %sign3A_937 : i1 to i32
        %sign3A_939 = arith.constant 0 : i32
        %sign3A_940 = arith.cmpi slt, %mul3A_933, %sign3A_939 : i32
        %sign3A_941 = arith.extui %sign3A_940 : i1 to i32
        %sign3A_942 = arith.subi %sign3A_938, %sign3A_941 : i32
        %sign3A_943 = arith.constant 0 : i32
        %sign3A_944 = arith.cmpi sgt, %jit3A_934, %sign3A_943 : i32
        %sign3A_945 = arith.extui %sign3A_944 : i1 to i32
        %sign3A_946 = arith.constant 0 : i32
        %sign3A_947 = arith.cmpi slt, %jit3A_934, %sign3A_946 : i32
        %sign3A_948 = arith.extui %sign3A_947 : i1 to i32
        %sign3A_949 = arith.subi %sign3A_945, %sign3A_948 : i32
        %ne3A_950 = arith.cmpi ne, %sign3A_942, %sign3A_949 : i32
        %rem3A_951 = arith.remsi %mul3A_933, %jit3A_934 : i32
        %ne3A_952 = arith.constant 0 : i32
        %ne3A_953 = arith.cmpi ne, %rem3A_951, %ne3A_952 : i32
        %and3A_954 = arith.andi %ne3A_950, %ne3A_953 : i1
        %sub3A_955 = arith.constant 1 : i32
        %sub3A_956 = arith.subi %div3A_935, %sub3A_955 : i32
        %select_n3A_957 = arith.select %and3A_954, %sub3A_956, %div3A_935 : i32
        "tpu.region"() ({
          %run_scoped3A = tpu.sem_alloc : memref<!tpu.dma_semaphore, #tpu.memory_space<semaphore_mem>>
          %dma_start3A_1758 = arith.constant 0 : i32
          %dma_start3A_1759 = tpu.memref_slice %arg8[%select_n3A_957, %dma_start3A_1758] : memref<16x128xi32, #tpu.memory_space<vmem>> -> memref<8x128xi32, #tpu.memory_space<vmem>>
          %dma_start3A_1760 = arith.constant 0 : i32
          %dma_start3A_1761 = tpu.memref_slice %arg4[%select_n3A_931, %dma_start3A_1760] : memref<12544x128xi32, #tpu.memory_space<hbm>> -> memref<8x128xi32, #tpu.memory_space<hbm>>
          %dma_start3A_1762 = arith.constant 0 : i32
          %dma_start3A_1763 = tpu.memref_slice %arg8[%select_n3A_957, %dma_start3A_1762] : memref<16x128xi32, #tpu.memory_space<vmem>> -> memref<8x128xi32, #tpu.memory_space<vmem>>
          %dma_start3A_1764 = arith.constant 0 : i32
          %dma_start3A_1765 = tpu.memref_slice %arg4[%select_n3A_931, %dma_start3A_1764] : memref<12544x128xi32, #tpu.memory_space<hbm>> -> memref<8x128xi32, #tpu.memory_space<hbm>>
          tpu.enqueue_dma source(%dma_start3A_1765 : memref<8x128xi32, #tpu.memory_space<hbm>>) target(%dma_start3A_1763 : memref<8x128xi32, #tpu.memory_space<vmem>>) target_semaphore(%run_scoped3A : memref<!tpu.dma_semaphore, #tpu.memory_space<semaphore_mem>>)
          %dma_wait3A_1766 = arith.constant 0 : i32
          %dma_wait3A_1767 = tpu.memref_slice %arg8[%select_n3A_957, %dma_wait3A_1766] : memref<16x128xi32, #tpu.memory_space<vmem>> -> memref<8x128xi32, #tpu.memory_space<vmem>>
          %dma_wait3A_1768 = arith.constant 0 : i32
          %dma_wait3A_1769 = tpu.memref_slice %arg4[%select_n3A_931, %dma_wait3A_1768] : memref<12544x128xi32, #tpu.memory_space<hbm>> -> memref<8x128xi32, #tpu.memory_space<hbm>>
          %dma_wait3A_1770 = arith.constant 0 : i32
          %dma_wait3A_1771 = tpu.memref_slice %arg8[%select_n3A_957, %dma_wait3A_1770] : memref<16x128xi32, #tpu.memory_space<vmem>> -> memref<8x128xi32, #tpu.memory_space<vmem>>
          %dma_wait3A_1772 = arith.constant 0 : i32
          %dma_wait3A_1773 = tpu.memref_slice %arg4[%select_n3A_931, %dma_wait3A_1772] : memref<12544x128xi32, #tpu.memory_space<hbm>> -> memref<8x128xi32, #tpu.memory_space<hbm>>
          tpu.wait_dma2 semaphore(%run_scoped3A : memref<!tpu.dma_semaphore, #tpu.memory_space<semaphore_mem>>) src(%dma_wait3A_1773 : memref<8x128xi32, #tpu.memory_space<hbm>>) dst(%dma_wait3A_1771 : memref<8x128xi32, #tpu.memory_space<vmem>>)
          tpu.yield
        }) : () -> ()
        %add3A_958 = arith.constant 0 : i32
        %add3A_959 = arith.addi %mul3A_903, %add3A_958 : i32
        %mul3A_960 = arith.constant 4 : i32
        %mul3A_961 = arith.muli %add3A_959, %mul3A_960 : i32
        %add3A_962 = vector.broadcast %mul3A_961 : i32 to vector<16xi32>
        %add3A_963 = arith.addi %add3A_962, %mul3A_5 : vector<16xi32>
        %add3A_964 = arith.constant 0 : i32
        %add3A_965 = arith.addi %mul3A_903, %add3A_964 : i32
        %shift_right_arithmetic3A_966 = arith.constant 7 : i32
        %shift_right_arithmetic3A_967 = vector.broadcast %shift_right_arithmetic3A_966 : i32 to vector<16xi32>
        %shift_right_arithmetic3A_968 = arith.shrsi %add3A_963, %shift_right_arithmetic3A_967 : vector<16xi32>
        %and3A_969 = arith.constant 127 : i32
        %and3A_970 = vector.broadcast %and3A_969 : i32 to vector<16xi32>
        %and3A_971 = arith.andi %add3A_963, %and3A_970 : vector<16xi32>
        %gather3A_972 = tpu.vector_load_idx %arg8[%shift_right_arithmetic3A_968, %and3A_971] : memref<16x128xi32, #tpu.memory_space<vmem>>[vector<16xi32>, vector<16xi32>], vector<16xi32>,
        %swap3A_973 = arith.index_cast %add3A_965 : i32 to index
        %swap3A_974 = tpu.vector_load %arg9[%swap3A_973] {strides = array<i32>} : memref<512xi32, #tpu.memory_space<vmem>>, vector<16xi32>,
        tpu.vector_store %arg9[%swap3A_973], %gather3A_972 {strides = array<i32>} : memref<512xi32, #tpu.memory_space<vmem>>, vector<16xi32>,
        %add3A_975 = arith.constant 1 : i32
        %add3A_976 = vector.broadcast %add3A_975 : i32 to vector<16xi32>
        %add3A_977 = arith.addi %add3A_963, %add3A_976 : vector<16xi32>
        %shift_right_arithmetic3A_978 = arith.constant 7 : i32
        %shift_right_arithmetic3A_979 = vector.broadcast %shift_right_arithmetic3A_978 : i32 to vector<16xi32>
        %shift_right_arithmetic3A_980 = arith.shrsi %add3A_977, %shift_right_arithmetic3A_979 : vector<16xi32>
        %add3A_981 = arith.constant 1 : i32
        %add3A_982 = vector.broadcast %add3A_981 : i32 to vector<16xi32>
        %add3A_983 = arith.addi %add3A_963, %add3A_982 : vector<16xi32>
        %and3A_984 = arith.constant 127 : i32
        %and3A_985 = vector.broadcast %and3A_984 : i32 to vector<16xi32>
        %and3A_986 = arith.andi %add3A_983, %and3A_985 : vector<16xi32>
        %gather3A_987 = tpu.vector_load_idx %arg8[%shift_right_arithmetic3A_980, %and3A_986] : memref<16x128xi32, #tpu.memory_space<vmem>>[vector<16xi32>, vector<16xi32>], vector<16xi32>,
        %swap3A_988 = arith.index_cast %add3A_965 : i32 to index
        %swap3A_989 = tpu.vector_load %arg10[%swap3A_988] {strides = array<i32>} : memref<512xi32, #tpu.memory_space<vmem>>, vector<16xi32>,
        tpu.vector_store %arg10[%swap3A_988], %gather3A_987 {strides = array<i32>} : memref<512xi32, #tpu.memory_space<vmem>>, vector<16xi32>,
        %add3A_990 = arith.constant 2 : i32
        %add3A_991 = vector.broadcast %add3A_990 : i32 to vector<16xi32>
        %add3A_992 = arith.addi %add3A_963, %add3A_991 : vector<16xi32>
        %shift_right_arithmetic3A_993 = arith.constant 7 : i32
        %shift_right_arithmetic3A_994 = vector.broadcast %shift_right_arithmetic3A_993 : i32 to vector<16xi32>
        %shift_right_arithmetic3A_995 = arith.shrsi %add3A_992, %shift_right_arithmetic3A_994 : vector<16xi32>
        %add3A_996 = arith.constant 2 : i32
        %add3A_997 = vector.broadcast %add3A_996 : i32 to vector<16xi32>
        %add3A_998 = arith.addi %add3A_963, %add3A_997 : vector<16xi32>
        %and3A_999 = arith.constant 127 : i32
        %and3A_1000 = vector.broadcast %and3A_999 : i32 to vector<16xi32>
        %and3A_1001 = arith.andi %add3A_998, %and3A_1000 : vector<16xi32>
        %gather3A_1002 = tpu.vector_load_idx %arg8[%shift_right_arithmetic3A_995, %and3A_1001] : memref<16x128xi32, #tpu.memory_space<vmem>>[vector<16xi32>, vector<16xi32>], vector<16xi32>,
        %swap3A_1003 = arith.index_cast %add3A_965 : i32 to index
        %swap3A_1004 = tpu.vector_load %arg11[%swap3A_1003] {strides = array<i32>} : memref<512xi32, #tpu.memory_space<vmem>>, vector<16xi32>,
        tpu.vector_store %arg11[%swap3A_1003], %gather3A_1002 {strides = array<i32>} : memref<512xi32, #tpu.memory_space<vmem>>, vector<16xi32>,
        %add3A_1005 = arith.constant 16 : i32
        %add3A_1006 = arith.addi %mul3A_903, %add3A_1005 : i32
        %mul3A_1007 = arith.constant 4 : i32
        %mul3A_1008 = arith.muli %add3A_1006, %mul3A_1007 : i32
        %add3A_1009 = vector.broadcast %mul3A_1008 : i32 to vector<16xi32>
        %add3A_1010 = arith.addi %add3A_1009, %mul3A_5 : vector<16xi32>
        %add3A_1011 = arith.constant 16 : i32
        %add3A_1012 = arith.addi %mul3A_903, %add3A_1011 : i32
        %shift_right_arithmetic3A_1013 = arith.constant 7 : i32
        %shift_right_arithmetic3A_1014 = vector.broadcast %shift_right_arithmetic3A_1013 : i32 to vector<16xi32>
        %shift_right_arithmetic3A_1015 = arith.shrsi %add3A_1010, %shift_right_arithmetic3A_1014 : vector<16xi32>
        %and3A_1016 = arith.constant 127 : i32
        %and3A_1017 = vector.broadcast %and3A_1016 : i32 to vector<16xi32>
        %and3A_1018 = arith.andi %add3A_1010, %and3A_1017 : vector<16xi32>
        %gather3A_1019 = tpu.vector_load_idx %arg8[%shift_right_arithmetic3A_1015, %and3A_1018] : memref<16x128xi32, #tpu.memory_space<vmem>>[vector<16xi32>, vector<16xi32>], vector<16xi32>,
        %swap3A_1020 = arith.index_cast %add3A_1012 : i32 to index
        %swap3A_1021 = tpu.vector_load %arg9[%swap3A_1020] {strides = array<i32>} : memref<512xi32, #tpu.memory_space<vmem>>, vector<16xi32>,
        tpu.vector_store %arg9[%swap3A_1020], %gather3A_1019 {strides = array<i32>} : memref<512xi32, #tpu.memory_space<vmem>>, vector<16xi32>,
        %add3A_1022 = arith.constant 1 : i32
        %add3A_1023 = vector.broadcast %add3A_1022 : i32 to vector<16xi32>
        %add3A_1024 = arith.addi %add3A_1010, %add3A_1023 : vector<16xi32>
        %shift_right_arithmetic3A_1025 = arith.constant 7 : i32
        %shift_right_arithmetic3A_1026 = vector.broadcast %shift_right_arithmetic3A_1025 : i32 to vector<16xi32>
        %shift_right_arithmetic3A_1027 = arith.shrsi %add3A_1024, %shift_right_arithmetic3A_1026 : vector<16xi32>
        %add3A_1028 = arith.constant 1 : i32
        %add3A_1029 = vector.broadcast %add3A_1028 : i32 to vector<16xi32>
        %add3A_1030 = arith.addi %add3A_1010, %add3A_1029 : vector<16xi32>
        %and3A_1031 = arith.constant 127 : i32
        %and3A_1032 = vector.broadcast %and3A_1031 : i32 to vector<16xi32>
        %and3A_1033 = arith.andi %add3A_1030, %and3A_1032 : vector<16xi32>
        %gather3A_1034 = tpu.vector_load_idx %arg8[%shift_right_arithmetic3A_1027, %and3A_1033] : memref<16x128xi32, #tpu.memory_space<vmem>>[vector<16xi32>, vector<16xi32>], vector<16xi32>,
        %swap3A_1035 = arith.index_cast %add3A_1012 : i32 to index
        %swap3A_1036 = tpu.vector_load %arg10[%swap3A_1035] {strides = array<i32>} : memref<512xi32, #tpu.memory_space<vmem>>, vector<16xi32>,
        tpu.vector_store %arg10[%swap3A_1035], %gather3A_1034 {strides = array<i32>} : memref<512xi32, #tpu.memory_space<vmem>>, vector<16xi32>,
        %add3A_1037 = arith.constant 2 : i32
        %add3A_1038 = vector.broadcast %add3A_1037 : i32 to vector<16xi32>
        %add3A_1039 = arith.addi %add3A_1010, %add3A_1038 : vector<16xi32>
        %shift_right_arithmetic3A_1040 = arith.constant 7 : i32
        %shift_right_arithmetic3A_1041 = vector.broadcast %shift_right_arithmetic3A_1040 : i32 to vector<16xi32>
        %shift_right_arithmetic3A_1042 = arith.shrsi %add3A_1039, %shift_right_arithmetic3A_1041 : vector<16xi32>
        %add3A_1043 = arith.constant 2 : i32
        %add3A_1044 = vector.broadcast %add3A_1043 : i32 to vector<16xi32>
        %add3A_1045 = arith.addi %add3A_1010, %add3A_1044 : vector<16xi32>
        %and3A_1046 = arith.constant 127 : i32
        %and3A_1047 = vector.broadcast %and3A_1046 : i32 to vector<16xi32>
        %and3A_1048 = arith.andi %add3A_1045, %and3A_1047 : vector<16xi32>
        %gather3A_1049 = tpu.vector_load_idx %arg8[%shift_right_arithmetic3A_1042, %and3A_1048] : memref<16x128xi32, #tpu.memory_space<vmem>>[vector<16xi32>, vector<16xi32>], vector<16xi32>,
        %swap3A_1050 = arith.index_cast %add3A_1012 : i32 to index
        %swap3A_1051 = tpu.vector_load %arg11[%swap3A_1050] {strides = array<i32>} : memref<512xi32, #tpu.memory_space<vmem>>, vector<16xi32>,
        tpu.vector_store %arg11[%swap3A_1050], %gather3A_1049 {strides = array<i32>} : memref<512xi32, #tpu.memory_space<vmem>>, vector<16xi32>,
        %add3A_1052 = arith.constant 32 : i32
        %add3A_1053 = arith.addi %mul3A_903, %add3A_1052 : i32
        %mul3A_1054 = arith.constant 4 : i32
        %mul3A_1055 = arith.muli %add3A_1053, %mul3A_1054 : i32
        %add3A_1056 = vector.broadcast %mul3A_1055 : i32 to vector<16xi32>
        %add3A_1057 = arith.addi %add3A_1056, %mul3A_5 : vector<16xi32>
        %add3A_1058 = arith.constant 32 : i32
        %add3A_1059 = arith.addi %mul3A_903, %add3A_1058 : i32
        %shift_right_arithmetic3A_1060 = arith.constant 7 : i32
        %shift_right_arithmetic3A_1061 = vector.broadcast %shift_right_arithmetic3A_1060 : i32 to vector<16xi32>
        %shift_right_arithmetic3A_1062 = arith.shrsi %add3A_1057, %shift_right_arithmetic3A_1061 : vector<16xi32>
        %and3A_1063 = arith.constant 127 : i32
        %and3A_1064 = vector.broadcast %and3A_1063 : i32 to vector<16xi32>
        %and3A_1065 = arith.andi %add3A_1057, %and3A_1064 : vector<16xi32>
        %gather3A_1066 = tpu.vector_load_idx %arg8[%shift_right_arithmetic3A_1062, %and3A_1065] : memref<16x128xi32, #tpu.memory_space<vmem>>[vector<16xi32>, vector<16xi32>], vector<16xi32>,
        %swap3A_1067 = arith.index_cast %add3A_1059 : i32 to index
        %swap3A_1068 = tpu.vector_load %arg9[%swap3A_1067] {strides = array<i32>} : memref<512xi32, #tpu.memory_space<vmem>>, vector<16xi32>,
        tpu.vector_store %arg9[%swap3A_1067], %gather3A_1066 {strides = array<i32>} : memref<512xi32, #tpu.memory_space<vmem>>, vector<16xi32>,
        %add3A_1069 = arith.constant 1 : i32
        %add3A_1070 = vector.broadcast %add3A_1069 : i32 to vector<16xi32>
        %add3A_1071 = arith.addi %add3A_1057, %add3A_1070 : vector<16xi32>
        %shift_right_arithmetic3A_1072 = arith.constant 7 : i32
        %shift_right_arithmetic3A_1073 = vector.broadcast %shift_right_arithmetic3A_1072 : i32 to vector<16xi32>
        %shift_right_arithmetic3A_1074 = arith.shrsi %add3A_1071, %shift_right_arithmetic3A_1073 : vector<16xi32>
        %add3A_1075 = arith.constant 1 : i32
        %add3A_1076 = vector.broadcast %add3A_1075 : i32 to vector<16xi32>
        %add3A_1077 = arith.addi %add3A_1057, %add3A_1076 : vector<16xi32>
        %and3A_1078 = arith.constant 127 : i32
        %and3A_1079 = vector.broadcast %and3A_1078 : i32 to vector<16xi32>
        %and3A_1080 = arith.andi %add3A_1077, %and3A_1079 : vector<16xi32>
        %gather3A_1081 = tpu.vector_load_idx %arg8[%shift_right_arithmetic3A_1074, %and3A_1080] : memref<16x128xi32, #tpu.memory_space<vmem>>[vector<16xi32>, vector<16xi32>], vector<16xi32>,
        %swap3A_1082 = arith.index_cast %add3A_1059 : i32 to index
        %swap3A_1083 = tpu.vector_load %arg10[%swap3A_1082] {strides = array<i32>} : memref<512xi32, #tpu.memory_space<vmem>>, vector<16xi32>,
        tpu.vector_store %arg10[%swap3A_1082], %gather3A_1081 {strides = array<i32>} : memref<512xi32, #tpu.memory_space<vmem>>, vector<16xi32>,
        %add3A_1084 = arith.constant 2 : i32
        %add3A_1085 = vector.broadcast %add3A_1084 : i32 to vector<16xi32>
        %add3A_1086 = arith.addi %add3A_1057, %add3A_1085 : vector<16xi32>
        %shift_right_arithmetic3A_1087 = arith.constant 7 : i32
        %shift_right_arithmetic3A_1088 = vector.broadcast %shift_right_arithmetic3A_1087 : i32 to vector<16xi32>
        %shift_right_arithmetic3A_1089 = arith.shrsi %add3A_1086, %shift_right_arithmetic3A_1088 : vector<16xi32>
        %add3A_1090 = arith.constant 2 : i32
        %add3A_1091 = vector.broadcast %add3A_1090 : i32 to vector<16xi32>
        %add3A_1092 = arith.addi %add3A_1057, %add3A_1091 : vector<16xi32>
        %and3A_1093 = arith.constant 127 : i32
        %and3A_1094 = vector.broadcast %and3A_1093 : i32 to vector<16xi32>
        %and3A_1095 = arith.andi %add3A_1092, %and3A_1094 : vector<16xi32>
        %gather3A_1096 = tpu.vector_load_idx %arg8[%shift_right_arithmetic3A_1089, %and3A_1095] : memref<16x128xi32, #tpu.memory_space<vmem>>[vector<16xi32>, vector<16xi32>], vector<16xi32>,
        %swap3A_1097 = arith.index_cast %add3A_1059 : i32 to index
        %swap3A_1098 = tpu.vector_load %arg11[%swap3A_1097] {strides = array<i32>} : memref<512xi32, #tpu.memory_space<vmem>>, vector<16xi32>,
        tpu.vector_store %arg11[%swap3A_1097], %gather3A_1096 {strides = array<i32>} : memref<512xi32, #tpu.memory_space<vmem>>, vector<16xi32>,
        %add3A_1099 = arith.constant 48 : i32
        %add3A_1100 = arith.addi %mul3A_903, %add3A_1099 : i32
        %mul3A_1101 = arith.constant 4 : i32
        %mul3A_1102 = arith.muli %add3A_1100, %mul3A_1101 : i32
        %add3A_1103 = vector.broadcast %mul3A_1102 : i32 to vector<16xi32>
        %add3A_1104 = arith.addi %add3A_1103, %mul3A_5 : vector<16xi32>
        %add3A_1105 = arith.constant 48 : i32
        %add3A_1106 = arith.addi %mul3A_903, %add3A_1105 : i32
        %shift_right_arithmetic3A_1107 = arith.constant 7 : i32
        %shift_right_arithmetic3A_1108 = vector.broadcast %shift_right_arithmetic3A_1107 : i32 to vector<16xi32>
        %shift_right_arithmetic3A_1109 = arith.shrsi %add3A_1104, %shift_right_arithmetic3A_1108 : vector<16xi32>
        %and3A_1110 = arith.constant 127 : i32
        %and3A_1111 = vector.broadcast %and3A_1110 : i32 to vector<16xi32>
        %and3A_1112 = arith.andi %add3A_1104, %and3A_1111 : vector<16xi32>
        %gather3A_1113 = tpu.vector_load_idx %arg8[%shift_right_arithmetic3A_1109, %and3A_1112] : memref<16x128xi32, #tpu.memory_space<vmem>>[vector<16xi32>, vector<16xi32>], vector<16xi32>,
        %swap3A_1114 = arith.index_cast %add3A_1106 : i32 to index
        %swap3A_1115 = tpu.vector_load %arg9[%swap3A_1114] {strides = array<i32>} : memref<512xi32, #tpu.memory_space<vmem>>, vector<16xi32>,
        tpu.vector_store %arg9[%swap3A_1114], %gather3A_1113 {strides = array<i32>} : memref<512xi32, #tpu.memory_space<vmem>>, vector<16xi32>,
        %add3A_1116 = arith.constant 1 : i32
        %add3A_1117 = vector.broadcast %add3A_1116 : i32 to vector<16xi32>
        %add3A_1118 = arith.addi %add3A_1104, %add3A_1117 : vector<16xi32>
        %shift_right_arithmetic3A_1119 = arith.constant 7 : i32
        %shift_right_arithmetic3A_1120 = vector.broadcast %shift_right_arithmetic3A_1119 : i32 to vector<16xi32>
        %shift_right_arithmetic3A_1121 = arith.shrsi %add3A_1118, %shift_right_arithmetic3A_1120 : vector<16xi32>
        %add3A_1122 = arith.constant 1 : i32
        %add3A_1123 = vector.broadcast %add3A_1122 : i32 to vector<16xi32>
        %add3A_1124 = arith.addi %add3A_1104, %add3A_1123 : vector<16xi32>
        %and3A_1125 = arith.constant 127 : i32
        %and3A_1126 = vector.broadcast %and3A_1125 : i32 to vector<16xi32>
        %and3A_1127 = arith.andi %add3A_1124, %and3A_1126 : vector<16xi32>
        %gather3A_1128 = tpu.vector_load_idx %arg8[%shift_right_arithmetic3A_1121, %and3A_1127] : memref<16x128xi32, #tpu.memory_space<vmem>>[vector<16xi32>, vector<16xi32>], vector<16xi32>,
        %swap3A_1129 = arith.index_cast %add3A_1106 : i32 to index
        %swap3A_1130 = tpu.vector_load %arg10[%swap3A_1129] {strides = array<i32>} : memref<512xi32, #tpu.memory_space<vmem>>, vector<16xi32>,
        tpu.vector_store %arg10[%swap3A_1129], %gather3A_1128 {strides = array<i32>} : memref<512xi32, #tpu.memory_space<vmem>>, vector<16xi32>,
        %add3A_1131 = arith.constant 2 : i32
        %add3A_1132 = vector.broadcast %add3A_1131 : i32 to vector<16xi32>
        %add3A_1133 = arith.addi %add3A_1104, %add3A_1132 : vector<16xi32>
        %shift_right_arithmetic3A_1134 = arith.constant 7 : i32
        %shift_right_arithmetic3A_1135 = vector.broadcast %shift_right_arithmetic3A_1134 : i32 to vector<16xi32>
        %shift_right_arithmetic3A_1136 = arith.shrsi %add3A_1133, %shift_right_arithmetic3A_1135 : vector<16xi32>
        %add3A_1137 = arith.constant 2 : i32
        %add3A_1138 = vector.broadcast %add3A_1137 : i32 to vector<16xi32>
        %add3A_1139 = arith.addi %add3A_1104, %add3A_1138 : vector<16xi32>
        %and3A_1140 = arith.constant 127 : i32
        %and3A_1141 = vector.broadcast %and3A_1140 : i32 to vector<16xi32>
        %and3A_1142 = arith.andi %add3A_1139, %and3A_1141 : vector<16xi32>
        %gather3A_1143 = tpu.vector_load_idx %arg8[%shift_right_arithmetic3A_1136, %and3A_1142] : memref<16x128xi32, #tpu.memory_space<vmem>>[vector<16xi32>, vector<16xi32>], vector<16xi32>,
        %swap3A_1144 = arith.index_cast %add3A_1106 : i32 to index
        %swap3A_1145 = tpu.vector_load %arg11[%swap3A_1144] {strides = array<i32>} : memref<512xi32, #tpu.memory_space<vmem>>, vector<16xi32>,
        tpu.vector_store %arg11[%swap3A_1144], %gather3A_1143 {strides = array<i32>} : memref<512xi32, #tpu.memory_space<vmem>>, vector<16xi32>,
        %add3A_1146 = arith.constant 64 : i32
        %add3A_1147 = arith.addi %mul3A_903, %add3A_1146 : i32
        %mul3A_1148 = arith.constant 4 : i32
        %mul3A_1149 = arith.muli %add3A_1147, %mul3A_1148 : i32
        %add3A_1150 = vector.broadcast %mul3A_1149 : i32 to vector<16xi32>
        %add3A_1151 = arith.addi %add3A_1150, %mul3A_5 : vector<16xi32>
        %add3A_1152 = arith.constant 64 : i32
        %add3A_1153 = arith.addi %mul3A_903, %add3A_1152 : i32
        %shift_right_arithmetic3A_1154 = arith.constant 7 : i32
        %shift_right_arithmetic3A_1155 = vector.broadcast %shift_right_arithmetic3A_1154 : i32 to vector<16xi32>
        %shift_right_arithmetic3A_1156 = arith.shrsi %add3A_1151, %shift_right_arithmetic3A_1155 : vector<16xi32>
        %and3A_1157 = arith.constant 127 : i32
        %and3A_1158 = vector.broadcast %and3A_1157 : i32 to vector<16xi32>
        %and3A_1159 = arith.andi %add3A_1151, %and3A_1158 : vector<16xi32>
        %gather3A_1160 = tpu.vector_load_idx %arg8[%shift_right_arithmetic3A_1156, %and3A_1159] : memref<16x128xi32, #tpu.memory_space<vmem>>[vector<16xi32>, vector<16xi32>], vector<16xi32>,
        %swap3A_1161 = arith.index_cast %add3A_1153 : i32 to index
        %swap3A_1162 = tpu.vector_load %arg9[%swap3A_1161] {strides = array<i32>} : memref<512xi32, #tpu.memory_space<vmem>>, vector<16xi32>,
        tpu.vector_store %arg9[%swap3A_1161], %gather3A_1160 {strides = array<i32>} : memref<512xi32, #tpu.memory_space<vmem>>, vector<16xi32>,
        %add3A_1163 = arith.constant 1 : i32
        %add3A_1164 = vector.broadcast %add3A_1163 : i32 to vector<16xi32>
        %add3A_1165 = arith.addi %add3A_1151, %add3A_1164 : vector<16xi32>
        %shift_right_arithmetic3A_1166 = arith.constant 7 : i32
        %shift_right_arithmetic3A_1167 = vector.broadcast %shift_right_arithmetic3A_1166 : i32 to vector<16xi32>
        %shift_right_arithmetic3A_1168 = arith.shrsi %add3A_1165, %shift_right_arithmetic3A_1167 : vector<16xi32>
        %add3A_1169 = arith.constant 1 : i32
        %add3A_1170 = vector.broadcast %add3A_1169 : i32 to vector<16xi32>
        %add3A_1171 = arith.addi %add3A_1151, %add3A_1170 : vector<16xi32>
        %and3A_1172 = arith.constant 127 : i32
        %and3A_1173 = vector.broadcast %and3A_1172 : i32 to vector<16xi32>
        %and3A_1174 = arith.andi %add3A_1171, %and3A_1173 : vector<16xi32>
        %gather3A_1175 = tpu.vector_load_idx %arg8[%shift_right_arithmetic3A_1168, %and3A_1174] : memref<16x128xi32, #tpu.memory_space<vmem>>[vector<16xi32>, vector<16xi32>], vector<16xi32>,
        %swap3A_1176 = arith.index_cast %add3A_1153 : i32 to index
        %swap3A_1177 = tpu.vector_load %arg10[%swap3A_1176] {strides = array<i32>} : memref<512xi32, #tpu.memory_space<vmem>>, vector<16xi32>,
        tpu.vector_store %arg10[%swap3A_1176], %gather3A_1175 {strides = array<i32>} : memref<512xi32, #tpu.memory_space<vmem>>, vector<16xi32>,
        %add3A_1178 = arith.constant 2 : i32
        %add3A_1179 = vector.broadcast %add3A_1178 : i32 to vector<16xi32>
        %add3A_1180 = arith.addi %add3A_1151, %add3A_1179 : vector<16xi32>
        %shift_right_arithmetic3A_1181 = arith.constant 7 : i32
        %shift_right_arithmetic3A_1182 = vector.broadcast %shift_right_arithmetic3A_1181 : i32 to vector<16xi32>
        %shift_right_arithmetic3A_1183 = arith.shrsi %add3A_1180, %shift_right_arithmetic3A_1182 : vector<16xi32>
        %add3A_1184 = arith.constant 2 : i32
        %add3A_1185 = vector.broadcast %add3A_1184 : i32 to vector<16xi32>
        %add3A_1186 = arith.addi %add3A_1151, %add3A_1185 : vector<16xi32>
        %and3A_1187 = arith.constant 127 : i32
        %and3A_1188 = vector.broadcast %and3A_1187 : i32 to vector<16xi32>
        %and3A_1189 = arith.andi %add3A_1186, %and3A_1188 : vector<16xi32>
        %gather3A_1190 = tpu.vector_load_idx %arg8[%shift_right_arithmetic3A_1183, %and3A_1189] : memref<16x128xi32, #tpu.memory_space<vmem>>[vector<16xi32>, vector<16xi32>], vector<16xi32>,
        %swap3A_1191 = arith.index_cast %add3A_1153 : i32 to index
        %swap3A_1192 = tpu.vector_load %arg11[%swap3A_1191] {strides = array<i32>} : memref<512xi32, #tpu.memory_space<vmem>>, vector<16xi32>,
        tpu.vector_store %arg11[%swap3A_1191], %gather3A_1190 {strides = array<i32>} : memref<512xi32, #tpu.memory_space<vmem>>, vector<16xi32>,
        %add3A_1193 = arith.constant 80 : i32
        %add3A_1194 = arith.addi %mul3A_903, %add3A_1193 : i32
        %mul3A_1195 = arith.constant 4 : i32
        %mul3A_1196 = arith.muli %add3A_1194, %mul3A_1195 : i32
        %add3A_1197 = vector.broadcast %mul3A_1196 : i32 to vector<16xi32>
        %add3A_1198 = arith.addi %add3A_1197, %mul3A_5 : vector<16xi32>
        %add3A_1199 = arith.constant 80 : i32
        %add3A_1200 = arith.addi %mul3A_903, %add3A_1199 : i32
        %shift_right_arithmetic3A_1201 = arith.constant 7 : i32
        %shift_right_arithmetic3A_1202 = vector.broadcast %shift_right_arithmetic3A_1201 : i32 to vector<16xi32>
        %shift_right_arithmetic3A_1203 = arith.shrsi %add3A_1198, %shift_right_arithmetic3A_1202 : vector<16xi32>
        %and3A_1204 = arith.constant 127 : i32
        %and3A_1205 = vector.broadcast %and3A_1204 : i32 to vector<16xi32>
        %and3A_1206 = arith.andi %add3A_1198, %and3A_1205 : vector<16xi32>
        %gather3A_1207 = tpu.vector_load_idx %arg8[%shift_right_arithmetic3A_1203, %and3A_1206] : memref<16x128xi32, #tpu.memory_space<vmem>>[vector<16xi32>, vector<16xi32>], vector<16xi32>,
        %swap3A_1208 = arith.index_cast %add3A_1200 : i32 to index
        %swap3A_1209 = tpu.vector_load %arg9[%swap3A_1208] {strides = array<i32>} : memref<512xi32, #tpu.memory_space<vmem>>, vector<16xi32>,
        tpu.vector_store %arg9[%swap3A_1208], %gather3A_1207 {strides = array<i32>} : memref<512xi32, #tpu.memory_space<vmem>>, vector<16xi32>,
        %add3A_1210 = arith.constant 1 : i32
        %add3A_1211 = vector.broadcast %add3A_1210 : i32 to vector<16xi32>
        %add3A_1212 = arith.addi %add3A_1198, %add3A_1211 : vector<16xi32>
        %shift_right_arithmetic3A_1213 = arith.constant 7 : i32
        %shift_right_arithmetic3A_1214 = vector.broadcast %shift_right_arithmetic3A_1213 : i32 to vector<16xi32>
        %shift_right_arithmetic3A_1215 = arith.shrsi %add3A_1212, %shift_right_arithmetic3A_1214 : vector<16xi32>
        %add3A_1216 = arith.constant 1 : i32
        %add3A_1217 = vector.broadcast %add3A_1216 : i32 to vector<16xi32>
        %add3A_1218 = arith.addi %add3A_1198, %add3A_1217 : vector<16xi32>
        %and3A_1219 = arith.constant 127 : i32
        %and3A_1220 = vector.broadcast %and3A_1219 : i32 to vector<16xi32>
        %and3A_1221 = arith.andi %add3A_1218, %and3A_1220 : vector<16xi32>
        %gather3A_1222 = tpu.vector_load_idx %arg8[%shift_right_arithmetic3A_1215, %and3A_1221] : memref<16x128xi32, #tpu.memory_space<vmem>>[vector<16xi32>, vector<16xi32>], vector<16xi32>,
        %swap3A_1223 = arith.index_cast %add3A_1200 : i32 to index
        %swap3A_1224 = tpu.vector_load %arg10[%swap3A_1223] {strides = array<i32>} : memref<512xi32, #tpu.memory_space<vmem>>, vector<16xi32>,
        tpu.vector_store %arg10[%swap3A_1223], %gather3A_1222 {strides = array<i32>} : memref<512xi32, #tpu.memory_space<vmem>>, vector<16xi32>,
        %add3A_1225 = arith.constant 2 : i32
        %add3A_1226 = vector.broadcast %add3A_1225 : i32 to vector<16xi32>
        %add3A_1227 = arith.addi %add3A_1198, %add3A_1226 : vector<16xi32>
        %shift_right_arithmetic3A_1228 = arith.constant 7 : i32
        %shift_right_arithmetic3A_1229 = vector.broadcast %shift_right_arithmetic3A_1228 : i32 to vector<16xi32>
        %shift_right_arithmetic3A_1230 = arith.shrsi %add3A_1227, %shift_right_arithmetic3A_1229 : vector<16xi32>
        %add3A_1231 = arith.constant 2 : i32
        %add3A_1232 = vector.broadcast %add3A_1231 : i32 to vector<16xi32>
        %add3A_1233 = arith.addi %add3A_1198, %add3A_1232 : vector<16xi32>
        %and3A_1234 = arith.constant 127 : i32
        %and3A_1235 = vector.broadcast %and3A_1234 : i32 to vector<16xi32>
        %and3A_1236 = arith.andi %add3A_1233, %and3A_1235 : vector<16xi32>
        %gather3A_1237 = tpu.vector_load_idx %arg8[%shift_right_arithmetic3A_1230, %and3A_1236] : memref<16x128xi32, #tpu.memory_space<vmem>>[vector<16xi32>, vector<16xi32>], vector<16xi32>,
        %swap3A_1238 = arith.index_cast %add3A_1200 : i32 to index
        %swap3A_1239 = tpu.vector_load %arg11[%swap3A_1238] {strides = array<i32>} : memref<512xi32, #tpu.memory_space<vmem>>, vector<16xi32>,
        tpu.vector_store %arg11[%swap3A_1238], %gather3A_1237 {strides = array<i32>} : memref<512xi32, #tpu.memory_space<vmem>>, vector<16xi32>,
        %add3A_1240 = arith.constant 96 : i32
        %add3A_1241 = arith.addi %mul3A_903, %add3A_1240 : i32
        %mul3A_1242 = arith.constant 4 : i32
        %mul3A_1243 = arith.muli %add3A_1241, %mul3A_1242 : i32
        %add3A_1244 = vector.broadcast %mul3A_1243 : i32 to vector<16xi32>
        %add3A_1245 = arith.addi %add3A_1244, %mul3A_5 : vector<16xi32>
        %add3A_1246 = arith.constant 96 : i32
        %add3A_1247 = arith.addi %mul3A_903, %add3A_1246 : i32
        %shift_right_arithmetic3A_1248 = arith.constant 7 : i32
        %shift_right_arithmetic3A_1249 = vector.broadcast %shift_right_arithmetic3A_1248 : i32 to vector<16xi32>
        %shift_right_arithmetic3A_1250 = arith.shrsi %add3A_1245, %shift_right_arithmetic3A_1249 : vector<16xi32>
        %and3A_1251 = arith.constant 127 : i32
        %and3A_1252 = vector.broadcast %and3A_1251 : i32 to vector<16xi32>
        %and3A_1253 = arith.andi %add3A_1245, %and3A_1252 : vector<16xi32>
        %gather3A_1254 = tpu.vector_load_idx %arg8[%shift_right_arithmetic3A_1250, %and3A_1253] : memref<16x128xi32, #tpu.memory_space<vmem>>[vector<16xi32>, vector<16xi32>], vector<16xi32>,
        %swap3A_1255 = arith.index_cast %add3A_1247 : i32 to index
        %swap3A_1256 = tpu.vector_load %arg9[%swap3A_1255] {strides = array<i32>} : memref<512xi32, #tpu.memory_space<vmem>>, vector<16xi32>,
        tpu.vector_store %arg9[%swap3A_1255], %gather3A_1254 {strides = array<i32>} : memref<512xi32, #tpu.memory_space<vmem>>, vector<16xi32>,
        %add3A_1257 = arith.constant 1 : i32
        %add3A_1258 = vector.broadcast %add3A_1257 : i32 to vector<16xi32>
        %add3A_1259 = arith.addi %add3A_1245, %add3A_1258 : vector<16xi32>
        %shift_right_arithmetic3A_1260 = arith.constant 7 : i32
        %shift_right_arithmetic3A_1261 = vector.broadcast %shift_right_arithmetic3A_1260 : i32 to vector<16xi32>
        %shift_right_arithmetic3A_1262 = arith.shrsi %add3A_1259, %shift_right_arithmetic3A_1261 : vector<16xi32>
        %add3A_1263 = arith.constant 1 : i32
        %add3A_1264 = vector.broadcast %add3A_1263 : i32 to vector<16xi32>
        %add3A_1265 = arith.addi %add3A_1245, %add3A_1264 : vector<16xi32>
        %and3A_1266 = arith.constant 127 : i32
        %and3A_1267 = vector.broadcast %and3A_1266 : i32 to vector<16xi32>
        %and3A_1268 = arith.andi %add3A_1265, %and3A_1267 : vector<16xi32>
        %gather3A_1269 = tpu.vector_load_idx %arg8[%shift_right_arithmetic3A_1262, %and3A_1268] : memref<16x128xi32, #tpu.memory_space<vmem>>[vector<16xi32>, vector<16xi32>], vector<16xi32>,
        %swap3A_1270 = arith.index_cast %add3A_1247 : i32 to index
        %swap3A_1271 = tpu.vector_load %arg10[%swap3A_1270] {strides = array<i32>} : memref<512xi32, #tpu.memory_space<vmem>>, vector<16xi32>,
        tpu.vector_store %arg10[%swap3A_1270], %gather3A_1269 {strides = array<i32>} : memref<512xi32, #tpu.memory_space<vmem>>, vector<16xi32>,
        %add3A_1272 = arith.constant 2 : i32
        %add3A_1273 = vector.broadcast %add3A_1272 : i32 to vector<16xi32>
        %add3A_1274 = arith.addi %add3A_1245, %add3A_1273 : vector<16xi32>
        %shift_right_arithmetic3A_1275 = arith.constant 7 : i32
        %shift_right_arithmetic3A_1276 = vector.broadcast %shift_right_arithmetic3A_1275 : i32 to vector<16xi32>
        %shift_right_arithmetic3A_1277 = arith.shrsi %add3A_1274, %shift_right_arithmetic3A_1276 : vector<16xi32>
        %add3A_1278 = arith.constant 2 : i32
        %add3A_1279 = vector.broadcast %add3A_1278 : i32 to vector<16xi32>
        %add3A_1280 = arith.addi %add3A_1245, %add3A_1279 : vector<16xi32>
        %and3A_1281 = arith.constant 127 : i32
        %and3A_1282 = vector.broadcast %and3A_1281 : i32 to vector<16xi32>
        %and3A_1283 = arith.andi %add3A_1280, %and3A_1282 : vector<16xi32>
        %gather3A_1284 = tpu.vector_load_idx %arg8[%shift_right_arithmetic3A_1277, %and3A_1283] : memref<16x128xi32, #tpu.memory_space<vmem>>[vector<16xi32>, vector<16xi32>], vector<16xi32>,
        %swap3A_1285 = arith.index_cast %add3A_1247 : i32 to index
        %swap3A_1286 = tpu.vector_load %arg11[%swap3A_1285] {strides = array<i32>} : memref<512xi32, #tpu.memory_space<vmem>>, vector<16xi32>,
        tpu.vector_store %arg11[%swap3A_1285], %gather3A_1284 {strides = array<i32>} : memref<512xi32, #tpu.memory_space<vmem>>, vector<16xi32>,
        %add3A_1287 = arith.constant 112 : i32
        %add3A_1288 = arith.addi %mul3A_903, %add3A_1287 : i32
        %mul3A_1289 = arith.constant 4 : i32
        %mul3A_1290 = arith.muli %add3A_1288, %mul3A_1289 : i32
        %add3A_1291 = vector.broadcast %mul3A_1290 : i32 to vector<16xi32>
        %add3A_1292 = arith.addi %add3A_1291, %mul3A_5 : vector<16xi32>
        %add3A_1293 = arith.constant 112 : i32
        %add3A_1294 = arith.addi %mul3A_903, %add3A_1293 : i32
        %shift_right_arithmetic3A_1295 = arith.constant 7 : i32
        %shift_right_arithmetic3A_1296 = vector.broadcast %shift_right_arithmetic3A_1295 : i32 to vector<16xi32>
        %shift_right_arithmetic3A_1297 = arith.shrsi %add3A_1292, %shift_right_arithmetic3A_1296 : vector<16xi32>
        %and3A_1298 = arith.constant 127 : i32
        %and3A_1299 = vector.broadcast %and3A_1298 : i32 to vector<16xi32>
        %and3A_1300 = arith.andi %add3A_1292, %and3A_1299 : vector<16xi32>
        %gather3A_1301 = tpu.vector_load_idx %arg8[%shift_right_arithmetic3A_1297, %and3A_1300] : memref<16x128xi32, #tpu.memory_space<vmem>>[vector<16xi32>, vector<16xi32>], vector<16xi32>,
        %swap3A_1302 = arith.index_cast %add3A_1294 : i32 to index
        %swap3A_1303 = tpu.vector_load %arg9[%swap3A_1302] {strides = array<i32>} : memref<512xi32, #tpu.memory_space<vmem>>, vector<16xi32>,
        tpu.vector_store %arg9[%swap3A_1302], %gather3A_1301 {strides = array<i32>} : memref<512xi32, #tpu.memory_space<vmem>>, vector<16xi32>,
        %add3A_1304 = arith.constant 1 : i32
        %add3A_1305 = vector.broadcast %add3A_1304 : i32 to vector<16xi32>
        %add3A_1306 = arith.addi %add3A_1292, %add3A_1305 : vector<16xi32>
        %shift_right_arithmetic3A_1307 = arith.constant 7 : i32
        %shift_right_arithmetic3A_1308 = vector.broadcast %shift_right_arithmetic3A_1307 : i32 to vector<16xi32>
        %shift_right_arithmetic3A_1309 = arith.shrsi %add3A_1306, %shift_right_arithmetic3A_1308 : vector<16xi32>
        %add3A_1310 = arith.constant 1 : i32
        %add3A_1311 = vector.broadcast %add3A_1310 : i32 to vector<16xi32>
        %add3A_1312 = arith.addi %add3A_1292, %add3A_1311 : vector<16xi32>
        %and3A_1313 = arith.constant 127 : i32
        %and3A_1314 = vector.broadcast %and3A_1313 : i32 to vector<16xi32>
        %and3A_1315 = arith.andi %add3A_1312, %and3A_1314 : vector<16xi32>
        %gather3A_1316 = tpu.vector_load_idx %arg8[%shift_right_arithmetic3A_1309, %and3A_1315] : memref<16x128xi32, #tpu.memory_space<vmem>>[vector<16xi32>, vector<16xi32>], vector<16xi32>,
        %swap3A_1317 = arith.index_cast %add3A_1294 : i32 to index
        %swap3A_1318 = tpu.vector_load %arg10[%swap3A_1317] {strides = array<i32>} : memref<512xi32, #tpu.memory_space<vmem>>, vector<16xi32>,
        tpu.vector_store %arg10[%swap3A_1317], %gather3A_1316 {strides = array<i32>} : memref<512xi32, #tpu.memory_space<vmem>>, vector<16xi32>,
        %add3A_1319 = arith.constant 2 : i32
        %add3A_1320 = vector.broadcast %add3A_1319 : i32 to vector<16xi32>
        %add3A_1321 = arith.addi %add3A_1292, %add3A_1320 : vector<16xi32>
        %shift_right_arithmetic3A_1322 = arith.constant 7 : i32
        %shift_right_arithmetic3A_1323 = vector.broadcast %shift_right_arithmetic3A_1322 : i32 to vector<16xi32>
        %shift_right_arithmetic3A_1324 = arith.shrsi %add3A_1321, %shift_right_arithmetic3A_1323 : vector<16xi32>
        %add3A_1325 = arith.constant 2 : i32
        %add3A_1326 = vector.broadcast %add3A_1325 : i32 to vector<16xi32>
        %add3A_1327 = arith.addi %add3A_1292, %add3A_1326 : vector<16xi32>
        %and3A_1328 = arith.constant 127 : i32
        %and3A_1329 = vector.broadcast %and3A_1328 : i32 to vector<16xi32>
        %and3A_1330 = arith.andi %add3A_1327, %and3A_1329 : vector<16xi32>
        %gather3A_1331 = tpu.vector_load_idx %arg8[%shift_right_arithmetic3A_1324, %and3A_1330] : memref<16x128xi32, #tpu.memory_space<vmem>>[vector<16xi32>, vector<16xi32>], vector<16xi32>,
        %swap3A_1332 = arith.index_cast %add3A_1294 : i32 to index
        %swap3A_1333 = tpu.vector_load %arg11[%swap3A_1332] {strides = array<i32>} : memref<512xi32, #tpu.memory_space<vmem>>, vector<16xi32>,
        tpu.vector_store %arg11[%swap3A_1332], %gather3A_1331 {strides = array<i32>} : memref<512xi32, #tpu.memory_space<vmem>>, vector<16xi32>,
        %add3A_1334 = arith.constant 128 : i32
        %add3A_1335 = arith.addi %mul3A_903, %add3A_1334 : i32
        %mul3A_1336 = arith.constant 4 : i32
        %mul3A_1337 = arith.muli %add3A_1335, %mul3A_1336 : i32
        %add3A_1338 = vector.broadcast %mul3A_1337 : i32 to vector<16xi32>
        %add3A_1339 = arith.addi %add3A_1338, %mul3A_5 : vector<16xi32>
        %add3A_1340 = arith.constant 128 : i32
        %add3A_1341 = arith.addi %mul3A_903, %add3A_1340 : i32
        %shift_right_arithmetic3A_1342 = arith.constant 7 : i32
        %shift_right_arithmetic3A_1343 = vector.broadcast %shift_right_arithmetic3A_1342 : i32 to vector<16xi32>
        %shift_right_arithmetic3A_1344 = arith.shrsi %add3A_1339, %shift_right_arithmetic3A_1343 : vector<16xi32>
        %and3A_1345 = arith.constant 127 : i32
        %and3A_1346 = vector.broadcast %and3A_1345 : i32 to vector<16xi32>
        %and3A_1347 = arith.andi %add3A_1339, %and3A_1346 : vector<16xi32>
        %gather3A_1348 = tpu.vector_load_idx %arg8[%shift_right_arithmetic3A_1344, %and3A_1347] : memref<16x128xi32, #tpu.memory_space<vmem>>[vector<16xi32>, vector<16xi32>], vector<16xi32>,
        %swap3A_1349 = arith.index_cast %add3A_1341 : i32 to index
        %swap3A_1350 = tpu.vector_load %arg9[%swap3A_1349] {strides = array<i32>} : memref<512xi32, #tpu.memory_space<vmem>>, vector<16xi32>,
        tpu.vector_store %arg9[%swap3A_1349], %gather3A_1348 {strides = array<i32>} : memref<512xi32, #tpu.memory_space<vmem>>, vector<16xi32>,
        %add3A_1351 = arith.constant 1 : i32
        %add3A_1352 = vector.broadcast %add3A_1351 : i32 to vector<16xi32>
        %add3A_1353 = arith.addi %add3A_1339, %add3A_1352 : vector<16xi32>
        %shift_right_arithmetic3A_1354 = arith.constant 7 : i32
        %shift_right_arithmetic3A_1355 = vector.broadcast %shift_right_arithmetic3A_1354 : i32 to vector<16xi32>
        %shift_right_arithmetic3A_1356 = arith.shrsi %add3A_1353, %shift_right_arithmetic3A_1355 : vector<16xi32>
        %add3A_1357 = arith.constant 1 : i32
        %add3A_1358 = vector.broadcast %add3A_1357 : i32 to vector<16xi32>
        %add3A_1359 = arith.addi %add3A_1339, %add3A_1358 : vector<16xi32>
        %and3A_1360 = arith.constant 127 : i32
        %and3A_1361 = vector.broadcast %and3A_1360 : i32 to vector<16xi32>
        %and3A_1362 = arith.andi %add3A_1359, %and3A_1361 : vector<16xi32>
        %gather3A_1363 = tpu.vector_load_idx %arg8[%shift_right_arithmetic3A_1356, %and3A_1362] : memref<16x128xi32, #tpu.memory_space<vmem>>[vector<16xi32>, vector<16xi32>], vector<16xi32>,
        %swap3A_1364 = arith.index_cast %add3A_1341 : i32 to index
        %swap3A_1365 = tpu.vector_load %arg10[%swap3A_1364] {strides = array<i32>} : memref<512xi32, #tpu.memory_space<vmem>>, vector<16xi32>,
        tpu.vector_store %arg10[%swap3A_1364], %gather3A_1363 {strides = array<i32>} : memref<512xi32, #tpu.memory_space<vmem>>, vector<16xi32>,
        %add3A_1366 = arith.constant 2 : i32
        %add3A_1367 = vector.broadcast %add3A_1366 : i32 to vector<16xi32>
        %add3A_1368 = arith.addi %add3A_1339, %add3A_1367 : vector<16xi32>
        %shift_right_arithmetic3A_1369 = arith.constant 7 : i32
        %shift_right_arithmetic3A_1370 = vector.broadcast %shift_right_arithmetic3A_1369 : i32 to vector<16xi32>
        %shift_right_arithmetic3A_1371 = arith.shrsi %add3A_1368, %shift_right_arithmetic3A_1370 : vector<16xi32>
        %add3A_1372 = arith.constant 2 : i32
        %add3A_1373 = vector.broadcast %add3A_1372 : i32 to vector<16xi32>
        %add3A_1374 = arith.addi %add3A_1339, %add3A_1373 : vector<16xi32>
        %and3A_1375 = arith.constant 127 : i32
        %and3A_1376 = vector.broadcast %and3A_1375 : i32 to vector<16xi32>
        %and3A_1377 = arith.andi %add3A_1374, %and3A_1376 : vector<16xi32>
        %gather3A_1378 = tpu.vector_load_idx %arg8[%shift_right_arithmetic3A_1371, %and3A_1377] : memref<16x128xi32, #tpu.memory_space<vmem>>[vector<16xi32>, vector<16xi32>], vector<16xi32>,
        %swap3A_1379 = arith.index_cast %add3A_1341 : i32 to index
        %swap3A_1380 = tpu.vector_load %arg11[%swap3A_1379] {strides = array<i32>} : memref<512xi32, #tpu.memory_space<vmem>>, vector<16xi32>,
        tpu.vector_store %arg11[%swap3A_1379], %gather3A_1378 {strides = array<i32>} : memref<512xi32, #tpu.memory_space<vmem>>, vector<16xi32>,
        %add3A_1381 = arith.constant 144 : i32
        %add3A_1382 = arith.addi %mul3A_903, %add3A_1381 : i32
        %mul3A_1383 = arith.constant 4 : i32
        %mul3A_1384 = arith.muli %add3A_1382, %mul3A_1383 : i32
        %add3A_1385 = vector.broadcast %mul3A_1384 : i32 to vector<16xi32>
        %add3A_1386 = arith.addi %add3A_1385, %mul3A_5 : vector<16xi32>
        %add3A_1387 = arith.constant 144 : i32
        %add3A_1388 = arith.addi %mul3A_903, %add3A_1387 : i32
        %shift_right_arithmetic3A_1389 = arith.constant 7 : i32
        %shift_right_arithmetic3A_1390 = vector.broadcast %shift_right_arithmetic3A_1389 : i32 to vector<16xi32>
        %shift_right_arithmetic3A_1391 = arith.shrsi %add3A_1386, %shift_right_arithmetic3A_1390 : vector<16xi32>
        %and3A_1392 = arith.constant 127 : i32
        %and3A_1393 = vector.broadcast %and3A_1392 : i32 to vector<16xi32>
        %and3A_1394 = arith.andi %add3A_1386, %and3A_1393 : vector<16xi32>
        %gather3A_1395 = tpu.vector_load_idx %arg8[%shift_right_arithmetic3A_1391, %and3A_1394] : memref<16x128xi32, #tpu.memory_space<vmem>>[vector<16xi32>, vector<16xi32>], vector<16xi32>,
        %swap3A_1396 = arith.index_cast %add3A_1388 : i32 to index
        %swap3A_1397 = tpu.vector_load %arg9[%swap3A_1396] {strides = array<i32>} : memref<512xi32, #tpu.memory_space<vmem>>, vector<16xi32>,
        tpu.vector_store %arg9[%swap3A_1396], %gather3A_1395 {strides = array<i32>} : memref<512xi32, #tpu.memory_space<vmem>>, vector<16xi32>,
        %add3A_1398 = arith.constant 1 : i32
        %add3A_1399 = vector.broadcast %add3A_1398 : i32 to vector<16xi32>
        %add3A_1400 = arith.addi %add3A_1386, %add3A_1399 : vector<16xi32>
        %shift_right_arithmetic3A_1401 = arith.constant 7 : i32
        %shift_right_arithmetic3A_1402 = vector.broadcast %shift_right_arithmetic3A_1401 : i32 to vector<16xi32>
        %shift_right_arithmetic3A_1403 = arith.shrsi %add3A_1400, %shift_right_arithmetic3A_1402 : vector<16xi32>
        %add3A_1404 = arith.constant 1 : i32
        %add3A_1405 = vector.broadcast %add3A_1404 : i32 to vector<16xi32>
        %add3A_1406 = arith.addi %add3A_1386, %add3A_1405 : vector<16xi32>
        %and3A_1407 = arith.constant 127 : i32
        %and3A_1408 = vector.broadcast %and3A_1407 : i32 to vector<16xi32>
        %and3A_1409 = arith.andi %add3A_1406, %and3A_1408 : vector<16xi32>
        %gather3A_1410 = tpu.vector_load_idx %arg8[%shift_right_arithmetic3A_1403, %and3A_1409] : memref<16x128xi32, #tpu.memory_space<vmem>>[vector<16xi32>, vector<16xi32>], vector<16xi32>,
        %swap3A_1411 = arith.index_cast %add3A_1388 : i32 to index
        %swap3A_1412 = tpu.vector_load %arg10[%swap3A_1411] {strides = array<i32>} : memref<512xi32, #tpu.memory_space<vmem>>, vector<16xi32>,
        tpu.vector_store %arg10[%swap3A_1411], %gather3A_1410 {strides = array<i32>} : memref<512xi32, #tpu.memory_space<vmem>>, vector<16xi32>,
        %add3A_1413 = arith.constant 2 : i32
        %add3A_1414 = vector.broadcast %add3A_1413 : i32 to vector<16xi32>
        %add3A_1415 = arith.addi %add3A_1386, %add3A_1414 : vector<16xi32>
        %shift_right_arithmetic3A_1416 = arith.constant 7 : i32
        %shift_right_arithmetic3A_1417 = vector.broadcast %shift_right_arithmetic3A_1416 : i32 to vector<16xi32>
        %shift_right_arithmetic3A_1418 = arith.shrsi %add3A_1415, %shift_right_arithmetic3A_1417 : vector<16xi32>
        %add3A_1419 = arith.constant 2 : i32
        %add3A_1420 = vector.broadcast %add3A_1419 : i32 to vector<16xi32>
        %add3A_1421 = arith.addi %add3A_1386, %add3A_1420 : vector<16xi32>
        %and3A_1422 = arith.constant 127 : i32
        %and3A_1423 = vector.broadcast %and3A_1422 : i32 to vector<16xi32>
        %and3A_1424 = arith.andi %add3A_1421, %and3A_1423 : vector<16xi32>
        %gather3A_1425 = tpu.vector_load_idx %arg8[%shift_right_arithmetic3A_1418, %and3A_1424] : memref<16x128xi32, #tpu.memory_space<vmem>>[vector<16xi32>, vector<16xi32>], vector<16xi32>,
        %swap3A_1426 = arith.index_cast %add3A_1388 : i32 to index
        %swap3A_1427 = tpu.vector_load %arg11[%swap3A_1426] {strides = array<i32>} : memref<512xi32, #tpu.memory_space<vmem>>, vector<16xi32>,
        tpu.vector_store %arg11[%swap3A_1426], %gather3A_1425 {strides = array<i32>} : memref<512xi32, #tpu.memory_space<vmem>>, vector<16xi32>,
        %add3A_1428 = arith.constant 160 : i32
        %add3A_1429 = arith.addi %mul3A_903, %add3A_1428 : i32
        %mul3A_1430 = arith.constant 4 : i32
        %mul3A_1431 = arith.muli %add3A_1429, %mul3A_1430 : i32
        %add3A_1432 = vector.broadcast %mul3A_1431 : i32 to vector<16xi32>
        %add3A_1433 = arith.addi %add3A_1432, %mul3A_5 : vector<16xi32>
        %add3A_1434 = arith.constant 160 : i32
        %add3A_1435 = arith.addi %mul3A_903, %add3A_1434 : i32
        %shift_right_arithmetic3A_1436 = arith.constant 7 : i32
        %shift_right_arithmetic3A_1437 = vector.broadcast %shift_right_arithmetic3A_1436 : i32 to vector<16xi32>
        %shift_right_arithmetic3A_1438 = arith.shrsi %add3A_1433, %shift_right_arithmetic3A_1437 : vector<16xi32>
        %and3A_1439 = arith.constant 127 : i32
        %and3A_1440 = vector.broadcast %and3A_1439 : i32 to vector<16xi32>
        %and3A_1441 = arith.andi %add3A_1433, %and3A_1440 : vector<16xi32>
        %gather3A_1442 = tpu.vector_load_idx %arg8[%shift_right_arithmetic3A_1438, %and3A_1441] : memref<16x128xi32, #tpu.memory_space<vmem>>[vector<16xi32>, vector<16xi32>], vector<16xi32>,
        %swap3A_1443 = arith.index_cast %add3A_1435 : i32 to index
        %swap3A_1444 = tpu.vector_load %arg9[%swap3A_1443] {strides = array<i32>} : memref<512xi32, #tpu.memory_space<vmem>>, vector<16xi32>,
        tpu.vector_store %arg9[%swap3A_1443], %gather3A_1442 {strides = array<i32>} : memref<512xi32, #tpu.memory_space<vmem>>, vector<16xi32>,
        %add3A_1445 = arith.constant 1 : i32
        %add3A_1446 = vector.broadcast %add3A_1445 : i32 to vector<16xi32>
        %add3A_1447 = arith.addi %add3A_1433, %add3A_1446 : vector<16xi32>
        %shift_right_arithmetic3A_1448 = arith.constant 7 : i32
        %shift_right_arithmetic3A_1449 = vector.broadcast %shift_right_arithmetic3A_1448 : i32 to vector<16xi32>
        %shift_right_arithmetic3A_1450 = arith.shrsi %add3A_1447, %shift_right_arithmetic3A_1449 : vector<16xi32>
        %add3A_1451 = arith.constant 1 : i32
        %add3A_1452 = vector.broadcast %add3A_1451 : i32 to vector<16xi32>
        %add3A_1453 = arith.addi %add3A_1433, %add3A_1452 : vector<16xi32>
        %and3A_1454 = arith.constant 127 : i32
        %and3A_1455 = vector.broadcast %and3A_1454 : i32 to vector<16xi32>
        %and3A_1456 = arith.andi %add3A_1453, %and3A_1455 : vector<16xi32>
        %gather3A_1457 = tpu.vector_load_idx %arg8[%shift_right_arithmetic3A_1450, %and3A_1456] : memref<16x128xi32, #tpu.memory_space<vmem>>[vector<16xi32>, vector<16xi32>], vector<16xi32>,
        %swap3A_1458 = arith.index_cast %add3A_1435 : i32 to index
        %swap3A_1459 = tpu.vector_load %arg10[%swap3A_1458] {strides = array<i32>} : memref<512xi32, #tpu.memory_space<vmem>>, vector<16xi32>,
        tpu.vector_store %arg10[%swap3A_1458], %gather3A_1457 {strides = array<i32>} : memref<512xi32, #tpu.memory_space<vmem>>, vector<16xi32>,
        %add3A_1460 = arith.constant 2 : i32
        %add3A_1461 = vector.broadcast %add3A_1460 : i32 to vector<16xi32>
        %add3A_1462 = arith.addi %add3A_1433, %add3A_1461 : vector<16xi32>
        %shift_right_arithmetic3A_1463 = arith.constant 7 : i32
        %shift_right_arithmetic3A_1464 = vector.broadcast %shift_right_arithmetic3A_1463 : i32 to vector<16xi32>
        %shift_right_arithmetic3A_1465 = arith.shrsi %add3A_1462, %shift_right_arithmetic3A_1464 : vector<16xi32>
        %add3A_1466 = arith.constant 2 : i32
        %add3A_1467 = vector.broadcast %add3A_1466 : i32 to vector<16xi32>
        %add3A_1468 = arith.addi %add3A_1433, %add3A_1467 : vector<16xi32>
        %and3A_1469 = arith.constant 127 : i32
        %and3A_1470 = vector.broadcast %and3A_1469 : i32 to vector<16xi32>
        %and3A_1471 = arith.andi %add3A_1468, %and3A_1470 : vector<16xi32>
        %gather3A_1472 = tpu.vector_load_idx %arg8[%shift_right_arithmetic3A_1465, %and3A_1471] : memref<16x128xi32, #tpu.memory_space<vmem>>[vector<16xi32>, vector<16xi32>], vector<16xi32>,
        %swap3A_1473 = arith.index_cast %add3A_1435 : i32 to index
        %swap3A_1474 = tpu.vector_load %arg11[%swap3A_1473] {strides = array<i32>} : memref<512xi32, #tpu.memory_space<vmem>>, vector<16xi32>,
        tpu.vector_store %arg11[%swap3A_1473], %gather3A_1472 {strides = array<i32>} : memref<512xi32, #tpu.memory_space<vmem>>, vector<16xi32>,
        %add3A_1475 = arith.constant 176 : i32
        %add3A_1476 = arith.addi %mul3A_903, %add3A_1475 : i32
        %mul3A_1477 = arith.constant 4 : i32
        %mul3A_1478 = arith.muli %add3A_1476, %mul3A_1477 : i32
        %add3A_1479 = vector.broadcast %mul3A_1478 : i32 to vector<16xi32>
        %add3A_1480 = arith.addi %add3A_1479, %mul3A_5 : vector<16xi32>
        %add3A_1481 = arith.constant 176 : i32
        %add3A_1482 = arith.addi %mul3A_903, %add3A_1481 : i32
        %shift_right_arithmetic3A_1483 = arith.constant 7 : i32
        %shift_right_arithmetic3A_1484 = vector.broadcast %shift_right_arithmetic3A_1483 : i32 to vector<16xi32>
        %shift_right_arithmetic3A_1485 = arith.shrsi %add3A_1480, %shift_right_arithmetic3A_1484 : vector<16xi32>
        %and3A_1486 = arith.constant 127 : i32
        %and3A_1487 = vector.broadcast %and3A_1486 : i32 to vector<16xi32>
        %and3A_1488 = arith.andi %add3A_1480, %and3A_1487 : vector<16xi32>
        %gather3A_1489 = tpu.vector_load_idx %arg8[%shift_right_arithmetic3A_1485, %and3A_1488] : memref<16x128xi32, #tpu.memory_space<vmem>>[vector<16xi32>, vector<16xi32>], vector<16xi32>,
        %swap3A_1490 = arith.index_cast %add3A_1482 : i32 to index
        %swap3A_1491 = tpu.vector_load %arg9[%swap3A_1490] {strides = array<i32>} : memref<512xi32, #tpu.memory_space<vmem>>, vector<16xi32>,
        tpu.vector_store %arg9[%swap3A_1490], %gather3A_1489 {strides = array<i32>} : memref<512xi32, #tpu.memory_space<vmem>>, vector<16xi32>,
        %add3A_1492 = arith.constant 1 : i32
        %add3A_1493 = vector.broadcast %add3A_1492 : i32 to vector<16xi32>
        %add3A_1494 = arith.addi %add3A_1480, %add3A_1493 : vector<16xi32>
        %shift_right_arithmetic3A_1495 = arith.constant 7 : i32
        %shift_right_arithmetic3A_1496 = vector.broadcast %shift_right_arithmetic3A_1495 : i32 to vector<16xi32>
        %shift_right_arithmetic3A_1497 = arith.shrsi %add3A_1494, %shift_right_arithmetic3A_1496 : vector<16xi32>
        %add3A_1498 = arith.constant 1 : i32
        %add3A_1499 = vector.broadcast %add3A_1498 : i32 to vector<16xi32>
        %add3A_1500 = arith.addi %add3A_1480, %add3A_1499 : vector<16xi32>
        %and3A_1501 = arith.constant 127 : i32
        %and3A_1502 = vector.broadcast %and3A_1501 : i32 to vector<16xi32>
        %and3A_1503 = arith.andi %add3A_1500, %and3A_1502 : vector<16xi32>
        %gather3A_1504 = tpu.vector_load_idx %arg8[%shift_right_arithmetic3A_1497, %and3A_1503] : memref<16x128xi32, #tpu.memory_space<vmem>>[vector<16xi32>, vector<16xi32>], vector<16xi32>,
        %swap3A_1505 = arith.index_cast %add3A_1482 : i32 to index
        %swap3A_1506 = tpu.vector_load %arg10[%swap3A_1505] {strides = array<i32>} : memref<512xi32, #tpu.memory_space<vmem>>, vector<16xi32>,
        tpu.vector_store %arg10[%swap3A_1505], %gather3A_1504 {strides = array<i32>} : memref<512xi32, #tpu.memory_space<vmem>>, vector<16xi32>,
        %add3A_1507 = arith.constant 2 : i32
        %add3A_1508 = vector.broadcast %add3A_1507 : i32 to vector<16xi32>
        %add3A_1509 = arith.addi %add3A_1480, %add3A_1508 : vector<16xi32>
        %shift_right_arithmetic3A_1510 = arith.constant 7 : i32
        %shift_right_arithmetic3A_1511 = vector.broadcast %shift_right_arithmetic3A_1510 : i32 to vector<16xi32>
        %shift_right_arithmetic3A_1512 = arith.shrsi %add3A_1509, %shift_right_arithmetic3A_1511 : vector<16xi32>
        %add3A_1513 = arith.constant 2 : i32
        %add3A_1514 = vector.broadcast %add3A_1513 : i32 to vector<16xi32>
        %add3A_1515 = arith.addi %add3A_1480, %add3A_1514 : vector<16xi32>
        %and3A_1516 = arith.constant 127 : i32
        %and3A_1517 = vector.broadcast %and3A_1516 : i32 to vector<16xi32>
        %and3A_1518 = arith.andi %add3A_1515, %and3A_1517 : vector<16xi32>
        %gather3A_1519 = tpu.vector_load_idx %arg8[%shift_right_arithmetic3A_1512, %and3A_1518] : memref<16x128xi32, #tpu.memory_space<vmem>>[vector<16xi32>, vector<16xi32>], vector<16xi32>,
        %swap3A_1520 = arith.index_cast %add3A_1482 : i32 to index
        %swap3A_1521 = tpu.vector_load %arg11[%swap3A_1520] {strides = array<i32>} : memref<512xi32, #tpu.memory_space<vmem>>, vector<16xi32>,
        tpu.vector_store %arg11[%swap3A_1520], %gather3A_1519 {strides = array<i32>} : memref<512xi32, #tpu.memory_space<vmem>>, vector<16xi32>,
        %add3A_1522 = arith.constant 192 : i32
        %add3A_1523 = arith.addi %mul3A_903, %add3A_1522 : i32
        %mul3A_1524 = arith.constant 4 : i32
        %mul3A_1525 = arith.muli %add3A_1523, %mul3A_1524 : i32
        %add3A_1526 = vector.broadcast %mul3A_1525 : i32 to vector<16xi32>
        %add3A_1527 = arith.addi %add3A_1526, %mul3A_5 : vector<16xi32>
        %add3A_1528 = arith.constant 192 : i32
        %add3A_1529 = arith.addi %mul3A_903, %add3A_1528 : i32
        %shift_right_arithmetic3A_1530 = arith.constant 7 : i32
        %shift_right_arithmetic3A_1531 = vector.broadcast %shift_right_arithmetic3A_1530 : i32 to vector<16xi32>
        %shift_right_arithmetic3A_1532 = arith.shrsi %add3A_1527, %shift_right_arithmetic3A_1531 : vector<16xi32>
        %and3A_1533 = arith.constant 127 : i32
        %and3A_1534 = vector.broadcast %and3A_1533 : i32 to vector<16xi32>
        %and3A_1535 = arith.andi %add3A_1527, %and3A_1534 : vector<16xi32>
        %gather3A_1536 = tpu.vector_load_idx %arg8[%shift_right_arithmetic3A_1532, %and3A_1535] : memref<16x128xi32, #tpu.memory_space<vmem>>[vector<16xi32>, vector<16xi32>], vector<16xi32>,
        %swap3A_1537 = arith.index_cast %add3A_1529 : i32 to index
        %swap3A_1538 = tpu.vector_load %arg9[%swap3A_1537] {strides = array<i32>} : memref<512xi32, #tpu.memory_space<vmem>>, vector<16xi32>,
        tpu.vector_store %arg9[%swap3A_1537], %gather3A_1536 {strides = array<i32>} : memref<512xi32, #tpu.memory_space<vmem>>, vector<16xi32>,
        %add3A_1539 = arith.constant 1 : i32
        %add3A_1540 = vector.broadcast %add3A_1539 : i32 to vector<16xi32>
        %add3A_1541 = arith.addi %add3A_1527, %add3A_1540 : vector<16xi32>
        %shift_right_arithmetic3A_1542 = arith.constant 7 : i32
        %shift_right_arithmetic3A_1543 = vector.broadcast %shift_right_arithmetic3A_1542 : i32 to vector<16xi32>
        %shift_right_arithmetic3A_1544 = arith.shrsi %add3A_1541, %shift_right_arithmetic3A_1543 : vector<16xi32>
        %add3A_1545 = arith.constant 1 : i32
        %add3A_1546 = vector.broadcast %add3A_1545 : i32 to vector<16xi32>
        %add3A_1547 = arith.addi %add3A_1527, %add3A_1546 : vector<16xi32>
        %and3A_1548 = arith.constant 127 : i32
        %and3A_1549 = vector.broadcast %and3A_1548 : i32 to vector<16xi32>
        %and3A_1550 = arith.andi %add3A_1547, %and3A_1549 : vector<16xi32>
        %gather3A_1551 = tpu.vector_load_idx %arg8[%shift_right_arithmetic3A_1544, %and3A_1550] : memref<16x128xi32, #tpu.memory_space<vmem>>[vector<16xi32>, vector<16xi32>], vector<16xi32>,
        %swap3A_1552 = arith.index_cast %add3A_1529 : i32 to index
        %swap3A_1553 = tpu.vector_load %arg10[%swap3A_1552] {strides = array<i32>} : memref<512xi32, #tpu.memory_space<vmem>>, vector<16xi32>,
        tpu.vector_store %arg10[%swap3A_1552], %gather3A_1551 {strides = array<i32>} : memref<512xi32, #tpu.memory_space<vmem>>, vector<16xi32>,
        %add3A_1554 = arith.constant 2 : i32
        %add3A_1555 = vector.broadcast %add3A_1554 : i32 to vector<16xi32>
        %add3A_1556 = arith.addi %add3A_1527, %add3A_1555 : vector<16xi32>
        %shift_right_arithmetic3A_1557 = arith.constant 7 : i32
        %shift_right_arithmetic3A_1558 = vector.broadcast %shift_right_arithmetic3A_1557 : i32 to vector<16xi32>
        %shift_right_arithmetic3A_1559 = arith.shrsi %add3A_1556, %shift_right_arithmetic3A_1558 : vector<16xi32>
        %add3A_1560 = arith.constant 2 : i32
        %add3A_1561 = vector.broadcast %add3A_1560 : i32 to vector<16xi32>
        %add3A_1562 = arith.addi %add3A_1527, %add3A_1561 : vector<16xi32>
        %and3A_1563 = arith.constant 127 : i32
        %and3A_1564 = vector.broadcast %and3A_1563 : i32 to vector<16xi32>
        %and3A_1565 = arith.andi %add3A_1562, %and3A_1564 : vector<16xi32>
        %gather3A_1566 = tpu.vector_load_idx %arg8[%shift_right_arithmetic3A_1559, %and3A_1565] : memref<16x128xi32, #tpu.memory_space<vmem>>[vector<16xi32>, vector<16xi32>], vector<16xi32>,
        %swap3A_1567 = arith.index_cast %add3A_1529 : i32 to index
        %swap3A_1568 = tpu.vector_load %arg11[%swap3A_1567] {strides = array<i32>} : memref<512xi32, #tpu.memory_space<vmem>>, vector<16xi32>,
        tpu.vector_store %arg11[%swap3A_1567], %gather3A_1566 {strides = array<i32>} : memref<512xi32, #tpu.memory_space<vmem>>, vector<16xi32>,
        %add3A_1569 = arith.constant 208 : i32
        %add3A_1570 = arith.addi %mul3A_903, %add3A_1569 : i32
        %mul3A_1571 = arith.constant 4 : i32
        %mul3A_1572 = arith.muli %add3A_1570, %mul3A_1571 : i32
        %add3A_1573 = vector.broadcast %mul3A_1572 : i32 to vector<16xi32>
        %add3A_1574 = arith.addi %add3A_1573, %mul3A_5 : vector<16xi32>
        %add3A_1575 = arith.constant 208 : i32
        %add3A_1576 = arith.addi %mul3A_903, %add3A_1575 : i32
        %shift_right_arithmetic3A_1577 = arith.constant 7 : i32
        %shift_right_arithmetic3A_1578 = vector.broadcast %shift_right_arithmetic3A_1577 : i32 to vector<16xi32>
        %shift_right_arithmetic3A_1579 = arith.shrsi %add3A_1574, %shift_right_arithmetic3A_1578 : vector<16xi32>
        %and3A_1580 = arith.constant 127 : i32
        %and3A_1581 = vector.broadcast %and3A_1580 : i32 to vector<16xi32>
        %and3A_1582 = arith.andi %add3A_1574, %and3A_1581 : vector<16xi32>
        %gather3A_1583 = tpu.vector_load_idx %arg8[%shift_right_arithmetic3A_1579, %and3A_1582] : memref<16x128xi32, #tpu.memory_space<vmem>>[vector<16xi32>, vector<16xi32>], vector<16xi32>,
        %swap3A_1584 = arith.index_cast %add3A_1576 : i32 to index
        %swap3A_1585 = tpu.vector_load %arg9[%swap3A_1584] {strides = array<i32>} : memref<512xi32, #tpu.memory_space<vmem>>, vector<16xi32>,
        tpu.vector_store %arg9[%swap3A_1584], %gather3A_1583 {strides = array<i32>} : memref<512xi32, #tpu.memory_space<vmem>>, vector<16xi32>,
        %add3A_1586 = arith.constant 1 : i32
        %add3A_1587 = vector.broadcast %add3A_1586 : i32 to vector<16xi32>
        %add3A_1588 = arith.addi %add3A_1574, %add3A_1587 : vector<16xi32>
        %shift_right_arithmetic3A_1589 = arith.constant 7 : i32
        %shift_right_arithmetic3A_1590 = vector.broadcast %shift_right_arithmetic3A_1589 : i32 to vector<16xi32>
        %shift_right_arithmetic3A_1591 = arith.shrsi %add3A_1588, %shift_right_arithmetic3A_1590 : vector<16xi32>
        %add3A_1592 = arith.constant 1 : i32
        %add3A_1593 = vector.broadcast %add3A_1592 : i32 to vector<16xi32>
        %add3A_1594 = arith.addi %add3A_1574, %add3A_1593 : vector<16xi32>
        %and3A_1595 = arith.constant 127 : i32
        %and3A_1596 = vector.broadcast %and3A_1595 : i32 to vector<16xi32>
        %and3A_1597 = arith.andi %add3A_1594, %and3A_1596 : vector<16xi32>
        %gather3A_1598 = tpu.vector_load_idx %arg8[%shift_right_arithmetic3A_1591, %and3A_1597] : memref<16x128xi32, #tpu.memory_space<vmem>>[vector<16xi32>, vector<16xi32>], vector<16xi32>,
        %swap3A_1599 = arith.index_cast %add3A_1576 : i32 to index
        %swap3A_1600 = tpu.vector_load %arg10[%swap3A_1599] {strides = array<i32>} : memref<512xi32, #tpu.memory_space<vmem>>, vector<16xi32>,
        tpu.vector_store %arg10[%swap3A_1599], %gather3A_1598 {strides = array<i32>} : memref<512xi32, #tpu.memory_space<vmem>>, vector<16xi32>,
        %add3A_1601 = arith.constant 2 : i32
        %add3A_1602 = vector.broadcast %add3A_1601 : i32 to vector<16xi32>
        %add3A_1603 = arith.addi %add3A_1574, %add3A_1602 : vector<16xi32>
        %shift_right_arithmetic3A_1604 = arith.constant 7 : i32
        %shift_right_arithmetic3A_1605 = vector.broadcast %shift_right_arithmetic3A_1604 : i32 to vector<16xi32>
        %shift_right_arithmetic3A_1606 = arith.shrsi %add3A_1603, %shift_right_arithmetic3A_1605 : vector<16xi32>
        %add3A_1607 = arith.constant 2 : i32
        %add3A_1608 = vector.broadcast %add3A_1607 : i32 to vector<16xi32>
        %add3A_1609 = arith.addi %add3A_1574, %add3A_1608 : vector<16xi32>
        %and3A_1610 = arith.constant 127 : i32
        %and3A_1611 = vector.broadcast %and3A_1610 : i32 to vector<16xi32>
        %and3A_1612 = arith.andi %add3A_1609, %and3A_1611 : vector<16xi32>
        %gather3A_1613 = tpu.vector_load_idx %arg8[%shift_right_arithmetic3A_1606, %and3A_1612] : memref<16x128xi32, #tpu.memory_space<vmem>>[vector<16xi32>, vector<16xi32>], vector<16xi32>,
        %swap3A_1614 = arith.index_cast %add3A_1576 : i32 to index
        %swap3A_1615 = tpu.vector_load %arg11[%swap3A_1614] {strides = array<i32>} : memref<512xi32, #tpu.memory_space<vmem>>, vector<16xi32>,
        tpu.vector_store %arg11[%swap3A_1614], %gather3A_1613 {strides = array<i32>} : memref<512xi32, #tpu.memory_space<vmem>>, vector<16xi32>,
        %add3A_1616 = arith.constant 224 : i32
        %add3A_1617 = arith.addi %mul3A_903, %add3A_1616 : i32
        %mul3A_1618 = arith.constant 4 : i32
        %mul3A_1619 = arith.muli %add3A_1617, %mul3A_1618 : i32
        %add3A_1620 = vector.broadcast %mul3A_1619 : i32 to vector<16xi32>
        %add3A_1621 = arith.addi %add3A_1620, %mul3A_5 : vector<16xi32>
        %add3A_1622 = arith.constant 224 : i32
        %add3A_1623 = arith.addi %mul3A_903, %add3A_1622 : i32
        %shift_right_arithmetic3A_1624 = arith.constant 7 : i32
        %shift_right_arithmetic3A_1625 = vector.broadcast %shift_right_arithmetic3A_1624 : i32 to vector<16xi32>
        %shift_right_arithmetic3A_1626 = arith.shrsi %add3A_1621, %shift_right_arithmetic3A_1625 : vector<16xi32>
        %and3A_1627 = arith.constant 127 : i32
        %and3A_1628 = vector.broadcast %and3A_1627 : i32 to vector<16xi32>
        %and3A_1629 = arith.andi %add3A_1621, %and3A_1628 : vector<16xi32>
        %gather3A_1630 = tpu.vector_load_idx %arg8[%shift_right_arithmetic3A_1626, %and3A_1629] : memref<16x128xi32, #tpu.memory_space<vmem>>[vector<16xi32>, vector<16xi32>], vector<16xi32>,
        %swap3A_1631 = arith.index_cast %add3A_1623 : i32 to index
        %swap3A_1632 = tpu.vector_load %arg9[%swap3A_1631] {strides = array<i32>} : memref<512xi32, #tpu.memory_space<vmem>>, vector<16xi32>,
        tpu.vector_store %arg9[%swap3A_1631], %gather3A_1630 {strides = array<i32>} : memref<512xi32, #tpu.memory_space<vmem>>, vector<16xi32>,
        %add3A_1633 = arith.constant 1 : i32
        %add3A_1634 = vector.broadcast %add3A_1633 : i32 to vector<16xi32>
        %add3A_1635 = arith.addi %add3A_1621, %add3A_1634 : vector<16xi32>
        %shift_right_arithmetic3A_1636 = arith.constant 7 : i32
        %shift_right_arithmetic3A_1637 = vector.broadcast %shift_right_arithmetic3A_1636 : i32 to vector<16xi32>
        %shift_right_arithmetic3A_1638 = arith.shrsi %add3A_1635, %shift_right_arithmetic3A_1637 : vector<16xi32>
        %add3A_1639 = arith.constant 1 : i32
        %add3A_1640 = vector.broadcast %add3A_1639 : i32 to vector<16xi32>
        %add3A_1641 = arith.addi %add3A_1621, %add3A_1640 : vector<16xi32>
        %and3A_1642 = arith.constant 127 : i32
        %and3A_1643 = vector.broadcast %and3A_1642 : i32 to vector<16xi32>
        %and3A_1644 = arith.andi %add3A_1641, %and3A_1643 : vector<16xi32>
        %gather3A_1645 = tpu.vector_load_idx %arg8[%shift_right_arithmetic3A_1638, %and3A_1644] : memref<16x128xi32, #tpu.memory_space<vmem>>[vector<16xi32>, vector<16xi32>], vector<16xi32>,
        %swap3A_1646 = arith.index_cast %add3A_1623 : i32 to index
        %swap3A_1647 = tpu.vector_load %arg10[%swap3A_1646] {strides = array<i32>} : memref<512xi32, #tpu.memory_space<vmem>>, vector<16xi32>,
        tpu.vector_store %arg10[%swap3A_1646], %gather3A_1645 {strides = array<i32>} : memref<512xi32, #tpu.memory_space<vmem>>, vector<16xi32>,
        %add3A_1648 = arith.constant 2 : i32
        %add3A_1649 = vector.broadcast %add3A_1648 : i32 to vector<16xi32>
        %add3A_1650 = arith.addi %add3A_1621, %add3A_1649 : vector<16xi32>
        %shift_right_arithmetic3A_1651 = arith.constant 7 : i32
        %shift_right_arithmetic3A_1652 = vector.broadcast %shift_right_arithmetic3A_1651 : i32 to vector<16xi32>
        %shift_right_arithmetic3A_1653 = arith.shrsi %add3A_1650, %shift_right_arithmetic3A_1652 : vector<16xi32>
        %add3A_1654 = arith.constant 2 : i32
        %add3A_1655 = vector.broadcast %add3A_1654 : i32 to vector<16xi32>
        %add3A_1656 = arith.addi %add3A_1621, %add3A_1655 : vector<16xi32>
        %and3A_1657 = arith.constant 127 : i32
        %and3A_1658 = vector.broadcast %and3A_1657 : i32 to vector<16xi32>
        %and3A_1659 = arith.andi %add3A_1656, %and3A_1658 : vector<16xi32>
        %gather3A_1660 = tpu.vector_load_idx %arg8[%shift_right_arithmetic3A_1653, %and3A_1659] : memref<16x128xi32, #tpu.memory_space<vmem>>[vector<16xi32>, vector<16xi32>], vector<16xi32>,
        %swap3A_1661 = arith.index_cast %add3A_1623 : i32 to index
        %swap3A_1662 = tpu.vector_load %arg11[%swap3A_1661] {strides = array<i32>} : memref<512xi32, #tpu.memory_space<vmem>>, vector<16xi32>,
        tpu.vector_store %arg11[%swap3A_1661], %gather3A_1660 {strides = array<i32>} : memref<512xi32, #tpu.memory_space<vmem>>, vector<16xi32>,
        %add3A_1663 = arith.constant 240 : i32
        %add3A_1664 = arith.addi %mul3A_903, %add3A_1663 : i32
        %mul3A_1665 = arith.constant 4 : i32
        %mul3A_1666 = arith.muli %add3A_1664, %mul3A_1665 : i32
        %add3A_1667 = vector.broadcast %mul3A_1666 : i32 to vector<16xi32>
        %add3A_1668 = arith.addi %add3A_1667, %mul3A_5 : vector<16xi32>
        %add3A_1669 = arith.constant 240 : i32
        %add3A_1670 = arith.addi %mul3A_903, %add3A_1669 : i32
        %shift_right_arithmetic3A_1671 = arith.constant 7 : i32
        %shift_right_arithmetic3A_1672 = vector.broadcast %shift_right_arithmetic3A_1671 : i32 to vector<16xi32>
        %shift_right_arithmetic3A_1673 = arith.shrsi %add3A_1668, %shift_right_arithmetic3A_1672 : vector<16xi32>
        %and3A_1674 = arith.constant 127 : i32
        %and3A_1675 = vector.broadcast %and3A_1674 : i32 to vector<16xi32>
        %and3A_1676 = arith.andi %add3A_1668, %and3A_1675 : vector<16xi32>
        %gather3A_1677 = tpu.vector_load_idx %arg8[%shift_right_arithmetic3A_1673, %and3A_1676] : memref<16x128xi32, #tpu.memory_space<vmem>>[vector<16xi32>, vector<16xi32>], vector<16xi32>,
        %swap3A_1678 = arith.index_cast %add3A_1670 : i32 to index
        %swap3A_1679 = tpu.vector_load %arg9[%swap3A_1678] {strides = array<i32>} : memref<512xi32, #tpu.memory_space<vmem>>, vector<16xi32>,
        tpu.vector_store %arg9[%swap3A_1678], %gather3A_1677 {strides = array<i32>} : memref<512xi32, #tpu.memory_space<vmem>>, vector<16xi32>,
        %add3A_1680 = arith.constant 1 : i32
        %add3A_1681 = vector.broadcast %add3A_1680 : i32 to vector<16xi32>
        %add3A_1682 = arith.addi %add3A_1668, %add3A_1681 : vector<16xi32>
        %shift_right_arithmetic3A_1683 = arith.constant 7 : i32
        %shift_right_arithmetic3A_1684 = vector.broadcast %shift_right_arithmetic3A_1683 : i32 to vector<16xi32>
        %shift_right_arithmetic3A_1685 = arith.shrsi %add3A_1682, %shift_right_arithmetic3A_1684 : vector<16xi32>
        %add3A_1686 = arith.constant 1 : i32
        %add3A_1687 = vector.broadcast %add3A_1686 : i32 to vector<16xi32>
        %add3A_1688 = arith.addi %add3A_1668, %add3A_1687 : vector<16xi32>
        %and3A_1689 = arith.constant 127 : i32
        %and3A_1690 = vector.broadcast %and3A_1689 : i32 to vector<16xi32>
        %and3A_1691 = arith.andi %add3A_1688, %and3A_1690 : vector<16xi32>
        %gather3A_1692 = tpu.vector_load_idx %arg8[%shift_right_arithmetic3A_1685, %and3A_1691] : memref<16x128xi32, #tpu.memory_space<vmem>>[vector<16xi32>, vector<16xi32>], vector<16xi32>,
        %swap3A_1693 = arith.index_cast %add3A_1670 : i32 to index
        %swap3A_1694 = tpu.vector_load %arg10[%swap3A_1693] {strides = array<i32>} : memref<512xi32, #tpu.memory_space<vmem>>, vector<16xi32>,
        tpu.vector_store %arg10[%swap3A_1693], %gather3A_1692 {strides = array<i32>} : memref<512xi32, #tpu.memory_space<vmem>>, vector<16xi32>,
        %add3A_1695 = arith.constant 2 : i32
        %add3A_1696 = vector.broadcast %add3A_1695 : i32 to vector<16xi32>
        %add3A_1697 = arith.addi %add3A_1668, %add3A_1696 : vector<16xi32>
        %shift_right_arithmetic3A_1698 = arith.constant 7 : i32
        %shift_right_arithmetic3A_1699 = vector.broadcast %shift_right_arithmetic3A_1698 : i32 to vector<16xi32>
        %shift_right_arithmetic3A_1700 = arith.shrsi %add3A_1697, %shift_right_arithmetic3A_1699 : vector<16xi32>
        %add3A_1701 = arith.constant 2 : i32
        %add3A_1702 = vector.broadcast %add3A_1701 : i32 to vector<16xi32>
        %add3A_1703 = arith.addi %add3A_1668, %add3A_1702 : vector<16xi32>
        %and3A_1704 = arith.constant 127 : i32
        %and3A_1705 = vector.broadcast %and3A_1704 : i32 to vector<16xi32>
        %and3A_1706 = arith.andi %add3A_1703, %and3A_1705 : vector<16xi32>
        %gather3A_1707 = tpu.vector_load_idx %arg8[%shift_right_arithmetic3A_1700, %and3A_1706] : memref<16x128xi32, #tpu.memory_space<vmem>>[vector<16xi32>, vector<16xi32>], vector<16xi32>,
        %swap3A_1708 = arith.index_cast %add3A_1670 : i32 to index
        %swap3A_1709 = tpu.vector_load %arg11[%swap3A_1708] {strides = array<i32>} : memref<512xi32, #tpu.memory_space<vmem>>, vector<16xi32>,
        tpu.vector_store %arg11[%swap3A_1708], %gather3A_1707 {strides = array<i32>} : memref<512xi32, #tpu.memory_space<vmem>>, vector<16xi32>,
        %mul3A_1710 = arith.constant 256 : i32
        %mul3A_1711 = arith.muli %rem3A_898, %mul3A_1710 : i32
        %add3A_1712 = arith.constant 0 : i32
        %add3A_1713 = arith.addi %mul3A_1711, %add3A_1712 : i32
        %add3A_1714 = arith.constant 0 : i32
        %add3A_1715 = arith.addi %mul3A_903, %add3A_1714 : i32
        %dma_start3A_1716 = arith.constant 0 : i32
        %dma_start3A_1717 = tpu.memref_slice %arg12[%add3A_1713, %dma_start3A_1716] : memref<512x64xf32, #tpu.memory_space<vmem>> -> memref<128x64xf32, #tpu.memory_space<vmem>>
        %dma_start3A_1718 = tpu.memref_slice %arg9[%add3A_1715] : memref<512xi32, #tpu.memory_space<vmem>> -> memref<128xi32, #tpu.memory_space<vmem>>
        %dma_start3A_1719 = arith.constant 0 : i32
        %dma_start3A_1720 = arith.constant 0 : i32
        %dma_start3A_1721 = tpu.memref_slice %arg2[%dma_start3A_1719, %dma_start3A_1720] : memref<50000x64xf32, #tpu.memory_space<hbm>> -> memref<50000x64xf32, #tpu.memory_space<hbm>>
        tpu.enqueue_indirect_dma source(%dma_start3A_1721 : memref<50000x64xf32, #tpu.memory_space<hbm>>) target(%dma_start3A_1717 : memref<128x64xf32, #tpu.memory_space<vmem>>) offsets(%dma_start3A_1718 : memref<128xi32, #tpu.memory_space<vmem>>) semaphore(%arg15 : memref<!tpu.dma_semaphore, #tpu.memory_space<semaphore_mem>>)
        %dma_start3A_1722 = arith.constant 0 : i32
        %dma_start3A_1723 = tpu.memref_slice %arg13[%add3A_1713, %dma_start3A_1722] : memref<512x64xf32, #tpu.memory_space<vmem>> -> memref<128x64xf32, #tpu.memory_space<vmem>>
        %dma_start3A_1724 = tpu.memref_slice %arg10[%add3A_1715] : memref<512xi32, #tpu.memory_space<vmem>> -> memref<128xi32, #tpu.memory_space<vmem>>
        %dma_start3A_1725 = arith.constant 0 : i32
        %dma_start3A_1726 = arith.constant 0 : i32
        %dma_start3A_1727 = tpu.memref_slice %arg3[%dma_start3A_1725, %dma_start3A_1726] : memref<800000x64xf32, #tpu.memory_space<hbm>> -> memref<800000x64xf32, #tpu.memory_space<hbm>>
        tpu.enqueue_indirect_dma source(%dma_start3A_1727 : memref<800000x64xf32, #tpu.memory_space<hbm>>) target(%dma_start3A_1723 : memref<128x64xf32, #tpu.memory_space<vmem>>) offsets(%dma_start3A_1724 : memref<128xi32, #tpu.memory_space<vmem>>) semaphore(%arg16 : memref<!tpu.dma_semaphore, #tpu.memory_space<semaphore_mem>>)
        %dma_start3A_1728 = arith.constant 0 : i32
        %dma_start3A_1729 = tpu.memref_slice %arg14[%add3A_1713, %dma_start3A_1728] : memref<512x64xf32, #tpu.memory_space<vmem>> -> memref<128x64xf32, #tpu.memory_space<vmem>>
        %dma_start3A_1730 = tpu.memref_slice %arg11[%add3A_1715] : memref<512xi32, #tpu.memory_space<vmem>> -> memref<128xi32, #tpu.memory_space<vmem>>
        %dma_start3A_1731 = arith.constant 0 : i32
        %dma_start3A_1732 = arith.constant 0 : i32
        %dma_start3A_1733 = tpu.memref_slice %arg3[%dma_start3A_1731, %dma_start3A_1732] : memref<800000x64xf32, #tpu.memory_space<hbm>> -> memref<800000x64xf32, #tpu.memory_space<hbm>>
        tpu.enqueue_indirect_dma source(%dma_start3A_1733 : memref<800000x64xf32, #tpu.memory_space<hbm>>) target(%dma_start3A_1729 : memref<128x64xf32, #tpu.memory_space<vmem>>) offsets(%dma_start3A_1730 : memref<128xi32, #tpu.memory_space<vmem>>) semaphore(%arg17 : memref<!tpu.dma_semaphore, #tpu.memory_space<semaphore_mem>>)
        %mul3A_1734 = arith.constant 256 : i32
        %mul3A_1735 = arith.muli %rem3A_898, %mul3A_1734 : i32
        %add3A_1736 = arith.constant 128 : i32
        %add3A_1737 = arith.addi %mul3A_1735, %add3A_1736 : i32
        %add3A_1738 = arith.constant 128 : i32
        %add3A_1739 = arith.addi %mul3A_903, %add3A_1738 : i32
        %dma_start3A_1740 = arith.constant 0 : i32
        %dma_start3A_1741 = tpu.memref_slice %arg12[%add3A_1737, %dma_start3A_1740] : memref<512x64xf32, #tpu.memory_space<vmem>> -> memref<128x64xf32, #tpu.memory_space<vmem>>
        %dma_start3A_1742 = tpu.memref_slice %arg9[%add3A_1739] : memref<512xi32, #tpu.memory_space<vmem>> -> memref<128xi32, #tpu.memory_space<vmem>>
        %dma_start3A_1743 = arith.constant 0 : i32
        %dma_start3A_1744 = arith.constant 0 : i32
        %dma_start3A_1745 = tpu.memref_slice %arg2[%dma_start3A_1743, %dma_start3A_1744] : memref<50000x64xf32, #tpu.memory_space<hbm>> -> memref<50000x64xf32, #tpu.memory_space<hbm>>
        tpu.enqueue_indirect_dma source(%dma_start3A_1745 : memref<50000x64xf32, #tpu.memory_space<hbm>>) target(%dma_start3A_1741 : memref<128x64xf32, #tpu.memory_space<vmem>>) offsets(%dma_start3A_1742 : memref<128xi32, #tpu.memory_space<vmem>>) semaphore(%arg15 : memref<!tpu.dma_semaphore, #tpu.memory_space<semaphore_mem>>)
        %dma_start3A_1746 = arith.constant 0 : i32
        %dma_start3A_1747 = tpu.memref_slice %arg13[%add3A_1737, %dma_start3A_1746] : memref<512x64xf32, #tpu.memory_space<vmem>> -> memref<128x64xf32, #tpu.memory_space<vmem>>
        %dma_start3A_1748 = tpu.memref_slice %arg10[%add3A_1739] : memref<512xi32, #tpu.memory_space<vmem>> -> memref<128xi32, #tpu.memory_space<vmem>>
        %dma_start3A_1749 = arith.constant 0 : i32
        %dma_start3A_1750 = arith.constant 0 : i32
        %dma_start3A_1751 = tpu.memref_slice %arg3[%dma_start3A_1749, %dma_start3A_1750] : memref<800000x64xf32, #tpu.memory_space<hbm>> -> memref<800000x64xf32, #tpu.memory_space<hbm>>
        tpu.enqueue_indirect_dma source(%dma_start3A_1751 : memref<800000x64xf32, #tpu.memory_space<hbm>>) target(%dma_start3A_1747 : memref<128x64xf32, #tpu.memory_space<vmem>>) offsets(%dma_start3A_1748 : memref<128xi32, #tpu.memory_space<vmem>>) semaphore(%arg16 : memref<!tpu.dma_semaphore, #tpu.memory_space<semaphore_mem>>)
        %dma_start3A_1752 = arith.constant 0 : i32
        %dma_start3A_1753 = tpu.memref_slice %arg14[%add3A_1737, %dma_start3A_1752] : memref<512x64xf32, #tpu.memory_space<vmem>> -> memref<128x64xf32, #tpu.memory_space<vmem>>
        %dma_start3A_1754 = tpu.memref_slice %arg11[%add3A_1739] : memref<512xi32, #tpu.memory_space<vmem>> -> memref<128xi32, #tpu.memory_space<vmem>>
        %dma_start3A_1755 = arith.constant 0 : i32
        %dma_start3A_1756 = arith.constant 0 : i32
        %dma_start3A_1757 = tpu.memref_slice %arg3[%dma_start3A_1755, %dma_start3A_1756] : memref<800000x64xf32, #tpu.memory_space<hbm>> -> memref<800000x64xf32, #tpu.memory_space<hbm>>
        tpu.enqueue_indirect_dma source(%dma_start3A_1757 : memref<800000x64xf32, #tpu.memory_space<hbm>>) target(%dma_start3A_1753 : memref<128x64xf32, #tpu.memory_space<vmem>>) offsets(%dma_start3A_1754 : memref<128xi32, #tpu.memory_space<vmem>>) semaphore(%arg17 : memref<!tpu.dma_semaphore, #tpu.memory_space<semaphore_mem>>)
      } else {
      }
      %rem3A_865 = arith.constant 2 : i32
      %rem3A_866 = arith.remsi %scan3A_860, %rem3A_865 : i32
      %mul3A_867 = arith.constant 256 : i32
      %mul3A_868 = arith.muli %rem3A_866, %mul3A_867 : i32
      %mul3A_869 = arith.constant 256 : i32
      %mul3A_870 = arith.muli %scan3A_860, %mul3A_869 : i32
      %add3A_871 = arith.addi %mul3A_2, %mul3A_870 : i32
      %dma_wait3A = arith.constant 0 : i32
      %dma_wait3A_872 = tpu.memref_slice %arg12[%mul3A_868, %dma_wait3A] : memref<512x64xf32, #tpu.memory_space<vmem>> -> memref<256x64xf32, #tpu.memory_space<vmem>>
      %dma_wait3A_873 = arith.constant 0 : i32
      %dma_wait3A_874 = tpu.memref_slice %arg5[%add3A_871, %dma_wait3A_873] : memref<196608x64xf32, #tpu.memory_space<hbm>> -> memref<256x64xf32, #tpu.memory_space<hbm>>
      %dma_wait3A_875 = arith.constant 0 : i32
      %dma_wait3A_876 = tpu.memref_slice %arg12[%mul3A_868, %dma_wait3A_875] : memref<512x64xf32, #tpu.memory_space<vmem>> -> memref<256x64xf32, #tpu.memory_space<vmem>>
      %dma_wait3A_877 = arith.constant 0 : i32
      %dma_wait3A_878 = tpu.memref_slice %arg5[%add3A_871, %dma_wait3A_877] : memref<196608x64xf32, #tpu.memory_space<hbm>> -> memref<256x64xf32, #tpu.memory_space<hbm>>
      tpu.wait_dma2 semaphore(%arg15 : memref<!tpu.dma_semaphore, #tpu.memory_space<semaphore_mem>>) src(%dma_wait3A_878 : memref<256x64xf32, #tpu.memory_space<hbm>>) dst(%dma_wait3A_876 : memref<256x64xf32, #tpu.memory_space<vmem>>)
      %dma_wait3A_879 = arith.constant 0 : i32
      %dma_wait3A_880 = tpu.memref_slice %arg13[%mul3A_868, %dma_wait3A_879] : memref<512x64xf32, #tpu.memory_space<vmem>> -> memref<256x64xf32, #tpu.memory_space<vmem>>
      %dma_wait3A_881 = arith.constant 0 : i32
      %dma_wait3A_882 = tpu.memref_slice %arg6[%add3A_871, %dma_wait3A_881] : memref<196608x64xf32, #tpu.memory_space<hbm>> -> memref<256x64xf32, #tpu.memory_space<hbm>>
      %dma_wait3A_883 = arith.constant 0 : i32
      %dma_wait3A_884 = tpu.memref_slice %arg13[%mul3A_868, %dma_wait3A_883] : memref<512x64xf32, #tpu.memory_space<vmem>> -> memref<256x64xf32, #tpu.memory_space<vmem>>
      %dma_wait3A_885 = arith.constant 0 : i32
      %dma_wait3A_886 = tpu.memref_slice %arg6[%add3A_871, %dma_wait3A_885] : memref<196608x64xf32, #tpu.memory_space<hbm>> -> memref<256x64xf32, #tpu.memory_space<hbm>>
      tpu.wait_dma2 semaphore(%arg16 : memref<!tpu.dma_semaphore, #tpu.memory_space<semaphore_mem>>) src(%dma_wait3A_886 : memref<256x64xf32, #tpu.memory_space<hbm>>) dst(%dma_wait3A_884 : memref<256x64xf32, #tpu.memory_space<vmem>>)
      %dma_wait3A_887 = arith.constant 0 : i32
      %dma_wait3A_888 = tpu.memref_slice %arg14[%mul3A_868, %dma_wait3A_887] : memref<512x64xf32, #tpu.memory_space<vmem>> -> memref<256x64xf32, #tpu.memory_space<vmem>>
      %dma_wait3A_889 = arith.constant 0 : i32
      %dma_wait3A_890 = tpu.memref_slice %arg7[%add3A_871, %dma_wait3A_889] : memref<196608x64xf32, #tpu.memory_space<hbm>> -> memref<256x64xf32, #tpu.memory_space<hbm>>
      %dma_wait3A_891 = arith.constant 0 : i32
      %dma_wait3A_892 = tpu.memref_slice %arg14[%mul3A_868, %dma_wait3A_891] : memref<512x64xf32, #tpu.memory_space<vmem>> -> memref<256x64xf32, #tpu.memory_space<vmem>>
      %dma_wait3A_893 = arith.constant 0 : i32
      %dma_wait3A_894 = tpu.memref_slice %arg7[%add3A_871, %dma_wait3A_893] : memref<196608x64xf32, #tpu.memory_space<hbm>> -> memref<256x64xf32, #tpu.memory_space<hbm>>
      tpu.wait_dma2 semaphore(%arg17 : memref<!tpu.dma_semaphore, #tpu.memory_space<semaphore_mem>>) src(%dma_wait3A_894 : memref<256x64xf32, #tpu.memory_space<hbm>>) dst(%dma_wait3A_892 : memref<256x64xf32, #tpu.memory_space<vmem>>)
      "tpu.region"() ({
        %run_scoped3A = tpu.sem_alloc : memref<!tpu.dma_semaphore, #tpu.memory_space<semaphore_mem>>
        %dma_start3A_895 = arith.constant 0 : i32
        %dma_start3A_896 = tpu.memref_slice %arg12[%mul3A_868, %dma_start3A_895] : memref<512x64xf32, #tpu.memory_space<vmem>> -> memref<256x64xf32, #tpu.memory_space<vmem>>
        %dma_start3A_897 = arith.constant 0 : i32
        %dma_start3A_898 = tpu.memref_slice %arg5[%add3A_871, %dma_start3A_897] : memref<196608x64xf32, #tpu.memory_space<hbm>> -> memref<256x64xf32, #tpu.memory_space<hbm>>
        %dma_start3A_899 = arith.constant 0 : i32
        %dma_start3A_900 = tpu.memref_slice %arg5[%add3A_871, %dma_start3A_899] : memref<196608x64xf32, #tpu.memory_space<hbm>> -> memref<256x64xf32, #tpu.memory_space<hbm>>
        %dma_start3A_901 = arith.constant 0 : i32
        %dma_start3A_902 = tpu.memref_slice %arg12[%mul3A_868, %dma_start3A_901] : memref<512x64xf32, #tpu.memory_space<vmem>> -> memref<256x64xf32, #tpu.memory_space<vmem>>
        tpu.enqueue_dma source(%dma_start3A_902 : memref<256x64xf32, #tpu.memory_space<vmem>>) target(%dma_start3A_900 : memref<256x64xf32, #tpu.memory_space<hbm>>) target_semaphore(%run_scoped3A : memref<!tpu.dma_semaphore, #tpu.memory_space<semaphore_mem>>)
        %dma_wait3A_903 = arith.constant 0 : i32
        %dma_wait3A_904 = tpu.memref_slice %arg12[%mul3A_868, %dma_wait3A_903] : memref<512x64xf32, #tpu.memory_space<vmem>> -> memref<256x64xf32, #tpu.memory_space<vmem>>
        %dma_wait3A_905 = arith.constant 0 : i32
        %dma_wait3A_906 = tpu.memref_slice %arg5[%add3A_871, %dma_wait3A_905] : memref<196608x64xf32, #tpu.memory_space<hbm>> -> memref<256x64xf32, #tpu.memory_space<hbm>>
        %dma_wait3A_907 = arith.constant 0 : i32
        %dma_wait3A_908 = tpu.memref_slice %arg5[%add3A_871, %dma_wait3A_907] : memref<196608x64xf32, #tpu.memory_space<hbm>> -> memref<256x64xf32, #tpu.memory_space<hbm>>
        %dma_wait3A_909 = arith.constant 0 : i32
        %dma_wait3A_910 = tpu.memref_slice %arg12[%mul3A_868, %dma_wait3A_909] : memref<512x64xf32, #tpu.memory_space<vmem>> -> memref<256x64xf32, #tpu.memory_space<vmem>>
        tpu.wait_dma2 semaphore(%run_scoped3A : memref<!tpu.dma_semaphore, #tpu.memory_space<semaphore_mem>>) src(%dma_wait3A_910 : memref<256x64xf32, #tpu.memory_space<vmem>>) dst(%dma_wait3A_908 : memref<256x64xf32, #tpu.memory_space<hbm>>)
        tpu.yield
      }) : () -> ()
      "tpu.region"() ({
        %run_scoped3A = tpu.sem_alloc : memref<!tpu.dma_semaphore, #tpu.memory_space<semaphore_mem>>
        %dma_start3A_895 = arith.constant 0 : i32
        %dma_start3A_896 = tpu.memref_slice %arg13[%mul3A_868, %dma_start3A_895] : memref<512x64xf32, #tpu.memory_space<vmem>> -> memref<256x64xf32, #tpu.memory_space<vmem>>
        %dma_start3A_897 = arith.constant 0 : i32
        %dma_start3A_898 = tpu.memref_slice %arg6[%add3A_871, %dma_start3A_897] : memref<196608x64xf32, #tpu.memory_space<hbm>> -> memref<256x64xf32, #tpu.memory_space<hbm>>
        %dma_start3A_899 = arith.constant 0 : i32
        %dma_start3A_900 = tpu.memref_slice %arg6[%add3A_871, %dma_start3A_899] : memref<196608x64xf32, #tpu.memory_space<hbm>> -> memref<256x64xf32, #tpu.memory_space<hbm>>
        %dma_start3A_901 = arith.constant 0 : i32
        %dma_start3A_902 = tpu.memref_slice %arg13[%mul3A_868, %dma_start3A_901] : memref<512x64xf32, #tpu.memory_space<vmem>> -> memref<256x64xf32, #tpu.memory_space<vmem>>
        tpu.enqueue_dma source(%dma_start3A_902 : memref<256x64xf32, #tpu.memory_space<vmem>>) target(%dma_start3A_900 : memref<256x64xf32, #tpu.memory_space<hbm>>) target_semaphore(%run_scoped3A : memref<!tpu.dma_semaphore, #tpu.memory_space<semaphore_mem>>)
        %dma_wait3A_903 = arith.constant 0 : i32
        %dma_wait3A_904 = tpu.memref_slice %arg13[%mul3A_868, %dma_wait3A_903] : memref<512x64xf32, #tpu.memory_space<vmem>> -> memref<256x64xf32, #tpu.memory_space<vmem>>
        %dma_wait3A_905 = arith.constant 0 : i32
        %dma_wait3A_906 = tpu.memref_slice %arg6[%add3A_871, %dma_wait3A_905] : memref<196608x64xf32, #tpu.memory_space<hbm>> -> memref<256x64xf32, #tpu.memory_space<hbm>>
        %dma_wait3A_907 = arith.constant 0 : i32
        %dma_wait3A_908 = tpu.memref_slice %arg6[%add3A_871, %dma_wait3A_907] : memref<196608x64xf32, #tpu.memory_space<hbm>> -> memref<256x64xf32, #tpu.memory_space<hbm>>
        %dma_wait3A_909 = arith.constant 0 : i32
        %dma_wait3A_910 = tpu.memref_slice %arg13[%mul3A_868, %dma_wait3A_909] : memref<512x64xf32, #tpu.memory_space<vmem>> -> memref<256x64xf32, #tpu.memory_space<vmem>>
        tpu.wait_dma2 semaphore(%run_scoped3A : memref<!tpu.dma_semaphore, #tpu.memory_space<semaphore_mem>>) src(%dma_wait3A_910 : memref<256x64xf32, #tpu.memory_space<vmem>>) dst(%dma_wait3A_908 : memref<256x64xf32, #tpu.memory_space<hbm>>)
        tpu.yield
      }) : () -> ()
      "tpu.region"() ({
        %run_scoped3A = tpu.sem_alloc : memref<!tpu.dma_semaphore, #tpu.memory_space<semaphore_mem>>
        %dma_start3A_895 = arith.constant 0 : i32
        %dma_start3A_896 = tpu.memref_slice %arg14[%mul3A_868, %dma_start3A_895] : memref<512x64xf32, #tpu.memory_space<vmem>> -> memref<256x64xf32, #tpu.memory_space<vmem>>
        %dma_start3A_897 = arith.constant 0 : i32
        %dma_start3A_898 = tpu.memref_slice %arg7[%add3A_871, %dma_start3A_897] : memref<196608x64xf32, #tpu.memory_space<hbm>> -> memref<256x64xf32, #tpu.memory_space<hbm>>
        %dma_start3A_899 = arith.constant 0 : i32
        %dma_start3A_900 = tpu.memref_slice %arg7[%add3A_871, %dma_start3A_899] : memref<196608x64xf32, #tpu.memory_space<hbm>> -> memref<256x64xf32, #tpu.memory_space<hbm>>
        %dma_start3A_901 = arith.constant 0 : i32
        %dma_start3A_902 = tpu.memref_slice %arg14[%mul3A_868, %dma_start3A_901] : memref<512x64xf32, #tpu.memory_space<vmem>> -> memref<256x64xf32, #tpu.memory_space<vmem>>
        tpu.enqueue_dma source(%dma_start3A_902 : memref<256x64xf32, #tpu.memory_space<vmem>>) target(%dma_start3A_900 : memref<256x64xf32, #tpu.memory_space<hbm>>) target_semaphore(%run_scoped3A : memref<!tpu.dma_semaphore, #tpu.memory_space<semaphore_mem>>)
        %dma_wait3A_903 = arith.constant 0 : i32
        %dma_wait3A_904 = tpu.memref_slice %arg14[%mul3A_868, %dma_wait3A_903] : memref<512x64xf32, #tpu.memory_space<vmem>> -> memref<256x64xf32, #tpu.memory_space<vmem>>
        %dma_wait3A_905 = arith.constant 0 : i32
        %dma_wait3A_906 = tpu.memref_slice %arg7[%add3A_871, %dma_wait3A_905] : memref<196608x64xf32, #tpu.memory_space<hbm>> -> memref<256x64xf32, #tpu.memory_space<hbm>>
        %dma_wait3A_907 = arith.constant 0 : i32
        %dma_wait3A_908 = tpu.memref_slice %arg7[%add3A_871, %dma_wait3A_907] : memref<196608x64xf32, #tpu.memory_space<hbm>> -> memref<256x64xf32, #tpu.memory_space<hbm>>
        %dma_wait3A_909 = arith.constant 0 : i32
        %dma_wait3A_910 = tpu.memref_slice %arg14[%mul3A_868, %dma_wait3A_909] : memref<512x64xf32, #tpu.memory_space<vmem>> -> memref<256x64xf32, #tpu.memory_space<vmem>>
        tpu.wait_dma2 semaphore(%run_scoped3A : memref<!tpu.dma_semaphore, #tpu.memory_space<semaphore_mem>>) src(%dma_wait3A_910 : memref<256x64xf32, #tpu.memory_space<vmem>>) dst(%dma_wait3A_908 : memref<256x64xf32, #tpu.memory_space<hbm>>)
        tpu.yield
      }) : () -> ()
    }
    %scan3A_859 = arith.constant 24 : i32
    return
  }
}

#map = affine_map<(d0, d1) -> (0, 0)>
module attributes {stable_mosaic.version = 14 : i64} {
  func.func @sc_gather(%arg0: i32, %arg1: i32, %arg2: memref<50000x64xf32, #tpu.memory_space<hbm>>, %arg3: memref<800000x64xf32, #tpu.memory_space<hbm>>, %arg4: memref<12544x128xi32, #tpu.memory_space<hbm>>, %arg5: memref<204800x64xf32, #tpu.memory_space<hbm>>, %arg6: memref<204800x64xf32, #tpu.memory_space<hbm>>, %arg7: memref<204800x64xf32, #tpu.memory_space<hbm>>, %arg8: memref<16x128xi32, #tpu.memory_space<vmem>>, %arg9: memref<512xi32, #tpu.memory_space<vmem>>, %arg10: memref<512xi32, #tpu.memory_space<vmem>>, %arg11: memref<512xi32, #tpu.memory_space<vmem>>, %arg12: memref<512x64xf32, #tpu.memory_space<vmem>>, %arg13: memref<512x64xf32, #tpu.memory_space<vmem>>, %arg14: memref<512x64xf32, #tpu.memory_space<vmem>>, %arg15: memref<!tpu.dma_semaphore, #tpu.memory_space<semaphore_mem>>, %arg16: memref<!tpu.dma_semaphore, #tpu.memory_space<semaphore_mem>>, %arg17: memref<!tpu.dma_semaphore, #tpu.memory_space<semaphore_mem>>) attributes {dimension_semantics = [#tpu.dimension_semantics<core_parallel>, #tpu.dimension_semantics<subcore_parallel>], iteration_bounds = array<i64: 2, 16>, scalar_prefetch = 0 : i64, scratch_operands = 10 : i64, tpu.core_type = #tpu.core_type<sc_vector_subcore>, window_params = [{transform_indices = #map}, {transform_indices = #map}, {transform_indices = #map}, {transform_indices = #map}, {transform_indices = #map}, {transform_indices = #map}]} {
    %mul3A = arith.constant 2 : i32
    %mul3A_0 = arith.muli %arg1, %mul3A : i32
    %add3A = arith.addi %mul3A_0, %arg0 : i32
    %mul3A_1 = arith.constant 6400 : i32
    %mul3A_2 = arith.muli %add3A, %mul3A_1 : i32
    %iota3A = tpu.iota {dimensions = array<i32: 0>} : vector<16xi32>
    %mul3A_3 = arith.constant 4 : i32
    %mul3A_4 = vector.broadcast %mul3A_3 : i32 to vector<16xi32>
    %mul3A_5 = arith.muli %iota3A, %mul3A_4 : vector<16xi32>
    %rem3A = arith.constant 0 : i32
    %rem3A_6 = arith.constant 2 : i32
    %rem3A_7 = arith.remsi %rem3A, %rem3A_6 : i32
    %add3A_8 = arith.constant 0 : i32
    %add3A_9 = arith.addi %mul3A_2, %add3A_8 : i32
    %mul3A_10 = arith.constant 256 : i32
    %mul3A_11 = arith.muli %rem3A_7, %mul3A_10 : i32
    %add3A_12 = arith.constant 0 : i32
    %add3A_13 = arith.addi %add3A_12, %add3A_9 : i32
    %mul3A_14 = arith.constant 4 : i32
    %mul3A_15 = arith.muli %add3A_13, %mul3A_14 : i32
    %jit3A = arith.constant 128 : i32
    %div3A = arith.divsi %mul3A_15, %jit3A : i32
    %sign3A = arith.constant 0 : i32
    %sign3A_16 = arith.cmpi sgt, %mul3A_15, %sign3A : i32
    %sign3A_17 = arith.extui %sign3A_16 : i1 to i32
    %sign3A_18 = arith.constant 0 : i32
    %sign3A_19 = arith.cmpi slt, %mul3A_15, %sign3A_18 : i32
    %sign3A_20 = arith.extui %sign3A_19 : i1 to i32
    %sign3A_21 = arith.subi %sign3A_17, %sign3A_20 : i32
    %sign3A_22 = arith.constant 0 : i32
    %sign3A_23 = arith.cmpi sgt, %jit3A, %sign3A_22 : i32
    %sign3A_24 = arith.extui %sign3A_23 : i1 to i32
    %sign3A_25 = arith.constant 0 : i32
    %sign3A_26 = arith.cmpi slt, %jit3A, %sign3A_25 : i32
    %sign3A_27 = arith.extui %sign3A_26 : i1 to i32
    %sign3A_28 = arith.subi %sign3A_24, %sign3A_27 : i32
    %ne3A = arith.cmpi ne, %sign3A_21, %sign3A_28 : i32
    %rem3A_29 = arith.remsi %mul3A_15, %jit3A : i32
    %ne3A_30 = arith.constant 0 : i32
    %ne3A_31 = arith.cmpi ne, %rem3A_29, %ne3A_30 : i32
    %and3A = arith.andi %ne3A, %ne3A_31 : i1
    %sub3A = arith.constant 1 : i32
    %sub3A_32 = arith.subi %div3A, %sub3A : i32
    %select_n3A = arith.select %and3A, %sub3A_32, %div3A : i32
    %mul3A_33 = arith.constant 4 : i32
    %mul3A_34 = arith.muli %mul3A_11, %mul3A_33 : i32
    %jit3A_35 = arith.constant 128 : i32
    %div3A_36 = arith.divsi %mul3A_34, %jit3A_35 : i32
    %sign3A_37 = arith.constant 0 : i32
    %sign3A_38 = arith.cmpi sgt, %mul3A_34, %sign3A_37 : i32
    %sign3A_39 = arith.extui %sign3A_38 : i1 to i32
    %sign3A_40 = arith.constant 0 : i32
    %sign3A_41 = arith.cmpi slt, %mul3A_34, %sign3A_40 : i32
    %sign3A_42 = arith.extui %sign3A_41 : i1 to i32
    %sign3A_43 = arith.subi %sign3A_39, %sign3A_42 : i32
    %sign3A_44 = arith.constant 0 : i32
    %sign3A_45 = arith.cmpi sgt, %jit3A_35, %sign3A_44 : i32
    %sign3A_46 = arith.extui %sign3A_45 : i1 to i32
    %sign3A_47 = arith.constant 0 : i32
    %sign3A_48 = arith.cmpi slt, %jit3A_35, %sign3A_47 : i32
    %sign3A_49 = arith.extui %sign3A_48 : i1 to i32
    %sign3A_50 = arith.subi %sign3A_46, %sign3A_49 : i32
    %ne3A_51 = arith.cmpi ne, %sign3A_43, %sign3A_50 : i32
    %rem3A_52 = arith.remsi %mul3A_34, %jit3A_35 : i32
    %ne3A_53 = arith.constant 0 : i32
    %ne3A_54 = arith.cmpi ne, %rem3A_52, %ne3A_53 : i32
    %and3A_55 = arith.andi %ne3A_51, %ne3A_54 : i1
    %sub3A_56 = arith.constant 1 : i32
    %sub3A_57 = arith.subi %div3A_36, %sub3A_56 : i32
    %select_n3A_58 = arith.select %and3A_55, %sub3A_57, %div3A_36 : i32
    "tpu.region"() ({
      %run_scoped3A = tpu.sem_alloc : memref<!tpu.dma_semaphore, #tpu.memory_space<semaphore_mem>>
      %dma_start3A_860 = arith.constant 0 : i32
      %dma_start3A_861 = tpu.memref_slice %arg8[%select_n3A_58, %dma_start3A_860] : memref<16x128xi32, #tpu.memory_space<vmem>> -> memref<8x128xi32, #tpu.memory_space<vmem>>
      %dma_start3A_862 = arith.constant 0 : i32
      %dma_start3A_863 = tpu.memref_slice %arg4[%select_n3A, %dma_start3A_862] : memref<12544x128xi32, #tpu.memory_space<hbm>> -> memref<8x128xi32, #tpu.memory_space<hbm>>
      %dma_start3A_864 = arith.constant 0 : i32
      %dma_start3A_865 = tpu.memref_slice %arg8[%select_n3A_58, %dma_start3A_864] : memref<16x128xi32, #tpu.memory_space<vmem>> -> memref<8x128xi32, #tpu.memory_space<vmem>>
      %dma_start3A_866 = arith.constant 0 : i32
      %dma_start3A_867 = tpu.memref_slice %arg4[%select_n3A, %dma_start3A_866] : memref<12544x128xi32, #tpu.memory_space<hbm>> -> memref<8x128xi32, #tpu.memory_space<hbm>>
      tpu.enqueue_dma source(%dma_start3A_867 : memref<8x128xi32, #tpu.memory_space<hbm>>) target(%dma_start3A_865 : memref<8x128xi32, #tpu.memory_space<vmem>>) target_semaphore(%run_scoped3A : memref<!tpu.dma_semaphore, #tpu.memory_space<semaphore_mem>>)
      %dma_wait3A = arith.constant 0 : i32
      %dma_wait3A_868 = tpu.memref_slice %arg8[%select_n3A_58, %dma_wait3A] : memref<16x128xi32, #tpu.memory_space<vmem>> -> memref<8x128xi32, #tpu.memory_space<vmem>>
      %dma_wait3A_869 = arith.constant 0 : i32
      %dma_wait3A_870 = tpu.memref_slice %arg4[%select_n3A, %dma_wait3A_869] : memref<12544x128xi32, #tpu.memory_space<hbm>> -> memref<8x128xi32, #tpu.memory_space<hbm>>
      %dma_wait3A_871 = arith.constant 0 : i32
      %dma_wait3A_872 = tpu.memref_slice %arg8[%select_n3A_58, %dma_wait3A_871] : memref<16x128xi32, #tpu.memory_space<vmem>> -> memref<8x128xi32, #tpu.memory_space<vmem>>
      %dma_wait3A_873 = arith.constant 0 : i32
      %dma_wait3A_874 = tpu.memref_slice %arg4[%select_n3A, %dma_wait3A_873] : memref<12544x128xi32, #tpu.memory_space<hbm>> -> memref<8x128xi32, #tpu.memory_space<hbm>>
      tpu.wait_dma2 semaphore(%run_scoped3A : memref<!tpu.dma_semaphore, #tpu.memory_space<semaphore_mem>>) src(%dma_wait3A_874 : memref<8x128xi32, #tpu.memory_space<hbm>>) dst(%dma_wait3A_872 : memref<8x128xi32, #tpu.memory_space<vmem>>)
      tpu.yield
    }) : () -> ()
    %add3A_59 = arith.constant 0 : i32
    %add3A_60 = arith.addi %mul3A_11, %add3A_59 : i32
    %mul3A_61 = arith.constant 4 : i32
    %mul3A_62 = arith.muli %add3A_60, %mul3A_61 : i32
    %add3A_63 = vector.broadcast %mul3A_62 : i32 to vector<16xi32>
    %add3A_64 = arith.addi %add3A_63, %mul3A_5 : vector<16xi32>
    %add3A_65 = arith.constant 0 : i32
    %add3A_66 = arith.addi %mul3A_11, %add3A_65 : i32
    %shift_right_arithmetic3A = arith.constant 7 : i32
    %shift_right_arithmetic3A_67 = vector.broadcast %shift_right_arithmetic3A : i32 to vector<16xi32>
    %shift_right_arithmetic3A_68 = arith.shrsi %add3A_64, %shift_right_arithmetic3A_67 : vector<16xi32>
    %and3A_69 = arith.constant 127 : i32
    %and3A_70 = vector.broadcast %and3A_69 : i32 to vector<16xi32>
    %and3A_71 = arith.andi %add3A_64, %and3A_70 : vector<16xi32>
    %gather3A = tpu.vector_load_idx %arg8[%shift_right_arithmetic3A_68, %and3A_71] : memref<16x128xi32, #tpu.memory_space<vmem>>[vector<16xi32>, vector<16xi32>], vector<16xi32>,
    %swap3A = arith.index_cast %add3A_66 : i32 to index
    %swap3A_72 = tpu.vector_load %arg9[%swap3A] {strides = array<i32>} : memref<512xi32, #tpu.memory_space<vmem>>, vector<16xi32>,
    tpu.vector_store %arg9[%swap3A], %gather3A {strides = array<i32>} : memref<512xi32, #tpu.memory_space<vmem>>, vector<16xi32>,
    %add3A_73 = arith.constant 1 : i32
    %add3A_74 = vector.broadcast %add3A_73 : i32 to vector<16xi32>
    %add3A_75 = arith.addi %add3A_64, %add3A_74 : vector<16xi32>
    %shift_right_arithmetic3A_76 = arith.constant 7 : i32
    %shift_right_arithmetic3A_77 = vector.broadcast %shift_right_arithmetic3A_76 : i32 to vector<16xi32>
    %shift_right_arithmetic3A_78 = arith.shrsi %add3A_75, %shift_right_arithmetic3A_77 : vector<16xi32>
    %add3A_79 = arith.constant 1 : i32
    %add3A_80 = vector.broadcast %add3A_79 : i32 to vector<16xi32>
    %add3A_81 = arith.addi %add3A_64, %add3A_80 : vector<16xi32>
    %and3A_82 = arith.constant 127 : i32
    %and3A_83 = vector.broadcast %and3A_82 : i32 to vector<16xi32>
    %and3A_84 = arith.andi %add3A_81, %and3A_83 : vector<16xi32>
    %gather3A_85 = tpu.vector_load_idx %arg8[%shift_right_arithmetic3A_78, %and3A_84] : memref<16x128xi32, #tpu.memory_space<vmem>>[vector<16xi32>, vector<16xi32>], vector<16xi32>,
    %swap3A_86 = arith.index_cast %add3A_66 : i32 to index
    %swap3A_87 = tpu.vector_load %arg10[%swap3A_86] {strides = array<i32>} : memref<512xi32, #tpu.memory_space<vmem>>, vector<16xi32>,
    tpu.vector_store %arg10[%swap3A_86], %gather3A_85 {strides = array<i32>} : memref<512xi32, #tpu.memory_space<vmem>>, vector<16xi32>,
    %add3A_88 = arith.constant 2 : i32
    %add3A_89 = vector.broadcast %add3A_88 : i32 to vector<16xi32>
    %add3A_90 = arith.addi %add3A_64, %add3A_89 : vector<16xi32>
    %shift_right_arithmetic3A_91 = arith.constant 7 : i32
    %shift_right_arithmetic3A_92 = vector.broadcast %shift_right_arithmetic3A_91 : i32 to vector<16xi32>
    %shift_right_arithmetic3A_93 = arith.shrsi %add3A_90, %shift_right_arithmetic3A_92 : vector<16xi32>
    %add3A_94 = arith.constant 2 : i32
    %add3A_95 = vector.broadcast %add3A_94 : i32 to vector<16xi32>
    %add3A_96 = arith.addi %add3A_64, %add3A_95 : vector<16xi32>
    %and3A_97 = arith.constant 127 : i32
    %and3A_98 = vector.broadcast %and3A_97 : i32 to vector<16xi32>
    %and3A_99 = arith.andi %add3A_96, %and3A_98 : vector<16xi32>
    %gather3A_100 = tpu.vector_load_idx %arg8[%shift_right_arithmetic3A_93, %and3A_99] : memref<16x128xi32, #tpu.memory_space<vmem>>[vector<16xi32>, vector<16xi32>], vector<16xi32>,
    %swap3A_101 = arith.index_cast %add3A_66 : i32 to index
    %swap3A_102 = tpu.vector_load %arg11[%swap3A_101] {strides = array<i32>} : memref<512xi32, #tpu.memory_space<vmem>>, vector<16xi32>,
    tpu.vector_store %arg11[%swap3A_101], %gather3A_100 {strides = array<i32>} : memref<512xi32, #tpu.memory_space<vmem>>, vector<16xi32>,
    %add3A_103 = arith.constant 16 : i32
    %add3A_104 = arith.addi %mul3A_11, %add3A_103 : i32
    %mul3A_105 = arith.constant 4 : i32
    %mul3A_106 = arith.muli %add3A_104, %mul3A_105 : i32
    %add3A_107 = vector.broadcast %mul3A_106 : i32 to vector<16xi32>
    %add3A_108 = arith.addi %add3A_107, %mul3A_5 : vector<16xi32>
    %add3A_109 = arith.constant 16 : i32
    %add3A_110 = arith.addi %mul3A_11, %add3A_109 : i32
    %shift_right_arithmetic3A_111 = arith.constant 7 : i32
    %shift_right_arithmetic3A_112 = vector.broadcast %shift_right_arithmetic3A_111 : i32 to vector<16xi32>
    %shift_right_arithmetic3A_113 = arith.shrsi %add3A_108, %shift_right_arithmetic3A_112 : vector<16xi32>
    %and3A_114 = arith.constant 127 : i32
    %and3A_115 = vector.broadcast %and3A_114 : i32 to vector<16xi32>
    %and3A_116 = arith.andi %add3A_108, %and3A_115 : vector<16xi32>
    %gather3A_117 = tpu.vector_load_idx %arg8[%shift_right_arithmetic3A_113, %and3A_116] : memref<16x128xi32, #tpu.memory_space<vmem>>[vector<16xi32>, vector<16xi32>], vector<16xi32>,
    %swap3A_118 = arith.index_cast %add3A_110 : i32 to index
    %swap3A_119 = tpu.vector_load %arg9[%swap3A_118] {strides = array<i32>} : memref<512xi32, #tpu.memory_space<vmem>>, vector<16xi32>,
    tpu.vector_store %arg9[%swap3A_118], %gather3A_117 {strides = array<i32>} : memref<512xi32, #tpu.memory_space<vmem>>, vector<16xi32>,
    %add3A_120 = arith.constant 1 : i32
    %add3A_121 = vector.broadcast %add3A_120 : i32 to vector<16xi32>
    %add3A_122 = arith.addi %add3A_108, %add3A_121 : vector<16xi32>
    %shift_right_arithmetic3A_123 = arith.constant 7 : i32
    %shift_right_arithmetic3A_124 = vector.broadcast %shift_right_arithmetic3A_123 : i32 to vector<16xi32>
    %shift_right_arithmetic3A_125 = arith.shrsi %add3A_122, %shift_right_arithmetic3A_124 : vector<16xi32>
    %add3A_126 = arith.constant 1 : i32
    %add3A_127 = vector.broadcast %add3A_126 : i32 to vector<16xi32>
    %add3A_128 = arith.addi %add3A_108, %add3A_127 : vector<16xi32>
    %and3A_129 = arith.constant 127 : i32
    %and3A_130 = vector.broadcast %and3A_129 : i32 to vector<16xi32>
    %and3A_131 = arith.andi %add3A_128, %and3A_130 : vector<16xi32>
    %gather3A_132 = tpu.vector_load_idx %arg8[%shift_right_arithmetic3A_125, %and3A_131] : memref<16x128xi32, #tpu.memory_space<vmem>>[vector<16xi32>, vector<16xi32>], vector<16xi32>,
    %swap3A_133 = arith.index_cast %add3A_110 : i32 to index
    %swap3A_134 = tpu.vector_load %arg10[%swap3A_133] {strides = array<i32>} : memref<512xi32, #tpu.memory_space<vmem>>, vector<16xi32>,
    tpu.vector_store %arg10[%swap3A_133], %gather3A_132 {strides = array<i32>} : memref<512xi32, #tpu.memory_space<vmem>>, vector<16xi32>,
    %add3A_135 = arith.constant 2 : i32
    %add3A_136 = vector.broadcast %add3A_135 : i32 to vector<16xi32>
    %add3A_137 = arith.addi %add3A_108, %add3A_136 : vector<16xi32>
    %shift_right_arithmetic3A_138 = arith.constant 7 : i32
    %shift_right_arithmetic3A_139 = vector.broadcast %shift_right_arithmetic3A_138 : i32 to vector<16xi32>
    %shift_right_arithmetic3A_140 = arith.shrsi %add3A_137, %shift_right_arithmetic3A_139 : vector<16xi32>
    %add3A_141 = arith.constant 2 : i32
    %add3A_142 = vector.broadcast %add3A_141 : i32 to vector<16xi32>
    %add3A_143 = arith.addi %add3A_108, %add3A_142 : vector<16xi32>
    %and3A_144 = arith.constant 127 : i32
    %and3A_145 = vector.broadcast %and3A_144 : i32 to vector<16xi32>
    %and3A_146 = arith.andi %add3A_143, %and3A_145 : vector<16xi32>
    %gather3A_147 = tpu.vector_load_idx %arg8[%shift_right_arithmetic3A_140, %and3A_146] : memref<16x128xi32, #tpu.memory_space<vmem>>[vector<16xi32>, vector<16xi32>], vector<16xi32>,
    %swap3A_148 = arith.index_cast %add3A_110 : i32 to index
    %swap3A_149 = tpu.vector_load %arg11[%swap3A_148] {strides = array<i32>} : memref<512xi32, #tpu.memory_space<vmem>>, vector<16xi32>,
    tpu.vector_store %arg11[%swap3A_148], %gather3A_147 {strides = array<i32>} : memref<512xi32, #tpu.memory_space<vmem>>, vector<16xi32>,
    %add3A_150 = arith.constant 32 : i32
    %add3A_151 = arith.addi %mul3A_11, %add3A_150 : i32
    %mul3A_152 = arith.constant 4 : i32
    %mul3A_153 = arith.muli %add3A_151, %mul3A_152 : i32
    %add3A_154 = vector.broadcast %mul3A_153 : i32 to vector<16xi32>
    %add3A_155 = arith.addi %add3A_154, %mul3A_5 : vector<16xi32>
    %add3A_156 = arith.constant 32 : i32
    %add3A_157 = arith.addi %mul3A_11, %add3A_156 : i32
    %shift_right_arithmetic3A_158 = arith.constant 7 : i32
    %shift_right_arithmetic3A_159 = vector.broadcast %shift_right_arithmetic3A_158 : i32 to vector<16xi32>
    %shift_right_arithmetic3A_160 = arith.shrsi %add3A_155, %shift_right_arithmetic3A_159 : vector<16xi32>
    %and3A_161 = arith.constant 127 : i32
    %and3A_162 = vector.broadcast %and3A_161 : i32 to vector<16xi32>
    %and3A_163 = arith.andi %add3A_155, %and3A_162 : vector<16xi32>
    %gather3A_164 = tpu.vector_load_idx %arg8[%shift_right_arithmetic3A_160, %and3A_163] : memref<16x128xi32, #tpu.memory_space<vmem>>[vector<16xi32>, vector<16xi32>], vector<16xi32>,
    %swap3A_165 = arith.index_cast %add3A_157 : i32 to index
    %swap3A_166 = tpu.vector_load %arg9[%swap3A_165] {strides = array<i32>} : memref<512xi32, #tpu.memory_space<vmem>>, vector<16xi32>,
    tpu.vector_store %arg9[%swap3A_165], %gather3A_164 {strides = array<i32>} : memref<512xi32, #tpu.memory_space<vmem>>, vector<16xi32>,
    %add3A_167 = arith.constant 1 : i32
    %add3A_168 = vector.broadcast %add3A_167 : i32 to vector<16xi32>
    %add3A_169 = arith.addi %add3A_155, %add3A_168 : vector<16xi32>
    %shift_right_arithmetic3A_170 = arith.constant 7 : i32
    %shift_right_arithmetic3A_171 = vector.broadcast %shift_right_arithmetic3A_170 : i32 to vector<16xi32>
    %shift_right_arithmetic3A_172 = arith.shrsi %add3A_169, %shift_right_arithmetic3A_171 : vector<16xi32>
    %add3A_173 = arith.constant 1 : i32
    %add3A_174 = vector.broadcast %add3A_173 : i32 to vector<16xi32>
    %add3A_175 = arith.addi %add3A_155, %add3A_174 : vector<16xi32>
    %and3A_176 = arith.constant 127 : i32
    %and3A_177 = vector.broadcast %and3A_176 : i32 to vector<16xi32>
    %and3A_178 = arith.andi %add3A_175, %and3A_177 : vector<16xi32>
    %gather3A_179 = tpu.vector_load_idx %arg8[%shift_right_arithmetic3A_172, %and3A_178] : memref<16x128xi32, #tpu.memory_space<vmem>>[vector<16xi32>, vector<16xi32>], vector<16xi32>,
    %swap3A_180 = arith.index_cast %add3A_157 : i32 to index
    %swap3A_181 = tpu.vector_load %arg10[%swap3A_180] {strides = array<i32>} : memref<512xi32, #tpu.memory_space<vmem>>, vector<16xi32>,
    tpu.vector_store %arg10[%swap3A_180], %gather3A_179 {strides = array<i32>} : memref<512xi32, #tpu.memory_space<vmem>>, vector<16xi32>,
    %add3A_182 = arith.constant 2 : i32
    %add3A_183 = vector.broadcast %add3A_182 : i32 to vector<16xi32>
    %add3A_184 = arith.addi %add3A_155, %add3A_183 : vector<16xi32>
    %shift_right_arithmetic3A_185 = arith.constant 7 : i32
    %shift_right_arithmetic3A_186 = vector.broadcast %shift_right_arithmetic3A_185 : i32 to vector<16xi32>
    %shift_right_arithmetic3A_187 = arith.shrsi %add3A_184, %shift_right_arithmetic3A_186 : vector<16xi32>
    %add3A_188 = arith.constant 2 : i32
    %add3A_189 = vector.broadcast %add3A_188 : i32 to vector<16xi32>
    %add3A_190 = arith.addi %add3A_155, %add3A_189 : vector<16xi32>
    %and3A_191 = arith.constant 127 : i32
    %and3A_192 = vector.broadcast %and3A_191 : i32 to vector<16xi32>
    %and3A_193 = arith.andi %add3A_190, %and3A_192 : vector<16xi32>
    %gather3A_194 = tpu.vector_load_idx %arg8[%shift_right_arithmetic3A_187, %and3A_193] : memref<16x128xi32, #tpu.memory_space<vmem>>[vector<16xi32>, vector<16xi32>], vector<16xi32>,
    %swap3A_195 = arith.index_cast %add3A_157 : i32 to index
    %swap3A_196 = tpu.vector_load %arg11[%swap3A_195] {strides = array<i32>} : memref<512xi32, #tpu.memory_space<vmem>>, vector<16xi32>,
    tpu.vector_store %arg11[%swap3A_195], %gather3A_194 {strides = array<i32>} : memref<512xi32, #tpu.memory_space<vmem>>, vector<16xi32>,
    %add3A_197 = arith.constant 48 : i32
    %add3A_198 = arith.addi %mul3A_11, %add3A_197 : i32
    %mul3A_199 = arith.constant 4 : i32
    %mul3A_200 = arith.muli %add3A_198, %mul3A_199 : i32
    %add3A_201 = vector.broadcast %mul3A_200 : i32 to vector<16xi32>
    %add3A_202 = arith.addi %add3A_201, %mul3A_5 : vector<16xi32>
    %add3A_203 = arith.constant 48 : i32
    %add3A_204 = arith.addi %mul3A_11, %add3A_203 : i32
    %shift_right_arithmetic3A_205 = arith.constant 7 : i32
    %shift_right_arithmetic3A_206 = vector.broadcast %shift_right_arithmetic3A_205 : i32 to vector<16xi32>
    %shift_right_arithmetic3A_207 = arith.shrsi %add3A_202, %shift_right_arithmetic3A_206 : vector<16xi32>
    %and3A_208 = arith.constant 127 : i32
    %and3A_209 = vector.broadcast %and3A_208 : i32 to vector<16xi32>
    %and3A_210 = arith.andi %add3A_202, %and3A_209 : vector<16xi32>
    %gather3A_211 = tpu.vector_load_idx %arg8[%shift_right_arithmetic3A_207, %and3A_210] : memref<16x128xi32, #tpu.memory_space<vmem>>[vector<16xi32>, vector<16xi32>], vector<16xi32>,
    %swap3A_212 = arith.index_cast %add3A_204 : i32 to index
    %swap3A_213 = tpu.vector_load %arg9[%swap3A_212] {strides = array<i32>} : memref<512xi32, #tpu.memory_space<vmem>>, vector<16xi32>,
    tpu.vector_store %arg9[%swap3A_212], %gather3A_211 {strides = array<i32>} : memref<512xi32, #tpu.memory_space<vmem>>, vector<16xi32>,
    %add3A_214 = arith.constant 1 : i32
    %add3A_215 = vector.broadcast %add3A_214 : i32 to vector<16xi32>
    %add3A_216 = arith.addi %add3A_202, %add3A_215 : vector<16xi32>
    %shift_right_arithmetic3A_217 = arith.constant 7 : i32
    %shift_right_arithmetic3A_218 = vector.broadcast %shift_right_arithmetic3A_217 : i32 to vector<16xi32>
    %shift_right_arithmetic3A_219 = arith.shrsi %add3A_216, %shift_right_arithmetic3A_218 : vector<16xi32>
    %add3A_220 = arith.constant 1 : i32
    %add3A_221 = vector.broadcast %add3A_220 : i32 to vector<16xi32>
    %add3A_222 = arith.addi %add3A_202, %add3A_221 : vector<16xi32>
    %and3A_223 = arith.constant 127 : i32
    %and3A_224 = vector.broadcast %and3A_223 : i32 to vector<16xi32>
    %and3A_225 = arith.andi %add3A_222, %and3A_224 : vector<16xi32>
    %gather3A_226 = tpu.vector_load_idx %arg8[%shift_right_arithmetic3A_219, %and3A_225] : memref<16x128xi32, #tpu.memory_space<vmem>>[vector<16xi32>, vector<16xi32>], vector<16xi32>,
    %swap3A_227 = arith.index_cast %add3A_204 : i32 to index
    %swap3A_228 = tpu.vector_load %arg10[%swap3A_227] {strides = array<i32>} : memref<512xi32, #tpu.memory_space<vmem>>, vector<16xi32>,
    tpu.vector_store %arg10[%swap3A_227], %gather3A_226 {strides = array<i32>} : memref<512xi32, #tpu.memory_space<vmem>>, vector<16xi32>,
    %add3A_229 = arith.constant 2 : i32
    %add3A_230 = vector.broadcast %add3A_229 : i32 to vector<16xi32>
    %add3A_231 = arith.addi %add3A_202, %add3A_230 : vector<16xi32>
    %shift_right_arithmetic3A_232 = arith.constant 7 : i32
    %shift_right_arithmetic3A_233 = vector.broadcast %shift_right_arithmetic3A_232 : i32 to vector<16xi32>
    %shift_right_arithmetic3A_234 = arith.shrsi %add3A_231, %shift_right_arithmetic3A_233 : vector<16xi32>
    %add3A_235 = arith.constant 2 : i32
    %add3A_236 = vector.broadcast %add3A_235 : i32 to vector<16xi32>
    %add3A_237 = arith.addi %add3A_202, %add3A_236 : vector<16xi32>
    %and3A_238 = arith.constant 127 : i32
    %and3A_239 = vector.broadcast %and3A_238 : i32 to vector<16xi32>
    %and3A_240 = arith.andi %add3A_237, %and3A_239 : vector<16xi32>
    %gather3A_241 = tpu.vector_load_idx %arg8[%shift_right_arithmetic3A_234, %and3A_240] : memref<16x128xi32, #tpu.memory_space<vmem>>[vector<16xi32>, vector<16xi32>], vector<16xi32>,
    %swap3A_242 = arith.index_cast %add3A_204 : i32 to index
    %swap3A_243 = tpu.vector_load %arg11[%swap3A_242] {strides = array<i32>} : memref<512xi32, #tpu.memory_space<vmem>>, vector<16xi32>,
    tpu.vector_store %arg11[%swap3A_242], %gather3A_241 {strides = array<i32>} : memref<512xi32, #tpu.memory_space<vmem>>, vector<16xi32>,
    %add3A_244 = arith.constant 64 : i32
    %add3A_245 = arith.addi %mul3A_11, %add3A_244 : i32
    %mul3A_246 = arith.constant 4 : i32
    %mul3A_247 = arith.muli %add3A_245, %mul3A_246 : i32
    %add3A_248 = vector.broadcast %mul3A_247 : i32 to vector<16xi32>
    %add3A_249 = arith.addi %add3A_248, %mul3A_5 : vector<16xi32>
    %add3A_250 = arith.constant 64 : i32
    %add3A_251 = arith.addi %mul3A_11, %add3A_250 : i32
    %shift_right_arithmetic3A_252 = arith.constant 7 : i32
    %shift_right_arithmetic3A_253 = vector.broadcast %shift_right_arithmetic3A_252 : i32 to vector<16xi32>
    %shift_right_arithmetic3A_254 = arith.shrsi %add3A_249, %shift_right_arithmetic3A_253 : vector<16xi32>
    %and3A_255 = arith.constant 127 : i32
    %and3A_256 = vector.broadcast %and3A_255 : i32 to vector<16xi32>
    %and3A_257 = arith.andi %add3A_249, %and3A_256 : vector<16xi32>
    %gather3A_258 = tpu.vector_load_idx %arg8[%shift_right_arithmetic3A_254, %and3A_257] : memref<16x128xi32, #tpu.memory_space<vmem>>[vector<16xi32>, vector<16xi32>], vector<16xi32>,
    %swap3A_259 = arith.index_cast %add3A_251 : i32 to index
    %swap3A_260 = tpu.vector_load %arg9[%swap3A_259] {strides = array<i32>} : memref<512xi32, #tpu.memory_space<vmem>>, vector<16xi32>,
    tpu.vector_store %arg9[%swap3A_259], %gather3A_258 {strides = array<i32>} : memref<512xi32, #tpu.memory_space<vmem>>, vector<16xi32>,
    %add3A_261 = arith.constant 1 : i32
    %add3A_262 = vector.broadcast %add3A_261 : i32 to vector<16xi32>
    %add3A_263 = arith.addi %add3A_249, %add3A_262 : vector<16xi32>
    %shift_right_arithmetic3A_264 = arith.constant 7 : i32
    %shift_right_arithmetic3A_265 = vector.broadcast %shift_right_arithmetic3A_264 : i32 to vector<16xi32>
    %shift_right_arithmetic3A_266 = arith.shrsi %add3A_263, %shift_right_arithmetic3A_265 : vector<16xi32>
    %add3A_267 = arith.constant 1 : i32
    %add3A_268 = vector.broadcast %add3A_267 : i32 to vector<16xi32>
    %add3A_269 = arith.addi %add3A_249, %add3A_268 : vector<16xi32>
    %and3A_270 = arith.constant 127 : i32
    %and3A_271 = vector.broadcast %and3A_270 : i32 to vector<16xi32>
    %and3A_272 = arith.andi %add3A_269, %and3A_271 : vector<16xi32>
    %gather3A_273 = tpu.vector_load_idx %arg8[%shift_right_arithmetic3A_266, %and3A_272] : memref<16x128xi32, #tpu.memory_space<vmem>>[vector<16xi32>, vector<16xi32>], vector<16xi32>,
    %swap3A_274 = arith.index_cast %add3A_251 : i32 to index
    %swap3A_275 = tpu.vector_load %arg10[%swap3A_274] {strides = array<i32>} : memref<512xi32, #tpu.memory_space<vmem>>, vector<16xi32>,
    tpu.vector_store %arg10[%swap3A_274], %gather3A_273 {strides = array<i32>} : memref<512xi32, #tpu.memory_space<vmem>>, vector<16xi32>,
    %add3A_276 = arith.constant 2 : i32
    %add3A_277 = vector.broadcast %add3A_276 : i32 to vector<16xi32>
    %add3A_278 = arith.addi %add3A_249, %add3A_277 : vector<16xi32>
    %shift_right_arithmetic3A_279 = arith.constant 7 : i32
    %shift_right_arithmetic3A_280 = vector.broadcast %shift_right_arithmetic3A_279 : i32 to vector<16xi32>
    %shift_right_arithmetic3A_281 = arith.shrsi %add3A_278, %shift_right_arithmetic3A_280 : vector<16xi32>
    %add3A_282 = arith.constant 2 : i32
    %add3A_283 = vector.broadcast %add3A_282 : i32 to vector<16xi32>
    %add3A_284 = arith.addi %add3A_249, %add3A_283 : vector<16xi32>
    %and3A_285 = arith.constant 127 : i32
    %and3A_286 = vector.broadcast %and3A_285 : i32 to vector<16xi32>
    %and3A_287 = arith.andi %add3A_284, %and3A_286 : vector<16xi32>
    %gather3A_288 = tpu.vector_load_idx %arg8[%shift_right_arithmetic3A_281, %and3A_287] : memref<16x128xi32, #tpu.memory_space<vmem>>[vector<16xi32>, vector<16xi32>], vector<16xi32>,
    %swap3A_289 = arith.index_cast %add3A_251 : i32 to index
    %swap3A_290 = tpu.vector_load %arg11[%swap3A_289] {strides = array<i32>} : memref<512xi32, #tpu.memory_space<vmem>>, vector<16xi32>,
    tpu.vector_store %arg11[%swap3A_289], %gather3A_288 {strides = array<i32>} : memref<512xi32, #tpu.memory_space<vmem>>, vector<16xi32>,
    %add3A_291 = arith.constant 80 : i32
    %add3A_292 = arith.addi %mul3A_11, %add3A_291 : i32
    %mul3A_293 = arith.constant 4 : i32
    %mul3A_294 = arith.muli %add3A_292, %mul3A_293 : i32
    %add3A_295 = vector.broadcast %mul3A_294 : i32 to vector<16xi32>
    %add3A_296 = arith.addi %add3A_295, %mul3A_5 : vector<16xi32>
    %add3A_297 = arith.constant 80 : i32
    %add3A_298 = arith.addi %mul3A_11, %add3A_297 : i32
    %shift_right_arithmetic3A_299 = arith.constant 7 : i32
    %shift_right_arithmetic3A_300 = vector.broadcast %shift_right_arithmetic3A_299 : i32 to vector<16xi32>
    %shift_right_arithmetic3A_301 = arith.shrsi %add3A_296, %shift_right_arithmetic3A_300 : vector<16xi32>
    %and3A_302 = arith.constant 127 : i32
    %and3A_303 = vector.broadcast %and3A_302 : i32 to vector<16xi32>
    %and3A_304 = arith.andi %add3A_296, %and3A_303 : vector<16xi32>
    %gather3A_305 = tpu.vector_load_idx %arg8[%shift_right_arithmetic3A_301, %and3A_304] : memref<16x128xi32, #tpu.memory_space<vmem>>[vector<16xi32>, vector<16xi32>], vector<16xi32>,
    %swap3A_306 = arith.index_cast %add3A_298 : i32 to index
    %swap3A_307 = tpu.vector_load %arg9[%swap3A_306] {strides = array<i32>} : memref<512xi32, #tpu.memory_space<vmem>>, vector<16xi32>,
    tpu.vector_store %arg9[%swap3A_306], %gather3A_305 {strides = array<i32>} : memref<512xi32, #tpu.memory_space<vmem>>, vector<16xi32>,
    %add3A_308 = arith.constant 1 : i32
    %add3A_309 = vector.broadcast %add3A_308 : i32 to vector<16xi32>
    %add3A_310 = arith.addi %add3A_296, %add3A_309 : vector<16xi32>
    %shift_right_arithmetic3A_311 = arith.constant 7 : i32
    %shift_right_arithmetic3A_312 = vector.broadcast %shift_right_arithmetic3A_311 : i32 to vector<16xi32>
    %shift_right_arithmetic3A_313 = arith.shrsi %add3A_310, %shift_right_arithmetic3A_312 : vector<16xi32>
    %add3A_314 = arith.constant 1 : i32
    %add3A_315 = vector.broadcast %add3A_314 : i32 to vector<16xi32>
    %add3A_316 = arith.addi %add3A_296, %add3A_315 : vector<16xi32>
    %and3A_317 = arith.constant 127 : i32
    %and3A_318 = vector.broadcast %and3A_317 : i32 to vector<16xi32>
    %and3A_319 = arith.andi %add3A_316, %and3A_318 : vector<16xi32>
    %gather3A_320 = tpu.vector_load_idx %arg8[%shift_right_arithmetic3A_313, %and3A_319] : memref<16x128xi32, #tpu.memory_space<vmem>>[vector<16xi32>, vector<16xi32>], vector<16xi32>,
    %swap3A_321 = arith.index_cast %add3A_298 : i32 to index
    %swap3A_322 = tpu.vector_load %arg10[%swap3A_321] {strides = array<i32>} : memref<512xi32, #tpu.memory_space<vmem>>, vector<16xi32>,
    tpu.vector_store %arg10[%swap3A_321], %gather3A_320 {strides = array<i32>} : memref<512xi32, #tpu.memory_space<vmem>>, vector<16xi32>,
    %add3A_323 = arith.constant 2 : i32
    %add3A_324 = vector.broadcast %add3A_323 : i32 to vector<16xi32>
    %add3A_325 = arith.addi %add3A_296, %add3A_324 : vector<16xi32>
    %shift_right_arithmetic3A_326 = arith.constant 7 : i32
    %shift_right_arithmetic3A_327 = vector.broadcast %shift_right_arithmetic3A_326 : i32 to vector<16xi32>
    %shift_right_arithmetic3A_328 = arith.shrsi %add3A_325, %shift_right_arithmetic3A_327 : vector<16xi32>
    %add3A_329 = arith.constant 2 : i32
    %add3A_330 = vector.broadcast %add3A_329 : i32 to vector<16xi32>
    %add3A_331 = arith.addi %add3A_296, %add3A_330 : vector<16xi32>
    %and3A_332 = arith.constant 127 : i32
    %and3A_333 = vector.broadcast %and3A_332 : i32 to vector<16xi32>
    %and3A_334 = arith.andi %add3A_331, %and3A_333 : vector<16xi32>
    %gather3A_335 = tpu.vector_load_idx %arg8[%shift_right_arithmetic3A_328, %and3A_334] : memref<16x128xi32, #tpu.memory_space<vmem>>[vector<16xi32>, vector<16xi32>], vector<16xi32>,
    %swap3A_336 = arith.index_cast %add3A_298 : i32 to index
    %swap3A_337 = tpu.vector_load %arg11[%swap3A_336] {strides = array<i32>} : memref<512xi32, #tpu.memory_space<vmem>>, vector<16xi32>,
    tpu.vector_store %arg11[%swap3A_336], %gather3A_335 {strides = array<i32>} : memref<512xi32, #tpu.memory_space<vmem>>, vector<16xi32>,
    %add3A_338 = arith.constant 96 : i32
    %add3A_339 = arith.addi %mul3A_11, %add3A_338 : i32
    %mul3A_340 = arith.constant 4 : i32
    %mul3A_341 = arith.muli %add3A_339, %mul3A_340 : i32
    %add3A_342 = vector.broadcast %mul3A_341 : i32 to vector<16xi32>
    %add3A_343 = arith.addi %add3A_342, %mul3A_5 : vector<16xi32>
    %add3A_344 = arith.constant 96 : i32
    %add3A_345 = arith.addi %mul3A_11, %add3A_344 : i32
    %shift_right_arithmetic3A_346 = arith.constant 7 : i32
    %shift_right_arithmetic3A_347 = vector.broadcast %shift_right_arithmetic3A_346 : i32 to vector<16xi32>
    %shift_right_arithmetic3A_348 = arith.shrsi %add3A_343, %shift_right_arithmetic3A_347 : vector<16xi32>
    %and3A_349 = arith.constant 127 : i32
    %and3A_350 = vector.broadcast %and3A_349 : i32 to vector<16xi32>
    %and3A_351 = arith.andi %add3A_343, %and3A_350 : vector<16xi32>
    %gather3A_352 = tpu.vector_load_idx %arg8[%shift_right_arithmetic3A_348, %and3A_351] : memref<16x128xi32, #tpu.memory_space<vmem>>[vector<16xi32>, vector<16xi32>], vector<16xi32>,
    %swap3A_353 = arith.index_cast %add3A_345 : i32 to index
    %swap3A_354 = tpu.vector_load %arg9[%swap3A_353] {strides = array<i32>} : memref<512xi32, #tpu.memory_space<vmem>>, vector<16xi32>,
    tpu.vector_store %arg9[%swap3A_353], %gather3A_352 {strides = array<i32>} : memref<512xi32, #tpu.memory_space<vmem>>, vector<16xi32>,
    %add3A_355 = arith.constant 1 : i32
    %add3A_356 = vector.broadcast %add3A_355 : i32 to vector<16xi32>
    %add3A_357 = arith.addi %add3A_343, %add3A_356 : vector<16xi32>
    %shift_right_arithmetic3A_358 = arith.constant 7 : i32
    %shift_right_arithmetic3A_359 = vector.broadcast %shift_right_arithmetic3A_358 : i32 to vector<16xi32>
    %shift_right_arithmetic3A_360 = arith.shrsi %add3A_357, %shift_right_arithmetic3A_359 : vector<16xi32>
    %add3A_361 = arith.constant 1 : i32
    %add3A_362 = vector.broadcast %add3A_361 : i32 to vector<16xi32>
    %add3A_363 = arith.addi %add3A_343, %add3A_362 : vector<16xi32>
    %and3A_364 = arith.constant 127 : i32
    %and3A_365 = vector.broadcast %and3A_364 : i32 to vector<16xi32>
    %and3A_366 = arith.andi %add3A_363, %and3A_365 : vector<16xi32>
    %gather3A_367 = tpu.vector_load_idx %arg8[%shift_right_arithmetic3A_360, %and3A_366] : memref<16x128xi32, #tpu.memory_space<vmem>>[vector<16xi32>, vector<16xi32>], vector<16xi32>,
    %swap3A_368 = arith.index_cast %add3A_345 : i32 to index
    %swap3A_369 = tpu.vector_load %arg10[%swap3A_368] {strides = array<i32>} : memref<512xi32, #tpu.memory_space<vmem>>, vector<16xi32>,
    tpu.vector_store %arg10[%swap3A_368], %gather3A_367 {strides = array<i32>} : memref<512xi32, #tpu.memory_space<vmem>>, vector<16xi32>,
    %add3A_370 = arith.constant 2 : i32
    %add3A_371 = vector.broadcast %add3A_370 : i32 to vector<16xi32>
    %add3A_372 = arith.addi %add3A_343, %add3A_371 : vector<16xi32>
    %shift_right_arithmetic3A_373 = arith.constant 7 : i32
    %shift_right_arithmetic3A_374 = vector.broadcast %shift_right_arithmetic3A_373 : i32 to vector<16xi32>
    %shift_right_arithmetic3A_375 = arith.shrsi %add3A_372, %shift_right_arithmetic3A_374 : vector<16xi32>
    %add3A_376 = arith.constant 2 : i32
    %add3A_377 = vector.broadcast %add3A_376 : i32 to vector<16xi32>
    %add3A_378 = arith.addi %add3A_343, %add3A_377 : vector<16xi32>
    %and3A_379 = arith.constant 127 : i32
    %and3A_380 = vector.broadcast %and3A_379 : i32 to vector<16xi32>
    %and3A_381 = arith.andi %add3A_378, %and3A_380 : vector<16xi32>
    %gather3A_382 = tpu.vector_load_idx %arg8[%shift_right_arithmetic3A_375, %and3A_381] : memref<16x128xi32, #tpu.memory_space<vmem>>[vector<16xi32>, vector<16xi32>], vector<16xi32>,
    %swap3A_383 = arith.index_cast %add3A_345 : i32 to index
    %swap3A_384 = tpu.vector_load %arg11[%swap3A_383] {strides = array<i32>} : memref<512xi32, #tpu.memory_space<vmem>>, vector<16xi32>,
    tpu.vector_store %arg11[%swap3A_383], %gather3A_382 {strides = array<i32>} : memref<512xi32, #tpu.memory_space<vmem>>, vector<16xi32>,
    %add3A_385 = arith.constant 112 : i32
    %add3A_386 = arith.addi %mul3A_11, %add3A_385 : i32
    %mul3A_387 = arith.constant 4 : i32
    %mul3A_388 = arith.muli %add3A_386, %mul3A_387 : i32
    %add3A_389 = vector.broadcast %mul3A_388 : i32 to vector<16xi32>
    %add3A_390 = arith.addi %add3A_389, %mul3A_5 : vector<16xi32>
    %add3A_391 = arith.constant 112 : i32
    %add3A_392 = arith.addi %mul3A_11, %add3A_391 : i32
    %shift_right_arithmetic3A_393 = arith.constant 7 : i32
    %shift_right_arithmetic3A_394 = vector.broadcast %shift_right_arithmetic3A_393 : i32 to vector<16xi32>
    %shift_right_arithmetic3A_395 = arith.shrsi %add3A_390, %shift_right_arithmetic3A_394 : vector<16xi32>
    %and3A_396 = arith.constant 127 : i32
    %and3A_397 = vector.broadcast %and3A_396 : i32 to vector<16xi32>
    %and3A_398 = arith.andi %add3A_390, %and3A_397 : vector<16xi32>
    %gather3A_399 = tpu.vector_load_idx %arg8[%shift_right_arithmetic3A_395, %and3A_398] : memref<16x128xi32, #tpu.memory_space<vmem>>[vector<16xi32>, vector<16xi32>], vector<16xi32>,
    %swap3A_400 = arith.index_cast %add3A_392 : i32 to index
    %swap3A_401 = tpu.vector_load %arg9[%swap3A_400] {strides = array<i32>} : memref<512xi32, #tpu.memory_space<vmem>>, vector<16xi32>,
    tpu.vector_store %arg9[%swap3A_400], %gather3A_399 {strides = array<i32>} : memref<512xi32, #tpu.memory_space<vmem>>, vector<16xi32>,
    %add3A_402 = arith.constant 1 : i32
    %add3A_403 = vector.broadcast %add3A_402 : i32 to vector<16xi32>
    %add3A_404 = arith.addi %add3A_390, %add3A_403 : vector<16xi32>
    %shift_right_arithmetic3A_405 = arith.constant 7 : i32
    %shift_right_arithmetic3A_406 = vector.broadcast %shift_right_arithmetic3A_405 : i32 to vector<16xi32>
    %shift_right_arithmetic3A_407 = arith.shrsi %add3A_404, %shift_right_arithmetic3A_406 : vector<16xi32>
    %add3A_408 = arith.constant 1 : i32
    %add3A_409 = vector.broadcast %add3A_408 : i32 to vector<16xi32>
    %add3A_410 = arith.addi %add3A_390, %add3A_409 : vector<16xi32>
    %and3A_411 = arith.constant 127 : i32
    %and3A_412 = vector.broadcast %and3A_411 : i32 to vector<16xi32>
    %and3A_413 = arith.andi %add3A_410, %and3A_412 : vector<16xi32>
    %gather3A_414 = tpu.vector_load_idx %arg8[%shift_right_arithmetic3A_407, %and3A_413] : memref<16x128xi32, #tpu.memory_space<vmem>>[vector<16xi32>, vector<16xi32>], vector<16xi32>,
    %swap3A_415 = arith.index_cast %add3A_392 : i32 to index
    %swap3A_416 = tpu.vector_load %arg10[%swap3A_415] {strides = array<i32>} : memref<512xi32, #tpu.memory_space<vmem>>, vector<16xi32>,
    tpu.vector_store %arg10[%swap3A_415], %gather3A_414 {strides = array<i32>} : memref<512xi32, #tpu.memory_space<vmem>>, vector<16xi32>,
    %add3A_417 = arith.constant 2 : i32
    %add3A_418 = vector.broadcast %add3A_417 : i32 to vector<16xi32>
    %add3A_419 = arith.addi %add3A_390, %add3A_418 : vector<16xi32>
    %shift_right_arithmetic3A_420 = arith.constant 7 : i32
    %shift_right_arithmetic3A_421 = vector.broadcast %shift_right_arithmetic3A_420 : i32 to vector<16xi32>
    %shift_right_arithmetic3A_422 = arith.shrsi %add3A_419, %shift_right_arithmetic3A_421 : vector<16xi32>
    %add3A_423 = arith.constant 2 : i32
    %add3A_424 = vector.broadcast %add3A_423 : i32 to vector<16xi32>
    %add3A_425 = arith.addi %add3A_390, %add3A_424 : vector<16xi32>
    %and3A_426 = arith.constant 127 : i32
    %and3A_427 = vector.broadcast %and3A_426 : i32 to vector<16xi32>
    %and3A_428 = arith.andi %add3A_425, %and3A_427 : vector<16xi32>
    %gather3A_429 = tpu.vector_load_idx %arg8[%shift_right_arithmetic3A_422, %and3A_428] : memref<16x128xi32, #tpu.memory_space<vmem>>[vector<16xi32>, vector<16xi32>], vector<16xi32>,
    %swap3A_430 = arith.index_cast %add3A_392 : i32 to index
    %swap3A_431 = tpu.vector_load %arg11[%swap3A_430] {strides = array<i32>} : memref<512xi32, #tpu.memory_space<vmem>>, vector<16xi32>,
    tpu.vector_store %arg11[%swap3A_430], %gather3A_429 {strides = array<i32>} : memref<512xi32, #tpu.memory_space<vmem>>, vector<16xi32>,
    %add3A_432 = arith.constant 128 : i32
    %add3A_433 = arith.addi %mul3A_11, %add3A_432 : i32
    %mul3A_434 = arith.constant 4 : i32
    %mul3A_435 = arith.muli %add3A_433, %mul3A_434 : i32
    %add3A_436 = vector.broadcast %mul3A_435 : i32 to vector<16xi32>
    %add3A_437 = arith.addi %add3A_436, %mul3A_5 : vector<16xi32>
    %add3A_438 = arith.constant 128 : i32
    %add3A_439 = arith.addi %mul3A_11, %add3A_438 : i32
    %shift_right_arithmetic3A_440 = arith.constant 7 : i32
    %shift_right_arithmetic3A_441 = vector.broadcast %shift_right_arithmetic3A_440 : i32 to vector<16xi32>
    %shift_right_arithmetic3A_442 = arith.shrsi %add3A_437, %shift_right_arithmetic3A_441 : vector<16xi32>
    %and3A_443 = arith.constant 127 : i32
    %and3A_444 = vector.broadcast %and3A_443 : i32 to vector<16xi32>
    %and3A_445 = arith.andi %add3A_437, %and3A_444 : vector<16xi32>
    %gather3A_446 = tpu.vector_load_idx %arg8[%shift_right_arithmetic3A_442, %and3A_445] : memref<16x128xi32, #tpu.memory_space<vmem>>[vector<16xi32>, vector<16xi32>], vector<16xi32>,
    %swap3A_447 = arith.index_cast %add3A_439 : i32 to index
    %swap3A_448 = tpu.vector_load %arg9[%swap3A_447] {strides = array<i32>} : memref<512xi32, #tpu.memory_space<vmem>>, vector<16xi32>,
    tpu.vector_store %arg9[%swap3A_447], %gather3A_446 {strides = array<i32>} : memref<512xi32, #tpu.memory_space<vmem>>, vector<16xi32>,
    %add3A_449 = arith.constant 1 : i32
    %add3A_450 = vector.broadcast %add3A_449 : i32 to vector<16xi32>
    %add3A_451 = arith.addi %add3A_437, %add3A_450 : vector<16xi32>
    %shift_right_arithmetic3A_452 = arith.constant 7 : i32
    %shift_right_arithmetic3A_453 = vector.broadcast %shift_right_arithmetic3A_452 : i32 to vector<16xi32>
    %shift_right_arithmetic3A_454 = arith.shrsi %add3A_451, %shift_right_arithmetic3A_453 : vector<16xi32>
    %add3A_455 = arith.constant 1 : i32
    %add3A_456 = vector.broadcast %add3A_455 : i32 to vector<16xi32>
    %add3A_457 = arith.addi %add3A_437, %add3A_456 : vector<16xi32>
    %and3A_458 = arith.constant 127 : i32
    %and3A_459 = vector.broadcast %and3A_458 : i32 to vector<16xi32>
    %and3A_460 = arith.andi %add3A_457, %and3A_459 : vector<16xi32>
    %gather3A_461 = tpu.vector_load_idx %arg8[%shift_right_arithmetic3A_454, %and3A_460] : memref<16x128xi32, #tpu.memory_space<vmem>>[vector<16xi32>, vector<16xi32>], vector<16xi32>,
    %swap3A_462 = arith.index_cast %add3A_439 : i32 to index
    %swap3A_463 = tpu.vector_load %arg10[%swap3A_462] {strides = array<i32>} : memref<512xi32, #tpu.memory_space<vmem>>, vector<16xi32>,
    tpu.vector_store %arg10[%swap3A_462], %gather3A_461 {strides = array<i32>} : memref<512xi32, #tpu.memory_space<vmem>>, vector<16xi32>,
    %add3A_464 = arith.constant 2 : i32
    %add3A_465 = vector.broadcast %add3A_464 : i32 to vector<16xi32>
    %add3A_466 = arith.addi %add3A_437, %add3A_465 : vector<16xi32>
    %shift_right_arithmetic3A_467 = arith.constant 7 : i32
    %shift_right_arithmetic3A_468 = vector.broadcast %shift_right_arithmetic3A_467 : i32 to vector<16xi32>
    %shift_right_arithmetic3A_469 = arith.shrsi %add3A_466, %shift_right_arithmetic3A_468 : vector<16xi32>
    %add3A_470 = arith.constant 2 : i32
    %add3A_471 = vector.broadcast %add3A_470 : i32 to vector<16xi32>
    %add3A_472 = arith.addi %add3A_437, %add3A_471 : vector<16xi32>
    %and3A_473 = arith.constant 127 : i32
    %and3A_474 = vector.broadcast %and3A_473 : i32 to vector<16xi32>
    %and3A_475 = arith.andi %add3A_472, %and3A_474 : vector<16xi32>
    %gather3A_476 = tpu.vector_load_idx %arg8[%shift_right_arithmetic3A_469, %and3A_475] : memref<16x128xi32, #tpu.memory_space<vmem>>[vector<16xi32>, vector<16xi32>], vector<16xi32>,
    %swap3A_477 = arith.index_cast %add3A_439 : i32 to index
    %swap3A_478 = tpu.vector_load %arg11[%swap3A_477] {strides = array<i32>} : memref<512xi32, #tpu.memory_space<vmem>>, vector<16xi32>,
    tpu.vector_store %arg11[%swap3A_477], %gather3A_476 {strides = array<i32>} : memref<512xi32, #tpu.memory_space<vmem>>, vector<16xi32>,
    %add3A_479 = arith.constant 144 : i32
    %add3A_480 = arith.addi %mul3A_11, %add3A_479 : i32
    %mul3A_481 = arith.constant 4 : i32
    %mul3A_482 = arith.muli %add3A_480, %mul3A_481 : i32
    %add3A_483 = vector.broadcast %mul3A_482 : i32 to vector<16xi32>
    %add3A_484 = arith.addi %add3A_483, %mul3A_5 : vector<16xi32>
    %add3A_485 = arith.constant 144 : i32
    %add3A_486 = arith.addi %mul3A_11, %add3A_485 : i32
    %shift_right_arithmetic3A_487 = arith.constant 7 : i32
    %shift_right_arithmetic3A_488 = vector.broadcast %shift_right_arithmetic3A_487 : i32 to vector<16xi32>
    %shift_right_arithmetic3A_489 = arith.shrsi %add3A_484, %shift_right_arithmetic3A_488 : vector<16xi32>
    %and3A_490 = arith.constant 127 : i32
    %and3A_491 = vector.broadcast %and3A_490 : i32 to vector<16xi32>
    %and3A_492 = arith.andi %add3A_484, %and3A_491 : vector<16xi32>
    %gather3A_493 = tpu.vector_load_idx %arg8[%shift_right_arithmetic3A_489, %and3A_492] : memref<16x128xi32, #tpu.memory_space<vmem>>[vector<16xi32>, vector<16xi32>], vector<16xi32>,
    %swap3A_494 = arith.index_cast %add3A_486 : i32 to index
    %swap3A_495 = tpu.vector_load %arg9[%swap3A_494] {strides = array<i32>} : memref<512xi32, #tpu.memory_space<vmem>>, vector<16xi32>,
    tpu.vector_store %arg9[%swap3A_494], %gather3A_493 {strides = array<i32>} : memref<512xi32, #tpu.memory_space<vmem>>, vector<16xi32>,
    %add3A_496 = arith.constant 1 : i32
    %add3A_497 = vector.broadcast %add3A_496 : i32 to vector<16xi32>
    %add3A_498 = arith.addi %add3A_484, %add3A_497 : vector<16xi32>
    %shift_right_arithmetic3A_499 = arith.constant 7 : i32
    %shift_right_arithmetic3A_500 = vector.broadcast %shift_right_arithmetic3A_499 : i32 to vector<16xi32>
    %shift_right_arithmetic3A_501 = arith.shrsi %add3A_498, %shift_right_arithmetic3A_500 : vector<16xi32>
    %add3A_502 = arith.constant 1 : i32
    %add3A_503 = vector.broadcast %add3A_502 : i32 to vector<16xi32>
    %add3A_504 = arith.addi %add3A_484, %add3A_503 : vector<16xi32>
    %and3A_505 = arith.constant 127 : i32
    %and3A_506 = vector.broadcast %and3A_505 : i32 to vector<16xi32>
    %and3A_507 = arith.andi %add3A_504, %and3A_506 : vector<16xi32>
    %gather3A_508 = tpu.vector_load_idx %arg8[%shift_right_arithmetic3A_501, %and3A_507] : memref<16x128xi32, #tpu.memory_space<vmem>>[vector<16xi32>, vector<16xi32>], vector<16xi32>,
    %swap3A_509 = arith.index_cast %add3A_486 : i32 to index
    %swap3A_510 = tpu.vector_load %arg10[%swap3A_509] {strides = array<i32>} : memref<512xi32, #tpu.memory_space<vmem>>, vector<16xi32>,
    tpu.vector_store %arg10[%swap3A_509], %gather3A_508 {strides = array<i32>} : memref<512xi32, #tpu.memory_space<vmem>>, vector<16xi32>,
    %add3A_511 = arith.constant 2 : i32
    %add3A_512 = vector.broadcast %add3A_511 : i32 to vector<16xi32>
    %add3A_513 = arith.addi %add3A_484, %add3A_512 : vector<16xi32>
    %shift_right_arithmetic3A_514 = arith.constant 7 : i32
    %shift_right_arithmetic3A_515 = vector.broadcast %shift_right_arithmetic3A_514 : i32 to vector<16xi32>
    %shift_right_arithmetic3A_516 = arith.shrsi %add3A_513, %shift_right_arithmetic3A_515 : vector<16xi32>
    %add3A_517 = arith.constant 2 : i32
    %add3A_518 = vector.broadcast %add3A_517 : i32 to vector<16xi32>
    %add3A_519 = arith.addi %add3A_484, %add3A_518 : vector<16xi32>
    %and3A_520 = arith.constant 127 : i32
    %and3A_521 = vector.broadcast %and3A_520 : i32 to vector<16xi32>
    %and3A_522 = arith.andi %add3A_519, %and3A_521 : vector<16xi32>
    %gather3A_523 = tpu.vector_load_idx %arg8[%shift_right_arithmetic3A_516, %and3A_522] : memref<16x128xi32, #tpu.memory_space<vmem>>[vector<16xi32>, vector<16xi32>], vector<16xi32>,
    %swap3A_524 = arith.index_cast %add3A_486 : i32 to index
    %swap3A_525 = tpu.vector_load %arg11[%swap3A_524] {strides = array<i32>} : memref<512xi32, #tpu.memory_space<vmem>>, vector<16xi32>,
    tpu.vector_store %arg11[%swap3A_524], %gather3A_523 {strides = array<i32>} : memref<512xi32, #tpu.memory_space<vmem>>, vector<16xi32>,
    %add3A_526 = arith.constant 160 : i32
    %add3A_527 = arith.addi %mul3A_11, %add3A_526 : i32
    %mul3A_528 = arith.constant 4 : i32
    %mul3A_529 = arith.muli %add3A_527, %mul3A_528 : i32
    %add3A_530 = vector.broadcast %mul3A_529 : i32 to vector<16xi32>
    %add3A_531 = arith.addi %add3A_530, %mul3A_5 : vector<16xi32>
    %add3A_532 = arith.constant 160 : i32
    %add3A_533 = arith.addi %mul3A_11, %add3A_532 : i32
    %shift_right_arithmetic3A_534 = arith.constant 7 : i32
    %shift_right_arithmetic3A_535 = vector.broadcast %shift_right_arithmetic3A_534 : i32 to vector<16xi32>
    %shift_right_arithmetic3A_536 = arith.shrsi %add3A_531, %shift_right_arithmetic3A_535 : vector<16xi32>
    %and3A_537 = arith.constant 127 : i32
    %and3A_538 = vector.broadcast %and3A_537 : i32 to vector<16xi32>
    %and3A_539 = arith.andi %add3A_531, %and3A_538 : vector<16xi32>
    %gather3A_540 = tpu.vector_load_idx %arg8[%shift_right_arithmetic3A_536, %and3A_539] : memref<16x128xi32, #tpu.memory_space<vmem>>[vector<16xi32>, vector<16xi32>], vector<16xi32>,
    %swap3A_541 = arith.index_cast %add3A_533 : i32 to index
    %swap3A_542 = tpu.vector_load %arg9[%swap3A_541] {strides = array<i32>} : memref<512xi32, #tpu.memory_space<vmem>>, vector<16xi32>,
    tpu.vector_store %arg9[%swap3A_541], %gather3A_540 {strides = array<i32>} : memref<512xi32, #tpu.memory_space<vmem>>, vector<16xi32>,
    %add3A_543 = arith.constant 1 : i32
    %add3A_544 = vector.broadcast %add3A_543 : i32 to vector<16xi32>
    %add3A_545 = arith.addi %add3A_531, %add3A_544 : vector<16xi32>
    %shift_right_arithmetic3A_546 = arith.constant 7 : i32
    %shift_right_arithmetic3A_547 = vector.broadcast %shift_right_arithmetic3A_546 : i32 to vector<16xi32>
    %shift_right_arithmetic3A_548 = arith.shrsi %add3A_545, %shift_right_arithmetic3A_547 : vector<16xi32>
    %add3A_549 = arith.constant 1 : i32
    %add3A_550 = vector.broadcast %add3A_549 : i32 to vector<16xi32>
    %add3A_551 = arith.addi %add3A_531, %add3A_550 : vector<16xi32>
    %and3A_552 = arith.constant 127 : i32
    %and3A_553 = vector.broadcast %and3A_552 : i32 to vector<16xi32>
    %and3A_554 = arith.andi %add3A_551, %and3A_553 : vector<16xi32>
    %gather3A_555 = tpu.vector_load_idx %arg8[%shift_right_arithmetic3A_548, %and3A_554] : memref<16x128xi32, #tpu.memory_space<vmem>>[vector<16xi32>, vector<16xi32>], vector<16xi32>,
    %swap3A_556 = arith.index_cast %add3A_533 : i32 to index
    %swap3A_557 = tpu.vector_load %arg10[%swap3A_556] {strides = array<i32>} : memref<512xi32, #tpu.memory_space<vmem>>, vector<16xi32>,
    tpu.vector_store %arg10[%swap3A_556], %gather3A_555 {strides = array<i32>} : memref<512xi32, #tpu.memory_space<vmem>>, vector<16xi32>,
    %add3A_558 = arith.constant 2 : i32
    %add3A_559 = vector.broadcast %add3A_558 : i32 to vector<16xi32>
    %add3A_560 = arith.addi %add3A_531, %add3A_559 : vector<16xi32>
    %shift_right_arithmetic3A_561 = arith.constant 7 : i32
    %shift_right_arithmetic3A_562 = vector.broadcast %shift_right_arithmetic3A_561 : i32 to vector<16xi32>
    %shift_right_arithmetic3A_563 = arith.shrsi %add3A_560, %shift_right_arithmetic3A_562 : vector<16xi32>
    %add3A_564 = arith.constant 2 : i32
    %add3A_565 = vector.broadcast %add3A_564 : i32 to vector<16xi32>
    %add3A_566 = arith.addi %add3A_531, %add3A_565 : vector<16xi32>
    %and3A_567 = arith.constant 127 : i32
    %and3A_568 = vector.broadcast %and3A_567 : i32 to vector<16xi32>
    %and3A_569 = arith.andi %add3A_566, %and3A_568 : vector<16xi32>
    %gather3A_570 = tpu.vector_load_idx %arg8[%shift_right_arithmetic3A_563, %and3A_569] : memref<16x128xi32, #tpu.memory_space<vmem>>[vector<16xi32>, vector<16xi32>], vector<16xi32>,
    %swap3A_571 = arith.index_cast %add3A_533 : i32 to index
    %swap3A_572 = tpu.vector_load %arg11[%swap3A_571] {strides = array<i32>} : memref<512xi32, #tpu.memory_space<vmem>>, vector<16xi32>,
    tpu.vector_store %arg11[%swap3A_571], %gather3A_570 {strides = array<i32>} : memref<512xi32, #tpu.memory_space<vmem>>, vector<16xi32>,
    %add3A_573 = arith.constant 176 : i32
    %add3A_574 = arith.addi %mul3A_11, %add3A_573 : i32
    %mul3A_575 = arith.constant 4 : i32
    %mul3A_576 = arith.muli %add3A_574, %mul3A_575 : i32
    %add3A_577 = vector.broadcast %mul3A_576 : i32 to vector<16xi32>
    %add3A_578 = arith.addi %add3A_577, %mul3A_5 : vector<16xi32>
    %add3A_579 = arith.constant 176 : i32
    %add3A_580 = arith.addi %mul3A_11, %add3A_579 : i32
    %shift_right_arithmetic3A_581 = arith.constant 7 : i32
    %shift_right_arithmetic3A_582 = vector.broadcast %shift_right_arithmetic3A_581 : i32 to vector<16xi32>
    %shift_right_arithmetic3A_583 = arith.shrsi %add3A_578, %shift_right_arithmetic3A_582 : vector<16xi32>
    %and3A_584 = arith.constant 127 : i32
    %and3A_585 = vector.broadcast %and3A_584 : i32 to vector<16xi32>
    %and3A_586 = arith.andi %add3A_578, %and3A_585 : vector<16xi32>
    %gather3A_587 = tpu.vector_load_idx %arg8[%shift_right_arithmetic3A_583, %and3A_586] : memref<16x128xi32, #tpu.memory_space<vmem>>[vector<16xi32>, vector<16xi32>], vector<16xi32>,
    %swap3A_588 = arith.index_cast %add3A_580 : i32 to index
    %swap3A_589 = tpu.vector_load %arg9[%swap3A_588] {strides = array<i32>} : memref<512xi32, #tpu.memory_space<vmem>>, vector<16xi32>,
    tpu.vector_store %arg9[%swap3A_588], %gather3A_587 {strides = array<i32>} : memref<512xi32, #tpu.memory_space<vmem>>, vector<16xi32>,
    %add3A_590 = arith.constant 1 : i32
    %add3A_591 = vector.broadcast %add3A_590 : i32 to vector<16xi32>
    %add3A_592 = arith.addi %add3A_578, %add3A_591 : vector<16xi32>
    %shift_right_arithmetic3A_593 = arith.constant 7 : i32
    %shift_right_arithmetic3A_594 = vector.broadcast %shift_right_arithmetic3A_593 : i32 to vector<16xi32>
    %shift_right_arithmetic3A_595 = arith.shrsi %add3A_592, %shift_right_arithmetic3A_594 : vector<16xi32>
    %add3A_596 = arith.constant 1 : i32
    %add3A_597 = vector.broadcast %add3A_596 : i32 to vector<16xi32>
    %add3A_598 = arith.addi %add3A_578, %add3A_597 : vector<16xi32>
    %and3A_599 = arith.constant 127 : i32
    %and3A_600 = vector.broadcast %and3A_599 : i32 to vector<16xi32>
    %and3A_601 = arith.andi %add3A_598, %and3A_600 : vector<16xi32>
    %gather3A_602 = tpu.vector_load_idx %arg8[%shift_right_arithmetic3A_595, %and3A_601] : memref<16x128xi32, #tpu.memory_space<vmem>>[vector<16xi32>, vector<16xi32>], vector<16xi32>,
    %swap3A_603 = arith.index_cast %add3A_580 : i32 to index
    %swap3A_604 = tpu.vector_load %arg10[%swap3A_603] {strides = array<i32>} : memref<512xi32, #tpu.memory_space<vmem>>, vector<16xi32>,
    tpu.vector_store %arg10[%swap3A_603], %gather3A_602 {strides = array<i32>} : memref<512xi32, #tpu.memory_space<vmem>>, vector<16xi32>,
    %add3A_605 = arith.constant 2 : i32
    %add3A_606 = vector.broadcast %add3A_605 : i32 to vector<16xi32>
    %add3A_607 = arith.addi %add3A_578, %add3A_606 : vector<16xi32>
    %shift_right_arithmetic3A_608 = arith.constant 7 : i32
    %shift_right_arithmetic3A_609 = vector.broadcast %shift_right_arithmetic3A_608 : i32 to vector<16xi32>
    %shift_right_arithmetic3A_610 = arith.shrsi %add3A_607, %shift_right_arithmetic3A_609 : vector<16xi32>
    %add3A_611 = arith.constant 2 : i32
    %add3A_612 = vector.broadcast %add3A_611 : i32 to vector<16xi32>
    %add3A_613 = arith.addi %add3A_578, %add3A_612 : vector<16xi32>
    %and3A_614 = arith.constant 127 : i32
    %and3A_615 = vector.broadcast %and3A_614 : i32 to vector<16xi32>
    %and3A_616 = arith.andi %add3A_613, %and3A_615 : vector<16xi32>
    %gather3A_617 = tpu.vector_load_idx %arg8[%shift_right_arithmetic3A_610, %and3A_616] : memref<16x128xi32, #tpu.memory_space<vmem>>[vector<16xi32>, vector<16xi32>], vector<16xi32>,
    %swap3A_618 = arith.index_cast %add3A_580 : i32 to index
    %swap3A_619 = tpu.vector_load %arg11[%swap3A_618] {strides = array<i32>} : memref<512xi32, #tpu.memory_space<vmem>>, vector<16xi32>,
    tpu.vector_store %arg11[%swap3A_618], %gather3A_617 {strides = array<i32>} : memref<512xi32, #tpu.memory_space<vmem>>, vector<16xi32>,
    %add3A_620 = arith.constant 192 : i32
    %add3A_621 = arith.addi %mul3A_11, %add3A_620 : i32
    %mul3A_622 = arith.constant 4 : i32
    %mul3A_623 = arith.muli %add3A_621, %mul3A_622 : i32
    %add3A_624 = vector.broadcast %mul3A_623 : i32 to vector<16xi32>
    %add3A_625 = arith.addi %add3A_624, %mul3A_5 : vector<16xi32>
    %add3A_626 = arith.constant 192 : i32
    %add3A_627 = arith.addi %mul3A_11, %add3A_626 : i32
    %shift_right_arithmetic3A_628 = arith.constant 7 : i32
    %shift_right_arithmetic3A_629 = vector.broadcast %shift_right_arithmetic3A_628 : i32 to vector<16xi32>
    %shift_right_arithmetic3A_630 = arith.shrsi %add3A_625, %shift_right_arithmetic3A_629 : vector<16xi32>
    %and3A_631 = arith.constant 127 : i32
    %and3A_632 = vector.broadcast %and3A_631 : i32 to vector<16xi32>
    %and3A_633 = arith.andi %add3A_625, %and3A_632 : vector<16xi32>
    %gather3A_634 = tpu.vector_load_idx %arg8[%shift_right_arithmetic3A_630, %and3A_633] : memref<16x128xi32, #tpu.memory_space<vmem>>[vector<16xi32>, vector<16xi32>], vector<16xi32>,
    %swap3A_635 = arith.index_cast %add3A_627 : i32 to index
    %swap3A_636 = tpu.vector_load %arg9[%swap3A_635] {strides = array<i32>} : memref<512xi32, #tpu.memory_space<vmem>>, vector<16xi32>,
    tpu.vector_store %arg9[%swap3A_635], %gather3A_634 {strides = array<i32>} : memref<512xi32, #tpu.memory_space<vmem>>, vector<16xi32>,
    %add3A_637 = arith.constant 1 : i32
    %add3A_638 = vector.broadcast %add3A_637 : i32 to vector<16xi32>
    %add3A_639 = arith.addi %add3A_625, %add3A_638 : vector<16xi32>
    %shift_right_arithmetic3A_640 = arith.constant 7 : i32
    %shift_right_arithmetic3A_641 = vector.broadcast %shift_right_arithmetic3A_640 : i32 to vector<16xi32>
    %shift_right_arithmetic3A_642 = arith.shrsi %add3A_639, %shift_right_arithmetic3A_641 : vector<16xi32>
    %add3A_643 = arith.constant 1 : i32
    %add3A_644 = vector.broadcast %add3A_643 : i32 to vector<16xi32>
    %add3A_645 = arith.addi %add3A_625, %add3A_644 : vector<16xi32>
    %and3A_646 = arith.constant 127 : i32
    %and3A_647 = vector.broadcast %and3A_646 : i32 to vector<16xi32>
    %and3A_648 = arith.andi %add3A_645, %and3A_647 : vector<16xi32>
    %gather3A_649 = tpu.vector_load_idx %arg8[%shift_right_arithmetic3A_642, %and3A_648] : memref<16x128xi32, #tpu.memory_space<vmem>>[vector<16xi32>, vector<16xi32>], vector<16xi32>,
    %swap3A_650 = arith.index_cast %add3A_627 : i32 to index
    %swap3A_651 = tpu.vector_load %arg10[%swap3A_650] {strides = array<i32>} : memref<512xi32, #tpu.memory_space<vmem>>, vector<16xi32>,
    tpu.vector_store %arg10[%swap3A_650], %gather3A_649 {strides = array<i32>} : memref<512xi32, #tpu.memory_space<vmem>>, vector<16xi32>,
    %add3A_652 = arith.constant 2 : i32
    %add3A_653 = vector.broadcast %add3A_652 : i32 to vector<16xi32>
    %add3A_654 = arith.addi %add3A_625, %add3A_653 : vector<16xi32>
    %shift_right_arithmetic3A_655 = arith.constant 7 : i32
    %shift_right_arithmetic3A_656 = vector.broadcast %shift_right_arithmetic3A_655 : i32 to vector<16xi32>
    %shift_right_arithmetic3A_657 = arith.shrsi %add3A_654, %shift_right_arithmetic3A_656 : vector<16xi32>
    %add3A_658 = arith.constant 2 : i32
    %add3A_659 = vector.broadcast %add3A_658 : i32 to vector<16xi32>
    %add3A_660 = arith.addi %add3A_625, %add3A_659 : vector<16xi32>
    %and3A_661 = arith.constant 127 : i32
    %and3A_662 = vector.broadcast %and3A_661 : i32 to vector<16xi32>
    %and3A_663 = arith.andi %add3A_660, %and3A_662 : vector<16xi32>
    %gather3A_664 = tpu.vector_load_idx %arg8[%shift_right_arithmetic3A_657, %and3A_663] : memref<16x128xi32, #tpu.memory_space<vmem>>[vector<16xi32>, vector<16xi32>], vector<16xi32>,
    %swap3A_665 = arith.index_cast %add3A_627 : i32 to index
    %swap3A_666 = tpu.vector_load %arg11[%swap3A_665] {strides = array<i32>} : memref<512xi32, #tpu.memory_space<vmem>>, vector<16xi32>,
    tpu.vector_store %arg11[%swap3A_665], %gather3A_664 {strides = array<i32>} : memref<512xi32, #tpu.memory_space<vmem>>, vector<16xi32>,
    %add3A_667 = arith.constant 208 : i32
    %add3A_668 = arith.addi %mul3A_11, %add3A_667 : i32
    %mul3A_669 = arith.constant 4 : i32
    %mul3A_670 = arith.muli %add3A_668, %mul3A_669 : i32
    %add3A_671 = vector.broadcast %mul3A_670 : i32 to vector<16xi32>
    %add3A_672 = arith.addi %add3A_671, %mul3A_5 : vector<16xi32>
    %add3A_673 = arith.constant 208 : i32
    %add3A_674 = arith.addi %mul3A_11, %add3A_673 : i32
    %shift_right_arithmetic3A_675 = arith.constant 7 : i32
    %shift_right_arithmetic3A_676 = vector.broadcast %shift_right_arithmetic3A_675 : i32 to vector<16xi32>
    %shift_right_arithmetic3A_677 = arith.shrsi %add3A_672, %shift_right_arithmetic3A_676 : vector<16xi32>
    %and3A_678 = arith.constant 127 : i32
    %and3A_679 = vector.broadcast %and3A_678 : i32 to vector<16xi32>
    %and3A_680 = arith.andi %add3A_672, %and3A_679 : vector<16xi32>
    %gather3A_681 = tpu.vector_load_idx %arg8[%shift_right_arithmetic3A_677, %and3A_680] : memref<16x128xi32, #tpu.memory_space<vmem>>[vector<16xi32>, vector<16xi32>], vector<16xi32>,
    %swap3A_682 = arith.index_cast %add3A_674 : i32 to index
    %swap3A_683 = tpu.vector_load %arg9[%swap3A_682] {strides = array<i32>} : memref<512xi32, #tpu.memory_space<vmem>>, vector<16xi32>,
    tpu.vector_store %arg9[%swap3A_682], %gather3A_681 {strides = array<i32>} : memref<512xi32, #tpu.memory_space<vmem>>, vector<16xi32>,
    %add3A_684 = arith.constant 1 : i32
    %add3A_685 = vector.broadcast %add3A_684 : i32 to vector<16xi32>
    %add3A_686 = arith.addi %add3A_672, %add3A_685 : vector<16xi32>
    %shift_right_arithmetic3A_687 = arith.constant 7 : i32
    %shift_right_arithmetic3A_688 = vector.broadcast %shift_right_arithmetic3A_687 : i32 to vector<16xi32>
    %shift_right_arithmetic3A_689 = arith.shrsi %add3A_686, %shift_right_arithmetic3A_688 : vector<16xi32>
    %add3A_690 = arith.constant 1 : i32
    %add3A_691 = vector.broadcast %add3A_690 : i32 to vector<16xi32>
    %add3A_692 = arith.addi %add3A_672, %add3A_691 : vector<16xi32>
    %and3A_693 = arith.constant 127 : i32
    %and3A_694 = vector.broadcast %and3A_693 : i32 to vector<16xi32>
    %and3A_695 = arith.andi %add3A_692, %and3A_694 : vector<16xi32>
    %gather3A_696 = tpu.vector_load_idx %arg8[%shift_right_arithmetic3A_689, %and3A_695] : memref<16x128xi32, #tpu.memory_space<vmem>>[vector<16xi32>, vector<16xi32>], vector<16xi32>,
    %swap3A_697 = arith.index_cast %add3A_674 : i32 to index
    %swap3A_698 = tpu.vector_load %arg10[%swap3A_697] {strides = array<i32>} : memref<512xi32, #tpu.memory_space<vmem>>, vector<16xi32>,
    tpu.vector_store %arg10[%swap3A_697], %gather3A_696 {strides = array<i32>} : memref<512xi32, #tpu.memory_space<vmem>>, vector<16xi32>,
    %add3A_699 = arith.constant 2 : i32
    %add3A_700 = vector.broadcast %add3A_699 : i32 to vector<16xi32>
    %add3A_701 = arith.addi %add3A_672, %add3A_700 : vector<16xi32>
    %shift_right_arithmetic3A_702 = arith.constant 7 : i32
    %shift_right_arithmetic3A_703 = vector.broadcast %shift_right_arithmetic3A_702 : i32 to vector<16xi32>
    %shift_right_arithmetic3A_704 = arith.shrsi %add3A_701, %shift_right_arithmetic3A_703 : vector<16xi32>
    %add3A_705 = arith.constant 2 : i32
    %add3A_706 = vector.broadcast %add3A_705 : i32 to vector<16xi32>
    %add3A_707 = arith.addi %add3A_672, %add3A_706 : vector<16xi32>
    %and3A_708 = arith.constant 127 : i32
    %and3A_709 = vector.broadcast %and3A_708 : i32 to vector<16xi32>
    %and3A_710 = arith.andi %add3A_707, %and3A_709 : vector<16xi32>
    %gather3A_711 = tpu.vector_load_idx %arg8[%shift_right_arithmetic3A_704, %and3A_710] : memref<16x128xi32, #tpu.memory_space<vmem>>[vector<16xi32>, vector<16xi32>], vector<16xi32>,
    %swap3A_712 = arith.index_cast %add3A_674 : i32 to index
    %swap3A_713 = tpu.vector_load %arg11[%swap3A_712] {strides = array<i32>} : memref<512xi32, #tpu.memory_space<vmem>>, vector<16xi32>,
    tpu.vector_store %arg11[%swap3A_712], %gather3A_711 {strides = array<i32>} : memref<512xi32, #tpu.memory_space<vmem>>, vector<16xi32>,
    %add3A_714 = arith.constant 224 : i32
    %add3A_715 = arith.addi %mul3A_11, %add3A_714 : i32
    %mul3A_716 = arith.constant 4 : i32
    %mul3A_717 = arith.muli %add3A_715, %mul3A_716 : i32
    %add3A_718 = vector.broadcast %mul3A_717 : i32 to vector<16xi32>
    %add3A_719 = arith.addi %add3A_718, %mul3A_5 : vector<16xi32>
    %add3A_720 = arith.constant 224 : i32
    %add3A_721 = arith.addi %mul3A_11, %add3A_720 : i32
    %shift_right_arithmetic3A_722 = arith.constant 7 : i32
    %shift_right_arithmetic3A_723 = vector.broadcast %shift_right_arithmetic3A_722 : i32 to vector<16xi32>
    %shift_right_arithmetic3A_724 = arith.shrsi %add3A_719, %shift_right_arithmetic3A_723 : vector<16xi32>
    %and3A_725 = arith.constant 127 : i32
    %and3A_726 = vector.broadcast %and3A_725 : i32 to vector<16xi32>
    %and3A_727 = arith.andi %add3A_719, %and3A_726 : vector<16xi32>
    %gather3A_728 = tpu.vector_load_idx %arg8[%shift_right_arithmetic3A_724, %and3A_727] : memref<16x128xi32, #tpu.memory_space<vmem>>[vector<16xi32>, vector<16xi32>], vector<16xi32>,
    %swap3A_729 = arith.index_cast %add3A_721 : i32 to index
    %swap3A_730 = tpu.vector_load %arg9[%swap3A_729] {strides = array<i32>} : memref<512xi32, #tpu.memory_space<vmem>>, vector<16xi32>,
    tpu.vector_store %arg9[%swap3A_729], %gather3A_728 {strides = array<i32>} : memref<512xi32, #tpu.memory_space<vmem>>, vector<16xi32>,
    %add3A_731 = arith.constant 1 : i32
    %add3A_732 = vector.broadcast %add3A_731 : i32 to vector<16xi32>
    %add3A_733 = arith.addi %add3A_719, %add3A_732 : vector<16xi32>
    %shift_right_arithmetic3A_734 = arith.constant 7 : i32
    %shift_right_arithmetic3A_735 = vector.broadcast %shift_right_arithmetic3A_734 : i32 to vector<16xi32>
    %shift_right_arithmetic3A_736 = arith.shrsi %add3A_733, %shift_right_arithmetic3A_735 : vector<16xi32>
    %add3A_737 = arith.constant 1 : i32
    %add3A_738 = vector.broadcast %add3A_737 : i32 to vector<16xi32>
    %add3A_739 = arith.addi %add3A_719, %add3A_738 : vector<16xi32>
    %and3A_740 = arith.constant 127 : i32
    %and3A_741 = vector.broadcast %and3A_740 : i32 to vector<16xi32>
    %and3A_742 = arith.andi %add3A_739, %and3A_741 : vector<16xi32>
    %gather3A_743 = tpu.vector_load_idx %arg8[%shift_right_arithmetic3A_736, %and3A_742] : memref<16x128xi32, #tpu.memory_space<vmem>>[vector<16xi32>, vector<16xi32>], vector<16xi32>,
    %swap3A_744 = arith.index_cast %add3A_721 : i32 to index
    %swap3A_745 = tpu.vector_load %arg10[%swap3A_744] {strides = array<i32>} : memref<512xi32, #tpu.memory_space<vmem>>, vector<16xi32>,
    tpu.vector_store %arg10[%swap3A_744], %gather3A_743 {strides = array<i32>} : memref<512xi32, #tpu.memory_space<vmem>>, vector<16xi32>,
    %add3A_746 = arith.constant 2 : i32
    %add3A_747 = vector.broadcast %add3A_746 : i32 to vector<16xi32>
    %add3A_748 = arith.addi %add3A_719, %add3A_747 : vector<16xi32>
    %shift_right_arithmetic3A_749 = arith.constant 7 : i32
    %shift_right_arithmetic3A_750 = vector.broadcast %shift_right_arithmetic3A_749 : i32 to vector<16xi32>
    %shift_right_arithmetic3A_751 = arith.shrsi %add3A_748, %shift_right_arithmetic3A_750 : vector<16xi32>
    %add3A_752 = arith.constant 2 : i32
    %add3A_753 = vector.broadcast %add3A_752 : i32 to vector<16xi32>
    %add3A_754 = arith.addi %add3A_719, %add3A_753 : vector<16xi32>
    %and3A_755 = arith.constant 127 : i32
    %and3A_756 = vector.broadcast %and3A_755 : i32 to vector<16xi32>
    %and3A_757 = arith.andi %add3A_754, %and3A_756 : vector<16xi32>
    %gather3A_758 = tpu.vector_load_idx %arg8[%shift_right_arithmetic3A_751, %and3A_757] : memref<16x128xi32, #tpu.memory_space<vmem>>[vector<16xi32>, vector<16xi32>], vector<16xi32>,
    %swap3A_759 = arith.index_cast %add3A_721 : i32 to index
    %swap3A_760 = tpu.vector_load %arg11[%swap3A_759] {strides = array<i32>} : memref<512xi32, #tpu.memory_space<vmem>>, vector<16xi32>,
    tpu.vector_store %arg11[%swap3A_759], %gather3A_758 {strides = array<i32>} : memref<512xi32, #tpu.memory_space<vmem>>, vector<16xi32>,
    %add3A_761 = arith.constant 240 : i32
    %add3A_762 = arith.addi %mul3A_11, %add3A_761 : i32
    %mul3A_763 = arith.constant 4 : i32
    %mul3A_764 = arith.muli %add3A_762, %mul3A_763 : i32
    %add3A_765 = vector.broadcast %mul3A_764 : i32 to vector<16xi32>
    %add3A_766 = arith.addi %add3A_765, %mul3A_5 : vector<16xi32>
    %add3A_767 = arith.constant 240 : i32
    %add3A_768 = arith.addi %mul3A_11, %add3A_767 : i32
    %shift_right_arithmetic3A_769 = arith.constant 7 : i32
    %shift_right_arithmetic3A_770 = vector.broadcast %shift_right_arithmetic3A_769 : i32 to vector<16xi32>
    %shift_right_arithmetic3A_771 = arith.shrsi %add3A_766, %shift_right_arithmetic3A_770 : vector<16xi32>
    %and3A_772 = arith.constant 127 : i32
    %and3A_773 = vector.broadcast %and3A_772 : i32 to vector<16xi32>
    %and3A_774 = arith.andi %add3A_766, %and3A_773 : vector<16xi32>
    %gather3A_775 = tpu.vector_load_idx %arg8[%shift_right_arithmetic3A_771, %and3A_774] : memref<16x128xi32, #tpu.memory_space<vmem>>[vector<16xi32>, vector<16xi32>], vector<16xi32>,
    %swap3A_776 = arith.index_cast %add3A_768 : i32 to index
    %swap3A_777 = tpu.vector_load %arg9[%swap3A_776] {strides = array<i32>} : memref<512xi32, #tpu.memory_space<vmem>>, vector<16xi32>,
    tpu.vector_store %arg9[%swap3A_776], %gather3A_775 {strides = array<i32>} : memref<512xi32, #tpu.memory_space<vmem>>, vector<16xi32>,
    %add3A_778 = arith.constant 1 : i32
    %add3A_779 = vector.broadcast %add3A_778 : i32 to vector<16xi32>
    %add3A_780 = arith.addi %add3A_766, %add3A_779 : vector<16xi32>
    %shift_right_arithmetic3A_781 = arith.constant 7 : i32
    %shift_right_arithmetic3A_782 = vector.broadcast %shift_right_arithmetic3A_781 : i32 to vector<16xi32>
    %shift_right_arithmetic3A_783 = arith.shrsi %add3A_780, %shift_right_arithmetic3A_782 : vector<16xi32>
    %add3A_784 = arith.constant 1 : i32
    %add3A_785 = vector.broadcast %add3A_784 : i32 to vector<16xi32>
    %add3A_786 = arith.addi %add3A_766, %add3A_785 : vector<16xi32>
    %and3A_787 = arith.constant 127 : i32
    %and3A_788 = vector.broadcast %and3A_787 : i32 to vector<16xi32>
    %and3A_789 = arith.andi %add3A_786, %and3A_788 : vector<16xi32>
    %gather3A_790 = tpu.vector_load_idx %arg8[%shift_right_arithmetic3A_783, %and3A_789] : memref<16x128xi32, #tpu.memory_space<vmem>>[vector<16xi32>, vector<16xi32>], vector<16xi32>,
    %swap3A_791 = arith.index_cast %add3A_768 : i32 to index
    %swap3A_792 = tpu.vector_load %arg10[%swap3A_791] {strides = array<i32>} : memref<512xi32, #tpu.memory_space<vmem>>, vector<16xi32>,
    tpu.vector_store %arg10[%swap3A_791], %gather3A_790 {strides = array<i32>} : memref<512xi32, #tpu.memory_space<vmem>>, vector<16xi32>,
    %add3A_793 = arith.constant 2 : i32
    %add3A_794 = vector.broadcast %add3A_793 : i32 to vector<16xi32>
    %add3A_795 = arith.addi %add3A_766, %add3A_794 : vector<16xi32>
    %shift_right_arithmetic3A_796 = arith.constant 7 : i32
    %shift_right_arithmetic3A_797 = vector.broadcast %shift_right_arithmetic3A_796 : i32 to vector<16xi32>
    %shift_right_arithmetic3A_798 = arith.shrsi %add3A_795, %shift_right_arithmetic3A_797 : vector<16xi32>
    %add3A_799 = arith.constant 2 : i32
    %add3A_800 = vector.broadcast %add3A_799 : i32 to vector<16xi32>
    %add3A_801 = arith.addi %add3A_766, %add3A_800 : vector<16xi32>
    %and3A_802 = arith.constant 127 : i32
    %and3A_803 = vector.broadcast %and3A_802 : i32 to vector<16xi32>
    %and3A_804 = arith.andi %add3A_801, %and3A_803 : vector<16xi32>
    %gather3A_805 = tpu.vector_load_idx %arg8[%shift_right_arithmetic3A_798, %and3A_804] : memref<16x128xi32, #tpu.memory_space<vmem>>[vector<16xi32>, vector<16xi32>], vector<16xi32>,
    %swap3A_806 = arith.index_cast %add3A_768 : i32 to index
    %swap3A_807 = tpu.vector_load %arg11[%swap3A_806] {strides = array<i32>} : memref<512xi32, #tpu.memory_space<vmem>>, vector<16xi32>,
    tpu.vector_store %arg11[%swap3A_806], %gather3A_805 {strides = array<i32>} : memref<512xi32, #tpu.memory_space<vmem>>, vector<16xi32>,
    %mul3A_808 = arith.constant 256 : i32
    %mul3A_809 = arith.muli %rem3A_7, %mul3A_808 : i32
    %add3A_810 = arith.constant 0 : i32
    %add3A_811 = arith.addi %mul3A_809, %add3A_810 : i32
    %add3A_812 = arith.constant 0 : i32
    %add3A_813 = arith.addi %mul3A_11, %add3A_812 : i32
    %dma_start3A = arith.constant 0 : i32
    %dma_start3A_814 = tpu.memref_slice %arg12[%add3A_811, %dma_start3A] : memref<512x64xf32, #tpu.memory_space<vmem>> -> memref<128x64xf32, #tpu.memory_space<vmem>>
    %dma_start3A_815 = tpu.memref_slice %arg9[%add3A_813] : memref<512xi32, #tpu.memory_space<vmem>> -> memref<128xi32, #tpu.memory_space<vmem>>
    %dma_start3A_816 = arith.constant 0 : i32
    %dma_start3A_817 = arith.constant 0 : i32
    %dma_start3A_818 = tpu.memref_slice %arg2[%dma_start3A_816, %dma_start3A_817] : memref<50000x64xf32, #tpu.memory_space<hbm>> -> memref<50000x64xf32, #tpu.memory_space<hbm>>
    tpu.enqueue_indirect_dma source(%dma_start3A_818 : memref<50000x64xf32, #tpu.memory_space<hbm>>) target(%dma_start3A_814 : memref<128x64xf32, #tpu.memory_space<vmem>>) offsets(%dma_start3A_815 : memref<128xi32, #tpu.memory_space<vmem>>) semaphore(%arg15 : memref<!tpu.dma_semaphore, #tpu.memory_space<semaphore_mem>>)
    %dma_start3A_819 = arith.constant 0 : i32
    %dma_start3A_820 = tpu.memref_slice %arg13[%add3A_811, %dma_start3A_819] : memref<512x64xf32, #tpu.memory_space<vmem>> -> memref<128x64xf32, #tpu.memory_space<vmem>>
    %dma_start3A_821 = tpu.memref_slice %arg10[%add3A_813] : memref<512xi32, #tpu.memory_space<vmem>> -> memref<128xi32, #tpu.memory_space<vmem>>
    %dma_start3A_822 = arith.constant 0 : i32
    %dma_start3A_823 = arith.constant 0 : i32
    %dma_start3A_824 = tpu.memref_slice %arg3[%dma_start3A_822, %dma_start3A_823] : memref<800000x64xf32, #tpu.memory_space<hbm>> -> memref<800000x64xf32, #tpu.memory_space<hbm>>
    tpu.enqueue_indirect_dma source(%dma_start3A_824 : memref<800000x64xf32, #tpu.memory_space<hbm>>) target(%dma_start3A_820 : memref<128x64xf32, #tpu.memory_space<vmem>>) offsets(%dma_start3A_821 : memref<128xi32, #tpu.memory_space<vmem>>) semaphore(%arg16 : memref<!tpu.dma_semaphore, #tpu.memory_space<semaphore_mem>>)
    %dma_start3A_825 = arith.constant 0 : i32
    %dma_start3A_826 = tpu.memref_slice %arg14[%add3A_811, %dma_start3A_825] : memref<512x64xf32, #tpu.memory_space<vmem>> -> memref<128x64xf32, #tpu.memory_space<vmem>>
    %dma_start3A_827 = tpu.memref_slice %arg11[%add3A_813] : memref<512xi32, #tpu.memory_space<vmem>> -> memref<128xi32, #tpu.memory_space<vmem>>
    %dma_start3A_828 = arith.constant 0 : i32
    %dma_start3A_829 = arith.constant 0 : i32
    %dma_start3A_830 = tpu.memref_slice %arg3[%dma_start3A_828, %dma_start3A_829] : memref<800000x64xf32, #tpu.memory_space<hbm>> -> memref<800000x64xf32, #tpu.memory_space<hbm>>
    tpu.enqueue_indirect_dma source(%dma_start3A_830 : memref<800000x64xf32, #tpu.memory_space<hbm>>) target(%dma_start3A_826 : memref<128x64xf32, #tpu.memory_space<vmem>>) offsets(%dma_start3A_827 : memref<128xi32, #tpu.memory_space<vmem>>) semaphore(%arg17 : memref<!tpu.dma_semaphore, #tpu.memory_space<semaphore_mem>>)
    %mul3A_831 = arith.constant 256 : i32
    %mul3A_832 = arith.muli %rem3A_7, %mul3A_831 : i32
    %add3A_833 = arith.constant 128 : i32
    %add3A_834 = arith.addi %mul3A_832, %add3A_833 : i32
    %add3A_835 = arith.constant 128 : i32
    %add3A_836 = arith.addi %mul3A_11, %add3A_835 : i32
    %dma_start3A_837 = arith.constant 0 : i32
    %dma_start3A_838 = tpu.memref_slice %arg12[%add3A_834, %dma_start3A_837] : memref<512x64xf32, #tpu.memory_space<vmem>> -> memref<128x64xf32, #tpu.memory_space<vmem>>
    %dma_start3A_839 = tpu.memref_slice %arg9[%add3A_836] : memref<512xi32, #tpu.memory_space<vmem>> -> memref<128xi32, #tpu.memory_space<vmem>>
    %dma_start3A_840 = arith.constant 0 : i32
    %dma_start3A_841 = arith.constant 0 : i32
    %dma_start3A_842 = tpu.memref_slice %arg2[%dma_start3A_840, %dma_start3A_841] : memref<50000x64xf32, #tpu.memory_space<hbm>> -> memref<50000x64xf32, #tpu.memory_space<hbm>>
    tpu.enqueue_indirect_dma source(%dma_start3A_842 : memref<50000x64xf32, #tpu.memory_space<hbm>>) target(%dma_start3A_838 : memref<128x64xf32, #tpu.memory_space<vmem>>) offsets(%dma_start3A_839 : memref<128xi32, #tpu.memory_space<vmem>>) semaphore(%arg15 : memref<!tpu.dma_semaphore, #tpu.memory_space<semaphore_mem>>)
    %dma_start3A_843 = arith.constant 0 : i32
    %dma_start3A_844 = tpu.memref_slice %arg13[%add3A_834, %dma_start3A_843] : memref<512x64xf32, #tpu.memory_space<vmem>> -> memref<128x64xf32, #tpu.memory_space<vmem>>
    %dma_start3A_845 = tpu.memref_slice %arg10[%add3A_836] : memref<512xi32, #tpu.memory_space<vmem>> -> memref<128xi32, #tpu.memory_space<vmem>>
    %dma_start3A_846 = arith.constant 0 : i32
    %dma_start3A_847 = arith.constant 0 : i32
    %dma_start3A_848 = tpu.memref_slice %arg3[%dma_start3A_846, %dma_start3A_847] : memref<800000x64xf32, #tpu.memory_space<hbm>> -> memref<800000x64xf32, #tpu.memory_space<hbm>>
    tpu.enqueue_indirect_dma source(%dma_start3A_848 : memref<800000x64xf32, #tpu.memory_space<hbm>>) target(%dma_start3A_844 : memref<128x64xf32, #tpu.memory_space<vmem>>) offsets(%dma_start3A_845 : memref<128xi32, #tpu.memory_space<vmem>>) semaphore(%arg16 : memref<!tpu.dma_semaphore, #tpu.memory_space<semaphore_mem>>)
    %dma_start3A_849 = arith.constant 0 : i32
    %dma_start3A_850 = tpu.memref_slice %arg14[%add3A_834, %dma_start3A_849] : memref<512x64xf32, #tpu.memory_space<vmem>> -> memref<128x64xf32, #tpu.memory_space<vmem>>
    %dma_start3A_851 = tpu.memref_slice %arg11[%add3A_836] : memref<512xi32, #tpu.memory_space<vmem>> -> memref<128xi32, #tpu.memory_space<vmem>>
    %dma_start3A_852 = arith.constant 0 : i32
    %dma_start3A_853 = arith.constant 0 : i32
    %dma_start3A_854 = tpu.memref_slice %arg3[%dma_start3A_852, %dma_start3A_853] : memref<800000x64xf32, #tpu.memory_space<hbm>> -> memref<800000x64xf32, #tpu.memory_space<hbm>>
    tpu.enqueue_indirect_dma source(%dma_start3A_854 : memref<800000x64xf32, #tpu.memory_space<hbm>>) target(%dma_start3A_850 : memref<128x64xf32, #tpu.memory_space<vmem>>) offsets(%dma_start3A_851 : memref<128xi32, #tpu.memory_space<vmem>>) semaphore(%arg17 : memref<!tpu.dma_semaphore, #tpu.memory_space<semaphore_mem>>)
    %scan3A = arith.constant 0 : i32
    %scan3A_855 = arith.constant 0 : i32
    %scan3A_856 = arith.constant 25 : i32
    %scan3A_857 = arith.addi %scan3A_855, %scan3A_856 : i32
    %scan3A_858 = arith.constant 1 : i32
    scf.for %scan3A_860 = %scan3A_855 to %scan3A_857 step %scan3A_858  : i32 {
      %add3A_861 = arith.constant 1 : i32
      %add3A_862 = arith.addi %scan3A_860, %add3A_861 : i32
      %lt3A = arith.constant 25 : i32
      %lt3A_863 = arith.cmpi slt, %add3A_862, %lt3A : i32
      %convert_element_type3A = arith.extui %lt3A_863 : i1 to i32
      %cond3A = arith.constant 0 : i32
      %cond3A_864 = arith.cmpi ne, %convert_element_type3A, %cond3A : i32
      scf.if %cond3A_864 {
        %add3A_895 = arith.constant 1 : i32
        %add3A_896 = arith.addi %scan3A_860, %add3A_895 : i32
        %rem3A_897 = arith.constant 2 : i32
        %rem3A_898 = arith.remsi %add3A_896, %rem3A_897 : i32
        %mul3A_899 = arith.constant 256 : i32
        %mul3A_900 = arith.muli %add3A_896, %mul3A_899 : i32
        %add3A_901 = arith.addi %mul3A_2, %mul3A_900 : i32
        %mul3A_902 = arith.constant 256 : i32
        %mul3A_903 = arith.muli %rem3A_898, %mul3A_902 : i32
        %add3A_904 = arith.constant 0 : i32
        %add3A_905 = arith.addi %add3A_904, %add3A_901 : i32
        %mul3A_906 = arith.constant 4 : i32
        %mul3A_907 = arith.muli %add3A_905, %mul3A_906 : i32
        %jit3A_908 = arith.constant 128 : i32
        %div3A_909 = arith.divsi %mul3A_907, %jit3A_908 : i32
        %sign3A_910 = arith.constant 0 : i32
        %sign3A_911 = arith.cmpi sgt, %mul3A_907, %sign3A_910 : i32
        %sign3A_912 = arith.extui %sign3A_911 : i1 to i32
        %sign3A_913 = arith.constant 0 : i32
        %sign3A_914 = arith.cmpi slt, %mul3A_907, %sign3A_913 : i32
        %sign3A_915 = arith.extui %sign3A_914 : i1 to i32
        %sign3A_916 = arith.subi %sign3A_912, %sign3A_915 : i32
        %sign3A_917 = arith.constant 0 : i32
        %sign3A_918 = arith.cmpi sgt, %jit3A_908, %sign3A_917 : i32
        %sign3A_919 = arith.extui %sign3A_918 : i1 to i32
        %sign3A_920 = arith.constant 0 : i32
        %sign3A_921 = arith.cmpi slt, %jit3A_908, %sign3A_920 : i32
        %sign3A_922 = arith.extui %sign3A_921 : i1 to i32
        %sign3A_923 = arith.subi %sign3A_919, %sign3A_922 : i32
        %ne3A_924 = arith.cmpi ne, %sign3A_916, %sign3A_923 : i32
        %rem3A_925 = arith.remsi %mul3A_907, %jit3A_908 : i32
        %ne3A_926 = arith.constant 0 : i32
        %ne3A_927 = arith.cmpi ne, %rem3A_925, %ne3A_926 : i32
        %and3A_928 = arith.andi %ne3A_924, %ne3A_927 : i1
        %sub3A_929 = arith.constant 1 : i32
        %sub3A_930 = arith.subi %div3A_909, %sub3A_929 : i32
        %select_n3A_931 = arith.select %and3A_928, %sub3A_930, %div3A_909 : i32
        %mul3A_932 = arith.constant 4 : i32
        %mul3A_933 = arith.muli %mul3A_903, %mul3A_932 : i32
        %jit3A_934 = arith.constant 128 : i32
        %div3A_935 = arith.divsi %mul3A_933, %jit3A_934 : i32
        %sign3A_936 = arith.constant 0 : i32
        %sign3A_937 = arith.cmpi sgt, %mul3A_933, %sign3A_936 : i32
        %sign3A_938 = arith.extui %sign3A_937 : i1 to i32
        %sign3A_939 = arith.constant 0 : i32
        %sign3A_940 = arith.cmpi slt, %mul3A_933, %sign3A_939 : i32
        %sign3A_941 = arith.extui %sign3A_940 : i1 to i32
        %sign3A_942 = arith.subi %sign3A_938, %sign3A_941 : i32
        %sign3A_943 = arith.constant 0 : i32
        %sign3A_944 = arith.cmpi sgt, %jit3A_934, %sign3A_943 : i32
        %sign3A_945 = arith.extui %sign3A_944 : i1 to i32
        %sign3A_946 = arith.constant 0 : i32
        %sign3A_947 = arith.cmpi slt, %jit3A_934, %sign3A_946 : i32
        %sign3A_948 = arith.extui %sign3A_947 : i1 to i32
        %sign3A_949 = arith.subi %sign3A_945, %sign3A_948 : i32
        %ne3A_950 = arith.cmpi ne, %sign3A_942, %sign3A_949 : i32
        %rem3A_951 = arith.remsi %mul3A_933, %jit3A_934 : i32
        %ne3A_952 = arith.constant 0 : i32
        %ne3A_953 = arith.cmpi ne, %rem3A_951, %ne3A_952 : i32
        %and3A_954 = arith.andi %ne3A_950, %ne3A_953 : i1
        %sub3A_955 = arith.constant 1 : i32
        %sub3A_956 = arith.subi %div3A_935, %sub3A_955 : i32
        %select_n3A_957 = arith.select %and3A_954, %sub3A_956, %div3A_935 : i32
        "tpu.region"() ({
          %run_scoped3A = tpu.sem_alloc : memref<!tpu.dma_semaphore, #tpu.memory_space<semaphore_mem>>
          %dma_start3A_1758 = arith.constant 0 : i32
          %dma_start3A_1759 = tpu.memref_slice %arg8[%select_n3A_957, %dma_start3A_1758] : memref<16x128xi32, #tpu.memory_space<vmem>> -> memref<8x128xi32, #tpu.memory_space<vmem>>
          %dma_start3A_1760 = arith.constant 0 : i32
          %dma_start3A_1761 = tpu.memref_slice %arg4[%select_n3A_931, %dma_start3A_1760] : memref<12544x128xi32, #tpu.memory_space<hbm>> -> memref<8x128xi32, #tpu.memory_space<hbm>>
          %dma_start3A_1762 = arith.constant 0 : i32
          %dma_start3A_1763 = tpu.memref_slice %arg8[%select_n3A_957, %dma_start3A_1762] : memref<16x128xi32, #tpu.memory_space<vmem>> -> memref<8x128xi32, #tpu.memory_space<vmem>>
          %dma_start3A_1764 = arith.constant 0 : i32
          %dma_start3A_1765 = tpu.memref_slice %arg4[%select_n3A_931, %dma_start3A_1764] : memref<12544x128xi32, #tpu.memory_space<hbm>> -> memref<8x128xi32, #tpu.memory_space<hbm>>
          tpu.enqueue_dma source(%dma_start3A_1765 : memref<8x128xi32, #tpu.memory_space<hbm>>) target(%dma_start3A_1763 : memref<8x128xi32, #tpu.memory_space<vmem>>) target_semaphore(%run_scoped3A : memref<!tpu.dma_semaphore, #tpu.memory_space<semaphore_mem>>)
          %dma_wait3A_1766 = arith.constant 0 : i32
          %dma_wait3A_1767 = tpu.memref_slice %arg8[%select_n3A_957, %dma_wait3A_1766] : memref<16x128xi32, #tpu.memory_space<vmem>> -> memref<8x128xi32, #tpu.memory_space<vmem>>
          %dma_wait3A_1768 = arith.constant 0 : i32
          %dma_wait3A_1769 = tpu.memref_slice %arg4[%select_n3A_931, %dma_wait3A_1768] : memref<12544x128xi32, #tpu.memory_space<hbm>> -> memref<8x128xi32, #tpu.memory_space<hbm>>
          %dma_wait3A_1770 = arith.constant 0 : i32
          %dma_wait3A_1771 = tpu.memref_slice %arg8[%select_n3A_957, %dma_wait3A_1770] : memref<16x128xi32, #tpu.memory_space<vmem>> -> memref<8x128xi32, #tpu.memory_space<vmem>>
          %dma_wait3A_1772 = arith.constant 0 : i32
          %dma_wait3A_1773 = tpu.memref_slice %arg4[%select_n3A_931, %dma_wait3A_1772] : memref<12544x128xi32, #tpu.memory_space<hbm>> -> memref<8x128xi32, #tpu.memory_space<hbm>>
          tpu.wait_dma2 semaphore(%run_scoped3A : memref<!tpu.dma_semaphore, #tpu.memory_space<semaphore_mem>>) src(%dma_wait3A_1773 : memref<8x128xi32, #tpu.memory_space<hbm>>) dst(%dma_wait3A_1771 : memref<8x128xi32, #tpu.memory_space<vmem>>)
          tpu.yield
        }) : () -> ()
        %add3A_958 = arith.constant 0 : i32
        %add3A_959 = arith.addi %mul3A_903, %add3A_958 : i32
        %mul3A_960 = arith.constant 4 : i32
        %mul3A_961 = arith.muli %add3A_959, %mul3A_960 : i32
        %add3A_962 = vector.broadcast %mul3A_961 : i32 to vector<16xi32>
        %add3A_963 = arith.addi %add3A_962, %mul3A_5 : vector<16xi32>
        %add3A_964 = arith.constant 0 : i32
        %add3A_965 = arith.addi %mul3A_903, %add3A_964 : i32
        %shift_right_arithmetic3A_966 = arith.constant 7 : i32
        %shift_right_arithmetic3A_967 = vector.broadcast %shift_right_arithmetic3A_966 : i32 to vector<16xi32>
        %shift_right_arithmetic3A_968 = arith.shrsi %add3A_963, %shift_right_arithmetic3A_967 : vector<16xi32>
        %and3A_969 = arith.constant 127 : i32
        %and3A_970 = vector.broadcast %and3A_969 : i32 to vector<16xi32>
        %and3A_971 = arith.andi %add3A_963, %and3A_970 : vector<16xi32>
        %gather3A_972 = tpu.vector_load_idx %arg8[%shift_right_arithmetic3A_968, %and3A_971] : memref<16x128xi32, #tpu.memory_space<vmem>>[vector<16xi32>, vector<16xi32>], vector<16xi32>,
        %swap3A_973 = arith.index_cast %add3A_965 : i32 to index
        %swap3A_974 = tpu.vector_load %arg9[%swap3A_973] {strides = array<i32>} : memref<512xi32, #tpu.memory_space<vmem>>, vector<16xi32>,
        tpu.vector_store %arg9[%swap3A_973], %gather3A_972 {strides = array<i32>} : memref<512xi32, #tpu.memory_space<vmem>>, vector<16xi32>,
        %add3A_975 = arith.constant 1 : i32
        %add3A_976 = vector.broadcast %add3A_975 : i32 to vector<16xi32>
        %add3A_977 = arith.addi %add3A_963, %add3A_976 : vector<16xi32>
        %shift_right_arithmetic3A_978 = arith.constant 7 : i32
        %shift_right_arithmetic3A_979 = vector.broadcast %shift_right_arithmetic3A_978 : i32 to vector<16xi32>
        %shift_right_arithmetic3A_980 = arith.shrsi %add3A_977, %shift_right_arithmetic3A_979 : vector<16xi32>
        %add3A_981 = arith.constant 1 : i32
        %add3A_982 = vector.broadcast %add3A_981 : i32 to vector<16xi32>
        %add3A_983 = arith.addi %add3A_963, %add3A_982 : vector<16xi32>
        %and3A_984 = arith.constant 127 : i32
        %and3A_985 = vector.broadcast %and3A_984 : i32 to vector<16xi32>
        %and3A_986 = arith.andi %add3A_983, %and3A_985 : vector<16xi32>
        %gather3A_987 = tpu.vector_load_idx %arg8[%shift_right_arithmetic3A_980, %and3A_986] : memref<16x128xi32, #tpu.memory_space<vmem>>[vector<16xi32>, vector<16xi32>], vector<16xi32>,
        %swap3A_988 = arith.index_cast %add3A_965 : i32 to index
        %swap3A_989 = tpu.vector_load %arg10[%swap3A_988] {strides = array<i32>} : memref<512xi32, #tpu.memory_space<vmem>>, vector<16xi32>,
        tpu.vector_store %arg10[%swap3A_988], %gather3A_987 {strides = array<i32>} : memref<512xi32, #tpu.memory_space<vmem>>, vector<16xi32>,
        %add3A_990 = arith.constant 2 : i32
        %add3A_991 = vector.broadcast %add3A_990 : i32 to vector<16xi32>
        %add3A_992 = arith.addi %add3A_963, %add3A_991 : vector<16xi32>
        %shift_right_arithmetic3A_993 = arith.constant 7 : i32
        %shift_right_arithmetic3A_994 = vector.broadcast %shift_right_arithmetic3A_993 : i32 to vector<16xi32>
        %shift_right_arithmetic3A_995 = arith.shrsi %add3A_992, %shift_right_arithmetic3A_994 : vector<16xi32>
        %add3A_996 = arith.constant 2 : i32
        %add3A_997 = vector.broadcast %add3A_996 : i32 to vector<16xi32>
        %add3A_998 = arith.addi %add3A_963, %add3A_997 : vector<16xi32>
        %and3A_999 = arith.constant 127 : i32
        %and3A_1000 = vector.broadcast %and3A_999 : i32 to vector<16xi32>
        %and3A_1001 = arith.andi %add3A_998, %and3A_1000 : vector<16xi32>
        %gather3A_1002 = tpu.vector_load_idx %arg8[%shift_right_arithmetic3A_995, %and3A_1001] : memref<16x128xi32, #tpu.memory_space<vmem>>[vector<16xi32>, vector<16xi32>], vector<16xi32>,
        %swap3A_1003 = arith.index_cast %add3A_965 : i32 to index
        %swap3A_1004 = tpu.vector_load %arg11[%swap3A_1003] {strides = array<i32>} : memref<512xi32, #tpu.memory_space<vmem>>, vector<16xi32>,
        tpu.vector_store %arg11[%swap3A_1003], %gather3A_1002 {strides = array<i32>} : memref<512xi32, #tpu.memory_space<vmem>>, vector<16xi32>,
        %add3A_1005 = arith.constant 16 : i32
        %add3A_1006 = arith.addi %mul3A_903, %add3A_1005 : i32
        %mul3A_1007 = arith.constant 4 : i32
        %mul3A_1008 = arith.muli %add3A_1006, %mul3A_1007 : i32
        %add3A_1009 = vector.broadcast %mul3A_1008 : i32 to vector<16xi32>
        %add3A_1010 = arith.addi %add3A_1009, %mul3A_5 : vector<16xi32>
        %add3A_1011 = arith.constant 16 : i32
        %add3A_1012 = arith.addi %mul3A_903, %add3A_1011 : i32
        %shift_right_arithmetic3A_1013 = arith.constant 7 : i32
        %shift_right_arithmetic3A_1014 = vector.broadcast %shift_right_arithmetic3A_1013 : i32 to vector<16xi32>
        %shift_right_arithmetic3A_1015 = arith.shrsi %add3A_1010, %shift_right_arithmetic3A_1014 : vector<16xi32>
        %and3A_1016 = arith.constant 127 : i32
        %and3A_1017 = vector.broadcast %and3A_1016 : i32 to vector<16xi32>
        %and3A_1018 = arith.andi %add3A_1010, %and3A_1017 : vector<16xi32>
        %gather3A_1019 = tpu.vector_load_idx %arg8[%shift_right_arithmetic3A_1015, %and3A_1018] : memref<16x128xi32, #tpu.memory_space<vmem>>[vector<16xi32>, vector<16xi32>], vector<16xi32>,
        %swap3A_1020 = arith.index_cast %add3A_1012 : i32 to index
        %swap3A_1021 = tpu.vector_load %arg9[%swap3A_1020] {strides = array<i32>} : memref<512xi32, #tpu.memory_space<vmem>>, vector<16xi32>,
        tpu.vector_store %arg9[%swap3A_1020], %gather3A_1019 {strides = array<i32>} : memref<512xi32, #tpu.memory_space<vmem>>, vector<16xi32>,
        %add3A_1022 = arith.constant 1 : i32
        %add3A_1023 = vector.broadcast %add3A_1022 : i32 to vector<16xi32>
        %add3A_1024 = arith.addi %add3A_1010, %add3A_1023 : vector<16xi32>
        %shift_right_arithmetic3A_1025 = arith.constant 7 : i32
        %shift_right_arithmetic3A_1026 = vector.broadcast %shift_right_arithmetic3A_1025 : i32 to vector<16xi32>
        %shift_right_arithmetic3A_1027 = arith.shrsi %add3A_1024, %shift_right_arithmetic3A_1026 : vector<16xi32>
        %add3A_1028 = arith.constant 1 : i32
        %add3A_1029 = vector.broadcast %add3A_1028 : i32 to vector<16xi32>
        %add3A_1030 = arith.addi %add3A_1010, %add3A_1029 : vector<16xi32>
        %and3A_1031 = arith.constant 127 : i32
        %and3A_1032 = vector.broadcast %and3A_1031 : i32 to vector<16xi32>
        %and3A_1033 = arith.andi %add3A_1030, %and3A_1032 : vector<16xi32>
        %gather3A_1034 = tpu.vector_load_idx %arg8[%shift_right_arithmetic3A_1027, %and3A_1033] : memref<16x128xi32, #tpu.memory_space<vmem>>[vector<16xi32>, vector<16xi32>], vector<16xi32>,
        %swap3A_1035 = arith.index_cast %add3A_1012 : i32 to index
        %swap3A_1036 = tpu.vector_load %arg10[%swap3A_1035] {strides = array<i32>} : memref<512xi32, #tpu.memory_space<vmem>>, vector<16xi32>,
        tpu.vector_store %arg10[%swap3A_1035], %gather3A_1034 {strides = array<i32>} : memref<512xi32, #tpu.memory_space<vmem>>, vector<16xi32>,
        %add3A_1037 = arith.constant 2 : i32
        %add3A_1038 = vector.broadcast %add3A_1037 : i32 to vector<16xi32>
        %add3A_1039 = arith.addi %add3A_1010, %add3A_1038 : vector<16xi32>
        %shift_right_arithmetic3A_1040 = arith.constant 7 : i32
        %shift_right_arithmetic3A_1041 = vector.broadcast %shift_right_arithmetic3A_1040 : i32 to vector<16xi32>
        %shift_right_arithmetic3A_1042 = arith.shrsi %add3A_1039, %shift_right_arithmetic3A_1041 : vector<16xi32>
        %add3A_1043 = arith.constant 2 : i32
        %add3A_1044 = vector.broadcast %add3A_1043 : i32 to vector<16xi32>
        %add3A_1045 = arith.addi %add3A_1010, %add3A_1044 : vector<16xi32>
        %and3A_1046 = arith.constant 127 : i32
        %and3A_1047 = vector.broadcast %and3A_1046 : i32 to vector<16xi32>
        %and3A_1048 = arith.andi %add3A_1045, %and3A_1047 : vector<16xi32>
        %gather3A_1049 = tpu.vector_load_idx %arg8[%shift_right_arithmetic3A_1042, %and3A_1048] : memref<16x128xi32, #tpu.memory_space<vmem>>[vector<16xi32>, vector<16xi32>], vector<16xi32>,
        %swap3A_1050 = arith.index_cast %add3A_1012 : i32 to index
        %swap3A_1051 = tpu.vector_load %arg11[%swap3A_1050] {strides = array<i32>} : memref<512xi32, #tpu.memory_space<vmem>>, vector<16xi32>,
        tpu.vector_store %arg11[%swap3A_1050], %gather3A_1049 {strides = array<i32>} : memref<512xi32, #tpu.memory_space<vmem>>, vector<16xi32>,
        %add3A_1052 = arith.constant 32 : i32
        %add3A_1053 = arith.addi %mul3A_903, %add3A_1052 : i32
        %mul3A_1054 = arith.constant 4 : i32
        %mul3A_1055 = arith.muli %add3A_1053, %mul3A_1054 : i32
        %add3A_1056 = vector.broadcast %mul3A_1055 : i32 to vector<16xi32>
        %add3A_1057 = arith.addi %add3A_1056, %mul3A_5 : vector<16xi32>
        %add3A_1058 = arith.constant 32 : i32
        %add3A_1059 = arith.addi %mul3A_903, %add3A_1058 : i32
        %shift_right_arithmetic3A_1060 = arith.constant 7 : i32
        %shift_right_arithmetic3A_1061 = vector.broadcast %shift_right_arithmetic3A_1060 : i32 to vector<16xi32>
        %shift_right_arithmetic3A_1062 = arith.shrsi %add3A_1057, %shift_right_arithmetic3A_1061 : vector<16xi32>
        %and3A_1063 = arith.constant 127 : i32
        %and3A_1064 = vector.broadcast %and3A_1063 : i32 to vector<16xi32>
        %and3A_1065 = arith.andi %add3A_1057, %and3A_1064 : vector<16xi32>
        %gather3A_1066 = tpu.vector_load_idx %arg8[%shift_right_arithmetic3A_1062, %and3A_1065] : memref<16x128xi32, #tpu.memory_space<vmem>>[vector<16xi32>, vector<16xi32>], vector<16xi32>,
        %swap3A_1067 = arith.index_cast %add3A_1059 : i32 to index
        %swap3A_1068 = tpu.vector_load %arg9[%swap3A_1067] {strides = array<i32>} : memref<512xi32, #tpu.memory_space<vmem>>, vector<16xi32>,
        tpu.vector_store %arg9[%swap3A_1067], %gather3A_1066 {strides = array<i32>} : memref<512xi32, #tpu.memory_space<vmem>>, vector<16xi32>,
        %add3A_1069 = arith.constant 1 : i32
        %add3A_1070 = vector.broadcast %add3A_1069 : i32 to vector<16xi32>
        %add3A_1071 = arith.addi %add3A_1057, %add3A_1070 : vector<16xi32>
        %shift_right_arithmetic3A_1072 = arith.constant 7 : i32
        %shift_right_arithmetic3A_1073 = vector.broadcast %shift_right_arithmetic3A_1072 : i32 to vector<16xi32>
        %shift_right_arithmetic3A_1074 = arith.shrsi %add3A_1071, %shift_right_arithmetic3A_1073 : vector<16xi32>
        %add3A_1075 = arith.constant 1 : i32
        %add3A_1076 = vector.broadcast %add3A_1075 : i32 to vector<16xi32>
        %add3A_1077 = arith.addi %add3A_1057, %add3A_1076 : vector<16xi32>
        %and3A_1078 = arith.constant 127 : i32
        %and3A_1079 = vector.broadcast %and3A_1078 : i32 to vector<16xi32>
        %and3A_1080 = arith.andi %add3A_1077, %and3A_1079 : vector<16xi32>
        %gather3A_1081 = tpu.vector_load_idx %arg8[%shift_right_arithmetic3A_1074, %and3A_1080] : memref<16x128xi32, #tpu.memory_space<vmem>>[vector<16xi32>, vector<16xi32>], vector<16xi32>,
        %swap3A_1082 = arith.index_cast %add3A_1059 : i32 to index
        %swap3A_1083 = tpu.vector_load %arg10[%swap3A_1082] {strides = array<i32>} : memref<512xi32, #tpu.memory_space<vmem>>, vector<16xi32>,
        tpu.vector_store %arg10[%swap3A_1082], %gather3A_1081 {strides = array<i32>} : memref<512xi32, #tpu.memory_space<vmem>>, vector<16xi32>,
        %add3A_1084 = arith.constant 2 : i32
        %add3A_1085 = vector.broadcast %add3A_1084 : i32 to vector<16xi32>
        %add3A_1086 = arith.addi %add3A_1057, %add3A_1085 : vector<16xi32>
        %shift_right_arithmetic3A_1087 = arith.constant 7 : i32
        %shift_right_arithmetic3A_1088 = vector.broadcast %shift_right_arithmetic3A_1087 : i32 to vector<16xi32>
        %shift_right_arithmetic3A_1089 = arith.shrsi %add3A_1086, %shift_right_arithmetic3A_1088 : vector<16xi32>
        %add3A_1090 = arith.constant 2 : i32
        %add3A_1091 = vector.broadcast %add3A_1090 : i32 to vector<16xi32>
        %add3A_1092 = arith.addi %add3A_1057, %add3A_1091 : vector<16xi32>
        %and3A_1093 = arith.constant 127 : i32
        %and3A_1094 = vector.broadcast %and3A_1093 : i32 to vector<16xi32>
        %and3A_1095 = arith.andi %add3A_1092, %and3A_1094 : vector<16xi32>
        %gather3A_1096 = tpu.vector_load_idx %arg8[%shift_right_arithmetic3A_1089, %and3A_1095] : memref<16x128xi32, #tpu.memory_space<vmem>>[vector<16xi32>, vector<16xi32>], vector<16xi32>,
        %swap3A_1097 = arith.index_cast %add3A_1059 : i32 to index
        %swap3A_1098 = tpu.vector_load %arg11[%swap3A_1097] {strides = array<i32>} : memref<512xi32, #tpu.memory_space<vmem>>, vector<16xi32>,
        tpu.vector_store %arg11[%swap3A_1097], %gather3A_1096 {strides = array<i32>} : memref<512xi32, #tpu.memory_space<vmem>>, vector<16xi32>,
        %add3A_1099 = arith.constant 48 : i32
        %add3A_1100 = arith.addi %mul3A_903, %add3A_1099 : i32
        %mul3A_1101 = arith.constant 4 : i32
        %mul3A_1102 = arith.muli %add3A_1100, %mul3A_1101 : i32
        %add3A_1103 = vector.broadcast %mul3A_1102 : i32 to vector<16xi32>
        %add3A_1104 = arith.addi %add3A_1103, %mul3A_5 : vector<16xi32>
        %add3A_1105 = arith.constant 48 : i32
        %add3A_1106 = arith.addi %mul3A_903, %add3A_1105 : i32
        %shift_right_arithmetic3A_1107 = arith.constant 7 : i32
        %shift_right_arithmetic3A_1108 = vector.broadcast %shift_right_arithmetic3A_1107 : i32 to vector<16xi32>
        %shift_right_arithmetic3A_1109 = arith.shrsi %add3A_1104, %shift_right_arithmetic3A_1108 : vector<16xi32>
        %and3A_1110 = arith.constant 127 : i32
        %and3A_1111 = vector.broadcast %and3A_1110 : i32 to vector<16xi32>
        %and3A_1112 = arith.andi %add3A_1104, %and3A_1111 : vector<16xi32>
        %gather3A_1113 = tpu.vector_load_idx %arg8[%shift_right_arithmetic3A_1109, %and3A_1112] : memref<16x128xi32, #tpu.memory_space<vmem>>[vector<16xi32>, vector<16xi32>], vector<16xi32>,
        %swap3A_1114 = arith.index_cast %add3A_1106 : i32 to index
        %swap3A_1115 = tpu.vector_load %arg9[%swap3A_1114] {strides = array<i32>} : memref<512xi32, #tpu.memory_space<vmem>>, vector<16xi32>,
        tpu.vector_store %arg9[%swap3A_1114], %gather3A_1113 {strides = array<i32>} : memref<512xi32, #tpu.memory_space<vmem>>, vector<16xi32>,
        %add3A_1116 = arith.constant 1 : i32
        %add3A_1117 = vector.broadcast %add3A_1116 : i32 to vector<16xi32>
        %add3A_1118 = arith.addi %add3A_1104, %add3A_1117 : vector<16xi32>
        %shift_right_arithmetic3A_1119 = arith.constant 7 : i32
        %shift_right_arithmetic3A_1120 = vector.broadcast %shift_right_arithmetic3A_1119 : i32 to vector<16xi32>
        %shift_right_arithmetic3A_1121 = arith.shrsi %add3A_1118, %shift_right_arithmetic3A_1120 : vector<16xi32>
        %add3A_1122 = arith.constant 1 : i32
        %add3A_1123 = vector.broadcast %add3A_1122 : i32 to vector<16xi32>
        %add3A_1124 = arith.addi %add3A_1104, %add3A_1123 : vector<16xi32>
        %and3A_1125 = arith.constant 127 : i32
        %and3A_1126 = vector.broadcast %and3A_1125 : i32 to vector<16xi32>
        %and3A_1127 = arith.andi %add3A_1124, %and3A_1126 : vector<16xi32>
        %gather3A_1128 = tpu.vector_load_idx %arg8[%shift_right_arithmetic3A_1121, %and3A_1127] : memref<16x128xi32, #tpu.memory_space<vmem>>[vector<16xi32>, vector<16xi32>], vector<16xi32>,
        %swap3A_1129 = arith.index_cast %add3A_1106 : i32 to index
        %swap3A_1130 = tpu.vector_load %arg10[%swap3A_1129] {strides = array<i32>} : memref<512xi32, #tpu.memory_space<vmem>>, vector<16xi32>,
        tpu.vector_store %arg10[%swap3A_1129], %gather3A_1128 {strides = array<i32>} : memref<512xi32, #tpu.memory_space<vmem>>, vector<16xi32>,
        %add3A_1131 = arith.constant 2 : i32
        %add3A_1132 = vector.broadcast %add3A_1131 : i32 to vector<16xi32>
        %add3A_1133 = arith.addi %add3A_1104, %add3A_1132 : vector<16xi32>
        %shift_right_arithmetic3A_1134 = arith.constant 7 : i32
        %shift_right_arithmetic3A_1135 = vector.broadcast %shift_right_arithmetic3A_1134 : i32 to vector<16xi32>
        %shift_right_arithmetic3A_1136 = arith.shrsi %add3A_1133, %shift_right_arithmetic3A_1135 : vector<16xi32>
        %add3A_1137 = arith.constant 2 : i32
        %add3A_1138 = vector.broadcast %add3A_1137 : i32 to vector<16xi32>
        %add3A_1139 = arith.addi %add3A_1104, %add3A_1138 : vector<16xi32>
        %and3A_1140 = arith.constant 127 : i32
        %and3A_1141 = vector.broadcast %and3A_1140 : i32 to vector<16xi32>
        %and3A_1142 = arith.andi %add3A_1139, %and3A_1141 : vector<16xi32>
        %gather3A_1143 = tpu.vector_load_idx %arg8[%shift_right_arithmetic3A_1136, %and3A_1142] : memref<16x128xi32, #tpu.memory_space<vmem>>[vector<16xi32>, vector<16xi32>], vector<16xi32>,
        %swap3A_1144 = arith.index_cast %add3A_1106 : i32 to index
        %swap3A_1145 = tpu.vector_load %arg11[%swap3A_1144] {strides = array<i32>} : memref<512xi32, #tpu.memory_space<vmem>>, vector<16xi32>,
        tpu.vector_store %arg11[%swap3A_1144], %gather3A_1143 {strides = array<i32>} : memref<512xi32, #tpu.memory_space<vmem>>, vector<16xi32>,
        %add3A_1146 = arith.constant 64 : i32
        %add3A_1147 = arith.addi %mul3A_903, %add3A_1146 : i32
        %mul3A_1148 = arith.constant 4 : i32
        %mul3A_1149 = arith.muli %add3A_1147, %mul3A_1148 : i32
        %add3A_1150 = vector.broadcast %mul3A_1149 : i32 to vector<16xi32>
        %add3A_1151 = arith.addi %add3A_1150, %mul3A_5 : vector<16xi32>
        %add3A_1152 = arith.constant 64 : i32
        %add3A_1153 = arith.addi %mul3A_903, %add3A_1152 : i32
        %shift_right_arithmetic3A_1154 = arith.constant 7 : i32
        %shift_right_arithmetic3A_1155 = vector.broadcast %shift_right_arithmetic3A_1154 : i32 to vector<16xi32>
        %shift_right_arithmetic3A_1156 = arith.shrsi %add3A_1151, %shift_right_arithmetic3A_1155 : vector<16xi32>
        %and3A_1157 = arith.constant 127 : i32
        %and3A_1158 = vector.broadcast %and3A_1157 : i32 to vector<16xi32>
        %and3A_1159 = arith.andi %add3A_1151, %and3A_1158 : vector<16xi32>
        %gather3A_1160 = tpu.vector_load_idx %arg8[%shift_right_arithmetic3A_1156, %and3A_1159] : memref<16x128xi32, #tpu.memory_space<vmem>>[vector<16xi32>, vector<16xi32>], vector<16xi32>,
        %swap3A_1161 = arith.index_cast %add3A_1153 : i32 to index
        %swap3A_1162 = tpu.vector_load %arg9[%swap3A_1161] {strides = array<i32>} : memref<512xi32, #tpu.memory_space<vmem>>, vector<16xi32>,
        tpu.vector_store %arg9[%swap3A_1161], %gather3A_1160 {strides = array<i32>} : memref<512xi32, #tpu.memory_space<vmem>>, vector<16xi32>,
        %add3A_1163 = arith.constant 1 : i32
        %add3A_1164 = vector.broadcast %add3A_1163 : i32 to vector<16xi32>
        %add3A_1165 = arith.addi %add3A_1151, %add3A_1164 : vector<16xi32>
        %shift_right_arithmetic3A_1166 = arith.constant 7 : i32
        %shift_right_arithmetic3A_1167 = vector.broadcast %shift_right_arithmetic3A_1166 : i32 to vector<16xi32>
        %shift_right_arithmetic3A_1168 = arith.shrsi %add3A_1165, %shift_right_arithmetic3A_1167 : vector<16xi32>
        %add3A_1169 = arith.constant 1 : i32
        %add3A_1170 = vector.broadcast %add3A_1169 : i32 to vector<16xi32>
        %add3A_1171 = arith.addi %add3A_1151, %add3A_1170 : vector<16xi32>
        %and3A_1172 = arith.constant 127 : i32
        %and3A_1173 = vector.broadcast %and3A_1172 : i32 to vector<16xi32>
        %and3A_1174 = arith.andi %add3A_1171, %and3A_1173 : vector<16xi32>
        %gather3A_1175 = tpu.vector_load_idx %arg8[%shift_right_arithmetic3A_1168, %and3A_1174] : memref<16x128xi32, #tpu.memory_space<vmem>>[vector<16xi32>, vector<16xi32>], vector<16xi32>,
        %swap3A_1176 = arith.index_cast %add3A_1153 : i32 to index
        %swap3A_1177 = tpu.vector_load %arg10[%swap3A_1176] {strides = array<i32>} : memref<512xi32, #tpu.memory_space<vmem>>, vector<16xi32>,
        tpu.vector_store %arg10[%swap3A_1176], %gather3A_1175 {strides = array<i32>} : memref<512xi32, #tpu.memory_space<vmem>>, vector<16xi32>,
        %add3A_1178 = arith.constant 2 : i32
        %add3A_1179 = vector.broadcast %add3A_1178 : i32 to vector<16xi32>
        %add3A_1180 = arith.addi %add3A_1151, %add3A_1179 : vector<16xi32>
        %shift_right_arithmetic3A_1181 = arith.constant 7 : i32
        %shift_right_arithmetic3A_1182 = vector.broadcast %shift_right_arithmetic3A_1181 : i32 to vector<16xi32>
        %shift_right_arithmetic3A_1183 = arith.shrsi %add3A_1180, %shift_right_arithmetic3A_1182 : vector<16xi32>
        %add3A_1184 = arith.constant 2 : i32
        %add3A_1185 = vector.broadcast %add3A_1184 : i32 to vector<16xi32>
        %add3A_1186 = arith.addi %add3A_1151, %add3A_1185 : vector<16xi32>
        %and3A_1187 = arith.constant 127 : i32
        %and3A_1188 = vector.broadcast %and3A_1187 : i32 to vector<16xi32>
        %and3A_1189 = arith.andi %add3A_1186, %and3A_1188 : vector<16xi32>
        %gather3A_1190 = tpu.vector_load_idx %arg8[%shift_right_arithmetic3A_1183, %and3A_1189] : memref<16x128xi32, #tpu.memory_space<vmem>>[vector<16xi32>, vector<16xi32>], vector<16xi32>,
        %swap3A_1191 = arith.index_cast %add3A_1153 : i32 to index
        %swap3A_1192 = tpu.vector_load %arg11[%swap3A_1191] {strides = array<i32>} : memref<512xi32, #tpu.memory_space<vmem>>, vector<16xi32>,
        tpu.vector_store %arg11[%swap3A_1191], %gather3A_1190 {strides = array<i32>} : memref<512xi32, #tpu.memory_space<vmem>>, vector<16xi32>,
        %add3A_1193 = arith.constant 80 : i32
        %add3A_1194 = arith.addi %mul3A_903, %add3A_1193 : i32
        %mul3A_1195 = arith.constant 4 : i32
        %mul3A_1196 = arith.muli %add3A_1194, %mul3A_1195 : i32
        %add3A_1197 = vector.broadcast %mul3A_1196 : i32 to vector<16xi32>
        %add3A_1198 = arith.addi %add3A_1197, %mul3A_5 : vector<16xi32>
        %add3A_1199 = arith.constant 80 : i32
        %add3A_1200 = arith.addi %mul3A_903, %add3A_1199 : i32
        %shift_right_arithmetic3A_1201 = arith.constant 7 : i32
        %shift_right_arithmetic3A_1202 = vector.broadcast %shift_right_arithmetic3A_1201 : i32 to vector<16xi32>
        %shift_right_arithmetic3A_1203 = arith.shrsi %add3A_1198, %shift_right_arithmetic3A_1202 : vector<16xi32>
        %and3A_1204 = arith.constant 127 : i32
        %and3A_1205 = vector.broadcast %and3A_1204 : i32 to vector<16xi32>
        %and3A_1206 = arith.andi %add3A_1198, %and3A_1205 : vector<16xi32>
        %gather3A_1207 = tpu.vector_load_idx %arg8[%shift_right_arithmetic3A_1203, %and3A_1206] : memref<16x128xi32, #tpu.memory_space<vmem>>[vector<16xi32>, vector<16xi32>], vector<16xi32>,
        %swap3A_1208 = arith.index_cast %add3A_1200 : i32 to index
        %swap3A_1209 = tpu.vector_load %arg9[%swap3A_1208] {strides = array<i32>} : memref<512xi32, #tpu.memory_space<vmem>>, vector<16xi32>,
        tpu.vector_store %arg9[%swap3A_1208], %gather3A_1207 {strides = array<i32>} : memref<512xi32, #tpu.memory_space<vmem>>, vector<16xi32>,
        %add3A_1210 = arith.constant 1 : i32
        %add3A_1211 = vector.broadcast %add3A_1210 : i32 to vector<16xi32>
        %add3A_1212 = arith.addi %add3A_1198, %add3A_1211 : vector<16xi32>
        %shift_right_arithmetic3A_1213 = arith.constant 7 : i32
        %shift_right_arithmetic3A_1214 = vector.broadcast %shift_right_arithmetic3A_1213 : i32 to vector<16xi32>
        %shift_right_arithmetic3A_1215 = arith.shrsi %add3A_1212, %shift_right_arithmetic3A_1214 : vector<16xi32>
        %add3A_1216 = arith.constant 1 : i32
        %add3A_1217 = vector.broadcast %add3A_1216 : i32 to vector<16xi32>
        %add3A_1218 = arith.addi %add3A_1198, %add3A_1217 : vector<16xi32>
        %and3A_1219 = arith.constant 127 : i32
        %and3A_1220 = vector.broadcast %and3A_1219 : i32 to vector<16xi32>
        %and3A_1221 = arith.andi %add3A_1218, %and3A_1220 : vector<16xi32>
        %gather3A_1222 = tpu.vector_load_idx %arg8[%shift_right_arithmetic3A_1215, %and3A_1221] : memref<16x128xi32, #tpu.memory_space<vmem>>[vector<16xi32>, vector<16xi32>], vector<16xi32>,
        %swap3A_1223 = arith.index_cast %add3A_1200 : i32 to index
        %swap3A_1224 = tpu.vector_load %arg10[%swap3A_1223] {strides = array<i32>} : memref<512xi32, #tpu.memory_space<vmem>>, vector<16xi32>,
        tpu.vector_store %arg10[%swap3A_1223], %gather3A_1222 {strides = array<i32>} : memref<512xi32, #tpu.memory_space<vmem>>, vector<16xi32>,
        %add3A_1225 = arith.constant 2 : i32
        %add3A_1226 = vector.broadcast %add3A_1225 : i32 to vector<16xi32>
        %add3A_1227 = arith.addi %add3A_1198, %add3A_1226 : vector<16xi32>
        %shift_right_arithmetic3A_1228 = arith.constant 7 : i32
        %shift_right_arithmetic3A_1229 = vector.broadcast %shift_right_arithmetic3A_1228 : i32 to vector<16xi32>
        %shift_right_arithmetic3A_1230 = arith.shrsi %add3A_1227, %shift_right_arithmetic3A_1229 : vector<16xi32>
        %add3A_1231 = arith.constant 2 : i32
        %add3A_1232 = vector.broadcast %add3A_1231 : i32 to vector<16xi32>
        %add3A_1233 = arith.addi %add3A_1198, %add3A_1232 : vector<16xi32>
        %and3A_1234 = arith.constant 127 : i32
        %and3A_1235 = vector.broadcast %and3A_1234 : i32 to vector<16xi32>
        %and3A_1236 = arith.andi %add3A_1233, %and3A_1235 : vector<16xi32>
        %gather3A_1237 = tpu.vector_load_idx %arg8[%shift_right_arithmetic3A_1230, %and3A_1236] : memref<16x128xi32, #tpu.memory_space<vmem>>[vector<16xi32>, vector<16xi32>], vector<16xi32>,
        %swap3A_1238 = arith.index_cast %add3A_1200 : i32 to index
        %swap3A_1239 = tpu.vector_load %arg11[%swap3A_1238] {strides = array<i32>} : memref<512xi32, #tpu.memory_space<vmem>>, vector<16xi32>,
        tpu.vector_store %arg11[%swap3A_1238], %gather3A_1237 {strides = array<i32>} : memref<512xi32, #tpu.memory_space<vmem>>, vector<16xi32>,
        %add3A_1240 = arith.constant 96 : i32
        %add3A_1241 = arith.addi %mul3A_903, %add3A_1240 : i32
        %mul3A_1242 = arith.constant 4 : i32
        %mul3A_1243 = arith.muli %add3A_1241, %mul3A_1242 : i32
        %add3A_1244 = vector.broadcast %mul3A_1243 : i32 to vector<16xi32>
        %add3A_1245 = arith.addi %add3A_1244, %mul3A_5 : vector<16xi32>
        %add3A_1246 = arith.constant 96 : i32
        %add3A_1247 = arith.addi %mul3A_903, %add3A_1246 : i32
        %shift_right_arithmetic3A_1248 = arith.constant 7 : i32
        %shift_right_arithmetic3A_1249 = vector.broadcast %shift_right_arithmetic3A_1248 : i32 to vector<16xi32>
        %shift_right_arithmetic3A_1250 = arith.shrsi %add3A_1245, %shift_right_arithmetic3A_1249 : vector<16xi32>
        %and3A_1251 = arith.constant 127 : i32
        %and3A_1252 = vector.broadcast %and3A_1251 : i32 to vector<16xi32>
        %and3A_1253 = arith.andi %add3A_1245, %and3A_1252 : vector<16xi32>
        %gather3A_1254 = tpu.vector_load_idx %arg8[%shift_right_arithmetic3A_1250, %and3A_1253] : memref<16x128xi32, #tpu.memory_space<vmem>>[vector<16xi32>, vector<16xi32>], vector<16xi32>,
        %swap3A_1255 = arith.index_cast %add3A_1247 : i32 to index
        %swap3A_1256 = tpu.vector_load %arg9[%swap3A_1255] {strides = array<i32>} : memref<512xi32, #tpu.memory_space<vmem>>, vector<16xi32>,
        tpu.vector_store %arg9[%swap3A_1255], %gather3A_1254 {strides = array<i32>} : memref<512xi32, #tpu.memory_space<vmem>>, vector<16xi32>,
        %add3A_1257 = arith.constant 1 : i32
        %add3A_1258 = vector.broadcast %add3A_1257 : i32 to vector<16xi32>
        %add3A_1259 = arith.addi %add3A_1245, %add3A_1258 : vector<16xi32>
        %shift_right_arithmetic3A_1260 = arith.constant 7 : i32
        %shift_right_arithmetic3A_1261 = vector.broadcast %shift_right_arithmetic3A_1260 : i32 to vector<16xi32>
        %shift_right_arithmetic3A_1262 = arith.shrsi %add3A_1259, %shift_right_arithmetic3A_1261 : vector<16xi32>
        %add3A_1263 = arith.constant 1 : i32
        %add3A_1264 = vector.broadcast %add3A_1263 : i32 to vector<16xi32>
        %add3A_1265 = arith.addi %add3A_1245, %add3A_1264 : vector<16xi32>
        %and3A_1266 = arith.constant 127 : i32
        %and3A_1267 = vector.broadcast %and3A_1266 : i32 to vector<16xi32>
        %and3A_1268 = arith.andi %add3A_1265, %and3A_1267 : vector<16xi32>
        %gather3A_1269 = tpu.vector_load_idx %arg8[%shift_right_arithmetic3A_1262, %and3A_1268] : memref<16x128xi32, #tpu.memory_space<vmem>>[vector<16xi32>, vector<16xi32>], vector<16xi32>,
        %swap3A_1270 = arith.index_cast %add3A_1247 : i32 to index
        %swap3A_1271 = tpu.vector_load %arg10[%swap3A_1270] {strides = array<i32>} : memref<512xi32, #tpu.memory_space<vmem>>, vector<16xi32>,
        tpu.vector_store %arg10[%swap3A_1270], %gather3A_1269 {strides = array<i32>} : memref<512xi32, #tpu.memory_space<vmem>>, vector<16xi32>,
        %add3A_1272 = arith.constant 2 : i32
        %add3A_1273 = vector.broadcast %add3A_1272 : i32 to vector<16xi32>
        %add3A_1274 = arith.addi %add3A_1245, %add3A_1273 : vector<16xi32>
        %shift_right_arithmetic3A_1275 = arith.constant 7 : i32
        %shift_right_arithmetic3A_1276 = vector.broadcast %shift_right_arithmetic3A_1275 : i32 to vector<16xi32>
        %shift_right_arithmetic3A_1277 = arith.shrsi %add3A_1274, %shift_right_arithmetic3A_1276 : vector<16xi32>
        %add3A_1278 = arith.constant 2 : i32
        %add3A_1279 = vector.broadcast %add3A_1278 : i32 to vector<16xi32>
        %add3A_1280 = arith.addi %add3A_1245, %add3A_1279 : vector<16xi32>
        %and3A_1281 = arith.constant 127 : i32
        %and3A_1282 = vector.broadcast %and3A_1281 : i32 to vector<16xi32>
        %and3A_1283 = arith.andi %add3A_1280, %and3A_1282 : vector<16xi32>
        %gather3A_1284 = tpu.vector_load_idx %arg8[%shift_right_arithmetic3A_1277, %and3A_1283] : memref<16x128xi32, #tpu.memory_space<vmem>>[vector<16xi32>, vector<16xi32>], vector<16xi32>,
        %swap3A_1285 = arith.index_cast %add3A_1247 : i32 to index
        %swap3A_1286 = tpu.vector_load %arg11[%swap3A_1285] {strides = array<i32>} : memref<512xi32, #tpu.memory_space<vmem>>, vector<16xi32>,
        tpu.vector_store %arg11[%swap3A_1285], %gather3A_1284 {strides = array<i32>} : memref<512xi32, #tpu.memory_space<vmem>>, vector<16xi32>,
        %add3A_1287 = arith.constant 112 : i32
        %add3A_1288 = arith.addi %mul3A_903, %add3A_1287 : i32
        %mul3A_1289 = arith.constant 4 : i32
        %mul3A_1290 = arith.muli %add3A_1288, %mul3A_1289 : i32
        %add3A_1291 = vector.broadcast %mul3A_1290 : i32 to vector<16xi32>
        %add3A_1292 = arith.addi %add3A_1291, %mul3A_5 : vector<16xi32>
        %add3A_1293 = arith.constant 112 : i32
        %add3A_1294 = arith.addi %mul3A_903, %add3A_1293 : i32
        %shift_right_arithmetic3A_1295 = arith.constant 7 : i32
        %shift_right_arithmetic3A_1296 = vector.broadcast %shift_right_arithmetic3A_1295 : i32 to vector<16xi32>
        %shift_right_arithmetic3A_1297 = arith.shrsi %add3A_1292, %shift_right_arithmetic3A_1296 : vector<16xi32>
        %and3A_1298 = arith.constant 127 : i32
        %and3A_1299 = vector.broadcast %and3A_1298 : i32 to vector<16xi32>
        %and3A_1300 = arith.andi %add3A_1292, %and3A_1299 : vector<16xi32>
        %gather3A_1301 = tpu.vector_load_idx %arg8[%shift_right_arithmetic3A_1297, %and3A_1300] : memref<16x128xi32, #tpu.memory_space<vmem>>[vector<16xi32>, vector<16xi32>], vector<16xi32>,
        %swap3A_1302 = arith.index_cast %add3A_1294 : i32 to index
        %swap3A_1303 = tpu.vector_load %arg9[%swap3A_1302] {strides = array<i32>} : memref<512xi32, #tpu.memory_space<vmem>>, vector<16xi32>,
        tpu.vector_store %arg9[%swap3A_1302], %gather3A_1301 {strides = array<i32>} : memref<512xi32, #tpu.memory_space<vmem>>, vector<16xi32>,
        %add3A_1304 = arith.constant 1 : i32
        %add3A_1305 = vector.broadcast %add3A_1304 : i32 to vector<16xi32>
        %add3A_1306 = arith.addi %add3A_1292, %add3A_1305 : vector<16xi32>
        %shift_right_arithmetic3A_1307 = arith.constant 7 : i32
        %shift_right_arithmetic3A_1308 = vector.broadcast %shift_right_arithmetic3A_1307 : i32 to vector<16xi32>
        %shift_right_arithmetic3A_1309 = arith.shrsi %add3A_1306, %shift_right_arithmetic3A_1308 : vector<16xi32>
        %add3A_1310 = arith.constant 1 : i32
        %add3A_1311 = vector.broadcast %add3A_1310 : i32 to vector<16xi32>
        %add3A_1312 = arith.addi %add3A_1292, %add3A_1311 : vector<16xi32>
        %and3A_1313 = arith.constant 127 : i32
        %and3A_1314 = vector.broadcast %and3A_1313 : i32 to vector<16xi32>
        %and3A_1315 = arith.andi %add3A_1312, %and3A_1314 : vector<16xi32>
        %gather3A_1316 = tpu.vector_load_idx %arg8[%shift_right_arithmetic3A_1309, %and3A_1315] : memref<16x128xi32, #tpu.memory_space<vmem>>[vector<16xi32>, vector<16xi32>], vector<16xi32>,
        %swap3A_1317 = arith.index_cast %add3A_1294 : i32 to index
        %swap3A_1318 = tpu.vector_load %arg10[%swap3A_1317] {strides = array<i32>} : memref<512xi32, #tpu.memory_space<vmem>>, vector<16xi32>,
        tpu.vector_store %arg10[%swap3A_1317], %gather3A_1316 {strides = array<i32>} : memref<512xi32, #tpu.memory_space<vmem>>, vector<16xi32>,
        %add3A_1319 = arith.constant 2 : i32
        %add3A_1320 = vector.broadcast %add3A_1319 : i32 to vector<16xi32>
        %add3A_1321 = arith.addi %add3A_1292, %add3A_1320 : vector<16xi32>
        %shift_right_arithmetic3A_1322 = arith.constant 7 : i32
        %shift_right_arithmetic3A_1323 = vector.broadcast %shift_right_arithmetic3A_1322 : i32 to vector<16xi32>
        %shift_right_arithmetic3A_1324 = arith.shrsi %add3A_1321, %shift_right_arithmetic3A_1323 : vector<16xi32>
        %add3A_1325 = arith.constant 2 : i32
        %add3A_1326 = vector.broadcast %add3A_1325 : i32 to vector<16xi32>
        %add3A_1327 = arith.addi %add3A_1292, %add3A_1326 : vector<16xi32>
        %and3A_1328 = arith.constant 127 : i32
        %and3A_1329 = vector.broadcast %and3A_1328 : i32 to vector<16xi32>
        %and3A_1330 = arith.andi %add3A_1327, %and3A_1329 : vector<16xi32>
        %gather3A_1331 = tpu.vector_load_idx %arg8[%shift_right_arithmetic3A_1324, %and3A_1330] : memref<16x128xi32, #tpu.memory_space<vmem>>[vector<16xi32>, vector<16xi32>], vector<16xi32>,
        %swap3A_1332 = arith.index_cast %add3A_1294 : i32 to index
        %swap3A_1333 = tpu.vector_load %arg11[%swap3A_1332] {strides = array<i32>} : memref<512xi32, #tpu.memory_space<vmem>>, vector<16xi32>,
        tpu.vector_store %arg11[%swap3A_1332], %gather3A_1331 {strides = array<i32>} : memref<512xi32, #tpu.memory_space<vmem>>, vector<16xi32>,
        %add3A_1334 = arith.constant 128 : i32
        %add3A_1335 = arith.addi %mul3A_903, %add3A_1334 : i32
        %mul3A_1336 = arith.constant 4 : i32
        %mul3A_1337 = arith.muli %add3A_1335, %mul3A_1336 : i32
        %add3A_1338 = vector.broadcast %mul3A_1337 : i32 to vector<16xi32>
        %add3A_1339 = arith.addi %add3A_1338, %mul3A_5 : vector<16xi32>
        %add3A_1340 = arith.constant 128 : i32
        %add3A_1341 = arith.addi %mul3A_903, %add3A_1340 : i32
        %shift_right_arithmetic3A_1342 = arith.constant 7 : i32
        %shift_right_arithmetic3A_1343 = vector.broadcast %shift_right_arithmetic3A_1342 : i32 to vector<16xi32>
        %shift_right_arithmetic3A_1344 = arith.shrsi %add3A_1339, %shift_right_arithmetic3A_1343 : vector<16xi32>
        %and3A_1345 = arith.constant 127 : i32
        %and3A_1346 = vector.broadcast %and3A_1345 : i32 to vector<16xi32>
        %and3A_1347 = arith.andi %add3A_1339, %and3A_1346 : vector<16xi32>
        %gather3A_1348 = tpu.vector_load_idx %arg8[%shift_right_arithmetic3A_1344, %and3A_1347] : memref<16x128xi32, #tpu.memory_space<vmem>>[vector<16xi32>, vector<16xi32>], vector<16xi32>,
        %swap3A_1349 = arith.index_cast %add3A_1341 : i32 to index
        %swap3A_1350 = tpu.vector_load %arg9[%swap3A_1349] {strides = array<i32>} : memref<512xi32, #tpu.memory_space<vmem>>, vector<16xi32>,
        tpu.vector_store %arg9[%swap3A_1349], %gather3A_1348 {strides = array<i32>} : memref<512xi32, #tpu.memory_space<vmem>>, vector<16xi32>,
        %add3A_1351 = arith.constant 1 : i32
        %add3A_1352 = vector.broadcast %add3A_1351 : i32 to vector<16xi32>
        %add3A_1353 = arith.addi %add3A_1339, %add3A_1352 : vector<16xi32>
        %shift_right_arithmetic3A_1354 = arith.constant 7 : i32
        %shift_right_arithmetic3A_1355 = vector.broadcast %shift_right_arithmetic3A_1354 : i32 to vector<16xi32>
        %shift_right_arithmetic3A_1356 = arith.shrsi %add3A_1353, %shift_right_arithmetic3A_1355 : vector<16xi32>
        %add3A_1357 = arith.constant 1 : i32
        %add3A_1358 = vector.broadcast %add3A_1357 : i32 to vector<16xi32>
        %add3A_1359 = arith.addi %add3A_1339, %add3A_1358 : vector<16xi32>
        %and3A_1360 = arith.constant 127 : i32
        %and3A_1361 = vector.broadcast %and3A_1360 : i32 to vector<16xi32>
        %and3A_1362 = arith.andi %add3A_1359, %and3A_1361 : vector<16xi32>
        %gather3A_1363 = tpu.vector_load_idx %arg8[%shift_right_arithmetic3A_1356, %and3A_1362] : memref<16x128xi32, #tpu.memory_space<vmem>>[vector<16xi32>, vector<16xi32>], vector<16xi32>,
        %swap3A_1364 = arith.index_cast %add3A_1341 : i32 to index
        %swap3A_1365 = tpu.vector_load %arg10[%swap3A_1364] {strides = array<i32>} : memref<512xi32, #tpu.memory_space<vmem>>, vector<16xi32>,
        tpu.vector_store %arg10[%swap3A_1364], %gather3A_1363 {strides = array<i32>} : memref<512xi32, #tpu.memory_space<vmem>>, vector<16xi32>,
        %add3A_1366 = arith.constant 2 : i32
        %add3A_1367 = vector.broadcast %add3A_1366 : i32 to vector<16xi32>
        %add3A_1368 = arith.addi %add3A_1339, %add3A_1367 : vector<16xi32>
        %shift_right_arithmetic3A_1369 = arith.constant 7 : i32
        %shift_right_arithmetic3A_1370 = vector.broadcast %shift_right_arithmetic3A_1369 : i32 to vector<16xi32>
        %shift_right_arithmetic3A_1371 = arith.shrsi %add3A_1368, %shift_right_arithmetic3A_1370 : vector<16xi32>
        %add3A_1372 = arith.constant 2 : i32
        %add3A_1373 = vector.broadcast %add3A_1372 : i32 to vector<16xi32>
        %add3A_1374 = arith.addi %add3A_1339, %add3A_1373 : vector<16xi32>
        %and3A_1375 = arith.constant 127 : i32
        %and3A_1376 = vector.broadcast %and3A_1375 : i32 to vector<16xi32>
        %and3A_1377 = arith.andi %add3A_1374, %and3A_1376 : vector<16xi32>
        %gather3A_1378 = tpu.vector_load_idx %arg8[%shift_right_arithmetic3A_1371, %and3A_1377] : memref<16x128xi32, #tpu.memory_space<vmem>>[vector<16xi32>, vector<16xi32>], vector<16xi32>,
        %swap3A_1379 = arith.index_cast %add3A_1341 : i32 to index
        %swap3A_1380 = tpu.vector_load %arg11[%swap3A_1379] {strides = array<i32>} : memref<512xi32, #tpu.memory_space<vmem>>, vector<16xi32>,
        tpu.vector_store %arg11[%swap3A_1379], %gather3A_1378 {strides = array<i32>} : memref<512xi32, #tpu.memory_space<vmem>>, vector<16xi32>,
        %add3A_1381 = arith.constant 144 : i32
        %add3A_1382 = arith.addi %mul3A_903, %add3A_1381 : i32
        %mul3A_1383 = arith.constant 4 : i32
        %mul3A_1384 = arith.muli %add3A_1382, %mul3A_1383 : i32
        %add3A_1385 = vector.broadcast %mul3A_1384 : i32 to vector<16xi32>
        %add3A_1386 = arith.addi %add3A_1385, %mul3A_5 : vector<16xi32>
        %add3A_1387 = arith.constant 144 : i32
        %add3A_1388 = arith.addi %mul3A_903, %add3A_1387 : i32
        %shift_right_arithmetic3A_1389 = arith.constant 7 : i32
        %shift_right_arithmetic3A_1390 = vector.broadcast %shift_right_arithmetic3A_1389 : i32 to vector<16xi32>
        %shift_right_arithmetic3A_1391 = arith.shrsi %add3A_1386, %shift_right_arithmetic3A_1390 : vector<16xi32>
        %and3A_1392 = arith.constant 127 : i32
        %and3A_1393 = vector.broadcast %and3A_1392 : i32 to vector<16xi32>
        %and3A_1394 = arith.andi %add3A_1386, %and3A_1393 : vector<16xi32>
        %gather3A_1395 = tpu.vector_load_idx %arg8[%shift_right_arithmetic3A_1391, %and3A_1394] : memref<16x128xi32, #tpu.memory_space<vmem>>[vector<16xi32>, vector<16xi32>], vector<16xi32>,
        %swap3A_1396 = arith.index_cast %add3A_1388 : i32 to index
        %swap3A_1397 = tpu.vector_load %arg9[%swap3A_1396] {strides = array<i32>} : memref<512xi32, #tpu.memory_space<vmem>>, vector<16xi32>,
        tpu.vector_store %arg9[%swap3A_1396], %gather3A_1395 {strides = array<i32>} : memref<512xi32, #tpu.memory_space<vmem>>, vector<16xi32>,
        %add3A_1398 = arith.constant 1 : i32
        %add3A_1399 = vector.broadcast %add3A_1398 : i32 to vector<16xi32>
        %add3A_1400 = arith.addi %add3A_1386, %add3A_1399 : vector<16xi32>
        %shift_right_arithmetic3A_1401 = arith.constant 7 : i32
        %shift_right_arithmetic3A_1402 = vector.broadcast %shift_right_arithmetic3A_1401 : i32 to vector<16xi32>
        %shift_right_arithmetic3A_1403 = arith.shrsi %add3A_1400, %shift_right_arithmetic3A_1402 : vector<16xi32>
        %add3A_1404 = arith.constant 1 : i32
        %add3A_1405 = vector.broadcast %add3A_1404 : i32 to vector<16xi32>
        %add3A_1406 = arith.addi %add3A_1386, %add3A_1405 : vector<16xi32>
        %and3A_1407 = arith.constant 127 : i32
        %and3A_1408 = vector.broadcast %and3A_1407 : i32 to vector<16xi32>
        %and3A_1409 = arith.andi %add3A_1406, %and3A_1408 : vector<16xi32>
        %gather3A_1410 = tpu.vector_load_idx %arg8[%shift_right_arithmetic3A_1403, %and3A_1409] : memref<16x128xi32, #tpu.memory_space<vmem>>[vector<16xi32>, vector<16xi32>], vector<16xi32>,
        %swap3A_1411 = arith.index_cast %add3A_1388 : i32 to index
        %swap3A_1412 = tpu.vector_load %arg10[%swap3A_1411] {strides = array<i32>} : memref<512xi32, #tpu.memory_space<vmem>>, vector<16xi32>,
        tpu.vector_store %arg10[%swap3A_1411], %gather3A_1410 {strides = array<i32>} : memref<512xi32, #tpu.memory_space<vmem>>, vector<16xi32>,
        %add3A_1413 = arith.constant 2 : i32
        %add3A_1414 = vector.broadcast %add3A_1413 : i32 to vector<16xi32>
        %add3A_1415 = arith.addi %add3A_1386, %add3A_1414 : vector<16xi32>
        %shift_right_arithmetic3A_1416 = arith.constant 7 : i32
        %shift_right_arithmetic3A_1417 = vector.broadcast %shift_right_arithmetic3A_1416 : i32 to vector<16xi32>
        %shift_right_arithmetic3A_1418 = arith.shrsi %add3A_1415, %shift_right_arithmetic3A_1417 : vector<16xi32>
        %add3A_1419 = arith.constant 2 : i32
        %add3A_1420 = vector.broadcast %add3A_1419 : i32 to vector<16xi32>
        %add3A_1421 = arith.addi %add3A_1386, %add3A_1420 : vector<16xi32>
        %and3A_1422 = arith.constant 127 : i32
        %and3A_1423 = vector.broadcast %and3A_1422 : i32 to vector<16xi32>
        %and3A_1424 = arith.andi %add3A_1421, %and3A_1423 : vector<16xi32>
        %gather3A_1425 = tpu.vector_load_idx %arg8[%shift_right_arithmetic3A_1418, %and3A_1424] : memref<16x128xi32, #tpu.memory_space<vmem>>[vector<16xi32>, vector<16xi32>], vector<16xi32>,
        %swap3A_1426 = arith.index_cast %add3A_1388 : i32 to index
        %swap3A_1427 = tpu.vector_load %arg11[%swap3A_1426] {strides = array<i32>} : memref<512xi32, #tpu.memory_space<vmem>>, vector<16xi32>,
        tpu.vector_store %arg11[%swap3A_1426], %gather3A_1425 {strides = array<i32>} : memref<512xi32, #tpu.memory_space<vmem>>, vector<16xi32>,
        %add3A_1428 = arith.constant 160 : i32
        %add3A_1429 = arith.addi %mul3A_903, %add3A_1428 : i32
        %mul3A_1430 = arith.constant 4 : i32
        %mul3A_1431 = arith.muli %add3A_1429, %mul3A_1430 : i32
        %add3A_1432 = vector.broadcast %mul3A_1431 : i32 to vector<16xi32>
        %add3A_1433 = arith.addi %add3A_1432, %mul3A_5 : vector<16xi32>
        %add3A_1434 = arith.constant 160 : i32
        %add3A_1435 = arith.addi %mul3A_903, %add3A_1434 : i32
        %shift_right_arithmetic3A_1436 = arith.constant 7 : i32
        %shift_right_arithmetic3A_1437 = vector.broadcast %shift_right_arithmetic3A_1436 : i32 to vector<16xi32>
        %shift_right_arithmetic3A_1438 = arith.shrsi %add3A_1433, %shift_right_arithmetic3A_1437 : vector<16xi32>
        %and3A_1439 = arith.constant 127 : i32
        %and3A_1440 = vector.broadcast %and3A_1439 : i32 to vector<16xi32>
        %and3A_1441 = arith.andi %add3A_1433, %and3A_1440 : vector<16xi32>
        %gather3A_1442 = tpu.vector_load_idx %arg8[%shift_right_arithmetic3A_1438, %and3A_1441] : memref<16x128xi32, #tpu.memory_space<vmem>>[vector<16xi32>, vector<16xi32>], vector<16xi32>,
        %swap3A_1443 = arith.index_cast %add3A_1435 : i32 to index
        %swap3A_1444 = tpu.vector_load %arg9[%swap3A_1443] {strides = array<i32>} : memref<512xi32, #tpu.memory_space<vmem>>, vector<16xi32>,
        tpu.vector_store %arg9[%swap3A_1443], %gather3A_1442 {strides = array<i32>} : memref<512xi32, #tpu.memory_space<vmem>>, vector<16xi32>,
        %add3A_1445 = arith.constant 1 : i32
        %add3A_1446 = vector.broadcast %add3A_1445 : i32 to vector<16xi32>
        %add3A_1447 = arith.addi %add3A_1433, %add3A_1446 : vector<16xi32>
        %shift_right_arithmetic3A_1448 = arith.constant 7 : i32
        %shift_right_arithmetic3A_1449 = vector.broadcast %shift_right_arithmetic3A_1448 : i32 to vector<16xi32>
        %shift_right_arithmetic3A_1450 = arith.shrsi %add3A_1447, %shift_right_arithmetic3A_1449 : vector<16xi32>
        %add3A_1451 = arith.constant 1 : i32
        %add3A_1452 = vector.broadcast %add3A_1451 : i32 to vector<16xi32>
        %add3A_1453 = arith.addi %add3A_1433, %add3A_1452 : vector<16xi32>
        %and3A_1454 = arith.constant 127 : i32
        %and3A_1455 = vector.broadcast %and3A_1454 : i32 to vector<16xi32>
        %and3A_1456 = arith.andi %add3A_1453, %and3A_1455 : vector<16xi32>
        %gather3A_1457 = tpu.vector_load_idx %arg8[%shift_right_arithmetic3A_1450, %and3A_1456] : memref<16x128xi32, #tpu.memory_space<vmem>>[vector<16xi32>, vector<16xi32>], vector<16xi32>,
        %swap3A_1458 = arith.index_cast %add3A_1435 : i32 to index
        %swap3A_1459 = tpu.vector_load %arg10[%swap3A_1458] {strides = array<i32>} : memref<512xi32, #tpu.memory_space<vmem>>, vector<16xi32>,
        tpu.vector_store %arg10[%swap3A_1458], %gather3A_1457 {strides = array<i32>} : memref<512xi32, #tpu.memory_space<vmem>>, vector<16xi32>,
        %add3A_1460 = arith.constant 2 : i32
        %add3A_1461 = vector.broadcast %add3A_1460 : i32 to vector<16xi32>
        %add3A_1462 = arith.addi %add3A_1433, %add3A_1461 : vector<16xi32>
        %shift_right_arithmetic3A_1463 = arith.constant 7 : i32
        %shift_right_arithmetic3A_1464 = vector.broadcast %shift_right_arithmetic3A_1463 : i32 to vector<16xi32>
        %shift_right_arithmetic3A_1465 = arith.shrsi %add3A_1462, %shift_right_arithmetic3A_1464 : vector<16xi32>
        %add3A_1466 = arith.constant 2 : i32
        %add3A_1467 = vector.broadcast %add3A_1466 : i32 to vector<16xi32>
        %add3A_1468 = arith.addi %add3A_1433, %add3A_1467 : vector<16xi32>
        %and3A_1469 = arith.constant 127 : i32
        %and3A_1470 = vector.broadcast %and3A_1469 : i32 to vector<16xi32>
        %and3A_1471 = arith.andi %add3A_1468, %and3A_1470 : vector<16xi32>
        %gather3A_1472 = tpu.vector_load_idx %arg8[%shift_right_arithmetic3A_1465, %and3A_1471] : memref<16x128xi32, #tpu.memory_space<vmem>>[vector<16xi32>, vector<16xi32>], vector<16xi32>,
        %swap3A_1473 = arith.index_cast %add3A_1435 : i32 to index
        %swap3A_1474 = tpu.vector_load %arg11[%swap3A_1473] {strides = array<i32>} : memref<512xi32, #tpu.memory_space<vmem>>, vector<16xi32>,
        tpu.vector_store %arg11[%swap3A_1473], %gather3A_1472 {strides = array<i32>} : memref<512xi32, #tpu.memory_space<vmem>>, vector<16xi32>,
        %add3A_1475 = arith.constant 176 : i32
        %add3A_1476 = arith.addi %mul3A_903, %add3A_1475 : i32
        %mul3A_1477 = arith.constant 4 : i32
        %mul3A_1478 = arith.muli %add3A_1476, %mul3A_1477 : i32
        %add3A_1479 = vector.broadcast %mul3A_1478 : i32 to vector<16xi32>
        %add3A_1480 = arith.addi %add3A_1479, %mul3A_5 : vector<16xi32>
        %add3A_1481 = arith.constant 176 : i32
        %add3A_1482 = arith.addi %mul3A_903, %add3A_1481 : i32
        %shift_right_arithmetic3A_1483 = arith.constant 7 : i32
        %shift_right_arithmetic3A_1484 = vector.broadcast %shift_right_arithmetic3A_1483 : i32 to vector<16xi32>
        %shift_right_arithmetic3A_1485 = arith.shrsi %add3A_1480, %shift_right_arithmetic3A_1484 : vector<16xi32>
        %and3A_1486 = arith.constant 127 : i32
        %and3A_1487 = vector.broadcast %and3A_1486 : i32 to vector<16xi32>
        %and3A_1488 = arith.andi %add3A_1480, %and3A_1487 : vector<16xi32>
        %gather3A_1489 = tpu.vector_load_idx %arg8[%shift_right_arithmetic3A_1485, %and3A_1488] : memref<16x128xi32, #tpu.memory_space<vmem>>[vector<16xi32>, vector<16xi32>], vector<16xi32>,
        %swap3A_1490 = arith.index_cast %add3A_1482 : i32 to index
        %swap3A_1491 = tpu.vector_load %arg9[%swap3A_1490] {strides = array<i32>} : memref<512xi32, #tpu.memory_space<vmem>>, vector<16xi32>,
        tpu.vector_store %arg9[%swap3A_1490], %gather3A_1489 {strides = array<i32>} : memref<512xi32, #tpu.memory_space<vmem>>, vector<16xi32>,
        %add3A_1492 = arith.constant 1 : i32
        %add3A_1493 = vector.broadcast %add3A_1492 : i32 to vector<16xi32>
        %add3A_1494 = arith.addi %add3A_1480, %add3A_1493 : vector<16xi32>
        %shift_right_arithmetic3A_1495 = arith.constant 7 : i32
        %shift_right_arithmetic3A_1496 = vector.broadcast %shift_right_arithmetic3A_1495 : i32 to vector<16xi32>
        %shift_right_arithmetic3A_1497 = arith.shrsi %add3A_1494, %shift_right_arithmetic3A_1496 : vector<16xi32>
        %add3A_1498 = arith.constant 1 : i32
        %add3A_1499 = vector.broadcast %add3A_1498 : i32 to vector<16xi32>
        %add3A_1500 = arith.addi %add3A_1480, %add3A_1499 : vector<16xi32>
        %and3A_1501 = arith.constant 127 : i32
        %and3A_1502 = vector.broadcast %and3A_1501 : i32 to vector<16xi32>
        %and3A_1503 = arith.andi %add3A_1500, %and3A_1502 : vector<16xi32>
        %gather3A_1504 = tpu.vector_load_idx %arg8[%shift_right_arithmetic3A_1497, %and3A_1503] : memref<16x128xi32, #tpu.memory_space<vmem>>[vector<16xi32>, vector<16xi32>], vector<16xi32>,
        %swap3A_1505 = arith.index_cast %add3A_1482 : i32 to index
        %swap3A_1506 = tpu.vector_load %arg10[%swap3A_1505] {strides = array<i32>} : memref<512xi32, #tpu.memory_space<vmem>>, vector<16xi32>,
        tpu.vector_store %arg10[%swap3A_1505], %gather3A_1504 {strides = array<i32>} : memref<512xi32, #tpu.memory_space<vmem>>, vector<16xi32>,
        %add3A_1507 = arith.constant 2 : i32
        %add3A_1508 = vector.broadcast %add3A_1507 : i32 to vector<16xi32>
        %add3A_1509 = arith.addi %add3A_1480, %add3A_1508 : vector<16xi32>
        %shift_right_arithmetic3A_1510 = arith.constant 7 : i32
        %shift_right_arithmetic3A_1511 = vector.broadcast %shift_right_arithmetic3A_1510 : i32 to vector<16xi32>
        %shift_right_arithmetic3A_1512 = arith.shrsi %add3A_1509, %shift_right_arithmetic3A_1511 : vector<16xi32>
        %add3A_1513 = arith.constant 2 : i32
        %add3A_1514 = vector.broadcast %add3A_1513 : i32 to vector<16xi32>
        %add3A_1515 = arith.addi %add3A_1480, %add3A_1514 : vector<16xi32>
        %and3A_1516 = arith.constant 127 : i32
        %and3A_1517 = vector.broadcast %and3A_1516 : i32 to vector<16xi32>
        %and3A_1518 = arith.andi %add3A_1515, %and3A_1517 : vector<16xi32>
        %gather3A_1519 = tpu.vector_load_idx %arg8[%shift_right_arithmetic3A_1512, %and3A_1518] : memref<16x128xi32, #tpu.memory_space<vmem>>[vector<16xi32>, vector<16xi32>], vector<16xi32>,
        %swap3A_1520 = arith.index_cast %add3A_1482 : i32 to index
        %swap3A_1521 = tpu.vector_load %arg11[%swap3A_1520] {strides = array<i32>} : memref<512xi32, #tpu.memory_space<vmem>>, vector<16xi32>,
        tpu.vector_store %arg11[%swap3A_1520], %gather3A_1519 {strides = array<i32>} : memref<512xi32, #tpu.memory_space<vmem>>, vector<16xi32>,
        %add3A_1522 = arith.constant 192 : i32
        %add3A_1523 = arith.addi %mul3A_903, %add3A_1522 : i32
        %mul3A_1524 = arith.constant 4 : i32
        %mul3A_1525 = arith.muli %add3A_1523, %mul3A_1524 : i32
        %add3A_1526 = vector.broadcast %mul3A_1525 : i32 to vector<16xi32>
        %add3A_1527 = arith.addi %add3A_1526, %mul3A_5 : vector<16xi32>
        %add3A_1528 = arith.constant 192 : i32
        %add3A_1529 = arith.addi %mul3A_903, %add3A_1528 : i32
        %shift_right_arithmetic3A_1530 = arith.constant 7 : i32
        %shift_right_arithmetic3A_1531 = vector.broadcast %shift_right_arithmetic3A_1530 : i32 to vector<16xi32>
        %shift_right_arithmetic3A_1532 = arith.shrsi %add3A_1527, %shift_right_arithmetic3A_1531 : vector<16xi32>
        %and3A_1533 = arith.constant 127 : i32
        %and3A_1534 = vector.broadcast %and3A_1533 : i32 to vector<16xi32>
        %and3A_1535 = arith.andi %add3A_1527, %and3A_1534 : vector<16xi32>
        %gather3A_1536 = tpu.vector_load_idx %arg8[%shift_right_arithmetic3A_1532, %and3A_1535] : memref<16x128xi32, #tpu.memory_space<vmem>>[vector<16xi32>, vector<16xi32>], vector<16xi32>,
        %swap3A_1537 = arith.index_cast %add3A_1529 : i32 to index
        %swap3A_1538 = tpu.vector_load %arg9[%swap3A_1537] {strides = array<i32>} : memref<512xi32, #tpu.memory_space<vmem>>, vector<16xi32>,
        tpu.vector_store %arg9[%swap3A_1537], %gather3A_1536 {strides = array<i32>} : memref<512xi32, #tpu.memory_space<vmem>>, vector<16xi32>,
        %add3A_1539 = arith.constant 1 : i32
        %add3A_1540 = vector.broadcast %add3A_1539 : i32 to vector<16xi32>
        %add3A_1541 = arith.addi %add3A_1527, %add3A_1540 : vector<16xi32>
        %shift_right_arithmetic3A_1542 = arith.constant 7 : i32
        %shift_right_arithmetic3A_1543 = vector.broadcast %shift_right_arithmetic3A_1542 : i32 to vector<16xi32>
        %shift_right_arithmetic3A_1544 = arith.shrsi %add3A_1541, %shift_right_arithmetic3A_1543 : vector<16xi32>
        %add3A_1545 = arith.constant 1 : i32
        %add3A_1546 = vector.broadcast %add3A_1545 : i32 to vector<16xi32>
        %add3A_1547 = arith.addi %add3A_1527, %add3A_1546 : vector<16xi32>
        %and3A_1548 = arith.constant 127 : i32
        %and3A_1549 = vector.broadcast %and3A_1548 : i32 to vector<16xi32>
        %and3A_1550 = arith.andi %add3A_1547, %and3A_1549 : vector<16xi32>
        %gather3A_1551 = tpu.vector_load_idx %arg8[%shift_right_arithmetic3A_1544, %and3A_1550] : memref<16x128xi32, #tpu.memory_space<vmem>>[vector<16xi32>, vector<16xi32>], vector<16xi32>,
        %swap3A_1552 = arith.index_cast %add3A_1529 : i32 to index
        %swap3A_1553 = tpu.vector_load %arg10[%swap3A_1552] {strides = array<i32>} : memref<512xi32, #tpu.memory_space<vmem>>, vector<16xi32>,
        tpu.vector_store %arg10[%swap3A_1552], %gather3A_1551 {strides = array<i32>} : memref<512xi32, #tpu.memory_space<vmem>>, vector<16xi32>,
        %add3A_1554 = arith.constant 2 : i32
        %add3A_1555 = vector.broadcast %add3A_1554 : i32 to vector<16xi32>
        %add3A_1556 = arith.addi %add3A_1527, %add3A_1555 : vector<16xi32>
        %shift_right_arithmetic3A_1557 = arith.constant 7 : i32
        %shift_right_arithmetic3A_1558 = vector.broadcast %shift_right_arithmetic3A_1557 : i32 to vector<16xi32>
        %shift_right_arithmetic3A_1559 = arith.shrsi %add3A_1556, %shift_right_arithmetic3A_1558 : vector<16xi32>
        %add3A_1560 = arith.constant 2 : i32
        %add3A_1561 = vector.broadcast %add3A_1560 : i32 to vector<16xi32>
        %add3A_1562 = arith.addi %add3A_1527, %add3A_1561 : vector<16xi32>
        %and3A_1563 = arith.constant 127 : i32
        %and3A_1564 = vector.broadcast %and3A_1563 : i32 to vector<16xi32>
        %and3A_1565 = arith.andi %add3A_1562, %and3A_1564 : vector<16xi32>
        %gather3A_1566 = tpu.vector_load_idx %arg8[%shift_right_arithmetic3A_1559, %and3A_1565] : memref<16x128xi32, #tpu.memory_space<vmem>>[vector<16xi32>, vector<16xi32>], vector<16xi32>,
        %swap3A_1567 = arith.index_cast %add3A_1529 : i32 to index
        %swap3A_1568 = tpu.vector_load %arg11[%swap3A_1567] {strides = array<i32>} : memref<512xi32, #tpu.memory_space<vmem>>, vector<16xi32>,
        tpu.vector_store %arg11[%swap3A_1567], %gather3A_1566 {strides = array<i32>} : memref<512xi32, #tpu.memory_space<vmem>>, vector<16xi32>,
        %add3A_1569 = arith.constant 208 : i32
        %add3A_1570 = arith.addi %mul3A_903, %add3A_1569 : i32
        %mul3A_1571 = arith.constant 4 : i32
        %mul3A_1572 = arith.muli %add3A_1570, %mul3A_1571 : i32
        %add3A_1573 = vector.broadcast %mul3A_1572 : i32 to vector<16xi32>
        %add3A_1574 = arith.addi %add3A_1573, %mul3A_5 : vector<16xi32>
        %add3A_1575 = arith.constant 208 : i32
        %add3A_1576 = arith.addi %mul3A_903, %add3A_1575 : i32
        %shift_right_arithmetic3A_1577 = arith.constant 7 : i32
        %shift_right_arithmetic3A_1578 = vector.broadcast %shift_right_arithmetic3A_1577 : i32 to vector<16xi32>
        %shift_right_arithmetic3A_1579 = arith.shrsi %add3A_1574, %shift_right_arithmetic3A_1578 : vector<16xi32>
        %and3A_1580 = arith.constant 127 : i32
        %and3A_1581 = vector.broadcast %and3A_1580 : i32 to vector<16xi32>
        %and3A_1582 = arith.andi %add3A_1574, %and3A_1581 : vector<16xi32>
        %gather3A_1583 = tpu.vector_load_idx %arg8[%shift_right_arithmetic3A_1579, %and3A_1582] : memref<16x128xi32, #tpu.memory_space<vmem>>[vector<16xi32>, vector<16xi32>], vector<16xi32>,
        %swap3A_1584 = arith.index_cast %add3A_1576 : i32 to index
        %swap3A_1585 = tpu.vector_load %arg9[%swap3A_1584] {strides = array<i32>} : memref<512xi32, #tpu.memory_space<vmem>>, vector<16xi32>,
        tpu.vector_store %arg9[%swap3A_1584], %gather3A_1583 {strides = array<i32>} : memref<512xi32, #tpu.memory_space<vmem>>, vector<16xi32>,
        %add3A_1586 = arith.constant 1 : i32
        %add3A_1587 = vector.broadcast %add3A_1586 : i32 to vector<16xi32>
        %add3A_1588 = arith.addi %add3A_1574, %add3A_1587 : vector<16xi32>
        %shift_right_arithmetic3A_1589 = arith.constant 7 : i32
        %shift_right_arithmetic3A_1590 = vector.broadcast %shift_right_arithmetic3A_1589 : i32 to vector<16xi32>
        %shift_right_arithmetic3A_1591 = arith.shrsi %add3A_1588, %shift_right_arithmetic3A_1590 : vector<16xi32>
        %add3A_1592 = arith.constant 1 : i32
        %add3A_1593 = vector.broadcast %add3A_1592 : i32 to vector<16xi32>
        %add3A_1594 = arith.addi %add3A_1574, %add3A_1593 : vector<16xi32>
        %and3A_1595 = arith.constant 127 : i32
        %and3A_1596 = vector.broadcast %and3A_1595 : i32 to vector<16xi32>
        %and3A_1597 = arith.andi %add3A_1594, %and3A_1596 : vector<16xi32>
        %gather3A_1598 = tpu.vector_load_idx %arg8[%shift_right_arithmetic3A_1591, %and3A_1597] : memref<16x128xi32, #tpu.memory_space<vmem>>[vector<16xi32>, vector<16xi32>], vector<16xi32>,
        %swap3A_1599 = arith.index_cast %add3A_1576 : i32 to index
        %swap3A_1600 = tpu.vector_load %arg10[%swap3A_1599] {strides = array<i32>} : memref<512xi32, #tpu.memory_space<vmem>>, vector<16xi32>,
        tpu.vector_store %arg10[%swap3A_1599], %gather3A_1598 {strides = array<i32>} : memref<512xi32, #tpu.memory_space<vmem>>, vector<16xi32>,
        %add3A_1601 = arith.constant 2 : i32
        %add3A_1602 = vector.broadcast %add3A_1601 : i32 to vector<16xi32>
        %add3A_1603 = arith.addi %add3A_1574, %add3A_1602 : vector<16xi32>
        %shift_right_arithmetic3A_1604 = arith.constant 7 : i32
        %shift_right_arithmetic3A_1605 = vector.broadcast %shift_right_arithmetic3A_1604 : i32 to vector<16xi32>
        %shift_right_arithmetic3A_1606 = arith.shrsi %add3A_1603, %shift_right_arithmetic3A_1605 : vector<16xi32>
        %add3A_1607 = arith.constant 2 : i32
        %add3A_1608 = vector.broadcast %add3A_1607 : i32 to vector<16xi32>
        %add3A_1609 = arith.addi %add3A_1574, %add3A_1608 : vector<16xi32>
        %and3A_1610 = arith.constant 127 : i32
        %and3A_1611 = vector.broadcast %and3A_1610 : i32 to vector<16xi32>
        %and3A_1612 = arith.andi %add3A_1609, %and3A_1611 : vector<16xi32>
        %gather3A_1613 = tpu.vector_load_idx %arg8[%shift_right_arithmetic3A_1606, %and3A_1612] : memref<16x128xi32, #tpu.memory_space<vmem>>[vector<16xi32>, vector<16xi32>], vector<16xi32>,
        %swap3A_1614 = arith.index_cast %add3A_1576 : i32 to index
        %swap3A_1615 = tpu.vector_load %arg11[%swap3A_1614] {strides = array<i32>} : memref<512xi32, #tpu.memory_space<vmem>>, vector<16xi32>,
        tpu.vector_store %arg11[%swap3A_1614], %gather3A_1613 {strides = array<i32>} : memref<512xi32, #tpu.memory_space<vmem>>, vector<16xi32>,
        %add3A_1616 = arith.constant 224 : i32
        %add3A_1617 = arith.addi %mul3A_903, %add3A_1616 : i32
        %mul3A_1618 = arith.constant 4 : i32
        %mul3A_1619 = arith.muli %add3A_1617, %mul3A_1618 : i32
        %add3A_1620 = vector.broadcast %mul3A_1619 : i32 to vector<16xi32>
        %add3A_1621 = arith.addi %add3A_1620, %mul3A_5 : vector<16xi32>
        %add3A_1622 = arith.constant 224 : i32
        %add3A_1623 = arith.addi %mul3A_903, %add3A_1622 : i32
        %shift_right_arithmetic3A_1624 = arith.constant 7 : i32
        %shift_right_arithmetic3A_1625 = vector.broadcast %shift_right_arithmetic3A_1624 : i32 to vector<16xi32>
        %shift_right_arithmetic3A_1626 = arith.shrsi %add3A_1621, %shift_right_arithmetic3A_1625 : vector<16xi32>
        %and3A_1627 = arith.constant 127 : i32
        %and3A_1628 = vector.broadcast %and3A_1627 : i32 to vector<16xi32>
        %and3A_1629 = arith.andi %add3A_1621, %and3A_1628 : vector<16xi32>
        %gather3A_1630 = tpu.vector_load_idx %arg8[%shift_right_arithmetic3A_1626, %and3A_1629] : memref<16x128xi32, #tpu.memory_space<vmem>>[vector<16xi32>, vector<16xi32>], vector<16xi32>,
        %swap3A_1631 = arith.index_cast %add3A_1623 : i32 to index
        %swap3A_1632 = tpu.vector_load %arg9[%swap3A_1631] {strides = array<i32>} : memref<512xi32, #tpu.memory_space<vmem>>, vector<16xi32>,
        tpu.vector_store %arg9[%swap3A_1631], %gather3A_1630 {strides = array<i32>} : memref<512xi32, #tpu.memory_space<vmem>>, vector<16xi32>,
        %add3A_1633 = arith.constant 1 : i32
        %add3A_1634 = vector.broadcast %add3A_1633 : i32 to vector<16xi32>
        %add3A_1635 = arith.addi %add3A_1621, %add3A_1634 : vector<16xi32>
        %shift_right_arithmetic3A_1636 = arith.constant 7 : i32
        %shift_right_arithmetic3A_1637 = vector.broadcast %shift_right_arithmetic3A_1636 : i32 to vector<16xi32>
        %shift_right_arithmetic3A_1638 = arith.shrsi %add3A_1635, %shift_right_arithmetic3A_1637 : vector<16xi32>
        %add3A_1639 = arith.constant 1 : i32
        %add3A_1640 = vector.broadcast %add3A_1639 : i32 to vector<16xi32>
        %add3A_1641 = arith.addi %add3A_1621, %add3A_1640 : vector<16xi32>
        %and3A_1642 = arith.constant 127 : i32
        %and3A_1643 = vector.broadcast %and3A_1642 : i32 to vector<16xi32>
        %and3A_1644 = arith.andi %add3A_1641, %and3A_1643 : vector<16xi32>
        %gather3A_1645 = tpu.vector_load_idx %arg8[%shift_right_arithmetic3A_1638, %and3A_1644] : memref<16x128xi32, #tpu.memory_space<vmem>>[vector<16xi32>, vector<16xi32>], vector<16xi32>,
        %swap3A_1646 = arith.index_cast %add3A_1623 : i32 to index
        %swap3A_1647 = tpu.vector_load %arg10[%swap3A_1646] {strides = array<i32>} : memref<512xi32, #tpu.memory_space<vmem>>, vector<16xi32>,
        tpu.vector_store %arg10[%swap3A_1646], %gather3A_1645 {strides = array<i32>} : memref<512xi32, #tpu.memory_space<vmem>>, vector<16xi32>,
        %add3A_1648 = arith.constant 2 : i32
        %add3A_1649 = vector.broadcast %add3A_1648 : i32 to vector<16xi32>
        %add3A_1650 = arith.addi %add3A_1621, %add3A_1649 : vector<16xi32>
        %shift_right_arithmetic3A_1651 = arith.constant 7 : i32
        %shift_right_arithmetic3A_1652 = vector.broadcast %shift_right_arithmetic3A_1651 : i32 to vector<16xi32>
        %shift_right_arithmetic3A_1653 = arith.shrsi %add3A_1650, %shift_right_arithmetic3A_1652 : vector<16xi32>
        %add3A_1654 = arith.constant 2 : i32
        %add3A_1655 = vector.broadcast %add3A_1654 : i32 to vector<16xi32>
        %add3A_1656 = arith.addi %add3A_1621, %add3A_1655 : vector<16xi32>
        %and3A_1657 = arith.constant 127 : i32
        %and3A_1658 = vector.broadcast %and3A_1657 : i32 to vector<16xi32>
        %and3A_1659 = arith.andi %add3A_1656, %and3A_1658 : vector<16xi32>
        %gather3A_1660 = tpu.vector_load_idx %arg8[%shift_right_arithmetic3A_1653, %and3A_1659] : memref<16x128xi32, #tpu.memory_space<vmem>>[vector<16xi32>, vector<16xi32>], vector<16xi32>,
        %swap3A_1661 = arith.index_cast %add3A_1623 : i32 to index
        %swap3A_1662 = tpu.vector_load %arg11[%swap3A_1661] {strides = array<i32>} : memref<512xi32, #tpu.memory_space<vmem>>, vector<16xi32>,
        tpu.vector_store %arg11[%swap3A_1661], %gather3A_1660 {strides = array<i32>} : memref<512xi32, #tpu.memory_space<vmem>>, vector<16xi32>,
        %add3A_1663 = arith.constant 240 : i32
        %add3A_1664 = arith.addi %mul3A_903, %add3A_1663 : i32
        %mul3A_1665 = arith.constant 4 : i32
        %mul3A_1666 = arith.muli %add3A_1664, %mul3A_1665 : i32
        %add3A_1667 = vector.broadcast %mul3A_1666 : i32 to vector<16xi32>
        %add3A_1668 = arith.addi %add3A_1667, %mul3A_5 : vector<16xi32>
        %add3A_1669 = arith.constant 240 : i32
        %add3A_1670 = arith.addi %mul3A_903, %add3A_1669 : i32
        %shift_right_arithmetic3A_1671 = arith.constant 7 : i32
        %shift_right_arithmetic3A_1672 = vector.broadcast %shift_right_arithmetic3A_1671 : i32 to vector<16xi32>
        %shift_right_arithmetic3A_1673 = arith.shrsi %add3A_1668, %shift_right_arithmetic3A_1672 : vector<16xi32>
        %and3A_1674 = arith.constant 127 : i32
        %and3A_1675 = vector.broadcast %and3A_1674 : i32 to vector<16xi32>
        %and3A_1676 = arith.andi %add3A_1668, %and3A_1675 : vector<16xi32>
        %gather3A_1677 = tpu.vector_load_idx %arg8[%shift_right_arithmetic3A_1673, %and3A_1676] : memref<16x128xi32, #tpu.memory_space<vmem>>[vector<16xi32>, vector<16xi32>], vector<16xi32>,
        %swap3A_1678 = arith.index_cast %add3A_1670 : i32 to index
        %swap3A_1679 = tpu.vector_load %arg9[%swap3A_1678] {strides = array<i32>} : memref<512xi32, #tpu.memory_space<vmem>>, vector<16xi32>,
        tpu.vector_store %arg9[%swap3A_1678], %gather3A_1677 {strides = array<i32>} : memref<512xi32, #tpu.memory_space<vmem>>, vector<16xi32>,
        %add3A_1680 = arith.constant 1 : i32
        %add3A_1681 = vector.broadcast %add3A_1680 : i32 to vector<16xi32>
        %add3A_1682 = arith.addi %add3A_1668, %add3A_1681 : vector<16xi32>
        %shift_right_arithmetic3A_1683 = arith.constant 7 : i32
        %shift_right_arithmetic3A_1684 = vector.broadcast %shift_right_arithmetic3A_1683 : i32 to vector<16xi32>
        %shift_right_arithmetic3A_1685 = arith.shrsi %add3A_1682, %shift_right_arithmetic3A_1684 : vector<16xi32>
        %add3A_1686 = arith.constant 1 : i32
        %add3A_1687 = vector.broadcast %add3A_1686 : i32 to vector<16xi32>
        %add3A_1688 = arith.addi %add3A_1668, %add3A_1687 : vector<16xi32>
        %and3A_1689 = arith.constant 127 : i32
        %and3A_1690 = vector.broadcast %and3A_1689 : i32 to vector<16xi32>
        %and3A_1691 = arith.andi %add3A_1688, %and3A_1690 : vector<16xi32>
        %gather3A_1692 = tpu.vector_load_idx %arg8[%shift_right_arithmetic3A_1685, %and3A_1691] : memref<16x128xi32, #tpu.memory_space<vmem>>[vector<16xi32>, vector<16xi32>], vector<16xi32>,
        %swap3A_1693 = arith.index_cast %add3A_1670 : i32 to index
        %swap3A_1694 = tpu.vector_load %arg10[%swap3A_1693] {strides = array<i32>} : memref<512xi32, #tpu.memory_space<vmem>>, vector<16xi32>,
        tpu.vector_store %arg10[%swap3A_1693], %gather3A_1692 {strides = array<i32>} : memref<512xi32, #tpu.memory_space<vmem>>, vector<16xi32>,
        %add3A_1695 = arith.constant 2 : i32
        %add3A_1696 = vector.broadcast %add3A_1695 : i32 to vector<16xi32>
        %add3A_1697 = arith.addi %add3A_1668, %add3A_1696 : vector<16xi32>
        %shift_right_arithmetic3A_1698 = arith.constant 7 : i32
        %shift_right_arithmetic3A_1699 = vector.broadcast %shift_right_arithmetic3A_1698 : i32 to vector<16xi32>
        %shift_right_arithmetic3A_1700 = arith.shrsi %add3A_1697, %shift_right_arithmetic3A_1699 : vector<16xi32>
        %add3A_1701 = arith.constant 2 : i32
        %add3A_1702 = vector.broadcast %add3A_1701 : i32 to vector<16xi32>
        %add3A_1703 = arith.addi %add3A_1668, %add3A_1702 : vector<16xi32>
        %and3A_1704 = arith.constant 127 : i32
        %and3A_1705 = vector.broadcast %and3A_1704 : i32 to vector<16xi32>
        %and3A_1706 = arith.andi %add3A_1703, %and3A_1705 : vector<16xi32>
        %gather3A_1707 = tpu.vector_load_idx %arg8[%shift_right_arithmetic3A_1700, %and3A_1706] : memref<16x128xi32, #tpu.memory_space<vmem>>[vector<16xi32>, vector<16xi32>], vector<16xi32>,
        %swap3A_1708 = arith.index_cast %add3A_1670 : i32 to index
        %swap3A_1709 = tpu.vector_load %arg11[%swap3A_1708] {strides = array<i32>} : memref<512xi32, #tpu.memory_space<vmem>>, vector<16xi32>,
        tpu.vector_store %arg11[%swap3A_1708], %gather3A_1707 {strides = array<i32>} : memref<512xi32, #tpu.memory_space<vmem>>, vector<16xi32>,
        %mul3A_1710 = arith.constant 256 : i32
        %mul3A_1711 = arith.muli %rem3A_898, %mul3A_1710 : i32
        %add3A_1712 = arith.constant 0 : i32
        %add3A_1713 = arith.addi %mul3A_1711, %add3A_1712 : i32
        %add3A_1714 = arith.constant 0 : i32
        %add3A_1715 = arith.addi %mul3A_903, %add3A_1714 : i32
        %dma_start3A_1716 = arith.constant 0 : i32
        %dma_start3A_1717 = tpu.memref_slice %arg12[%add3A_1713, %dma_start3A_1716] : memref<512x64xf32, #tpu.memory_space<vmem>> -> memref<128x64xf32, #tpu.memory_space<vmem>>
        %dma_start3A_1718 = tpu.memref_slice %arg9[%add3A_1715] : memref<512xi32, #tpu.memory_space<vmem>> -> memref<128xi32, #tpu.memory_space<vmem>>
        %dma_start3A_1719 = arith.constant 0 : i32
        %dma_start3A_1720 = arith.constant 0 : i32
        %dma_start3A_1721 = tpu.memref_slice %arg2[%dma_start3A_1719, %dma_start3A_1720] : memref<50000x64xf32, #tpu.memory_space<hbm>> -> memref<50000x64xf32, #tpu.memory_space<hbm>>
        tpu.enqueue_indirect_dma source(%dma_start3A_1721 : memref<50000x64xf32, #tpu.memory_space<hbm>>) target(%dma_start3A_1717 : memref<128x64xf32, #tpu.memory_space<vmem>>) offsets(%dma_start3A_1718 : memref<128xi32, #tpu.memory_space<vmem>>) semaphore(%arg15 : memref<!tpu.dma_semaphore, #tpu.memory_space<semaphore_mem>>)
        %dma_start3A_1722 = arith.constant 0 : i32
        %dma_start3A_1723 = tpu.memref_slice %arg13[%add3A_1713, %dma_start3A_1722] : memref<512x64xf32, #tpu.memory_space<vmem>> -> memref<128x64xf32, #tpu.memory_space<vmem>>
        %dma_start3A_1724 = tpu.memref_slice %arg10[%add3A_1715] : memref<512xi32, #tpu.memory_space<vmem>> -> memref<128xi32, #tpu.memory_space<vmem>>
        %dma_start3A_1725 = arith.constant 0 : i32
        %dma_start3A_1726 = arith.constant 0 : i32
        %dma_start3A_1727 = tpu.memref_slice %arg3[%dma_start3A_1725, %dma_start3A_1726] : memref<800000x64xf32, #tpu.memory_space<hbm>> -> memref<800000x64xf32, #tpu.memory_space<hbm>>
        tpu.enqueue_indirect_dma source(%dma_start3A_1727 : memref<800000x64xf32, #tpu.memory_space<hbm>>) target(%dma_start3A_1723 : memref<128x64xf32, #tpu.memory_space<vmem>>) offsets(%dma_start3A_1724 : memref<128xi32, #tpu.memory_space<vmem>>) semaphore(%arg16 : memref<!tpu.dma_semaphore, #tpu.memory_space<semaphore_mem>>)
        %dma_start3A_1728 = arith.constant 0 : i32
        %dma_start3A_1729 = tpu.memref_slice %arg14[%add3A_1713, %dma_start3A_1728] : memref<512x64xf32, #tpu.memory_space<vmem>> -> memref<128x64xf32, #tpu.memory_space<vmem>>
        %dma_start3A_1730 = tpu.memref_slice %arg11[%add3A_1715] : memref<512xi32, #tpu.memory_space<vmem>> -> memref<128xi32, #tpu.memory_space<vmem>>
        %dma_start3A_1731 = arith.constant 0 : i32
        %dma_start3A_1732 = arith.constant 0 : i32
        %dma_start3A_1733 = tpu.memref_slice %arg3[%dma_start3A_1731, %dma_start3A_1732] : memref<800000x64xf32, #tpu.memory_space<hbm>> -> memref<800000x64xf32, #tpu.memory_space<hbm>>
        tpu.enqueue_indirect_dma source(%dma_start3A_1733 : memref<800000x64xf32, #tpu.memory_space<hbm>>) target(%dma_start3A_1729 : memref<128x64xf32, #tpu.memory_space<vmem>>) offsets(%dma_start3A_1730 : memref<128xi32, #tpu.memory_space<vmem>>) semaphore(%arg17 : memref<!tpu.dma_semaphore, #tpu.memory_space<semaphore_mem>>)
        %mul3A_1734 = arith.constant 256 : i32
        %mul3A_1735 = arith.muli %rem3A_898, %mul3A_1734 : i32
        %add3A_1736 = arith.constant 128 : i32
        %add3A_1737 = arith.addi %mul3A_1735, %add3A_1736 : i32
        %add3A_1738 = arith.constant 128 : i32
        %add3A_1739 = arith.addi %mul3A_903, %add3A_1738 : i32
        %dma_start3A_1740 = arith.constant 0 : i32
        %dma_start3A_1741 = tpu.memref_slice %arg12[%add3A_1737, %dma_start3A_1740] : memref<512x64xf32, #tpu.memory_space<vmem>> -> memref<128x64xf32, #tpu.memory_space<vmem>>
        %dma_start3A_1742 = tpu.memref_slice %arg9[%add3A_1739] : memref<512xi32, #tpu.memory_space<vmem>> -> memref<128xi32, #tpu.memory_space<vmem>>
        %dma_start3A_1743 = arith.constant 0 : i32
        %dma_start3A_1744 = arith.constant 0 : i32
        %dma_start3A_1745 = tpu.memref_slice %arg2[%dma_start3A_1743, %dma_start3A_1744] : memref<50000x64xf32, #tpu.memory_space<hbm>> -> memref<50000x64xf32, #tpu.memory_space<hbm>>
        tpu.enqueue_indirect_dma source(%dma_start3A_1745 : memref<50000x64xf32, #tpu.memory_space<hbm>>) target(%dma_start3A_1741 : memref<128x64xf32, #tpu.memory_space<vmem>>) offsets(%dma_start3A_1742 : memref<128xi32, #tpu.memory_space<vmem>>) semaphore(%arg15 : memref<!tpu.dma_semaphore, #tpu.memory_space<semaphore_mem>>)
        %dma_start3A_1746 = arith.constant 0 : i32
        %dma_start3A_1747 = tpu.memref_slice %arg13[%add3A_1737, %dma_start3A_1746] : memref<512x64xf32, #tpu.memory_space<vmem>> -> memref<128x64xf32, #tpu.memory_space<vmem>>
        %dma_start3A_1748 = tpu.memref_slice %arg10[%add3A_1739] : memref<512xi32, #tpu.memory_space<vmem>> -> memref<128xi32, #tpu.memory_space<vmem>>
        %dma_start3A_1749 = arith.constant 0 : i32
        %dma_start3A_1750 = arith.constant 0 : i32
        %dma_start3A_1751 = tpu.memref_slice %arg3[%dma_start3A_1749, %dma_start3A_1750] : memref<800000x64xf32, #tpu.memory_space<hbm>> -> memref<800000x64xf32, #tpu.memory_space<hbm>>
        tpu.enqueue_indirect_dma source(%dma_start3A_1751 : memref<800000x64xf32, #tpu.memory_space<hbm>>) target(%dma_start3A_1747 : memref<128x64xf32, #tpu.memory_space<vmem>>) offsets(%dma_start3A_1748 : memref<128xi32, #tpu.memory_space<vmem>>) semaphore(%arg16 : memref<!tpu.dma_semaphore, #tpu.memory_space<semaphore_mem>>)
        %dma_start3A_1752 = arith.constant 0 : i32
        %dma_start3A_1753 = tpu.memref_slice %arg14[%add3A_1737, %dma_start3A_1752] : memref<512x64xf32, #tpu.memory_space<vmem>> -> memref<128x64xf32, #tpu.memory_space<vmem>>
        %dma_start3A_1754 = tpu.memref_slice %arg11[%add3A_1739] : memref<512xi32, #tpu.memory_space<vmem>> -> memref<128xi32, #tpu.memory_space<vmem>>
        %dma_start3A_1755 = arith.constant 0 : i32
        %dma_start3A_1756 = arith.constant 0 : i32
        %dma_start3A_1757 = tpu.memref_slice %arg3[%dma_start3A_1755, %dma_start3A_1756] : memref<800000x64xf32, #tpu.memory_space<hbm>> -> memref<800000x64xf32, #tpu.memory_space<hbm>>
        tpu.enqueue_indirect_dma source(%dma_start3A_1757 : memref<800000x64xf32, #tpu.memory_space<hbm>>) target(%dma_start3A_1753 : memref<128x64xf32, #tpu.memory_space<vmem>>) offsets(%dma_start3A_1754 : memref<128xi32, #tpu.memory_space<vmem>>) semaphore(%arg17 : memref<!tpu.dma_semaphore, #tpu.memory_space<semaphore_mem>>)
      } else {
      }
      %rem3A_865 = arith.constant 2 : i32
      %rem3A_866 = arith.remsi %scan3A_860, %rem3A_865 : i32
      %mul3A_867 = arith.constant 256 : i32
      %mul3A_868 = arith.muli %rem3A_866, %mul3A_867 : i32
      %mul3A_869 = arith.constant 256 : i32
      %mul3A_870 = arith.muli %scan3A_860, %mul3A_869 : i32
      %add3A_871 = arith.addi %mul3A_2, %mul3A_870 : i32
      %dma_wait3A = arith.constant 0 : i32
      %dma_wait3A_872 = tpu.memref_slice %arg12[%mul3A_868, %dma_wait3A] : memref<512x64xf32, #tpu.memory_space<vmem>> -> memref<256x64xf32, #tpu.memory_space<vmem>>
      %dma_wait3A_873 = arith.constant 0 : i32
      %dma_wait3A_874 = tpu.memref_slice %arg5[%add3A_871, %dma_wait3A_873] : memref<204800x64xf32, #tpu.memory_space<hbm>> -> memref<256x64xf32, #tpu.memory_space<hbm>>
      %dma_wait3A_875 = arith.constant 0 : i32
      %dma_wait3A_876 = tpu.memref_slice %arg12[%mul3A_868, %dma_wait3A_875] : memref<512x64xf32, #tpu.memory_space<vmem>> -> memref<256x64xf32, #tpu.memory_space<vmem>>
      %dma_wait3A_877 = arith.constant 0 : i32
      %dma_wait3A_878 = tpu.memref_slice %arg5[%add3A_871, %dma_wait3A_877] : memref<204800x64xf32, #tpu.memory_space<hbm>> -> memref<256x64xf32, #tpu.memory_space<hbm>>
      tpu.wait_dma2 semaphore(%arg15 : memref<!tpu.dma_semaphore, #tpu.memory_space<semaphore_mem>>) src(%dma_wait3A_878 : memref<256x64xf32, #tpu.memory_space<hbm>>) dst(%dma_wait3A_876 : memref<256x64xf32, #tpu.memory_space<vmem>>)
      %dma_wait3A_879 = arith.constant 0 : i32
      %dma_wait3A_880 = tpu.memref_slice %arg13[%mul3A_868, %dma_wait3A_879] : memref<512x64xf32, #tpu.memory_space<vmem>> -> memref<256x64xf32, #tpu.memory_space<vmem>>
      %dma_wait3A_881 = arith.constant 0 : i32
      %dma_wait3A_882 = tpu.memref_slice %arg6[%add3A_871, %dma_wait3A_881] : memref<204800x64xf32, #tpu.memory_space<hbm>> -> memref<256x64xf32, #tpu.memory_space<hbm>>
      %dma_wait3A_883 = arith.constant 0 : i32
      %dma_wait3A_884 = tpu.memref_slice %arg13[%mul3A_868, %dma_wait3A_883] : memref<512x64xf32, #tpu.memory_space<vmem>> -> memref<256x64xf32, #tpu.memory_space<vmem>>
      %dma_wait3A_885 = arith.constant 0 : i32
      %dma_wait3A_886 = tpu.memref_slice %arg6[%add3A_871, %dma_wait3A_885] : memref<204800x64xf32, #tpu.memory_space<hbm>> -> memref<256x64xf32, #tpu.memory_space<hbm>>
      tpu.wait_dma2 semaphore(%arg16 : memref<!tpu.dma_semaphore, #tpu.memory_space<semaphore_mem>>) src(%dma_wait3A_886 : memref<256x64xf32, #tpu.memory_space<hbm>>) dst(%dma_wait3A_884 : memref<256x64xf32, #tpu.memory_space<vmem>>)
      %dma_wait3A_887 = arith.constant 0 : i32
      %dma_wait3A_888 = tpu.memref_slice %arg14[%mul3A_868, %dma_wait3A_887] : memref<512x64xf32, #tpu.memory_space<vmem>> -> memref<256x64xf32, #tpu.memory_space<vmem>>
      %dma_wait3A_889 = arith.constant 0 : i32
      %dma_wait3A_890 = tpu.memref_slice %arg7[%add3A_871, %dma_wait3A_889] : memref<204800x64xf32, #tpu.memory_space<hbm>> -> memref<256x64xf32, #tpu.memory_space<hbm>>
      %dma_wait3A_891 = arith.constant 0 : i32
      %dma_wait3A_892 = tpu.memref_slice %arg14[%mul3A_868, %dma_wait3A_891] : memref<512x64xf32, #tpu.memory_space<vmem>> -> memref<256x64xf32, #tpu.memory_space<vmem>>
      %dma_wait3A_893 = arith.constant 0 : i32
      %dma_wait3A_894 = tpu.memref_slice %arg7[%add3A_871, %dma_wait3A_893] : memref<204800x64xf32, #tpu.memory_space<hbm>> -> memref<256x64xf32, #tpu.memory_space<hbm>>
      tpu.wait_dma2 semaphore(%arg17 : memref<!tpu.dma_semaphore, #tpu.memory_space<semaphore_mem>>) src(%dma_wait3A_894 : memref<256x64xf32, #tpu.memory_space<hbm>>) dst(%dma_wait3A_892 : memref<256x64xf32, #tpu.memory_space<vmem>>)
      "tpu.region"() ({
        %run_scoped3A = tpu.sem_alloc : memref<!tpu.dma_semaphore, #tpu.memory_space<semaphore_mem>>
        %dma_start3A_895 = arith.constant 0 : i32
        %dma_start3A_896 = tpu.memref_slice %arg12[%mul3A_868, %dma_start3A_895] : memref<512x64xf32, #tpu.memory_space<vmem>> -> memref<256x64xf32, #tpu.memory_space<vmem>>
        %dma_start3A_897 = arith.constant 0 : i32
        %dma_start3A_898 = tpu.memref_slice %arg5[%add3A_871, %dma_start3A_897] : memref<204800x64xf32, #tpu.memory_space<hbm>> -> memref<256x64xf32, #tpu.memory_space<hbm>>
        %dma_start3A_899 = arith.constant 0 : i32
        %dma_start3A_900 = tpu.memref_slice %arg5[%add3A_871, %dma_start3A_899] : memref<204800x64xf32, #tpu.memory_space<hbm>> -> memref<256x64xf32, #tpu.memory_space<hbm>>
        %dma_start3A_901 = arith.constant 0 : i32
        %dma_start3A_902 = tpu.memref_slice %arg12[%mul3A_868, %dma_start3A_901] : memref<512x64xf32, #tpu.memory_space<vmem>> -> memref<256x64xf32, #tpu.memory_space<vmem>>
        tpu.enqueue_dma source(%dma_start3A_902 : memref<256x64xf32, #tpu.memory_space<vmem>>) target(%dma_start3A_900 : memref<256x64xf32, #tpu.memory_space<hbm>>) target_semaphore(%run_scoped3A : memref<!tpu.dma_semaphore, #tpu.memory_space<semaphore_mem>>)
        %dma_wait3A_903 = arith.constant 0 : i32
        %dma_wait3A_904 = tpu.memref_slice %arg12[%mul3A_868, %dma_wait3A_903] : memref<512x64xf32, #tpu.memory_space<vmem>> -> memref<256x64xf32, #tpu.memory_space<vmem>>
        %dma_wait3A_905 = arith.constant 0 : i32
        %dma_wait3A_906 = tpu.memref_slice %arg5[%add3A_871, %dma_wait3A_905] : memref<204800x64xf32, #tpu.memory_space<hbm>> -> memref<256x64xf32, #tpu.memory_space<hbm>>
        %dma_wait3A_907 = arith.constant 0 : i32
        %dma_wait3A_908 = tpu.memref_slice %arg5[%add3A_871, %dma_wait3A_907] : memref<204800x64xf32, #tpu.memory_space<hbm>> -> memref<256x64xf32, #tpu.memory_space<hbm>>
        %dma_wait3A_909 = arith.constant 0 : i32
        %dma_wait3A_910 = tpu.memref_slice %arg12[%mul3A_868, %dma_wait3A_909] : memref<512x64xf32, #tpu.memory_space<vmem>> -> memref<256x64xf32, #tpu.memory_space<vmem>>
        tpu.wait_dma2 semaphore(%run_scoped3A : memref<!tpu.dma_semaphore, #tpu.memory_space<semaphore_mem>>) src(%dma_wait3A_910 : memref<256x64xf32, #tpu.memory_space<vmem>>) dst(%dma_wait3A_908 : memref<256x64xf32, #tpu.memory_space<hbm>>)
        tpu.yield
      }) : () -> ()
      "tpu.region"() ({
        %run_scoped3A = tpu.sem_alloc : memref<!tpu.dma_semaphore, #tpu.memory_space<semaphore_mem>>
        %dma_start3A_895 = arith.constant 0 : i32
        %dma_start3A_896 = tpu.memref_slice %arg13[%mul3A_868, %dma_start3A_895] : memref<512x64xf32, #tpu.memory_space<vmem>> -> memref<256x64xf32, #tpu.memory_space<vmem>>
        %dma_start3A_897 = arith.constant 0 : i32
        %dma_start3A_898 = tpu.memref_slice %arg6[%add3A_871, %dma_start3A_897] : memref<204800x64xf32, #tpu.memory_space<hbm>> -> memref<256x64xf32, #tpu.memory_space<hbm>>
        %dma_start3A_899 = arith.constant 0 : i32
        %dma_start3A_900 = tpu.memref_slice %arg6[%add3A_871, %dma_start3A_899] : memref<204800x64xf32, #tpu.memory_space<hbm>> -> memref<256x64xf32, #tpu.memory_space<hbm>>
        %dma_start3A_901 = arith.constant 0 : i32
        %dma_start3A_902 = tpu.memref_slice %arg13[%mul3A_868, %dma_start3A_901] : memref<512x64xf32, #tpu.memory_space<vmem>> -> memref<256x64xf32, #tpu.memory_space<vmem>>
        tpu.enqueue_dma source(%dma_start3A_902 : memref<256x64xf32, #tpu.memory_space<vmem>>) target(%dma_start3A_900 : memref<256x64xf32, #tpu.memory_space<hbm>>) target_semaphore(%run_scoped3A : memref<!tpu.dma_semaphore, #tpu.memory_space<semaphore_mem>>)
        %dma_wait3A_903 = arith.constant 0 : i32
        %dma_wait3A_904 = tpu.memref_slice %arg13[%mul3A_868, %dma_wait3A_903] : memref<512x64xf32, #tpu.memory_space<vmem>> -> memref<256x64xf32, #tpu.memory_space<vmem>>
        %dma_wait3A_905 = arith.constant 0 : i32
        %dma_wait3A_906 = tpu.memref_slice %arg6[%add3A_871, %dma_wait3A_905] : memref<204800x64xf32, #tpu.memory_space<hbm>> -> memref<256x64xf32, #tpu.memory_space<hbm>>
        %dma_wait3A_907 = arith.constant 0 : i32
        %dma_wait3A_908 = tpu.memref_slice %arg6[%add3A_871, %dma_wait3A_907] : memref<204800x64xf32, #tpu.memory_space<hbm>> -> memref<256x64xf32, #tpu.memory_space<hbm>>
        %dma_wait3A_909 = arith.constant 0 : i32
        %dma_wait3A_910 = tpu.memref_slice %arg13[%mul3A_868, %dma_wait3A_909] : memref<512x64xf32, #tpu.memory_space<vmem>> -> memref<256x64xf32, #tpu.memory_space<vmem>>
        tpu.wait_dma2 semaphore(%run_scoped3A : memref<!tpu.dma_semaphore, #tpu.memory_space<semaphore_mem>>) src(%dma_wait3A_910 : memref<256x64xf32, #tpu.memory_space<vmem>>) dst(%dma_wait3A_908 : memref<256x64xf32, #tpu.memory_space<hbm>>)
        tpu.yield
      }) : () -> ()
      "tpu.region"() ({
        %run_scoped3A = tpu.sem_alloc : memref<!tpu.dma_semaphore, #tpu.memory_space<semaphore_mem>>
        %dma_start3A_895 = arith.constant 0 : i32
        %dma_start3A_896 = tpu.memref_slice %arg14[%mul3A_868, %dma_start3A_895] : memref<512x64xf32, #tpu.memory_space<vmem>> -> memref<256x64xf32, #tpu.memory_space<vmem>>
        %dma_start3A_897 = arith.constant 0 : i32
        %dma_start3A_898 = tpu.memref_slice %arg7[%add3A_871, %dma_start3A_897] : memref<204800x64xf32, #tpu.memory_space<hbm>> -> memref<256x64xf32, #tpu.memory_space<hbm>>
        %dma_start3A_899 = arith.constant 0 : i32
        %dma_start3A_900 = tpu.memref_slice %arg7[%add3A_871, %dma_start3A_899] : memref<204800x64xf32, #tpu.memory_space<hbm>> -> memref<256x64xf32, #tpu.memory_space<hbm>>
        %dma_start3A_901 = arith.constant 0 : i32
        %dma_start3A_902 = tpu.memref_slice %arg14[%mul3A_868, %dma_start3A_901] : memref<512x64xf32, #tpu.memory_space<vmem>> -> memref<256x64xf32, #tpu.memory_space<vmem>>
        tpu.enqueue_dma source(%dma_start3A_902 : memref<256x64xf32, #tpu.memory_space<vmem>>) target(%dma_start3A_900 : memref<256x64xf32, #tpu.memory_space<hbm>>) target_semaphore(%run_scoped3A : memref<!tpu.dma_semaphore, #tpu.memory_space<semaphore_mem>>)
        %dma_wait3A_903 = arith.constant 0 : i32
        %dma_wait3A_904 = tpu.memref_slice %arg14[%mul3A_868, %dma_wait3A_903] : memref<512x64xf32, #tpu.memory_space<vmem>> -> memref<256x64xf32, #tpu.memory_space<vmem>>
        %dma_wait3A_905 = arith.constant 0 : i32
        %dma_wait3A_906 = tpu.memref_slice %arg7[%add3A_871, %dma_wait3A_905] : memref<204800x64xf32, #tpu.memory_space<hbm>> -> memref<256x64xf32, #tpu.memory_space<hbm>>
        %dma_wait3A_907 = arith.constant 0 : i32
        %dma_wait3A_908 = tpu.memref_slice %arg7[%add3A_871, %dma_wait3A_907] : memref<204800x64xf32, #tpu.memory_space<hbm>> -> memref<256x64xf32, #tpu.memory_space<hbm>>
        %dma_wait3A_909 = arith.constant 0 : i32
        %dma_wait3A_910 = tpu.memref_slice %arg14[%mul3A_868, %dma_wait3A_909] : memref<512x64xf32, #tpu.memory_space<vmem>> -> memref<256x64xf32, #tpu.memory_space<vmem>>
        tpu.wait_dma2 semaphore(%run_scoped3A : memref<!tpu.dma_semaphore, #tpu.memory_space<semaphore_mem>>) src(%dma_wait3A_910 : memref<256x64xf32, #tpu.memory_space<vmem>>) dst(%dma_wait3A_908 : memref<256x64xf32, #tpu.memory_space<hbm>>)
        tpu.yield
      }) : () -> ()
    }
    %scan3A_859 = arith.constant 25 : i32
    return
  }
}

module attributes {stable_mosaic.version = 14 : i64} {
  func.func @body(%arg0: i32, %arg1: memref<800x128xf32, #tpu.memory_space<vmem>>, %arg2: memref<800x128xf32, #tpu.memory_space<vmem>>, %arg3: memref<800x128xf32, #tpu.memory_space<vmem>>, %arg4: memref<800x128xf32, #tpu.memory_space<vmem>>, %arg5: memref<256x128xf32, #tpu.memory_space<vmem>>, %arg6: memref<1x128xf32, #tpu.memory_space<vmem>>, %arg7: memref<1600x64xf32, #tpu.memory_space<vmem>>) attributes {dimension_semantics = [#tpu.dimension_semantics<arbitrary>], iteration_bounds = array<i64: 128>, scalar_prefetch = 0 : i64, scratch_operands = 0 : i64, tpu.core_type = #tpu.core_type<tc>, window_params = [{transform_indices = @transform_0, window_bounds = array<i64: 800, 128>}, {transform_indices = @transform_1, window_bounds = array<i64: 800, 128>}, {transform_indices = @transform_2, window_bounds = array<i64: 800, 128>}, {transform_indices = @transform_3, window_bounds = array<i64: 800, 128>}, {pipeline_mode = #tpu.pipeline_mode<synchronous>, transform_indices = @transform_4, window_bounds = array<i64: 256, 128>}, {pipeline_mode = #tpu.pipeline_mode<synchronous>, transform_indices = @transform_5, window_bounds = array<i64: 1, 128>}, {transform_indices = @transform_6, window_bounds = array<i64: 1600, 64>}]} {
    %get3A = arith.constant 0 : index
    %get3A_0 = arith.constant 0 : index
    %get3A_1 = vector.load %arg5[%get3A, %get3A_0] : memref<256x128xf32, #tpu.memory_space<vmem>>, vector<256x128xf32>
    %get3A_2 = arith.constant 0 : index
    %get3A_3 = arith.constant 0 : index
    %get3A_4 = vector.load %arg6[%get3A_2, %get3A_3] : memref<1x128xf32, #tpu.memory_space<vmem>>, vector<1x128xf32>
    %get3A_5 = arith.constant 0 : index
    %get3A_6 = arith.constant 0 : index
    %get3A_7 = vector.load %arg3[%get3A_5, %get3A_6] : memref<800x128xf32, #tpu.memory_space<vmem>>, vector<800x128xf32>
    %get3A_8 = arith.constant 0 : index
    %get3A_9 = arith.constant 0 : index
    %get3A_10 = vector.load %arg1[%get3A_8, %get3A_9] : memref<800x128xf32, #tpu.memory_space<vmem>>, vector<800x64xf32>
    %get3A_11 = arith.constant 0 : index
    %get3A_12 = arith.constant 0 : index
    %get3A_13 = vector.load %arg2[%get3A_11, %get3A_12] : memref<800x128xf32, #tpu.memory_space<vmem>>, vector<800x64xf32>
    %slice3A = vector.extract_strided_slice %get3A_7 {offsets = [0, 0], sizes = [800, 64], strides = [1, 1]} : vector<800x128xf32> to vector<800x64xf32>
    %get3A_14 = arith.constant 0 : index
    %get3A_15 = arith.constant 0 : index
    %get3A_16 = vector.load %arg4[%get3A_14, %get3A_15] : memref<800x128xf32, #tpu.memory_space<vmem>>, vector<800x64xf32>
    %concatenate3A = tpu.concatenate %get3A_10, %get3A_13, %slice3A, %get3A_16 in 1 : vector<800x64xf32>, vector<800x64xf32>, vector<800x64xf32>, vector<800x64xf32> -> vector<800x256xf32>
    %dot_general3A = arith.constant dense<0.000000e+00> : vector<800x128xf32>
    %dot_general3A_17 = tpu.matmul %concatenate3A, %get3A_1, %dot_general3A {dimension_numbers = #tpu.dot_dimension_numbers<[1], [0], [0], [1], [0, 0, 1, 1], [], []>, transpose_lhs_hint = false} : vector<800x256xf32>, vector<256x128xf32>, vector<800x128xf32> -> vector<800x128xf32>
    %add3A = vector.broadcast %get3A_4 : vector<1x128xf32> to vector<800x128xf32>
    %add3A_18 = arith.addf %dot_general3A_17, %add3A : vector<800x128xf32>
    %slice3A_19 = vector.extract_strided_slice %add3A_18 {offsets = [0, 0], sizes = [800, 64], strides = [1, 1]} : vector<800x128xf32> to vector<800x64xf32>
    %slice3A_20 = vector.extract_strided_slice %add3A_18 {offsets = [0, 64], sizes = [800, 64], strides = [1, 1]} : vector<800x128xf32> to vector<800x64xf32>
    %logistic3A = arith.negf %slice3A_19 : vector<800x64xf32>
    %logistic3A_21 = math.exp %logistic3A : vector<800x64xf32>
    %logistic3A_22 = arith.constant 1.000000e+00 : f32
    %logistic3A_23 = vector.broadcast %logistic3A_22 : f32 to vector<800x64xf32>
    %logistic3A_24 = arith.addf %logistic3A_23, %logistic3A_21 : vector<800x64xf32>
    %logistic3A_25 = arith.divf %logistic3A_23, %logistic3A_24 : vector<800x64xf32>
    %mul3A = arith.mulf %slice3A_19, %logistic3A_25 : vector<800x64xf32>
    %logistic3A_26 = arith.negf %slice3A_20 : vector<800x64xf32>
    %logistic3A_27 = math.exp %logistic3A_26 : vector<800x64xf32>
    %logistic3A_28 = arith.constant 1.000000e+00 : f32
    %logistic3A_29 = vector.broadcast %logistic3A_28 : f32 to vector<800x64xf32>
    %logistic3A_30 = arith.addf %logistic3A_29, %logistic3A_27 : vector<800x64xf32>
    %logistic3A_31 = arith.divf %logistic3A_29, %logistic3A_30 : vector<800x64xf32>
    %mul3A_32 = arith.mulf %mul3A, %logistic3A_31 : vector<800x64xf32>
    %slice3A_33 = vector.extract_strided_slice %get3A_7 {offsets = [0, 0], sizes = [800, 64], strides = [1, 1]} : vector<800x128xf32> to vector<800x64xf32>
    %add3A_34 = arith.addf %mul3A_32, %slice3A_33 : vector<800x64xf32>
    %get3A_35 = arith.constant 0 : index
    %get3A_36 = arith.constant 64 : index
    %get3A_37 = vector.load %arg1[%get3A_35, %get3A_36] : memref<800x128xf32, #tpu.memory_space<vmem>>, vector<800x64xf32>
    %get3A_38 = arith.constant 0 : index
    %get3A_39 = arith.constant 64 : index
    %get3A_40 = vector.load %arg2[%get3A_38, %get3A_39] : memref<800x128xf32, #tpu.memory_space<vmem>>, vector<800x64xf32>
    %slice3A_41 = vector.extract_strided_slice %get3A_7 {offsets = [0, 64], sizes = [800, 64], strides = [1, 1]} : vector<800x128xf32> to vector<800x64xf32>
    %get3A_42 = arith.constant 0 : index
    %get3A_43 = arith.constant 64 : index
    %get3A_44 = vector.load %arg4[%get3A_42, %get3A_43] : memref<800x128xf32, #tpu.memory_space<vmem>>, vector<800x64xf32>
    %concatenate3A_45 = tpu.concatenate %get3A_37, %get3A_40, %slice3A_41, %get3A_44 in 1 : vector<800x64xf32>, vector<800x64xf32>, vector<800x64xf32>, vector<800x64xf32> -> vector<800x256xf32>
    %dot_general3A_46 = arith.constant dense<0.000000e+00> : vector<800x128xf32>
    %dot_general3A_47 = tpu.matmul %concatenate3A_45, %get3A_1, %dot_general3A_46 {dimension_numbers = #tpu.dot_dimension_numbers<[1], [0], [0], [1], [0, 0, 1, 1], [], []>, transpose_lhs_hint = false} : vector<800x256xf32>, vector<256x128xf32>, vector<800x128xf32> -> vector<800x128xf32>
    %add3A_48 = vector.broadcast %get3A_4 : vector<1x128xf32> to vector<800x128xf32>
    %add3A_49 = arith.addf %dot_general3A_47, %add3A_48 : vector<800x128xf32>
    %slice3A_50 = vector.extract_strided_slice %add3A_49 {offsets = [0, 0], sizes = [800, 64], strides = [1, 1]} : vector<800x128xf32> to vector<800x64xf32>
    %slice3A_51 = vector.extract_strided_slice %add3A_49 {offsets = [0, 64], sizes = [800, 64], strides = [1, 1]} : vector<800x128xf32> to vector<800x64xf32>
    %logistic3A_52 = arith.negf %slice3A_50 : vector<800x64xf32>
    %logistic3A_53 = math.exp %logistic3A_52 : vector<800x64xf32>
    %logistic3A_54 = arith.constant 1.000000e+00 : f32
    %logistic3A_55 = vector.broadcast %logistic3A_54 : f32 to vector<800x64xf32>
    %logistic3A_56 = arith.addf %logistic3A_55, %logistic3A_53 : vector<800x64xf32>
    %logistic3A_57 = arith.divf %logistic3A_55, %logistic3A_56 : vector<800x64xf32>
    %mul3A_58 = arith.mulf %slice3A_50, %logistic3A_57 : vector<800x64xf32>
    %logistic3A_59 = arith.negf %slice3A_51 : vector<800x64xf32>
    %logistic3A_60 = math.exp %logistic3A_59 : vector<800x64xf32>
    %logistic3A_61 = arith.constant 1.000000e+00 : f32
    %logistic3A_62 = vector.broadcast %logistic3A_61 : f32 to vector<800x64xf32>
    %logistic3A_63 = arith.addf %logistic3A_62, %logistic3A_60 : vector<800x64xf32>
    %logistic3A_64 = arith.divf %logistic3A_62, %logistic3A_63 : vector<800x64xf32>
    %mul3A_65 = arith.mulf %mul3A_58, %logistic3A_64 : vector<800x64xf32>
    %slice3A_66 = vector.extract_strided_slice %get3A_7 {offsets = [0, 64], sizes = [800, 64], strides = [1, 1]} : vector<800x128xf32> to vector<800x64xf32>
    %add3A_67 = arith.addf %mul3A_65, %slice3A_66 : vector<800x64xf32>
    %broadcast_in_dim3A = vector.shape_cast %add3A_34 : vector<800x64xf32> to vector<800x1x64xf32>
    %broadcast_in_dim3A_68 = vector.shape_cast %add3A_67 : vector<800x64xf32> to vector<800x1x64xf32>
    %concatenate3A_69 = tpu.concatenate %broadcast_in_dim3A, %broadcast_in_dim3A_68 in 1 : vector<800x1x64xf32>, vector<800x1x64xf32> -> vector<800x2x64xf32>
    %reshape3A = vector.shape_cast %concatenate3A_69 : vector<800x2x64xf32> to vector<1600x64xf32>
    %swap3A = arith.constant 0 : index
    %swap3A_70 = arith.constant 0 : index
    %swap3A_71 = vector.load %arg7[%swap3A, %swap3A_70] : memref<1600x64xf32, #tpu.memory_space<vmem>>, vector<1600x64xf32>
    tpu.vector_store %arg7[%swap3A, %swap3A_70], %reshape3A {strides = array<i32>} : memref<1600x64xf32, #tpu.memory_space<vmem>>, vector<1600x64xf32>,
    return
  }
  func.func @transform_0(%arg0: i32) -> (i32, i32) {
    %c0_i32 = arith.constant 0 : i32
    %c0_i32_0 = arith.constant 0 : i32
    return %arg0, %c0_i32 : i32, i32
  }
  func.func @transform_1(%arg0: i32) -> (i32, i32) {
    %c0_i32 = arith.constant 0 : i32
    %c0_i32_0 = arith.constant 0 : i32
    return %arg0, %c0_i32 : i32, i32
  }
  func.func @transform_2(%arg0: i32) -> (i32, i32) {
    %add3A = arith.constant 0 : i32
    %add3A_0 = arith.addi %arg0, %add3A : i32
    %c0_i32 = arith.constant 0 : i32
    %c0_i32_1 = arith.constant 0 : i32
    return %add3A_0, %c0_i32 : i32, i32
  }
  func.func @transform_3(%arg0: i32) -> (i32, i32) {
    %c0_i32 = arith.constant 0 : i32
    %c0_i32_0 = arith.constant 0 : i32
    return %arg0, %c0_i32 : i32, i32
  }
  func.func @transform_4(%arg0: i32) -> (i32, i32) {
    %c0_i32 = arith.constant 0 : i32
    %c0_i32_0 = arith.constant 0 : i32
    %c0_i32_1 = arith.constant 0 : i32
    return %c0_i32, %c0_i32_0 : i32, i32
  }
  func.func @transform_5(%arg0: i32) -> (i32, i32) {
    %c0_i32 = arith.constant 0 : i32
    %c0_i32_0 = arith.constant 0 : i32
    %c0_i32_1 = arith.constant 0 : i32
    return %c0_i32, %c0_i32_0 : i32, i32
  }
  func.func @transform_6(%arg0: i32) -> (i32, i32) {
    %add3A = arith.constant 0 : i32
    %add3A_0 = arith.addi %arg0, %add3A : i32
    %c0_i32 = arith.constant 0 : i32
    %c0_i32_1 = arith.constant 0 : i32
    return %add3A_0, %c0_i32 : i32, i32
  }
}

module attributes {stable_mosaic.version = 14 : i64} {
  func.func @body(%arg0: i32, %arg1: memref<400000x64xf32, #tpu.memory_space<hbm>>, %arg2: memref<800x128xf32, #tpu.memory_space<vmem>>, %arg3: memref<800x128xf32, #tpu.memory_space<vmem>>, %arg4: memref<800x128xf32, #tpu.memory_space<vmem>>, %arg5: memref<800x128xf32, #tpu.memory_space<vmem>>, %arg6: memref<256x128xf32, #tpu.memory_space<vmem>>, %arg7: memref<1x128xf32, #tpu.memory_space<vmem>>, %arg8: memref<1600x64xf32, #tpu.memory_space<vmem>>) attributes {dimension_semantics = [#tpu.dimension_semantics<arbitrary>], iteration_bounds = array<i64: 122>, scalar_prefetch = 0 : i64, scratch_operands = 0 : i64, tpu.core_type = #tpu.core_type<tc>, window_params = [{}, {transform_indices = @transform_1, window_bounds = array<i64: 800, 128>}, {transform_indices = @transform_2, window_bounds = array<i64: 800, 128>}, {transform_indices = @transform_3, window_bounds = array<i64: 800, 128>}, {transform_indices = @transform_4, window_bounds = array<i64: 800, 128>}, {pipeline_mode = #tpu.pipeline_mode<synchronous>, transform_indices = @transform_5, window_bounds = array<i64: 256, 128>}, {pipeline_mode = #tpu.pipeline_mode<synchronous>, transform_indices = @transform_6, window_bounds = array<i64: 1, 128>}, {transform_indices = @transform_7, window_bounds = array<i64: 1600, 64>}]} {
    %get3A = arith.constant 0 : index
    %get3A_0 = arith.constant 0 : index
    %get3A_1 = vector.load %arg6[%get3A, %get3A_0] : memref<256x128xf32, #tpu.memory_space<vmem>>, vector<256x128xf32>
    %get3A_2 = arith.constant 0 : index
    %get3A_3 = arith.constant 0 : index
    %get3A_4 = vector.load %arg7[%get3A_2, %get3A_3] : memref<1x128xf32, #tpu.memory_space<vmem>>, vector<1x128xf32>
    %get3A_5 = arith.constant 0 : index
    %get3A_6 = arith.constant 0 : index
    %get3A_7 = vector.load %arg4[%get3A_5, %get3A_6] : memref<800x128xf32, #tpu.memory_space<vmem>>, vector<800x128xf32>
    %get3A_8 = arith.constant 0 : index
    %get3A_9 = arith.constant 0 : index
    %get3A_10 = vector.load %arg2[%get3A_8, %get3A_9] : memref<800x128xf32, #tpu.memory_space<vmem>>, vector<800x64xf32>
    %get3A_11 = arith.constant 0 : index
    %get3A_12 = arith.constant 0 : index
    %get3A_13 = vector.load %arg3[%get3A_11, %get3A_12] : memref<800x128xf32, #tpu.memory_space<vmem>>, vector<800x64xf32>
    %slice3A = vector.extract_strided_slice %get3A_7 {offsets = [0, 0], sizes = [800, 64], strides = [1, 1]} : vector<800x128xf32> to vector<800x64xf32>
    %get3A_14 = arith.constant 0 : index
    %get3A_15 = arith.constant 0 : index
    %get3A_16 = vector.load %arg5[%get3A_14, %get3A_15] : memref<800x128xf32, #tpu.memory_space<vmem>>, vector<800x64xf32>
    %concatenate3A = tpu.concatenate %get3A_10, %get3A_13, %slice3A, %get3A_16 in 1 : vector<800x64xf32>, vector<800x64xf32>, vector<800x64xf32>, vector<800x64xf32> -> vector<800x256xf32>
    %dot_general3A = arith.constant dense<0.000000e+00> : vector<800x128xf32>
    %dot_general3A_17 = tpu.matmul %concatenate3A, %get3A_1, %dot_general3A {dimension_numbers = #tpu.dot_dimension_numbers<[1], [0], [0], [1], [0, 0, 1, 1], [], []>, transpose_lhs_hint = false} : vector<800x256xf32>, vector<256x128xf32>, vector<800x128xf32> -> vector<800x128xf32>
    %add3A = vector.broadcast %get3A_4 : vector<1x128xf32> to vector<800x128xf32>
    %add3A_18 = arith.addf %dot_general3A_17, %add3A : vector<800x128xf32>
    %slice3A_19 = vector.extract_strided_slice %add3A_18 {offsets = [0, 0], sizes = [800, 64], strides = [1, 1]} : vector<800x128xf32> to vector<800x64xf32>
    %slice3A_20 = vector.extract_strided_slice %add3A_18 {offsets = [0, 64], sizes = [800, 64], strides = [1, 1]} : vector<800x128xf32> to vector<800x64xf32>
    %logistic3A = arith.negf %slice3A_19 : vector<800x64xf32>
    %logistic3A_21 = math.exp %logistic3A : vector<800x64xf32>
    %logistic3A_22 = arith.constant 1.000000e+00 : f32
    %logistic3A_23 = vector.broadcast %logistic3A_22 : f32 to vector<800x64xf32>
    %logistic3A_24 = arith.addf %logistic3A_23, %logistic3A_21 : vector<800x64xf32>
    %logistic3A_25 = arith.divf %logistic3A_23, %logistic3A_24 : vector<800x64xf32>
    %mul3A = arith.mulf %slice3A_19, %logistic3A_25 : vector<800x64xf32>
    %logistic3A_26 = arith.negf %slice3A_20 : vector<800x64xf32>
    %logistic3A_27 = math.exp %logistic3A_26 : vector<800x64xf32>
    %logistic3A_28 = arith.constant 1.000000e+00 : f32
    %logistic3A_29 = vector.broadcast %logistic3A_28 : f32 to vector<800x64xf32>
    %logistic3A_30 = arith.addf %logistic3A_29, %logistic3A_27 : vector<800x64xf32>
    %logistic3A_31 = arith.divf %logistic3A_29, %logistic3A_30 : vector<800x64xf32>
    %mul3A_32 = arith.mulf %mul3A, %logistic3A_31 : vector<800x64xf32>
    %slice3A_33 = vector.extract_strided_slice %get3A_7 {offsets = [0, 0], sizes = [800, 64], strides = [1, 1]} : vector<800x128xf32> to vector<800x64xf32>
    %add3A_34 = arith.addf %mul3A_32, %slice3A_33 : vector<800x64xf32>
    %get3A_35 = arith.constant 0 : index
    %get3A_36 = arith.constant 64 : index
    %get3A_37 = vector.load %arg2[%get3A_35, %get3A_36] : memref<800x128xf32, #tpu.memory_space<vmem>>, vector<800x64xf32>
    %get3A_38 = arith.constant 0 : index
    %get3A_39 = arith.constant 64 : index
    %get3A_40 = vector.load %arg3[%get3A_38, %get3A_39] : memref<800x128xf32, #tpu.memory_space<vmem>>, vector<800x64xf32>
    %slice3A_41 = vector.extract_strided_slice %get3A_7 {offsets = [0, 64], sizes = [800, 64], strides = [1, 1]} : vector<800x128xf32> to vector<800x64xf32>
    %get3A_42 = arith.constant 0 : index
    %get3A_43 = arith.constant 64 : index
    %get3A_44 = vector.load %arg5[%get3A_42, %get3A_43] : memref<800x128xf32, #tpu.memory_space<vmem>>, vector<800x64xf32>
    %concatenate3A_45 = tpu.concatenate %get3A_37, %get3A_40, %slice3A_41, %get3A_44 in 1 : vector<800x64xf32>, vector<800x64xf32>, vector<800x64xf32>, vector<800x64xf32> -> vector<800x256xf32>
    %dot_general3A_46 = arith.constant dense<0.000000e+00> : vector<800x128xf32>
    %dot_general3A_47 = tpu.matmul %concatenate3A_45, %get3A_1, %dot_general3A_46 {dimension_numbers = #tpu.dot_dimension_numbers<[1], [0], [0], [1], [0, 0, 1, 1], [], []>, transpose_lhs_hint = false} : vector<800x256xf32>, vector<256x128xf32>, vector<800x128xf32> -> vector<800x128xf32>
    %add3A_48 = vector.broadcast %get3A_4 : vector<1x128xf32> to vector<800x128xf32>
    %add3A_49 = arith.addf %dot_general3A_47, %add3A_48 : vector<800x128xf32>
    %slice3A_50 = vector.extract_strided_slice %add3A_49 {offsets = [0, 0], sizes = [800, 64], strides = [1, 1]} : vector<800x128xf32> to vector<800x64xf32>
    %slice3A_51 = vector.extract_strided_slice %add3A_49 {offsets = [0, 64], sizes = [800, 64], strides = [1, 1]} : vector<800x128xf32> to vector<800x64xf32>
    %logistic3A_52 = arith.negf %slice3A_50 : vector<800x64xf32>
    %logistic3A_53 = math.exp %logistic3A_52 : vector<800x64xf32>
    %logistic3A_54 = arith.constant 1.000000e+00 : f32
    %logistic3A_55 = vector.broadcast %logistic3A_54 : f32 to vector<800x64xf32>
    %logistic3A_56 = arith.addf %logistic3A_55, %logistic3A_53 : vector<800x64xf32>
    %logistic3A_57 = arith.divf %logistic3A_55, %logistic3A_56 : vector<800x64xf32>
    %mul3A_58 = arith.mulf %slice3A_50, %logistic3A_57 : vector<800x64xf32>
    %logistic3A_59 = arith.negf %slice3A_51 : vector<800x64xf32>
    %logistic3A_60 = math.exp %logistic3A_59 : vector<800x64xf32>
    %logistic3A_61 = arith.constant 1.000000e+00 : f32
    %logistic3A_62 = vector.broadcast %logistic3A_61 : f32 to vector<800x64xf32>
    %logistic3A_63 = arith.addf %logistic3A_62, %logistic3A_60 : vector<800x64xf32>
    %logistic3A_64 = arith.divf %logistic3A_62, %logistic3A_63 : vector<800x64xf32>
    %mul3A_65 = arith.mulf %mul3A_58, %logistic3A_64 : vector<800x64xf32>
    %slice3A_66 = vector.extract_strided_slice %get3A_7 {offsets = [0, 64], sizes = [800, 64], strides = [1, 1]} : vector<800x128xf32> to vector<800x64xf32>
    %add3A_67 = arith.addf %mul3A_65, %slice3A_66 : vector<800x64xf32>
    %broadcast_in_dim3A = vector.shape_cast %add3A_34 : vector<800x64xf32> to vector<800x1x64xf32>
    %broadcast_in_dim3A_68 = vector.shape_cast %add3A_67 : vector<800x64xf32> to vector<800x1x64xf32>
    %concatenate3A_69 = tpu.concatenate %broadcast_in_dim3A, %broadcast_in_dim3A_68 in 1 : vector<800x1x64xf32>, vector<800x1x64xf32> -> vector<800x2x64xf32>
    %reshape3A = vector.shape_cast %concatenate3A_69 : vector<800x2x64xf32> to vector<1600x64xf32>
    %swap3A = arith.constant 0 : index
    %swap3A_70 = arith.constant 0 : index
    %swap3A_71 = vector.load %arg8[%swap3A, %swap3A_70] : memref<1600x64xf32, #tpu.memory_space<vmem>>, vector<1600x64xf32>
    tpu.vector_store %arg8[%swap3A, %swap3A_70], %reshape3A {strides = array<i32>} : memref<1600x64xf32, #tpu.memory_space<vmem>>, vector<1600x64xf32>,
    return
  }
  func.func @transform_1(%arg0: i32) -> (i32, i32) {
    %c0_i32 = arith.constant 0 : i32
    %c0_i32_0 = arith.constant 0 : i32
    return %arg0, %c0_i32 : i32, i32
  }
  func.func @transform_2(%arg0: i32) -> (i32, i32) {
    %c0_i32 = arith.constant 0 : i32
    %c0_i32_0 = arith.constant 0 : i32
    return %arg0, %c0_i32 : i32, i32
  }
  func.func @transform_3(%arg0: i32) -> (i32, i32) {
    %add3A = arith.constant 128 : i32
    %add3A_0 = arith.addi %arg0, %add3A : i32
    %c0_i32 = arith.constant 0 : i32
    %c0_i32_1 = arith.constant 0 : i32
    return %add3A_0, %c0_i32 : i32, i32
  }
  func.func @transform_4(%arg0: i32) -> (i32, i32) {
    %c0_i32 = arith.constant 0 : i32
    %c0_i32_0 = arith.constant 0 : i32
    return %arg0, %c0_i32 : i32, i32
  }
  func.func @transform_5(%arg0: i32) -> (i32, i32) {
    %c0_i32 = arith.constant 0 : i32
    %c0_i32_0 = arith.constant 0 : i32
    %c0_i32_1 = arith.constant 0 : i32
    return %c0_i32, %c0_i32_0 : i32, i32
  }
  func.func @transform_6(%arg0: i32) -> (i32, i32) {
    %c0_i32 = arith.constant 0 : i32
    %c0_i32_0 = arith.constant 0 : i32
    %c0_i32_1 = arith.constant 0 : i32
    return %c0_i32, %c0_i32_0 : i32, i32
  }
  func.func @transform_7(%arg0: i32) -> (i32, i32) {
    %add3A = arith.constant 128 : i32
    %add3A_0 = arith.addi %arg0, %add3A : i32
    %c0_i32 = arith.constant 0 : i32
    %c0_i32_1 = arith.constant 0 : i32
    return %add3A_0, %c0_i32 : i32, i32
  }
}

</mosaic_0001>

<sc_bundles>
// kernel: kernel.6.cloned.1.call-start
scs
__scs_entry_jumppad:
0x0: {  	(pc) =	sbr.rel $0x88, $3  }
0x1: {  	(tag) =	ssettag $0x0;
	lr =	simm.s32 $0x1  }
0x2: {  	[smem:$0x3F99] =	sst lr;
	_ =	strace $0xD0000000  }
0x3: {  	_ = 	snop  }
0x4: {  	_ = 	snop  }
0x5: {  	_ = 	snop  }
0x6: {  	_ = 	snop  }
0x7: {  	_ = 	snop  }
__scs_overlays_trampoline_lowered:
0x8: {  	[smem:$0x3FA8] =	sst s0  }
0x9: {  	[smem:$0x3FA9] =	sst s1  }
0xa: {  	[smem:$0x3FAA] =	sst s2  }
0xb: {  	[smem:$0x3FAB] =	sst s3  }
0xc: {  	[smem:$0x3FAC] =	sst s4  }
0xd: {  	[smem:$0x3FAD] =	sst s5  }
0xe: {  	[smem:$0x3FAE] =	sst s6  }
0xf: {  	[smem:$0x3FAF] =	sst s7  }
0x10: {  	[smem:$0x3FB0] =	sst s8  }
0x11: {  	[smem:$0x3FB1] =	sst s9;
	s0 =	simm.s32 @!p0 $0x0  }
0x12: {  	s1 =	sld [smem:$0x3F97];
	s0 =	simm.s32 @p0 $0x1  }
0x13: {  	[smem:$0x3FB2] =	sst s0;
	s0 =	simm.s32 @!p1 $0x0  }
0x14: {  	s2 =	sld [smem:$0x3F96];
	s0 =	simm.s32 @p1 $0x1  }
0x15: {  	[smem:$0x3FB3] =	sst s0;
	s0 =	simm.s32 @!p2 $0x0  }
0x16: {  	s3 =	sld [smem:$0x3FDB];
	s0 =	simm.s32 @p2 $0x1  }
0x17: {  	s4 =	simm.s32 $0x1BF5;
	[smem:$0x3FB5] =	sst s0  }
0x18: {  	s0 =	sld [smem:$0x3F98];
	_ =	swait.ge [sflag:s4], $0x0  }
0x19: {  	s7 =	sld [smem:$0x3F99]  }
0x1a: {  	s8 =	sadd.s32 $0xFFFFE003, lr  }
0x1b: {  	s9 =	sadd.s32 $0xFFFFFEF7, lr;
	s5 =	simm.s32 $0xFFFFFFFF;
	p2 =	slt.u32 s8, $0xFFFFF086  }
0x1c: {  	p1 =	slt.u32 s9, $0xF7A;
	s5 =	simm.s32 @!p2 $0x0  }
0x1d: {  	s5 =	simm.s32 @p1 $0x1;
	p0 =	seq.s32 s7, s2  }
0x1e: {  	s7 =	smul.u32 @!p0 $0xF7A, s2;
	p2 =	seq.s32 @!p0 s5, $0x0  }
0x1f: {  	s9 =	smul.u32 $0xF7A, s1;
	s8 =	simm.s32 @!p0 $0x1BF5;
	p2 =	por !p2, p0  }
0x20: {  	[sflag:s8] =	ssyncset.s32 @!p0 $0xFFFFF086;
	s6 =	sadd.s32 @!p0 s3, s7;
	s7 =	simm.s32 @!p0 $0x108  }
0x21: {  	s3 =	sadd.s32 s3, s9;
	s6 =	sadd.s32 @!p0 $0x88, s6;
	s7 =	simm.s32 @p2 $0x1082  }
0x22: {  	[simem:s7], [sflag:s8] =	dma.local @!p0 [hbm:s6], $0xF7A  }
0x23: {  	s9 =	sor.u32 $0xD0000000, s2;
	s6 =	simm.s32 $0x108;
	_ =	swait.ge @!p0 [sflag:s8], $0x0  }
0x24: {  	s3 =	sadd.s32 $0x88, s3;
	s6 =	simm.s32 @!p1 $0x1082;
	[sflag:s4] =	ssyncset.s32 $0xFFFFF086  }
0x25: {  	[simem:s6], [sflag:s4] =	dma.local [hbm:s3], $0xF7A  }
0x26: {  	[smem:$0x3F99] =	sst s1;
	(tag) =	ssettag s2;
	_ =	strace s9  }
0x27: {  	s1 =	sld [smem:$0x3FA9]  }
0x28: {  	s2 =	sld [smem:$0x3FAA]  }
0x29: {  	s4 =	sld [smem:$0x3FAC]  }
0x2a: {  	p0 =	seq.s32 s5, $0x0;
	s5 =	sld [smem:$0x3FAD]  }
0x2b: {  	s6 =	sld [smem:$0x3FAE]  }
0x2c: {  	s7 =	sld [smem:$0x3FAF]  }
0x2d: {  	s3 =	simm.s32 $0x108;
	s8 =	sld [smem:$0x3FB0]  }
0x2e: {  	s3 =	simm.s32 @!p0 $0x1082;
	s9 =	sld [smem:$0x3FB1]  }
0x2f: {  	lr =	sadd.s32 s0, s3;
	s0 =	sld [smem:$0x3FA8]  }
0x30: {  	s3 =	sld [smem:$0x3FAB]  }
0x31: {  	[smem:$0x3FB4] =	sst s10  }
0x32: {  	s10 =	sld [smem:$0x3FB2];
	_ =	sdelay $0x3  }
0x33: {  	p0 =	seq.s32 s10, $0x1;
	s10 =	sld [smem:$0x3FB4];
	_ =	sdelay $0x3  }
0x34: {  	[smem:$0x3FB4] =	sst s10  }
0x35: {  	s10 =	sld [smem:$0x3FB3];
	_ =	sdelay $0x3  }
0x36: {  	p1 =	seq.s32 s10, $0x1;
	s10 =	sld [smem:$0x3FB4];
	_ =	sdelay $0x3  }
0x37: {  	[smem:$0x3FB4] =	sst s10  }
0x38: {  	s10 =	sld [smem:$0x3FB5]  }
0x39: {  	_ = 	snop;
	(pc) =	sbr.ind lr, $3  }
0x3a: {  	_ = 	snop  }
0x3b: {  	_ = 	snop  }
0x3c: {  	p2 =	seq.s32 s10, $0x1;
	s10 =	sld [smem:$0x3FB4]  }
0x3d: {  	_ =	shalt  }
0x3e: {  	_ =	shalt  }
0x3f: {  	_ =	shalt  }
0x40: {  	_ =	shalt  }
0x41: {  	_ =	shalt  }
0x42: {  	_ =	shalt  }
0x43: {  	_ =	shalt  }
0x44: {  	_ =	shalt  }
0x45: {  	_ =	shalt  }
0x46: {  	_ =	shalt  }
0x47: {  	_ =	shalt  }
0x48: {  	_ =	shalt  }
0x49: {  	_ =	shalt  }
0x4a: {  	_ =	shalt  }
0x4b: {  	_ =	shalt  }
0x4c: {  	_ =	shalt  }
0x4d: {  	_ =	shalt  }
0x4e: {  	_ =	shalt  }
0x4f: {  	_ =	shalt  }
0x50: {  	_ =	shalt  }
0x51: {  	_ =	shalt  }
0x52: {  	_ =	shalt  }
0x53: {  	_ =	shalt  }
0x54: {  	_ =	shalt  }
0x55: {  	_ =	shalt  }
0x56: {  	_ =	shalt  }
0x57: {  	_ =	shalt  }
0x58: {  	_ =	shalt  }
0x59: {  	_ =	shalt  }
0x5a: {  	_ =	shalt  }
0x5b: {  	_ =	shalt  }
0x5c: {  	_ =	shalt  }
0x5d: {  	_ =	shalt  }
0x5e: {  	_ =	shalt  }
0x5f: {  	_ =	shalt  }
0x60: {  	_ =	shalt  }
0x61: {  	_ =	shalt  }
0x62: {  	_ =	shalt  }
0x63: {  	_ =	shalt  }
0x64: {  	_ =	shalt  }
0x65: {  	_ =	shalt  }
0x66: {  	_ =	shalt  }
0x67: {  	_ =	shalt  }
0x68: {  	_ =	shalt  }
0x69: {  	_ =	shalt  }
0x6a: {  	_ =	shalt  }
0x6b: {  	_ =	shalt  }
0x6c: {  	_ =	shalt  }
0x6d: {  	_ =	shalt  }
0x6e: {  	_ =	shalt  }
0x6f: {  	_ =	shalt  }
0x70: {  	_ =	shalt  }
0x71: {  	_ =	shalt  }
0x72: {  	_ =	shalt  }
0x73: {  	_ =	shalt  }
0x74: {  	_ =	shalt  }
0x75: {  	_ =	shalt  }
0x76: {  	_ =	shalt  }
0x77: {  	_ =	shalt  }
0x78: {  	_ =	shalt  }
0x79: {  	_ =	shalt  }
0x7a: {  	_ =	shalt  }
0x7b: {  	_ =	shalt  }
0x7c: {  	_ =	shalt  }
0x7d: {  	_ =	shalt  }
0x7e: {  	_ =	shalt  }
0x7f: {  	_ =	shalt  }
0x80: {  	_ =	shalt  }
0x81: {  	_ =	shalt  }
0x82: {  	_ =	shalt  }
0x83: {  	_ =	shalt  }
0x84: {  	_ =	shalt  }
0x85: {  	_ =	shalt  }
0x86: {  	_ =	shalt  }
0x87: {  	_ =	shalt  }
.Lfunc_end0:
.L_simem_size_0:
called_computation_lowered:
.L_overlay_start_0:
0x88: {  	s2 =	sld [smem:$0x3FD9]  }
0x89: {  	s3 =	sld [smem:$0x3FFE];
	_ =	sdelay $0x1  }
0x8a: {  	s1 =	srdreg.scid  }
0x8b: {  	s0 =	sand.u32 $0x1, s1  }
0x8c: {  	s16 =	sshll.u32 s0, $0xA;
	s2 =	sadd.s32 s3, s2  }
0x8d: {  	s2 =	sadd.s32 s2, s16  }
0x8e: {  	[smem:$0x3FC0] =	sst s2  }
0x8f: {  	_ = 	snop  }
0x90: {  	(tm) =	ssettm $0x1  }
0x91: {  	s17 =	sld [smem:$0x3FFB];
	_ =	sdelay $0x3  }
0x92: {  	_ =	strace s17  }
0x93: {  	s2 =	sld [smem:$0x3FFC];
	_ =	sdelay $0x3  }
0x94: {  	_ =	strace s2  }
0x95: {  	s2 =	sld [smem:$0x3FFD];
	_ =	sdelay $0x3  }
0x96: {  	_ =	strace s2  }
0x97: {  	_ =	strace $0x8FFFFFFF  }
0x98: {  	s18 =	sld [smem:$0x3FDB];
	_ =	sdelay $0x1  }
0x99: {  	s19 =	simm.s32 $_scs_section_size  }
0x9a: {  	s4 =	simm.s32 $_size__tile_overlayer_lowered;
	s5 =	simm.s32 $_tile_overlayer_lowered  }
0x9b: {  	s22 =	simm.s32 $0x1BFF;
	s21 =	sshll.u32 s5, $0x1;
	s2 =	sadd.s32 s19, s18  }
0x9c: {  	s6 =	simm.s32 $0x0;
	s20 =	sshll.u32 s4, $0x1;
	s4 =	sadd.s32 s21, s2  }
0x9d: {  	[timem:s6], [sflag:s22] =	dma.local [hbm:s4], s20  }
0x9e: {  	_ =	swait.ge [sflag:s22], s20  }
0x9f: {  	s3 =	ssub.s32 $0x0, s20;
	[sflag:s22] =	ssyncset.done $0x0  }
0xa0: {  	[sflag:s22] =	ssyncadd.s32 s3;
	_ =	sdelay $0x1  }
0xa1: {  	s23 =	simm.s32 $0x1B8B  }
0xa2: {  	_ =	swait.ge [sflag:s23], $0x1  }
0xa3: {  	[sflag:s23] =	ssyncset.done $0x0  }
0xa4: {  	s25 =	simm.s32 $0x1B8E;
	s24 =	sld [smem:$0x3FFE];
	[sflag:s23] =	ssyncadd.s32 $0xFFFFFFFF  }
0xa5: {  	s26 =	simm.s32 $execute0_lowered;
	[smem:$0x3FD2] =	sst s25  }
0xa6: {  	s4 =	sshll.u32 s26, $0x1;
	_ =	strace $0x80000046;
	[dreg:$0x1] =	wrdreg $0xFFFFFFFF  }
0xa7: {  	s28 =	simm.s32 $_size_execute0_lowered;
	s2 =	sadd.s32 s2, s4;
	[dreg:$0x0] =	wrdreg $0x0  }
0xa8: {  	s4 =	sshll.u32 s28, $0x1;
	[dreg:$0x2] =	wrdreg s2  }
0xa9: {  	[dreg:$0x3] =	wrdreg s4  }
0xaa: {  	[dreg:$0x4] =	wrdreg $0xC0  }
0xab: {  	_ =	task [dreg:s6], $0x5FFFF  }
0xac: {  	[dreg:$0x1] =	wrdreg $0xFFFFFFFF  }
0xad: {  	[dreg:$0x0] =	wrdreg $0x60  }
0xae: {  	[dreg:$0x2] =	wrdreg s24  }
0xaf: {  	[dreg:$0x3] =	wrdreg $0x9  }
0xb0: {  	_ =	task.clear_ibuf [dreg:s6], $0x4FFFF;
	_ =	strace $0x90000046  }
0xb1: {  	s29 =	simm.s32 $0x9;
	_ =	strace $0x80000048  }
0xb2: {  	_ =	swait.ge [sflag:s29], $0x1  }
0xb3: {  	[sflag:s29] =	ssyncadd.s32 $0xFFFFFFFF  }
0xb4: {  	_ =	strace $0x90000048  }
0xb5: {  	_ =	sfence  }
0xb6: {  	s30 =	sld [smem:$0x0];
	_ =	sdelay $0x2  }
0xb7: {  	s31 =	sshll.u32 s1, $0xD;
	s1 =	sshrl.u32 s1, $0x2  }
0xb8: {  	s3 =	sand.u32 $0x4000, s31;
	s1 =	sadd.s32 s1, s30  }
0xb9: {  	s0 =	sor.u32 s3, s0;
	s1 =	sshll.u32 s1, $0x11  }
0xba: {  	s0 =	sor.u32 s1, s0  }
0xbb: {  	s0 =	sadd.s32 $0x8F2B, s0  }
0xbc: {  	[sflag:s0] =	ssyncadd.remote.s32 $0x1  }
0xbd: {  	_ =	sfence.sel $0xFFFF  }
0xbe: {  	[dreg:$0x0] =	wrdreg $0xFFFFFFFF;
	(pc) =	sbr.abs _section_cstart, $3  }
0xbf: {  	[dreg:$0x1] =	wrdreg $0xFFFFFFFF  }
0xc0: {  	_ =	task.clear_ibuf [dreg:s6], $0x2FFFF;
	_ =	strace $0x9FFFFFFF  }
0xc1: {  	(tm) =	ssettm $0x7FFFFFFF  }
tec
execute0_lowered:
.L_overlay_start_1:
0x0: {  	(tag) =	ssettag $0x1  }
0x1: {  	v0 =	vlaneseq.u32  }
0x2: {  	v0 =	vmul.u32 $0x4, v0;
	_ =	sdelay $0x1  }
0x3: {  	v1 =	vor.u32 $0x1, v0;
	v3 =	vor.u32 $0x40, v0  }
0x4: {  	s0 =	rddreg [dreg:$0x0];
	v4 =	vor.u32 $0x41, v0;
	v5 =	vor.u32 $0x42, v0;
	v6 =	vor.u32 $0x80, v0  }
0x5: {  	s2 =	simm.s32 $0x0;
	s1 =	srdreg.scid;
	s8 =	stileid.u32;
	v7 =	vor.u32 $0x81, v0;
	v8 =	vor.u32 $0x82, v0;
	v9 =	vor.u32 $0xC0, v0  }
0x6: {  	s12 =	simm.s32 $0x4;
	s13 =	simm.s32 $0x80;
	s20 =	simm.s32 $0x880;
	v10 =	vor.u32 $0xC1, v0;
	v11 =	vor.u32 $0xC2, v0;
	v12 =	vor.u32 $0x100, v0  }
0x7: {  	s21 =	simm.s32 $0x2E00;
	s22 =	simm.s32 $0xA80;
	s23 =	simm.s32 $0xAE00;
	v13 =	vor.u32 $0x101, v0;
	v14 =	vor.u32 $0x102, v0;
	v15 =	vor.u32 $0x140, v0  }
0x8: {  	s24 =	simm.s32 $0xC80;
	s25 =	simm.s32 $0x12E00;
	s26 =	simm.s32 $0x1;
	v16 =	vor.u32 $0x141, v0;
	v17 =	vor.u32 $0x142, v0;
	v18 =	vor.u32 $0x180, v0  }
0x9: {  	s28 =	simm.s32 $0x2;
	s29 =	simm.s32 $0x3;
	[smem:$0x7FF] =	sst s2;
	v19 =	vor.u32 $0x181, v0;
	v20 =	vor.u32 $0x182, v0;
	v21 =	vor.u32 $0x1C0, v0  }
0xa: {  	s1 =	sand.u32 $0x1, s1;
	s6 =	smul.u32 $0xC8000, s8;
	s3 =	sadd.s32 $0x32A00, s0;
	v22 =	vor.u32 $0x1C1, v0;
	v23 =	vor.u32 $0x1C2, v0;
	v24 =	vor.u32 $0x200, v0  }
0xb: {  	s30 =	simm.s32 $0x0;
	s4 =	sadd.s32 $0xC36A00, s0;
	s7 =	smul.u32 $0x64000, s1;
	v25 =	vor.u32 $0x201, v0;
	v26 =	vor.u32 $0x202, v0;
	v27 =	vor.u32 $0x240, v0  }
0xc: {  	s31 =	sshll.u32 s8, $0x1;
	s8 =	smul.u32 $0xC800, s8;
	s9 =	ssub.s32 $0x2, s1;
	v28 =	vor.u32 $0x241, v0;
	v29 =	vor.u32 $0x242, v0;
	v30 =	vor.u32 $0x280, v0  }
0xd: {  	v31 =	vor.u32 $0x281, v0;
	v32 =	vor.u32 $0x282, v0;
	v33 =	vor.u32 $0x2C0, v0;
	s6 =	sadd.s32 s7, s6;
	s7 =	sor.u32 s1, s31;
	s1 =	smul.u32 $0x6400, s1  }
.Ltmp0:
0xe: {  	s5 =	sadd.s32 $0x1A00, s0;
	s10 =	sshrl.u32 s9, $0x1;
	v34 =	vor.u32 $0x2C1, v0;
	v35 =	vor.u32 $0x2C2, v0;
	v36 =	vor.u32 $0x300, v0;
	(pc) =	sbr.rel .LBB2_1-.Ltmp0, $4  }
0xf: {  	v37 =	vor.u32 $0x301, v0;
	v38 =	vor.u32 $0x302, v0;
	v39 =	vor.u32 $0x340, v0;
	s9 =	ssub.s32 s9, s10;
	s6 =	sshrl.u32 s6, $0x3;
	s7 =	smul.u32 $0xC80, s7  }
0x10: {  	_ =	strace $0x80000047;
	v40 =	vor.u32 $0x341, v0;
	v41 =	vor.u32 $0x342, v0;
	v42 =	vor.u32 $0x380, v0;
	s9 =	smax.u32 s9, $0x1;
	s0 =	sadd.s32 s6, s0  }
0x11: {  	v43 =	vor.u32 $0x381, v0;
	v44 =	vor.u32 $0x382, v0;
	v45 =	vor.u32 $0x3C0, v0;
	s1 =	sadd.s32 s1, s8;
	s6 =	sadd.s32 s5, s7;
	s8 =	sadd.s32 $0x3B4600, s0  }
0x12: {  	v2 =	vor.u32 $0x2, v0;
	v46 =	vor.u32 $0x3C1, v0;
	v47 =	vor.u32 $0x3C2, v0;
	s1 =	sadd.s32 $0x400, s1;
	s10 =	sadd.s32 $0x224600, s0;
	s11 =	sadd.s32 $0x94600, s0  }
.LBB2_5:
0x13: {  	s30 =	sadd.s32 $0x1, s30  }
0x14: {  	p0 =	sne.s32 s30, s9  }
.Ltmp1:
0x15: {  	_ = 	snop;
	(pc) =	sbr.rel @!p0 .LBB2_6-.Ltmp1, $1  }
0x16: {  	_ =	sdelay $0x3  }
.LBB2_1:
0x17: {  	[tilespmem:s2], [sflag:$0x4] =	stream.linear.gather [hbm4b:s6+s2], $0x400, $0x38;
	[tilespmem:$0x18E00] =	vst v63  }
0x18: {  	_ =	swait.ge [sflag:s12], $0x400  }
0x19: {  	[sflag:s12] =	ssyncset.done $0x0  }
0x1a: {  	[sflag:s12] =	ssyncadd.s32 $0xFFFFFC00  }
0x1b: {  	v48 =	vld.idx.msk [tilespmem:v0+s2+$0x0], $0xffff;
	_ =	sdelay $0x4  }
0x1c: {  	[tilespmem:$0x800] =	vst v48  }
0x1d: {  	v48 =	vld.idx.msk [tilespmem:v1+s2+$0x0], $0xffff;
	_ =	sdelay $0x4  }
0x1e: {  	[tilespmem:$0xA00] =	vst v48  }
0x1f: {  	v48 =	vld.idx.msk [tilespmem:v2+s2+$0x0], $0xffff;
	_ =	sdelay $0x4  }
0x20: {  	[tilespmem:$0xC00] =	vst v48  }
0x21: {  	v48 =	vld.idx.msk [tilespmem:v3+s2+$0x0], $0xffff;
	_ =	sdelay $0x4  }
0x22: {  	[tilespmem:$0x810] =	vst v48  }
0x23: {  	v48 =	vld.idx.msk [tilespmem:v4+s2+$0x0], $0xffff;
	_ =	sdelay $0x4  }
0x24: {  	[tilespmem:$0xA10] =	vst v48  }
0x25: {  	v48 =	vld.idx.msk [tilespmem:v5+s2+$0x0], $0xffff;
	_ =	sdelay $0x4  }
0x26: {  	[tilespmem:$0xC10] =	vst v48  }
0x27: {  	v48 =	vld.idx.msk [tilespmem:v6+s2+$0x0], $0xffff;
	_ =	sdelay $0x4  }
0x28: {  	[tilespmem:$0x820] =	vst v48  }
0x29: {  	v48 =	vld.idx.msk [tilespmem:v7+s2+$0x0], $0xffff;
	_ =	sdelay $0x4  }
0x2a: {  	[tilespmem:$0xA20] =	vst v48  }
0x2b: {  	v48 =	vld.idx.msk [tilespmem:v8+s2+$0x0], $0xffff;
	_ =	sdelay $0x4  }
0x2c: {  	[tilespmem:$0xC20] =	vst v48  }
0x2d: {  	v48 =	vld.idx.msk [tilespmem:v9+s2+$0x0], $0xffff;
	_ =	sdelay $0x4  }
0x2e: {  	[tilespmem:$0x830] =	vst v48  }
0x2f: {  	v48 =	vld.idx.msk [tilespmem:v10+s2+$0x0], $0xffff;
	_ =	sdelay $0x4  }
0x30: {  	[tilespmem:$0xA30] =	vst v48  }
0x31: {  	v48 =	vld.idx.msk [tilespmem:v11+s2+$0x0], $0xffff;
	_ =	sdelay $0x4  }
0x32: {  	[tilespmem:$0xC30] =	vst v48  }
0x33: {  	v48 =	vld.idx.msk [tilespmem:v12+s2+$0x0], $0xffff;
	_ =	sdelay $0x4  }
0x34: {  	[tilespmem:$0x840] =	vst v48  }
0x35: {  	v48 =	vld.idx.msk [tilespmem:v13+s2+$0x0], $0xffff;
	_ =	sdelay $0x4  }
0x36: {  	[tilespmem:$0xA40] =	vst v48  }
0x37: {  	v48 =	vld.idx.msk [tilespmem:v14+s2+$0x0], $0xffff;
	_ =	sdelay $0x4  }
0x38: {  	[tilespmem:$0xC40] =	vst v48  }
0x39: {  	v48 =	vld.idx.msk [tilespmem:v15+s2+$0x0], $0xffff;
	_ =	sdelay $0x4  }
0x3a: {  	[tilespmem:$0x850] =	vst v48  }
0x3b: {  	v48 =	vld.idx.msk [tilespmem:v16+s2+$0x0], $0xffff;
	_ =	sdelay $0x4  }
0x3c: {  	[tilespmem:$0xA50] =	vst v48  }
0x3d: {  	v48 =	vld.idx.msk [tilespmem:v17+s2+$0x0], $0xffff;
	_ =	sdelay $0x4  }
0x3e: {  	[tilespmem:$0xC50] =	vst v48  }
0x3f: {  	v48 =	vld.idx.msk [tilespmem:v18+s2+$0x0], $0xffff;
	_ =	sdelay $0x4  }
0x40: {  	[tilespmem:$0x860] =	vst v48  }
0x41: {  	v48 =	vld.idx.msk [tilespmem:v19+s2+$0x0], $0xffff;
	_ =	sdelay $0x4  }
0x42: {  	[tilespmem:$0xA60] =	vst v48  }
0x43: {  	v48 =	vld.idx.msk [tilespmem:v20+s2+$0x0], $0xffff;
	_ =	sdelay $0x4  }
0x44: {  	[tilespmem:$0xC60] =	vst v48  }
0x45: {  	v48 =	vld.idx.msk [tilespmem:v21+s2+$0x0], $0xffff;
	_ =	sdelay $0x4  }
0x46: {  	[tilespmem:$0x870] =	vst v48  }
0x47: {  	v48 =	vld.idx.msk [tilespmem:v22+s2+$0x0], $0xffff;
	_ =	sdelay $0x4  }
0x48: {  	[tilespmem:$0xA70] =	vst v48  }
0x49: {  	v48 =	vld.idx.msk [tilespmem:v23+s2+$0x0], $0xffff;
	_ =	sdelay $0x4  }
0x4a: {  	[tilespmem:$0xC70] =	vst v48  }
0x4b: {  	v48 =	vld.idx.msk [tilespmem:v24+s2+$0x0], $0xffff;
	_ =	sdelay $0x4  }
0x4c: {  	[tilespmem:$0x880] =	vst v48  }
0x4d: {  	v48 =	vld.idx.msk [tilespmem:v25+s2+$0x0], $0xffff;
	_ =	sdelay $0x4  }
0x4e: {  	[tilespmem:$0xA80] =	vst v48  }
0x4f: {  	v48 =	vld.idx.msk [tilespmem:v26+s2+$0x0], $0xffff;
	_ =	sdelay $0x4  }
0x50: {  	[tilespmem:$0xC80] =	vst v48  }
0x51: {  	v48 =	vld.idx.msk [tilespmem:v27+s2+$0x0], $0xffff;
	_ =	sdelay $0x4  }
0x52: {  	[tilespmem:$0x890] =	vst v48  }
0x53: {  	v48 =	vld.idx.msk [tilespmem:v28+s2+$0x0], $0xffff;
	_ =	sdelay $0x4  }
0x54: {  	[tilespmem:$0xA90] =	vst v48  }
0x55: {  	v48 =	vld.idx.msk [tilespmem:v29+s2+$0x0], $0xffff;
	_ =	sdelay $0x4  }
0x56: {  	[tilespmem:$0xC90] =	vst v48  }
0x57: {  	v48 =	vld.idx.msk [tilespmem:v30+s2+$0x0], $0xffff;
	_ =	sdelay $0x4  }
0x58: {  	[tilespmem:$0x8A0] =	vst v48  }
0x59: {  	v48 =	vld.idx.msk [tilespmem:v31+s2+$0x0], $0xffff;
	_ =	sdelay $0x4  }
0x5a: {  	[tilespmem:$0xAA0] =	vst v48  }
0x5b: {  	v48 =	vld.idx.msk [tilespmem:v32+s2+$0x0], $0xffff;
	_ =	sdelay $0x4  }
0x5c: {  	[tilespmem:$0xCA0] =	vst v48  }
0x5d: {  	v48 =	vld.idx.msk [tilespmem:v33+s2+$0x0], $0xffff;
	_ =	sdelay $0x4  }
0x5e: {  	[tilespmem:$0x8B0] =	vst v48  }
0x5f: {  	v48 =	vld.idx.msk [tilespmem:v34+s2+$0x0], $0xffff;
	_ =	sdelay $0x4  }
0x60: {  	[tilespmem:$0xAB0] =	vst v48  }
0x61: {  	v48 =	vld.idx.msk [tilespmem:v35+s2+$0x0], $0xffff;
	_ =	sdelay $0x4  }
0x62: {  	[tilespmem:$0xCB0] =	vst v48  }
0x63: {  	v48 =	vld.idx.msk [tilespmem:v36+s2+$0x0], $0xffff;
	_ =	sdelay $0x4  }
0x64: {  	[tilespmem:$0x8C0] =	vst v48  }
0x65: {  	v48 =	vld.idx.msk [tilespmem:v37+s2+$0x0], $0xffff;
	_ =	sdelay $0x4  }
0x66: {  	[tilespmem:$0xAC0] =	vst v48  }
0x67: {  	v48 =	vld.idx.msk [tilespmem:v38+s2+$0x0], $0xffff;
	_ =	sdelay $0x4  }
0x68: {  	[tilespmem:$0xCC0] =	vst v48  }
0x69: {  	v48 =	vld.idx.msk [tilespmem:v39+s2+$0x0], $0xffff;
	_ =	sdelay $0x4  }
0x6a: {  	[tilespmem:$0x8D0] =	vst v48  }
0x6b: {  	v48 =	vld.idx.msk [tilespmem:v40+s2+$0x0], $0xffff;
	_ =	sdelay $0x4  }
0x6c: {  	[tilespmem:$0xAD0] =	vst v48  }
0x6d: {  	v48 =	vld.idx.msk [tilespmem:v41+s2+$0x0], $0xffff;
	_ =	sdelay $0x4  }
0x6e: {  	[tilespmem:$0xCD0] =	vst v48  }
0x6f: {  	v48 =	vld.idx.msk [tilespmem:v42+s2+$0x0], $0xffff;
	_ =	sdelay $0x4  }
0x70: {  	[tilespmem:$0x8E0] =	vst v48  }
0x71: {  	v48 =	vld.idx.msk [tilespmem:v43+s2+$0x0], $0xffff;
	_ =	sdelay $0x4  }
0x72: {  	[tilespmem:$0xAE0] =	vst v48  }
0x73: {  	v48 =	vld.idx.msk [tilespmem:v44+s2+$0x0], $0xffff;
	_ =	sdelay $0x4  }
0x74: {  	[tilespmem:$0xCE0] =	vst v48  }
0x75: {  	v48 =	vld.idx.msk [tilespmem:v45+s2+$0x0], $0xffff;
	_ =	sdelay $0x4  }
0x76: {  	[tilespmem:$0x8F0] =	vst v48  }
0x77: {  	v48 =	vld.idx.msk [tilespmem:v46+s2+$0x0], $0xffff;
	_ =	sdelay $0x4  }
0x78: {  	[tilespmem:$0xAF0] =	vst v48  }
0x79: {  	v48 =	vld.idx.msk [tilespmem:v47+s2+$0x0], $0xffff;
	_ =	sdelay $0x4  }
0x7a: {  	s0 =	simm.s32 $0x800;
	s7 =	simm.s32 $0xE00;
	[tilespmem:$0xCF0] =	vst v48  }
0x7b: {  	[tilespmem:s7], [sflag:$0x1] =	stream.indirect.gather [hbm4b:s3+s13], $0x40, s0, s13, $0xb8;
	[tilespmem:$0x18E00] =	vst v63  }
0x7c: {  	s16 =	simm.s32 $0xA00;
	s17 =	simm.s32 $0x8E00  }
0x7d: {  	[tilespmem:s17], [sflag:$0x2] =	stream.indirect.gather [hbm4b:s4+s13], $0x40, s16, s13, $0xb8;
	[tilespmem:$0x18E00] =	vst v63  }
0x7e: {  	s18 =	simm.s32 $0xC00;
	s19 =	simm.s32 $0x10E00  }
0x7f: {  	[tilespmem:s19], [sflag:$0x3] =	stream.indirect.gather [hbm4b:s4+s13], $0x40, s18, s13, $0xb8;
	[tilespmem:$0x18E00] =	vst v63  }
0x80: {  	_ = 	snop  }
0x81: {  	[tilespmem:s21], [sflag:$0x1] =	stream.indirect.gather [hbm4b:s3+s13], $0x40, s20, s13, $0xb8;
	[tilespmem:$0x18E00] =	vst v63  }
.Ltmp2:
0x82: {  	_ = 	snop;
	(pc) =	sbr.rel .LBB2_2-.Ltmp2, $4  }
0x83: {  	s31 =	simm.s32 $0x0  }
0x84: {  	[tilespmem:s23], [sflag:$0x2] =	stream.indirect.gather [hbm4b:s4+s13], $0x40, s22, s13, $0xb8;
	[tilespmem:$0x18E00] =	vst v63  }
0x85: {  	s14 =	simm.s32 $0x0;
	s0 =	simm.s32 $0x1;
	s7 =	smov.u32 s1  }
0x86: {  	[tilespmem:s25], [sflag:$0x3] =	stream.indirect.gather [hbm4b:s4+s13], $0x40, s24, s13, $0xb8;
	[tilespmem:$0x18E00] =	vst v63  }
.LBB2_4:
0x87: {  	_ =	swait.ge [sflag:s26], $0x4000  }
0x88: {  	[sflag:s26] =	ssyncset.done $0x0  }
0x89: {  	[sflag:s26] =	ssyncadd.s32 $0xFFFFC000  }
0x8a: {  	_ =	swait.ge [sflag:s28], $0x4000  }
0x8b: {  	[sflag:s28] =	ssyncset.done $0x0  }
0x8c: {  	[sflag:s28] =	ssyncadd.s32 $0xFFFFC000  }
0x8d: {  	_ =	swait.ge [sflag:s29], $0x4000  }
0x8e: {  	s15 =	sand.u32 $0x4000, s31;
	[sflag:s29] =	ssyncset.done $0x0  }
0x8f: {  	s17 =	sadd.s32 s14, s11;
	s16 =	sor.u32 $0xE00, s15;
	[sflag:s29] =	ssyncadd.s32 $0xFFFFC000  }
0x90: {  	[hbm4b:s17+s2] =	stream.linear.scatter [tilespmem:s16], [sflag:$0x4], $0x4000, $0x38;
	[tilespmem:$0x18E00] =	vst v63  }
0x91: {  	_ =	swait.ge [sflag:s12], $0x4000  }
0x92: {  	[sflag:s12] =	ssyncset.done $0x0  }
0x93: {  	s18 =	sadd.s32 s14, s10;
	s17 =	sor.u32 $0x8E00, s15;
	[sflag:s12] =	ssyncadd.s32 $0xFFFFC000  }
0x94: {  	[hbm4b:s18+s2] =	stream.linear.scatter [tilespmem:s17], [sflag:$0x4], $0x4000, $0x38;
	[tilespmem:$0x18E00] =	vst v63  }
0x95: {  	s19 =	sadd.s32 s14, s8;
	s14 =	sadd.s32 $0x800, s14;
	_ =	swait.ge [sflag:s12], $0x4000  }
0x96: {  	p0 =	sne.s32 s14, $0xC800;
	[sflag:s12] =	ssyncset.done $0x0  }
.Ltmp3:
0x97: {  	s15 =	sor.u32 $0x10E00, s15;
	[sflag:s12] =	ssyncadd.s32 $0xFFFFC000;
	(pc) =	sbr.rel @!p0 .LBB2_5-.Ltmp3, $4  }
0x98: {  	[hbm4b:s19+s2] =	stream.linear.scatter [tilespmem:s15], [sflag:$0x4], $0x4000, $0x38;
	[tilespmem:$0x18E00] =	vst v63  }
0x99: {  	_ =	swait.ge [sflag:s12], $0x4000  }
0x9a: {  	s7 =	sadd.s32 $0x400, s7;
	[sflag:s12] =	ssyncset.done $0x0  }
0x9b: {  	s0 =	sadd.s32 $0x1, s0;
	s31 =	sadd.s32 $0x4000, s31;
	[sflag:s12] =	ssyncadd.s32 $0xFFFFC000  }
.LBB2_2:
0x9c: {  	p0 =	seq.s32 s14, $0xC000  }
.Ltmp4:
0x9d: {  	_ = 	snop;
	(pc) =	sbr.rel @p0 .LBB2_4-.Ltmp4, $1  }
0x9e: {  	_ =	sdelay $0x3  }
0x9f: {  	s16 =	sand.u32 $0x1, s0  }
0xa0: {  	s15 =	sshrl.u32 s7, $0x3;
	s17 =	sshll.u32 s16, $0xA  }
0xa1: {  	s15 =	sadd.s32 s5, s15;
	v48 =	vor.u32 s17, v0  }
0xa2: {  	[tilespmem:s17], [sflag:$0x4] =	stream.linear.gather [hbm4b:s15+s2], $0x400, $0x38;
	[tilespmem:$0x18E00] =	vst v63  }
0xa3: {  	_ =	swait.ge [sflag:s12], $0x400  }
0xa4: {  	[sflag:s12] =	ssyncset.done $0x0  }
0xa5: {  	[sflag:s12] =	ssyncadd.s32 $0xFFFFFC00  }
0xa6: {  	v48 =	vld.idx.msk [tilespmem:v48+s2+$0x0], $0xffff  }
0xa7: {  	v49 =	vor.u32 s17, v1;
	_ =	sdelay $0x2  }
0xa8: {  	s15 =	sshll.u32 s16, $0x8  }
0xa9: {  	[tilespmem:s15+$0x800] =	vst v48  }
0xaa: {  	v48 =	vld.idx.msk [tilespmem:v49+s2+$0x0], $0xffff  }
0xab: {  	v54 =	vor.u32 s17, v2;
	_ =	sdelay $0x3  }
0xac: {  	[tilespmem:s15+$0xA00] =	vst v48  }
0xad: {  	s18 =	sor.u32 $0x40, s17;
	v48 =	vld.idx.msk [tilespmem:v54+s2+$0x0], $0xffff  }
0xae: {  	v55 =	vor.u32 s18, v0;
	_ =	sdelay $0x3  }
0xaf: {  	[tilespmem:s15+$0xC00] =	vst v48  }
0xb0: {  	v48 =	vld.idx.msk [tilespmem:v55+s2+$0x0], $0xffff  }
0xb1: {  	v56 =	vor.u32 s18, v4;
	_ =	sdelay $0x3  }
0xb2: {  	[tilespmem:s15+$0x810] =	vst v48  }
0xb3: {  	v48 =	vld.idx.msk [tilespmem:v56+s2+$0x0], $0xffff  }
0xb4: {  	v57 =	vor.u32 s18, v5;
	_ =	sdelay $0x3  }
0xb5: {  	[tilespmem:s15+$0xA10] =	vst v48  }
0xb6: {  	s19 =	sor.u32 $0x80, s17;
	v48 =	vld.idx.msk [tilespmem:v57+s2+$0x0], $0xffff  }
0xb7: {  	v58 =	vor.u32 s19, v0;
	_ =	sdelay $0x3  }
0xb8: {  	[tilespmem:s15+$0xC10] =	vst v48  }
0xb9: {  	v48 =	vld.idx.msk [tilespmem:v58+s2+$0x0], $0xffff  }
0xba: {  	v59 =	vor.u32 s19, v1;
	_ =	sdelay $0x3  }
0xbb: {  	[tilespmem:s15+$0x820] =	vst v48  }
0xbc: {  	v48 =	vld.idx.msk [tilespmem:v59+s2+$0x0], $0xffff  }
0xbd: {  	v60 =	vor.u32 s19, v2;
	_ =	sdelay $0x3  }
0xbe: {  	[tilespmem:s15+$0xA20] =	vst v48  }
0xbf: {  	s19 =	sor.u32 $0xC0, s17;
	v48 =	vld.idx.msk [tilespmem:v60+s2+$0x0], $0xffff  }
0xc0: {  	v61 =	vor.u32 s19, v0;
	_ =	sdelay $0x3  }
0xc1: {  	[tilespmem:s15+$0xC20] =	vst v48  }
0xc2: {  	v48 =	vld.idx.msk [tilespmem:v61+s2+$0x0], $0xffff  }
0xc3: {  	v62 =	vor.u32 s19, v4;
	_ =	sdelay $0x3  }
0xc4: {  	[tilespmem:s15+$0x830] =	vst v48  }
0xc5: {  	v48 =	vld.idx.msk [tilespmem:v62+s2+$0x0], $0xffff  }
0xc6: {  	v63 =	vor.u32 s19, v5;
	_ =	sdelay $0x3  }
0xc7: {  	[tilespmem:s15+$0xA30] =	vst v48  }
0xc8: {  	s19 =	sor.u32 $0x100, s17;
	v48 =	vld.idx.msk [tilespmem:v63+s2+$0x0], $0xffff  }
0xc9: {  	v52 =	vor.u32 s19, v0;
	_ =	sdelay $0x3  }
0xca: {  	[tilespmem:s15+$0xC30] =	vst v48  }
0xcb: {  	v48 =	vld.idx.msk [tilespmem:v52+s2+$0x0], $0xffff  }
0xcc: {  	v53 =	vor.u32 s19, v1;
	_ =	sdelay $0x3  }
0xcd: {  	[tilespmem:s15+$0x840] =	vst v48  }
0xce: {  	v48 =	vld.idx.msk [tilespmem:v53+s2+$0x0], $0xffff  }
0xcf: {  	v54 =	vor.u32 s19, v2;
	_ =	sdelay $0x3  }
0xd0: {  	[tilespmem:s15+$0xA40] =	vst v48  }
0xd1: {  	s19 =	sor.u32 $0x140, s17;
	v48 =	vld.idx.msk [tilespmem:v54+s2+$0x0], $0xffff  }
0xd2: {  	v55 =	vor.u32 s19, v0;
	_ =	sdelay $0x3  }
0xd3: {  	[tilespmem:s15+$0xC40] =	vst v48  }
0xd4: {  	v48 =	vld.idx.msk [tilespmem:v55+s2+$0x0], $0xffff  }
0xd5: {  	v56 =	vor.u32 s19, v4;
	_ =	sdelay $0x3  }
0xd6: {  	[tilespmem:s15+$0x850] =	vst v48  }
0xd7: {  	v48 =	vld.idx.msk [tilespmem:v56+s2+$0x0], $0xffff  }
0xd8: {  	v57 =	vor.u32 s19, v5;
	_ =	sdelay $0x3  }
0xd9: {  	[tilespmem:s15+$0xA50] =	vst v48  }
0xda: {  	s19 =	sor.u32 $0x180, s17;
	v48 =	vld.idx.msk [tilespmem:v57+s2+$0x0], $0xffff  }
0xdb: {  	v58 =	vor.u32 s19, v0;
	_ =	sdelay $0x3  }
0xdc: {  	[tilespmem:s15+$0xC50] =	vst v48  }
0xdd: {  	v48 =	vld.idx.msk [tilespmem:v58+s2+$0x0], $0xffff  }
0xde: {  	v59 =	vor.u32 s19, v1;
	_ =	sdelay $0x3  }
0xdf: {  	[tilespmem:s15+$0x860] =	vst v48  }
0xe0: {  	v48 =	vld.idx.msk [tilespmem:v59+s2+$0x0], $0xffff  }
0xe1: {  	v60 =	vor.u32 s19, v2;
	_ =	sdelay $0x3  }
0xe2: {  	[tilespmem:s15+$0xA60] =	vst v48  }
0xe3: {  	s19 =	sor.u32 $0x1C0, s17;
	v48 =	vld.idx.msk [tilespmem:v60+s2+$0x0], $0xffff  }
0xe4: {  	v61 =	vor.u32 s19, v0;
	_ =	sdelay $0x3  }
0xe5: {  	[tilespmem:s15+$0xC60] =	vst v48  }
0xe6: {  	v48 =	vld.idx.msk [tilespmem:v61+s2+$0x0], $0xffff  }
0xe7: {  	v62 =	vor.u32 s19, v4;
	_ =	sdelay $0x3  }
0xe8: {  	[tilespmem:s15+$0x870] =	vst v48  }
0xe9: {  	v48 =	vld.idx.msk [tilespmem:v62+s2+$0x0], $0xffff  }
0xea: {  	v63 =	vor.u32 s19, v5;
	_ =	sdelay $0x3  }
0xeb: {  	s18 =	sor.u32 $0x80, s15;
	[tilespmem:s15+$0xA70] =	vst v48  }
0xec: {  	s19 =	sshll.u32 s18, $0x2;
	v48 =	vld.idx.msk [tilespmem:v63+s2+$0x0], $0xffff  }
0xed: {  	v52 =	vor.u32 s19, v0;
	_ =	sdelay $0x3  }
0xee: {  	[tilespmem:s15+$0xC70] =	vst v48  }
0xef: {  	v48 =	vld.idx.msk [tilespmem:v52+s2+$0x0], $0xffff  }
0xf0: {  	v53 =	vor.u32 s19, v1;
	_ =	sdelay $0x3  }
0xf1: {  	[tilespmem:s15+$0x880] =	vst v48  }
0xf2: {  	v48 =	vld.idx.msk [tilespmem:v53+s2+$0x0], $0xffff  }
0xf3: {  	v54 =	vor.u32 s19, v2;
	_ =	sdelay $0x3  }
0xf4: {  	[tilespmem:s15+$0xA80] =	vst v48  }
0xf5: {  	s19 =	sor.u32 $0x240, s17;
	v48 =	vld.idx.msk [tilespmem:v54+s2+$0x0], $0xffff  }
0xf6: {  	v55 =	vor.u32 s19, v0;
	_ =	sdelay $0x3  }
0xf7: {  	[tilespmem:s15+$0xC80] =	vst v48  }
0xf8: {  	v48 =	vld.idx.msk [tilespmem:v55+s2+$0x0], $0xffff  }
0xf9: {  	v56 =	vor.u32 s19, v4;
	_ =	sdelay $0x3  }
0xfa: {  	[tilespmem:s15+$0x890] =	vst v48  }
0xfb: {  	v48 =	vld.idx.msk [tilespmem:v56+s2+$0x0], $0xffff  }
0xfc: {  	v57 =	vor.u32 s19, v5;
	_ =	sdelay $0x3  }
0xfd: {  	[tilespmem:s15+$0xA90] =	vst v48  }
0xfe: {  	s19 =	sor.u32 $0x280, s17;
	v48 =	vld.idx.msk [tilespmem:v57+s2+$0x0], $0xffff  }
0xff: {  	v58 =	vor.u32 s19, v0;
	_ =	sdelay $0x3  }
0x100: {  	[tilespmem:s15+$0xC90] =	vst v48  }
0x101: {  	v48 =	vld.idx.msk [tilespmem:v58+s2+$0x0], $0xffff  }
0x102: {  	v59 =	vor.u32 s19, v1;
	_ =	sdelay $0x3  }
0x103: {  	[tilespmem:s15+$0x8A0] =	vst v48  }
0x104: {  	v48 =	vld.idx.msk [tilespmem:v59+s2+$0x0], $0xffff  }
0x105: {  	v60 =	vor.u32 s19, v2;
	_ =	sdelay $0x3  }
0x106: {  	[tilespmem:s15+$0xAA0] =	vst v48  }
0x107: {  	s19 =	sor.u32 $0x2C0, s17;
	v48 =	vld.idx.msk [tilespmem:v60+s2+$0x0], $0xffff  }
0x108: {  	v61 =	vor.u32 s19, v0;
	_ =	sdelay $0x3  }
0x109: {  	[tilespmem:s15+$0xCA0] =	vst v48  }
0x10a: {  	v48 =	vld.idx.msk [tilespmem:v61+s2+$0x0], $0xffff  }
0x10b: {  	v62 =	vor.u32 s19, v4;
	_ =	sdelay $0x3  }
0x10c: {  	[tilespmem:s15+$0x8B0] =	vst v48  }
0x10d: {  	v48 =	vld.idx.msk [tilespmem:v62+s2+$0x0], $0xffff  }
0x10e: {  	v63 =	vor.u32 s19, v5;
	_ =	sdelay $0x3  }
0x10f: {  	[tilespmem:s15+$0xAB0] =	vst v48  }
0x110: {  	s19 =	sor.u32 $0x300, s17;
	v48 =	vld.idx.msk [tilespmem:v63+s2+$0x0], $0xffff  }
0x111: {  	v52 =	vor.u32 s19, v0;
	_ =	sdelay $0x3  }
0x112: {  	[tilespmem:s15+$0xCB0] =	vst v48  }
0x113: {  	v48 =	vld.idx.msk [tilespmem:v52+s2+$0x0], $0xffff  }
0x114: {  	v53 =	vor.u32 s19, v1;
	_ =	sdelay $0x3  }
0x115: {  	[tilespmem:s15+$0x8C0] =	vst v48  }
0x116: {  	v48 =	vld.idx.msk [tilespmem:v53+s2+$0x0], $0xffff  }
0x117: {  	v54 =	vor.u32 s19, v2;
	_ =	sdelay $0x3  }
0x118: {  	[tilespmem:s15+$0xAC0] =	vst v48  }
0x119: {  	s19 =	sor.u32 $0x340, s17;
	v48 =	vld.idx.msk [tilespmem:v54+s2+$0x0], $0xffff  }
0x11a: {  	v55 =	vor.u32 s19, v0;
	_ =	sdelay $0x3  }
0x11b: {  	[tilespmem:s15+$0xCC0] =	vst v48  }
0x11c: {  	v48 =	vld.idx.msk [tilespmem:v55+s2+$0x0], $0xffff  }
0x11d: {  	v56 =	vor.u32 s19, v4;
	_ =	sdelay $0x3  }
0x11e: {  	[tilespmem:s15+$0x8D0] =	vst v48  }
0x11f: {  	v48 =	vld.idx.msk [tilespmem:v56+s2+$0x0], $0xffff  }
0x120: {  	v57 =	vor.u32 s19, v5;
	_ =	sdelay $0x3  }
0x121: {  	[tilespmem:s15+$0xAD0] =	vst v48  }
0x122: {  	s19 =	sor.u32 $0x380, s17;
	v48 =	vld.idx.msk [tilespmem:v57+s2+$0x0], $0xffff  }
0x123: {  	v58 =	vor.u32 s19, v0;
	_ =	sdelay $0x3  }
0x124: {  	[tilespmem:s15+$0xCD0] =	vst v48  }
0x125: {  	v48 =	vld.idx.msk [tilespmem:v58+s2+$0x0], $0xffff  }
0x126: {  	v59 =	vor.u32 s19, v1;
	_ =	sdelay $0x3  }
0x127: {  	[tilespmem:s15+$0x8E0] =	vst v48  }
0x128: {  	v48 =	vld.idx.msk [tilespmem:v59+s2+$0x0], $0xffff  }
0x129: {  	v60 =	vor.u32 s19, v2;
	_ =	sdelay $0x3  }
0x12a: {  	[tilespmem:s15+$0xAE0] =	vst v48  }
0x12b: {  	s17 =	sor.u32 $0x3C0, s17;
	v48 =	vld.idx.msk [tilespmem:v60+s2+$0x0], $0xffff  }
0x12c: {  	v61 =	vor.u32 s17, v0;
	_ =	sdelay $0x3  }
0x12d: {  	[tilespmem:s15+$0xCE0] =	vst v48  }
0x12e: {  	v48 =	vld.idx.msk [tilespmem:v61+s2+$0x0], $0xffff  }
0x12f: {  	v62 =	vor.u32 s17, v4;
	_ =	sdelay $0x3  }
0x130: {  	[tilespmem:s15+$0x8F0] =	vst v48  }
0x131: {  	v48 =	vld.idx.msk [tilespmem:v62+s2+$0x0], $0xffff  }
0x132: {  	v63 =	vor.u32 s17, v5;
	_ =	sdelay $0x3  }
0x133: {  	[tilespmem:s15+$0xAF0] =	vst v48  }
0x134: {  	v48 =	vld.idx.msk [tilespmem:v63+s2+$0x0], $0xffff;
	_ =	sdelay $0x3  }
0x135: {  	s16 =	sshll.u32 s16, $0xE  }
0x136: {  	s19 =	sor.u32 $0xE00, s16;
	s17 =	sor.u32 $0x800, s15;
	[tilespmem:s15+$0xCF0] =	vst v48  }
0x137: {  	[tilespmem:s19], [sflag:$0x1] =	stream.indirect.gather [hbm4b:s3+s13], $0x40, s17, s13, $0xb8;
	[tilespmem:$0x18E00] =	vst v63  }
0x138: {  	s17 =	sor.u32 $0xA00, s15;
	s19 =	sor.u32 $0x8E00, s16  }
0x139: {  	[tilespmem:s19], [sflag:$0x2] =	stream.indirect.gather [hbm4b:s4+s13], $0x40, s17, s13, $0xb8;
	[tilespmem:$0x18E00] =	vst v63  }
0x13a: {  	s16 =	sor.u32 $0x10E00, s16;
	s19 =	sor.u32 $0xC00, s15  }
0x13b: {  	[tilespmem:s16], [sflag:$0x3] =	stream.indirect.gather [hbm4b:s4+s13], $0x40, s19, s13, $0xb8;
	[tilespmem:$0x18E00] =	vst v63  }
0x13c: {  	s16 =	sshll.u32 s18, $0x6  }
0x13d: {  	s19 =	sor.u32 $0x880, s15;
	s18 =	sor.u32 $0xE00, s16  }
0x13e: {  	[tilespmem:s18], [sflag:$0x1] =	stream.indirect.gather [hbm4b:s3+s13], $0x40, s19, s13, $0xb8;
	[tilespmem:$0x18E00] =	vst v63  }
.Ltmp5:
0x13f: {  	_ = 	snop;
	(pc) =	sbr.rel .LBB2_4-.Ltmp5, $4  }
0x140: {  	s18 =	sor.u32 $0xA80, s15;
	s19 =	sor.u32 $0x8E00, s16  }
0x141: {  	[tilespmem:s19], [sflag:$0x2] =	stream.indirect.gather [hbm4b:s4+s13], $0x40, s18, s13, $0xb8;
	[tilespmem:$0x18E00] =	vst v63  }
0x142: {  	s15 =	sor.u32 $0xC80, s15;
	s16 =	sor.u32 $0x10E00, s16  }
0x143: {  	[tilespmem:s16], [sflag:$0x3] =	stream.indirect.gather [hbm4b:s4+s13], $0x40, s15, s13, $0xb8;
	[tilespmem:$0x18E00] =	vst v63  }
.LBB2_6:
0x144: {  	_ =	sfence.sel $0x180000  }
0x145: {  	[bflag:$0x0] =	sbarrier.arrive $0xFFFF  }
0x146: {  	_ =	strace $0x90000047  }
0x147: {  	s0 =	stileid.u32;
	[bflag:$0x2] =	sbarrier.arrive $0xFFFF  }
0x148: {  	p0 =	sne.s32 s0, $0x0;
	s0 =	rddreg [dreg:$0x1]  }
0x149: {  	s0 =	sadd.s32 @!p0 $0x100000, s0  }
0x14a: {  	[sflag:s0] =	ssyncadd.tile.s32 @!p0 $0x1;
	_ =	shalt  }
.Lfunc_end2:
_tile_overlayer_lowered:
.L_overlay_start_2:
0x14b: {  	(tag) =	ssettag $0x2  }
0x14c: {  	s0 =	rddreg [dreg:$0x0];
	s2 =	stileid.u32  }
0x14d: {  	s1 =	rddreg [dreg:$0x1];
	p0 =	sne.s32 s2, $0x0  }
0x14e: {  	s3 =	rddreg [dreg:$0x2];
	[bflag:$0x3] =	sbarrier.arrive $0xFFFF;
	s2 =	simm.s32 @!p0 $0x1C04  }
0x14f: {  	[timem:s3], [sflag:s2] =	dma.local @!p0 [hbm:s0], s1  }
0x150: {  	s0 =	simm.s32 @!p0 $0x4  }
0x151: {  	_ =	swait.ge @!p0 [sflag:s0], s1  }
0x152: {  	s1 =	ssub.s32 @!p0 $0x0, s1;
	[sflag:s0] =	ssyncset.done @!p0 $0x0  }
0x153: {  	[sflag:s0] =	ssyncadd.s32 @!p0 s1  }
0x154: {  	[bflag:$0x3] =	sbarrier.arrive $0xFFFF  }
0x155: {  	_ =	shalt  }

// kernel: kernel.9.cloned.1.call-start
scs
__scs_entry_jumppad:
0x0: {  	(pc) =	sbr.rel $0x88, $3  }
0x1: {  	(tag) =	ssettag $0x0;
	lr =	simm.s32 $0x1  }
0x2: {  	[smem:$0x3F99] =	sst lr;
	_ =	strace $0xD0000000  }
0x3: {  	_ = 	snop  }
0x4: {  	_ = 	snop  }
0x5: {  	_ = 	snop  }
0x6: {  	_ = 	snop  }
0x7: {  	_ = 	snop  }
__scs_overlays_trampoline_lowered:
0x8: {  	[smem:$0x3FA8] =	sst s0  }
0x9: {  	[smem:$0x3FA9] =	sst s1  }
0xa: {  	[smem:$0x3FAA] =	sst s2  }
0xb: {  	[smem:$0x3FAB] =	sst s3  }
0xc: {  	[smem:$0x3FAC] =	sst s4  }
0xd: {  	[smem:$0x3FAD] =	sst s5  }
0xe: {  	[smem:$0x3FAE] =	sst s6  }
0xf: {  	[smem:$0x3FAF] =	sst s7  }
0x10: {  	[smem:$0x3FB0] =	sst s8  }
0x11: {  	[smem:$0x3FB1] =	sst s9;
	s0 =	simm.s32 @!p0 $0x0  }
0x12: {  	s1 =	sld [smem:$0x3F97];
	s0 =	simm.s32 @p0 $0x1  }
0x13: {  	[smem:$0x3FB2] =	sst s0;
	s0 =	simm.s32 @!p1 $0x0  }
0x14: {  	s2 =	sld [smem:$0x3F96];
	s0 =	simm.s32 @p1 $0x1  }
0x15: {  	[smem:$0x3FB3] =	sst s0;
	s0 =	simm.s32 @!p2 $0x0  }
0x16: {  	s3 =	sld [smem:$0x3FDB];
	s0 =	simm.s32 @p2 $0x1  }
0x17: {  	s4 =	simm.s32 $0x1BF5;
	[smem:$0x3FB5] =	sst s0  }
0x18: {  	s0 =	sld [smem:$0x3F98];
	_ =	swait.ge [sflag:s4], $0x0  }
0x19: {  	s7 =	sld [smem:$0x3F99]  }
0x1a: {  	s8 =	sadd.s32 $0xFFFFE003, lr  }
0x1b: {  	s9 =	sadd.s32 $0xFFFFFEF7, lr;
	s5 =	simm.s32 $0xFFFFFFFF;
	p2 =	slt.u32 s8, $0xFFFFF086  }
0x1c: {  	p1 =	slt.u32 s9, $0xF7A;
	s5 =	simm.s32 @!p2 $0x0  }
0x1d: {  	s5 =	simm.s32 @p1 $0x1;
	p0 =	seq.s32 s7, s2  }
0x1e: {  	s7 =	smul.u32 @!p0 $0xF7A, s2;
	p2 =	seq.s32 @!p0 s5, $0x0  }
0x1f: {  	s9 =	smul.u32 $0xF7A, s1;
	s8 =	simm.s32 @!p0 $0x1BF5;
	p2 =	por !p2, p0  }
0x20: {  	[sflag:s8] =	ssyncset.s32 @!p0 $0xFFFFF086;
	s6 =	sadd.s32 @!p0 s3, s7;
	s7 =	simm.s32 @!p0 $0x108  }
0x21: {  	s3 =	sadd.s32 s3, s9;
	s6 =	sadd.s32 @!p0 $0x88, s6;
	s7 =	simm.s32 @p2 $0x1082  }
0x22: {  	[simem:s7], [sflag:s8] =	dma.local @!p0 [hbm:s6], $0xF7A  }
0x23: {  	s9 =	sor.u32 $0xD0000000, s2;
	s6 =	simm.s32 $0x108;
	_ =	swait.ge @!p0 [sflag:s8], $0x0  }
0x24: {  	s3 =	sadd.s32 $0x88, s3;
	s6 =	simm.s32 @!p1 $0x1082;
	[sflag:s4] =	ssyncset.s32 $0xFFFFF086  }
0x25: {  	[simem:s6], [sflag:s4] =	dma.local [hbm:s3], $0xF7A  }
0x26: {  	[smem:$0x3F99] =	sst s1;
	(tag) =	ssettag s2;
	_ =	strace s9  }
0x27: {  	s1 =	sld [smem:$0x3FA9]  }
0x28: {  	s2 =	sld [smem:$0x3FAA]  }
0x29: {  	s4 =	sld [smem:$0x3FAC]  }
0x2a: {  	p0 =	seq.s32 s5, $0x0;
	s5 =	sld [smem:$0x3FAD]  }
0x2b: {  	s6 =	sld [smem:$0x3FAE]  }
0x2c: {  	s7 =	sld [smem:$0x3FAF]  }
0x2d: {  	s3 =	simm.s32 $0x108;
	s8 =	sld [smem:$0x3FB0]  }
0x2e: {  	s3 =	simm.s32 @!p0 $0x1082;
	s9 =	sld [smem:$0x3FB1]  }
0x2f: {  	lr =	sadd.s32 s0, s3;
	s0 =	sld [smem:$0x3FA8]  }
0x30: {  	s3 =	sld [smem:$0x3FAB]  }
0x31: {  	[smem:$0x3FB4] =	sst s10  }
0x32: {  	s10 =	sld [smem:$0x3FB2];
	_ =	sdelay $0x3  }
0x33: {  	p0 =	seq.s32 s10, $0x1;
	s10 =	sld [smem:$0x3FB4];
	_ =	sdelay $0x3  }
0x34: {  	[smem:$0x3FB4] =	sst s10  }
0x35: {  	s10 =	sld [smem:$0x3FB3];
	_ =	sdelay $0x3  }
0x36: {  	p1 =	seq.s32 s10, $0x1;
	s10 =	sld [smem:$0x3FB4];
	_ =	sdelay $0x3  }
0x37: {  	[smem:$0x3FB4] =	sst s10  }
0x38: {  	s10 =	sld [smem:$0x3FB5]  }
0x39: {  	_ = 	snop;
	(pc) =	sbr.ind lr, $3  }
0x3a: {  	_ = 	snop  }
0x3b: {  	_ = 	snop  }
0x3c: {  	p2 =	seq.s32 s10, $0x1;
	s10 =	sld [smem:$0x3FB4]  }
0x3d: {  	_ =	shalt  }
0x3e: {  	_ =	shalt  }
0x3f: {  	_ =	shalt  }
0x40: {  	_ =	shalt  }
0x41: {  	_ =	shalt  }
0x42: {  	_ =	shalt  }
0x43: {  	_ =	shalt  }
0x44: {  	_ =	shalt  }
0x45: {  	_ =	shalt  }
0x46: {  	_ =	shalt  }
0x47: {  	_ =	shalt  }
0x48: {  	_ =	shalt  }
0x49: {  	_ =	shalt  }
0x4a: {  	_ =	shalt  }
0x4b: {  	_ =	shalt  }
0x4c: {  	_ =	shalt  }
0x4d: {  	_ =	shalt  }
0x4e: {  	_ =	shalt  }
0x4f: {  	_ =	shalt  }
0x50: {  	_ =	shalt  }
0x51: {  	_ =	shalt  }
0x52: {  	_ =	shalt  }
0x53: {  	_ =	shalt  }
0x54: {  	_ =	shalt  }
0x55: {  	_ =	shalt  }
0x56: {  	_ =	shalt  }
0x57: {  	_ =	shalt  }
0x58: {  	_ =	shalt  }
0x59: {  	_ =	shalt  }
0x5a: {  	_ =	shalt  }
0x5b: {  	_ =	shalt  }
0x5c: {  	_ =	shalt  }
0x5d: {  	_ =	shalt  }
0x5e: {  	_ =	shalt  }
0x5f: {  	_ =	shalt  }
0x60: {  	_ =	shalt  }
0x61: {  	_ =	shalt  }
0x62: {  	_ =	shalt  }
0x63: {  	_ =	shalt  }
0x64: {  	_ =	shalt  }
0x65: {  	_ =	shalt  }
0x66: {  	_ =	shalt  }
0x67: {  	_ =	shalt  }
0x68: {  	_ =	shalt  }
0x69: {  	_ =	shalt  }
0x6a: {  	_ =	shalt  }
0x6b: {  	_ =	shalt  }
0x6c: {  	_ =	shalt  }
0x6d: {  	_ =	shalt  }
0x6e: {  	_ =	shalt  }
0x6f: {  	_ =	shalt  }
0x70: {  	_ =	shalt  }
0x71: {  	_ =	shalt  }
0x72: {  	_ =	shalt  }
0x73: {  	_ =	shalt  }
0x74: {  	_ =	shalt  }
0x75: {  	_ =	shalt  }
0x76: {  	_ =	shalt  }
0x77: {  	_ =	shalt  }
0x78: {  	_ =	shalt  }
0x79: {  	_ =	shalt  }
0x7a: {  	_ =	shalt  }
0x7b: {  	_ =	shalt  }
0x7c: {  	_ =	shalt  }
0x7d: {  	_ =	shalt  }
0x7e: {  	_ =	shalt  }
0x7f: {  	_ =	shalt  }
0x80: {  	_ =	shalt  }
0x81: {  	_ =	shalt  }
0x82: {  	_ =	shalt  }
0x83: {  	_ =	shalt  }
0x84: {  	_ =	shalt  }
0x85: {  	_ =	shalt  }
0x86: {  	_ =	shalt  }
0x87: {  	_ =	shalt  }
.Lfunc_end0:
.L_simem_size_0:
called_computation.1_lowered:
.L_overlay_start_0:
0x88: {  	s2 =	sld [smem:$0x3FD9]  }
0x89: {  	s3 =	sld [smem:$0x3FFE];
	_ =	sdelay $0x1  }
0x8a: {  	s1 =	srdreg.scid  }
0x8b: {  	s0 =	sand.u32 $0x1, s1  }
0x8c: {  	s17 =	sshll.u32 s0, $0xA;
	s2 =	sadd.s32 s3, s2  }
0x8d: {  	s2 =	sadd.s32 s2, s17  }
0x8e: {  	[smem:$0x3FC0] =	sst s2  }
0x8f: {  	_ = 	snop  }
0x90: {  	(tm) =	ssettm $0x1  }
0x91: {  	s18 =	sld [smem:$0x3FFB];
	_ =	sdelay $0x3  }
0x92: {  	_ =	strace s18  }
0x93: {  	s2 =	sld [smem:$0x3FFC];
	_ =	sdelay $0x3  }
0x94: {  	_ =	strace s2  }
0x95: {  	s2 =	sld [smem:$0x3FFD];
	_ =	sdelay $0x3  }
0x96: {  	_ =	strace s2  }
0x97: {  	_ =	strace $0x8FFFFFFF  }
0x98: {  	s19 =	sld [smem:$0x3FDB];
	_ =	sdelay $0x1  }
0x99: {  	s20 =	simm.s32 $_scs_section_size  }
0x9a: {  	s4 =	simm.s32 $_size__tile_overlayer_lowered;
	s5 =	simm.s32 $_tile_overlayer_lowered  }
0x9b: {  	s6 =	simm.s32 $0x1BFF;
	s21 =	sshll.u32 s5, $0x1;
	s3 =	sadd.s32 s20, s19  }
0x9c: {  	s22 =	simm.s32 $0x0;
	s4 =	sshll.u32 s4, $0x1;
	s5 =	sadd.s32 s21, s3  }
0x9d: {  	[timem:s22], [sflag:s6] =	dma.local [hbm:s5], s4  }
0x9e: {  	_ =	swait.ge [sflag:s6], s4  }
0x9f: {  	s4 =	ssub.s32 $0x0, s4;
	[sflag:s6] =	ssyncset.done $0x0  }
0xa0: {  	[sflag:s6] =	ssyncadd.s32 s4;
	_ =	sdelay $0x1  }
0xa1: {  	s23 =	simm.s32 $0x1B8B  }
0xa2: {  	_ =	swait.ge [sflag:s23], $0x1  }
0xa3: {  	[sflag:s23] =	ssyncset.done $0x0  }
0xa4: {  	[sflag:s23] =	ssyncadd.s32 $0xFFFFFFFF  }
0xa5: {  	s4 =	sld [smem:$0x0]  }
0xa6: {  	s5 =	sand.u32 $0xFFFFFFFE, s1  }
0xa7: {  	p0 =	sne.s32 s1, s5  }
0xa8: {  	s5 =	sshll.u32 @p0 s5, $0xE  }
0xa9: {  	s5 =	sadd.s32 @p0 $0x11B8D, s5;
	s6 =	sshll.u32 @p0 s4, $0x11  }
0xaa: {  	s5 =	sor.u32 @p0 s6, s5  }
0xab: {  	[sflag:s5] =	ssyncadd.remote.s32 @p0 $0x1;
	_ =	sdelay $0x1  }
0xac: {  	s5 =	simm.s32 @p0 $0x1B8D  }
0xad: {  	_ =	swait.eq @p0 [sflag:s5], $0x1  }
0xae: {  	[sflag:s5] =	ssyncadd.s32 @p0 $0xFFFFFFFF  }
0xaf: {  	s6 =	sshll.u32 @!p0 s1, $0xE  }
0xb0: {  	s6 =	sor.u32 @!p0 $0x4000, s6;
	s5 =	simm.s32 @!p0 $0x1B8D  }
0xb1: {  	s4 =	sshll.u32 @!p0 s4, $0x11;
	s6 =	sadd.s32 @!p0 $0x11B8D, s6;
	_ =	swait.eq @!p0 [sflag:s5], $0x1  }
0xb2: {  	s4 =	sor.u32 @!p0 s4, s6;
	[sflag:s5] =	ssyncadd.s32 @!p0 $0xFFFFFFFF  }
0xb3: {  	s25 =	simm.s32 $0x1B8E;
	s24 =	sld [smem:$0x3FFE];
	[sflag:s4] =	ssyncadd.remote.s32 @!p0 $0x1  }
0xb4: {  	s26 =	simm.s32 $execute0_lowered;
	[smem:$0x3FD2] =	sst s25  }
0xb5: {  	s5 =	sshll.u32 s26, $0x1;
	_ =	strace $0x80000049;
	[dreg:$0x1] =	wrdreg $0xFFFFFFFF  }
0xb6: {  	s28 =	simm.s32 $_size_execute0_lowered;
	s3 =	sadd.s32 s3, s5;
	[dreg:$0x0] =	wrdreg $0x0  }
0xb7: {  	s5 =	sshll.u32 s28, $0x1;
	[dreg:$0x2] =	wrdreg s3  }
0xb8: {  	[dreg:$0x3] =	wrdreg s5  }
0xb9: {  	[dreg:$0x4] =	wrdreg $0xC0  }
0xba: {  	_ =	task [dreg:s22], $0x5FFFF  }
0xbb: {  	[dreg:$0x1] =	wrdreg $0xFFFFFFFF  }
0xbc: {  	[dreg:$0x0] =	wrdreg $0x60  }
0xbd: {  	[dreg:$0x2] =	wrdreg s24  }
0xbe: {  	[dreg:$0x3] =	wrdreg $0xA  }
0xbf: {  	_ =	task.clear_ibuf [dreg:s22], $0x4FFFF;
	_ =	strace $0x90000049  }
0xc0: {  	s29 =	simm.s32 $0xA;
	_ =	strace $0x8000004B  }
0xc1: {  	_ =	swait.ge [sflag:s29], $0x1  }
0xc2: {  	[sflag:s29] =	ssyncadd.s32 $0xFFFFFFFF  }
0xc3: {  	_ =	strace $0x9000004B  }
0xc4: {  	_ =	sfence  }
0xc5: {  	s30 =	sld [smem:$0x0];
	_ =	sdelay $0x2  }
0xc6: {  	s31 =	sshll.u32 s1, $0xD;
	s1 =	sshrl.u32 s1, $0x2  }
0xc7: {  	s4 =	sand.u32 $0x4000, s31;
	s1 =	sadd.s32 s1, s30  }
0xc8: {  	s0 =	sor.u32 s4, s0;
	s1 =	sshll.u32 s1, $0x11  }
0xc9: {  	s0 =	sor.u32 s1, s0  }
0xca: {  	s0 =	sadd.s32 $0x8F2B, s0  }
0xcb: {  	[sflag:s0] =	ssyncadd.remote.s32 $0x1  }
0xcc: {  	_ =	sfence.sel $0xFFFF  }
0xcd: {  	[dreg:$0x0] =	wrdreg $0xFFFFFFFF;
	(pc) =	sbr.abs _section_cstart, $3  }
0xce: {  	[dreg:$0x1] =	wrdreg $0xFFFFFFFF  }
0xcf: {  	_ =	task.clear_ibuf [dreg:s22], $0x2FFFF;
	_ =	strace $0x9FFFFFFF  }
0xd0: {  	(tm) =	ssettm $0x7FFFFFFF  }
0xd1: {  	_ =	shalt  }
tec
execute0_lowered:
.L_overlay_start_1:
0x0: {  	(tag) =	ssettag $0x1  }
0x1: {  	v0 =	vlaneseq.u32  }
0x2: {  	v0 =	vmul.u32 $0x4, v0;
	_ =	sdelay $0x1  }
0x3: {  	s0 =	rddreg [dreg:$0x0];
	s1 =	simm.s32 $0x0;
	s2 =	srdreg.scid;
	v1 =	vor.u32 $0x1, v0;
	v2 =	vor.u32 $0x2, v0  }
0x4: {  	s8 =	stileid.u32;
	s11 =	simm.s32 $0x4;
	s12 =	simm.s32 $0x80;
	v3 =	vor.u32 $0x40, v0;
	v4 =	vor.u32 $0x41, v0;
	v5 =	vor.u32 $0x42, v0  }
0x5: {  	s18 =	simm.s32 $0x10E00;
	s19 =	simm.s32 $0x880;
	s20 =	simm.s32 $0x2E00;
	v6 =	vor.u32 $0x80, v0;
	v7 =	vor.u32 $0x81, v0;
	v8 =	vor.u32 $0x82, v0  }
0x6: {  	s21 =	simm.s32 $0xA80;
	s22 =	simm.s32 $0xAE00;
	s23 =	simm.s32 $0xC80;
	v9 =	vor.u32 $0xC0, v0;
	v10 =	vor.u32 $0xC1, v0;
	v11 =	vor.u32 $0xC2, v0  }
0x7: {  	s28 =	simm.s32 $0x3;
	s29 =	simm.s32 $0x0;
	s5 =	smul.u32 $0xC0000, s8;
	v12 =	vor.u32 $0x100, v0;
	v13 =	vor.u32 $0x101, v0;
	v14 =	vor.u32 $0x102, v0  }
0x8: {  	[smem:$0x7FF] =	sst s1;
	s2 =	sand.u32 $0x1, s2;
	s24 =	smul.u32 $0xC000, s8;
	v15 =	vor.u32 $0x140, v0;
	v16 =	vor.u32 $0x141, v0;
	v17 =	vor.u32 $0x142, v0  }
0x9: {  	s3 =	sshll.u32 s8, $0x1;
	_ =	strace $0x8000004A;
	s6 =	smul.u32 $0x60000, s2;
	v18 =	vor.u32 $0x180, v0;
	v19 =	vor.u32 $0x181, v0;
	v20 =	vor.u32 $0x182, v0  }
0xa: {  	s4 =	sor.u32 s2, s3;
	s25 =	ssub.s32 $0x2, s2;
	s2 =	smul.u32 $0x6000, s2;
	v21 =	vor.u32 $0x1C0, v0;
	v22 =	vor.u32 $0x1C1, v0;
	v23 =	vor.u32 $0x1C2, v0  }
0xb: {  	s9 =	sadd.s32 $0x1A00, s0;
	s3 =	sadd.s32 $0x32A00, s0;
	s7 =	smul.u32 $0x6000, s4;
	v24 =	vor.u32 $0x200, v0;
	v25 =	vor.u32 $0x201, v0;
	v26 =	vor.u32 $0x202, v0  }
0xc: {  	s4 =	sadd.s32 $0xC36A00, s0;
	s26 =	sshrl.u32 s25, $0x1;
	v27 =	vor.u32 $0x240, v0;
	v28 =	vor.u32 $0x241, v0;
	v29 =	vor.u32 $0x242, v0;
	s5 =	sadd.s32 s6, s5  }
0xd: {  	v30 =	vor.u32 $0x280, v0;
	v31 =	vor.u32 $0x281, v0;
	v32 =	vor.u32 $0x282, v0;
	s2 =	sadd.s32 s2, s24;
	s24 =	simm.s32 $0x12E00;
	s5 =	sshrl.u32 s5, $0x3  }
.Ltmp0:
0xe: {  	v33 =	vor.u32 $0x2C0, v0;
	v34 =	vor.u32 $0x2C1, v0;
	v35 =	vor.u32 $0x2C2, v0;
	s30 =	sshrl.u32 s7, $0x3;
	s2 =	sadd.s32 $0xC8400, s2;
	(pc) =	sbr.rel .LBB2_1-.Ltmp0, $4  }
0xf: {  	v36 =	vor.u32 $0x300, v0;
	v37 =	vor.u32 $0x301, v0;
	v38 =	vor.u32 $0x302, v0;
	s10 =	sadd.s32 s5, s0;
	s0 =	ssub.s32 s25, s26;
	s31 =	sadd.s32 s9, s30  }
0x10: {  	v39 =	vor.u32 $0x340, v0;
	v40 =	vor.u32 $0x341, v0;
	v41 =	vor.u32 $0x342, v0;
	s2 =	sshrl.u32 s2, $0x3;
	s25 =	simm.s32 $0x1;
	s5 =	sadd.s32 $0x844600, s10  }
0x11: {  	v42 =	vor.u32 $0x380, v0;
	v43 =	vor.u32 $0x381, v0;
	v44 =	vor.u32 $0x382, v0;
	s26 =	simm.s32 $0x2;
	s6 =	sadd.s32 $0x19000, s31;
	s7 =	sadd.s32 $0x6C4600, s10  }
0x12: {  	v45 =	vor.u32 $0x3C0, v0;
	v46 =	vor.u32 $0x3C1, v0;
	v47 =	vor.u32 $0x3C2, v0;
	s8 =	smax.u32 s0, $0x1;
	s0 =	sadd.s32 s2, s9;
	s10 =	sadd.s32 $0x544600, s10  }
.LBB2_5:
0x13: {  	s29 =	sadd.s32 $0x1, s29  }
0x14: {  	p0 =	sne.s32 s29, s8  }
.Ltmp1:
0x15: {  	_ = 	snop;
	(pc) =	sbr.rel @!p0 .LBB2_6-.Ltmp1, $1  }
0x16: {  	_ =	sdelay $0x3  }
.LBB2_1:
0x17: {  	[tilespmem:s1], [sflag:$0x4] =	stream.linear.gather [hbm4b:s6+s1], $0x400, $0x38;
	[tilespmem:$0x18E00] =	vst v63  }
0x18: {  	_ =	swait.ge [sflag:s11], $0x400  }
0x19: {  	[sflag:s11] =	ssyncset.done $0x0  }
0x1a: {  	[sflag:s11] =	ssyncadd.s32 $0xFFFFFC00  }
0x1b: {  	v48 =	vld.idx.msk [tilespmem:v0+s1+$0x0], $0xffff;
	_ =	sdelay $0x4  }
0x1c: {  	[tilespmem:$0x800] =	vst v48  }
0x1d: {  	v48 =	vld.idx.msk [tilespmem:v1+s1+$0x0], $0xffff;
	_ =	sdelay $0x4  }
0x1e: {  	[tilespmem:$0xA00] =	vst v48  }
0x1f: {  	v48 =	vld.idx.msk [tilespmem:v2+s1+$0x0], $0xffff;
	_ =	sdelay $0x4  }
0x20: {  	[tilespmem:$0xC00] =	vst v48  }
0x21: {  	v48 =	vld.idx.msk [tilespmem:v3+s1+$0x0], $0xffff;
	_ =	sdelay $0x4  }
0x22: {  	[tilespmem:$0x810] =	vst v48  }
0x23: {  	v48 =	vld.idx.msk [tilespmem:v4+s1+$0x0], $0xffff;
	_ =	sdelay $0x4  }
0x24: {  	[tilespmem:$0xA10] =	vst v48  }
0x25: {  	v48 =	vld.idx.msk [tilespmem:v5+s1+$0x0], $0xffff;
	_ =	sdelay $0x4  }
0x26: {  	[tilespmem:$0xC10] =	vst v48  }
0x27: {  	v48 =	vld.idx.msk [tilespmem:v6+s1+$0x0], $0xffff;
	_ =	sdelay $0x4  }
0x28: {  	[tilespmem:$0x820] =	vst v48  }
0x29: {  	v48 =	vld.idx.msk [tilespmem:v7+s1+$0x0], $0xffff;
	_ =	sdelay $0x4  }
0x2a: {  	[tilespmem:$0xA20] =	vst v48  }
0x2b: {  	v48 =	vld.idx.msk [tilespmem:v8+s1+$0x0], $0xffff;
	_ =	sdelay $0x4  }
0x2c: {  	[tilespmem:$0xC20] =	vst v48  }
0x2d: {  	v48 =	vld.idx.msk [tilespmem:v9+s1+$0x0], $0xffff;
	_ =	sdelay $0x4  }
0x2e: {  	[tilespmem:$0x830] =	vst v48  }
0x2f: {  	v48 =	vld.idx.msk [tilespmem:v10+s1+$0x0], $0xffff;
	_ =	sdelay $0x4  }
0x30: {  	[tilespmem:$0xA30] =	vst v48  }
0x31: {  	v48 =	vld.idx.msk [tilespmem:v11+s1+$0x0], $0xffff;
	_ =	sdelay $0x4  }
0x32: {  	[tilespmem:$0xC30] =	vst v48  }
0x33: {  	v48 =	vld.idx.msk [tilespmem:v12+s1+$0x0], $0xffff;
	_ =	sdelay $0x4  }
0x34: {  	[tilespmem:$0x840] =	vst v48  }
0x35: {  	v48 =	vld.idx.msk [tilespmem:v13+s1+$0x0], $0xffff;
	_ =	sdelay $0x4  }
0x36: {  	[tilespmem:$0xA40] =	vst v48  }
0x37: {  	v48 =	vld.idx.msk [tilespmem:v14+s1+$0x0], $0xffff;
	_ =	sdelay $0x4  }
0x38: {  	[tilespmem:$0xC40] =	vst v48  }
0x39: {  	v48 =	vld.idx.msk [tilespmem:v15+s1+$0x0], $0xffff;
	_ =	sdelay $0x4  }
0x3a: {  	[tilespmem:$0x850] =	vst v48  }
0x3b: {  	v48 =	vld.idx.msk [tilespmem:v16+s1+$0x0], $0xffff;
	_ =	sdelay $0x4  }
0x3c: {  	[tilespmem:$0xA50] =	vst v48  }
0x3d: {  	v48 =	vld.idx.msk [tilespmem:v17+s1+$0x0], $0xffff;
	_ =	sdelay $0x4  }
0x3e: {  	[tilespmem:$0xC50] =	vst v48  }
0x3f: {  	v48 =	vld.idx.msk [tilespmem:v18+s1+$0x0], $0xffff;
	_ =	sdelay $0x4  }
0x40: {  	[tilespmem:$0x860] =	vst v48  }
0x41: {  	v48 =	vld.idx.msk [tilespmem:v19+s1+$0x0], $0xffff;
	_ =	sdelay $0x4  }
0x42: {  	[tilespmem:$0xA60] =	vst v48  }
0x43: {  	v48 =	vld.idx.msk [tilespmem:v20+s1+$0x0], $0xffff;
	_ =	sdelay $0x4  }
0x44: {  	[tilespmem:$0xC60] =	vst v48  }
0x45: {  	v48 =	vld.idx.msk [tilespmem:v21+s1+$0x0], $0xffff;
	_ =	sdelay $0x4  }
0x46: {  	[tilespmem:$0x870] =	vst v48  }
0x47: {  	v48 =	vld.idx.msk [tilespmem:v22+s1+$0x0], $0xffff;
	_ =	sdelay $0x4  }
0x48: {  	[tilespmem:$0xA70] =	vst v48  }
0x49: {  	v48 =	vld.idx.msk [tilespmem:v23+s1+$0x0], $0xffff;
	_ =	sdelay $0x4  }
0x4a: {  	[tilespmem:$0xC70] =	vst v48  }
0x4b: {  	v48 =	vld.idx.msk [tilespmem:v24+s1+$0x0], $0xffff;
	_ =	sdelay $0x4  }
0x4c: {  	[tilespmem:$0x880] =	vst v48  }
0x4d: {  	v48 =	vld.idx.msk [tilespmem:v25+s1+$0x0], $0xffff;
	_ =	sdelay $0x4  }
0x4e: {  	[tilespmem:$0xA80] =	vst v48  }
0x4f: {  	v48 =	vld.idx.msk [tilespmem:v26+s1+$0x0], $0xffff;
	_ =	sdelay $0x4  }
0x50: {  	[tilespmem:$0xC80] =	vst v48  }
0x51: {  	v48 =	vld.idx.msk [tilespmem:v27+s1+$0x0], $0xffff;
	_ =	sdelay $0x4  }
0x52: {  	[tilespmem:$0x890] =	vst v48  }
0x53: {  	v48 =	vld.idx.msk [tilespmem:v28+s1+$0x0], $0xffff;
	_ =	sdelay $0x4  }
0x54: {  	[tilespmem:$0xA90] =	vst v48  }
0x55: {  	v48 =	vld.idx.msk [tilespmem:v29+s1+$0x0], $0xffff;
	_ =	sdelay $0x4  }
0x56: {  	[tilespmem:$0xC90] =	vst v48  }
0x57: {  	v48 =	vld.idx.msk [tilespmem:v30+s1+$0x0], $0xffff;
	_ =	sdelay $0x4  }
0x58: {  	[tilespmem:$0x8A0] =	vst v48  }
0x59: {  	v48 =	vld.idx.msk [tilespmem:v31+s1+$0x0], $0xffff;
	_ =	sdelay $0x4  }
0x5a: {  	[tilespmem:$0xAA0] =	vst v48  }
0x5b: {  	v48 =	vld.idx.msk [tilespmem:v32+s1+$0x0], $0xffff;
	_ =	sdelay $0x4  }
0x5c: {  	[tilespmem:$0xCA0] =	vst v48  }
0x5d: {  	v48 =	vld.idx.msk [tilespmem:v33+s1+$0x0], $0xffff;
	_ =	sdelay $0x4  }
0x5e: {  	[tilespmem:$0x8B0] =	vst v48  }
0x5f: {  	v48 =	vld.idx.msk [tilespmem:v34+s1+$0x0], $0xffff;
	_ =	sdelay $0x4  }
0x60: {  	[tilespmem:$0xAB0] =	vst v48  }
0x61: {  	v48 =	vld.idx.msk [tilespmem:v35+s1+$0x0], $0xffff;
	_ =	sdelay $0x4  }
0x62: {  	[tilespmem:$0xCB0] =	vst v48  }
0x63: {  	v48 =	vld.idx.msk [tilespmem:v36+s1+$0x0], $0xffff;
	_ =	sdelay $0x4  }
0x64: {  	[tilespmem:$0x8C0] =	vst v48  }
0x65: {  	v48 =	vld.idx.msk [tilespmem:v37+s1+$0x0], $0xffff;
	_ =	sdelay $0x4  }
0x66: {  	[tilespmem:$0xAC0] =	vst v48  }
0x67: {  	v48 =	vld.idx.msk [tilespmem:v38+s1+$0x0], $0xffff;
	_ =	sdelay $0x4  }
0x68: {  	[tilespmem:$0xCC0] =	vst v48  }
0x69: {  	v48 =	vld.idx.msk [tilespmem:v39+s1+$0x0], $0xffff;
	_ =	sdelay $0x4  }
0x6a: {  	[tilespmem:$0x8D0] =	vst v48  }
0x6b: {  	v48 =	vld.idx.msk [tilespmem:v40+s1+$0x0], $0xffff;
	_ =	sdelay $0x4  }
0x6c: {  	[tilespmem:$0xAD0] =	vst v48  }
0x6d: {  	v48 =	vld.idx.msk [tilespmem:v41+s1+$0x0], $0xffff;
	_ =	sdelay $0x4  }
0x6e: {  	[tilespmem:$0xCD0] =	vst v48  }
0x6f: {  	v48 =	vld.idx.msk [tilespmem:v42+s1+$0x0], $0xffff;
	_ =	sdelay $0x4  }
0x70: {  	[tilespmem:$0x8E0] =	vst v48  }
0x71: {  	v48 =	vld.idx.msk [tilespmem:v43+s1+$0x0], $0xffff;
	_ =	sdelay $0x4  }
0x72: {  	[tilespmem:$0xAE0] =	vst v48  }
0x73: {  	v48 =	vld.idx.msk [tilespmem:v44+s1+$0x0], $0xffff;
	_ =	sdelay $0x4  }
0x74: {  	[tilespmem:$0xCE0] =	vst v48  }
0x75: {  	v48 =	vld.idx.msk [tilespmem:v45+s1+$0x0], $0xffff;
	_ =	sdelay $0x4  }
0x76: {  	[tilespmem:$0x8F0] =	vst v48  }
0x77: {  	v48 =	vld.idx.msk [tilespmem:v46+s1+$0x0], $0xffff;
	_ =	sdelay $0x4  }
0x78: {  	[tilespmem:$0xAF0] =	vst v48  }
0x79: {  	v48 =	vld.idx.msk [tilespmem:v47+s1+$0x0], $0xffff;
	_ =	sdelay $0x4  }
0x7a: {  	s2 =	simm.s32 $0x800;
	s9 =	simm.s32 $0xE00;
	[tilespmem:$0xCF0] =	vst v48  }
0x7b: {  	[tilespmem:s9], [sflag:$0x1] =	stream.indirect.gather [hbm4b:s3+s12], $0x40, s2, s12, $0xb8;
	[tilespmem:$0x18E00] =	vst v63  }
0x7c: {  	s15 =	simm.s32 $0xA00;
	s16 =	simm.s32 $0x8E00  }
0x7d: {  	[tilespmem:s16], [sflag:$0x2] =	stream.indirect.gather [hbm4b:s4+s12], $0x40, s15, s12, $0xb8;
	[tilespmem:$0x18E00] =	vst v63  }
0x7e: {  	s17 =	simm.s32 $0xC00  }
0x7f: {  	[tilespmem:s18], [sflag:$0x3] =	stream.indirect.gather [hbm4b:s4+s12], $0x40, s17, s12, $0xb8;
	[tilespmem:$0x18E00] =	vst v63  }
0x80: {  	_ = 	snop  }
0x81: {  	[tilespmem:s20], [sflag:$0x1] =	stream.indirect.gather [hbm4b:s3+s12], $0x40, s19, s12, $0xb8;
	[tilespmem:$0x18E00] =	vst v63  }
.Ltmp2:
0x82: {  	_ = 	snop;
	(pc) =	sbr.rel .LBB2_2-.Ltmp2, $4  }
0x83: {  	s30 =	simm.s32 $0x0  }
0x84: {  	[tilespmem:s22], [sflag:$0x2] =	stream.indirect.gather [hbm4b:s4+s12], $0x40, s21, s12, $0xb8;
	[tilespmem:$0x18E00] =	vst v63  }
0x85: {  	s31 =	simm.s32 $0x1;
	s9 =	smov.u32 s0;
	s2 =	simm.s32 $0x0  }
0x86: {  	[tilespmem:s24], [sflag:$0x3] =	stream.indirect.gather [hbm4b:s4+s12], $0x40, s23, s12, $0xb8;
	[tilespmem:$0x18E00] =	vst v63  }
.LBB2_4:
0x87: {  	_ =	swait.ge [sflag:s25], $0x4000  }
0x88: {  	[sflag:s25] =	ssyncset.done $0x0  }
0x89: {  	[sflag:s25] =	ssyncadd.s32 $0xFFFFC000  }
0x8a: {  	_ =	swait.ge [sflag:s26], $0x4000  }
0x8b: {  	[sflag:s26] =	ssyncset.done $0x0  }
0x8c: {  	[sflag:s26] =	ssyncadd.s32 $0xFFFFC000  }
0x8d: {  	_ =	swait.ge [sflag:s28], $0x4000  }
0x8e: {  	s13 =	sand.u32 $0x4000, s30;
	[sflag:s28] =	ssyncset.done $0x0  }
0x8f: {  	s15 =	sadd.s32 s2, s10;
	s14 =	sor.u32 $0xE00, s13;
	[sflag:s28] =	ssyncadd.s32 $0xFFFFC000  }
0x90: {  	[hbm4b:s15+s1] =	stream.linear.scatter [tilespmem:s14], [sflag:$0x4], $0x4000, $0x38;
	[tilespmem:$0x18E00] =	vst v63  }
0x91: {  	_ =	swait.ge [sflag:s11], $0x4000  }
0x92: {  	[sflag:s11] =	ssyncset.done $0x0  }
0x93: {  	s16 =	sadd.s32 s2, s7;
	s15 =	sor.u32 $0x8E00, s13;
	[sflag:s11] =	ssyncadd.s32 $0xFFFFC000  }
0x94: {  	[hbm4b:s16+s1] =	stream.linear.scatter [tilespmem:s15], [sflag:$0x4], $0x4000, $0x38;
	[tilespmem:$0x18E00] =	vst v63  }
0x95: {  	s17 =	sadd.s32 s2, s5;
	s2 =	sadd.s32 $0x800, s2;
	_ =	swait.ge [sflag:s11], $0x4000  }
0x96: {  	p0 =	sne.s32 s2, $0xC000;
	[sflag:s11] =	ssyncset.done $0x0  }
.Ltmp3:
0x97: {  	s13 =	sor.u32 $0x10E00, s13;
	[sflag:s11] =	ssyncadd.s32 $0xFFFFC000;
	(pc) =	sbr.rel @!p0 .LBB2_5-.Ltmp3, $4  }
0x98: {  	[hbm4b:s17+s1] =	stream.linear.scatter [tilespmem:s13], [sflag:$0x4], $0x4000, $0x38;
	[tilespmem:$0x18E00] =	vst v63  }
0x99: {  	_ =	swait.ge [sflag:s11], $0x4000  }
0x9a: {  	s9 =	sadd.s32 $0x80, s9;
	[sflag:s11] =	ssyncset.done $0x0  }
0x9b: {  	s31 =	sadd.s32 $0x1, s31;
	s30 =	sadd.s32 $0x4000, s30;
	[sflag:s11] =	ssyncadd.s32 $0xFFFFC000  }
.LBB2_2:
0x9c: {  	p0 =	seq.s32 s2, $0xB800  }
.Ltmp4:
0x9d: {  	_ = 	snop;
	(pc) =	sbr.rel @p0 .LBB2_4-.Ltmp4, $1  }
0x9e: {  	_ =	sdelay $0x3  }
0x9f: {  	s14 =	sand.u32 $0x1, s31  }
0xa0: {  	s15 =	sshll.u32 s14, $0xA  }
0xa1: {  	v48 =	vor.u32 s15, v0  }
0xa2: {  	[tilespmem:s15], [sflag:$0x4] =	stream.linear.gather [hbm4b:s9+s1], $0x400, $0x38;
	[tilespmem:$0x18E00] =	vst v63  }
0xa3: {  	_ =	swait.ge [sflag:s11], $0x400  }
0xa4: {  	[sflag:s11] =	ssyncset.done $0x0  }
0xa5: {  	[sflag:s11] =	ssyncadd.s32 $0xFFFFFC00  }
0xa6: {  	v48 =	vld.idx.msk [tilespmem:v48+s1+$0x0], $0xffff  }
0xa7: {  	v49 =	vor.u32 s15, v1;
	_ =	sdelay $0x2  }
0xa8: {  	s13 =	sshll.u32 s14, $0x8  }
0xa9: {  	[tilespmem:s13+$0x800] =	vst v48  }
0xaa: {  	v48 =	vld.idx.msk [tilespmem:v49+s1+$0x0], $0xffff  }
0xab: {  	v54 =	vor.u32 s15, v2;
	_ =	sdelay $0x3  }
0xac: {  	[tilespmem:s13+$0xA00] =	vst v48  }
0xad: {  	s16 =	sor.u32 $0x40, s15;
	v48 =	vld.idx.msk [tilespmem:v54+s1+$0x0], $0xffff  }
0xae: {  	v55 =	vor.u32 s16, v0;
	_ =	sdelay $0x3  }
0xaf: {  	[tilespmem:s13+$0xC00] =	vst v48  }
0xb0: {  	v48 =	vld.idx.msk [tilespmem:v55+s1+$0x0], $0xffff  }
0xb1: {  	v56 =	vor.u32 s16, v4;
	_ =	sdelay $0x3  }
0xb2: {  	[tilespmem:s13+$0x810] =	vst v48  }
0xb3: {  	v48 =	vld.idx.msk [tilespmem:v56+s1+$0x0], $0xffff  }
0xb4: {  	v57 =	vor.u32 s16, v5;
	_ =	sdelay $0x3  }
0xb5: {  	[tilespmem:s13+$0xA10] =	vst v48  }
0xb6: {  	s17 =	sor.u32 $0x80, s15;
	v48 =	vld.idx.msk [tilespmem:v57+s1+$0x0], $0xffff  }
0xb7: {  	v58 =	vor.u32 s17, v0;
	_ =	sdelay $0x3  }
0xb8: {  	[tilespmem:s13+$0xC10] =	vst v48  }
0xb9: {  	v48 =	vld.idx.msk [tilespmem:v58+s1+$0x0], $0xffff  }
0xba: {  	v59 =	vor.u32 s17, v1;
	_ =	sdelay $0x3  }
0xbb: {  	[tilespmem:s13+$0x820] =	vst v48  }
0xbc: {  	v48 =	vld.idx.msk [tilespmem:v59+s1+$0x0], $0xffff  }
0xbd: {  	v60 =	vor.u32 s17, v2;
	_ =	sdelay $0x3  }
0xbe: {  	[tilespmem:s13+$0xA20] =	vst v48  }
0xbf: {  	s17 =	sor.u32 $0xC0, s15;
	v48 =	vld.idx.msk [tilespmem:v60+s1+$0x0], $0xffff  }
0xc0: {  	v61 =	vor.u32 s17, v0;
	_ =	sdelay $0x3  }
0xc1: {  	[tilespmem:s13+$0xC20] =	vst v48  }
0xc2: {  	v48 =	vld.idx.msk [tilespmem:v61+s1+$0x0], $0xffff  }
0xc3: {  	v62 =	vor.u32 s17, v4;
	_ =	sdelay $0x3  }
0xc4: {  	[tilespmem:s13+$0x830] =	vst v48  }
0xc5: {  	v48 =	vld.idx.msk [tilespmem:v62+s1+$0x0], $0xffff  }
0xc6: {  	v63 =	vor.u32 s17, v5;
	_ =	sdelay $0x3  }
0xc7: {  	[tilespmem:s13+$0xA30] =	vst v48  }
0xc8: {  	s17 =	sor.u32 $0x100, s15;
	v48 =	vld.idx.msk [tilespmem:v63+s1+$0x0], $0xffff  }
0xc9: {  	v52 =	vor.u32 s17, v0;
	_ =	sdelay $0x3  }
0xca: {  	[tilespmem:s13+$0xC30] =	vst v48  }
0xcb: {  	v48 =	vld.idx.msk [tilespmem:v52+s1+$0x0], $0xffff  }
0xcc: {  	v53 =	vor.u32 s17, v1;
	_ =	sdelay $0x3  }
0xcd: {  	[tilespmem:s13+$0x840] =	vst v48  }
0xce: {  	v48 =	vld.idx.msk [tilespmem:v53+s1+$0x0], $0xffff  }
0xcf: {  	v54 =	vor.u32 s17, v2;
	_ =	sdelay $0x3  }
0xd0: {  	[tilespmem:s13+$0xA40] =	vst v48  }
0xd1: {  	s17 =	sor.u32 $0x140, s15;
	v48 =	vld.idx.msk [tilespmem:v54+s1+$0x0], $0xffff  }
0xd2: {  	v55 =	vor.u32 s17, v0;
	_ =	sdelay $0x3  }
0xd3: {  	[tilespmem:s13+$0xC40] =	vst v48  }
0xd4: {  	v48 =	vld.idx.msk [tilespmem:v55+s1+$0x0], $0xffff  }
0xd5: {  	v56 =	vor.u32 s17, v4;
	_ =	sdelay $0x3  }
0xd6: {  	[tilespmem:s13+$0x850] =	vst v48  }
0xd7: {  	v48 =	vld.idx.msk [tilespmem:v56+s1+$0x0], $0xffff  }
0xd8: {  	v57 =	vor.u32 s17, v5;
	_ =	sdelay $0x3  }
0xd9: {  	[tilespmem:s13+$0xA50] =	vst v48  }
0xda: {  	s17 =	sor.u32 $0x180, s15;
	v48 =	vld.idx.msk [tilespmem:v57+s1+$0x0], $0xffff  }
0xdb: {  	v58 =	vor.u32 s17, v0;
	_ =	sdelay $0x3  }
0xdc: {  	[tilespmem:s13+$0xC50] =	vst v48  }
0xdd: {  	v48 =	vld.idx.msk [tilespmem:v58+s1+$0x0], $0xffff  }
0xde: {  	v59 =	vor.u32 s17, v1;
	_ =	sdelay $0x3  }
0xdf: {  	[tilespmem:s13+$0x860] =	vst v48  }
0xe0: {  	v48 =	vld.idx.msk [tilespmem:v59+s1+$0x0], $0xffff  }
0xe1: {  	v60 =	vor.u32 s17, v2;
	_ =	sdelay $0x3  }
0xe2: {  	[tilespmem:s13+$0xA60] =	vst v48  }
0xe3: {  	s17 =	sor.u32 $0x1C0, s15;
	v48 =	vld.idx.msk [tilespmem:v60+s1+$0x0], $0xffff  }
0xe4: {  	v61 =	vor.u32 s17, v0;
	_ =	sdelay $0x3  }
0xe5: {  	[tilespmem:s13+$0xC60] =	vst v48  }
0xe6: {  	v48 =	vld.idx.msk [tilespmem:v61+s1+$0x0], $0xffff  }
0xe7: {  	v62 =	vor.u32 s17, v4;
	_ =	sdelay $0x3  }
0xe8: {  	[tilespmem:s13+$0x870] =	vst v48  }
0xe9: {  	v48 =	vld.idx.msk [tilespmem:v62+s1+$0x0], $0xffff  }
0xea: {  	v63 =	vor.u32 s17, v5;
	_ =	sdelay $0x3  }
0xeb: {  	s16 =	sor.u32 $0x80, s13;
	[tilespmem:s13+$0xA70] =	vst v48  }
0xec: {  	s17 =	sshll.u32 s16, $0x2;
	v48 =	vld.idx.msk [tilespmem:v63+s1+$0x0], $0xffff  }
0xed: {  	v52 =	vor.u32 s17, v0;
	_ =	sdelay $0x3  }
0xee: {  	[tilespmem:s13+$0xC70] =	vst v48  }
0xef: {  	v48 =	vld.idx.msk [tilespmem:v52+s1+$0x0], $0xffff  }
0xf0: {  	v53 =	vor.u32 s17, v1;
	_ =	sdelay $0x3  }
0xf1: {  	[tilespmem:s13+$0x880] =	vst v48  }
0xf2: {  	v48 =	vld.idx.msk [tilespmem:v53+s1+$0x0], $0xffff  }
0xf3: {  	v54 =	vor.u32 s17, v2;
	_ =	sdelay $0x3  }
0xf4: {  	[tilespmem:s13+$0xA80] =	vst v48  }
0xf5: {  	s17 =	sor.u32 $0x240, s15;
	v48 =	vld.idx.msk [tilespmem:v54+s1+$0x0], $0xffff  }
0xf6: {  	v55 =	vor.u32 s17, v0;
	_ =	sdelay $0x3  }
0xf7: {  	[tilespmem:s13+$0xC80] =	vst v48  }
0xf8: {  	v48 =	vld.idx.msk [tilespmem:v55+s1+$0x0], $0xffff  }
0xf9: {  	v56 =	vor.u32 s17, v4;
	_ =	sdelay $0x3  }
0xfa: {  	[tilespmem:s13+$0x890] =	vst v48  }
0xfb: {  	v48 =	vld.idx.msk [tilespmem:v56+s1+$0x0], $0xffff  }
0xfc: {  	v57 =	vor.u32 s17, v5;
	_ =	sdelay $0x3  }
0xfd: {  	[tilespmem:s13+$0xA90] =	vst v48  }
0xfe: {  	s17 =	sor.u32 $0x280, s15;
	v48 =	vld.idx.msk [tilespmem:v57+s1+$0x0], $0xffff  }
0xff: {  	v58 =	vor.u32 s17, v0;
	_ =	sdelay $0x3  }
0x100: {  	[tilespmem:s13+$0xC90] =	vst v48  }
0x101: {  	v48 =	vld.idx.msk [tilespmem:v58+s1+$0x0], $0xffff  }
0x102: {  	v59 =	vor.u32 s17, v1;
	_ =	sdelay $0x3  }
0x103: {  	[tilespmem:s13+$0x8A0] =	vst v48  }
0x104: {  	v48 =	vld.idx.msk [tilespmem:v59+s1+$0x0], $0xffff  }
0x105: {  	v60 =	vor.u32 s17, v2;
	_ =	sdelay $0x3  }
0x106: {  	[tilespmem:s13+$0xAA0] =	vst v48  }
0x107: {  	s17 =	sor.u32 $0x2C0, s15;
	v48 =	vld.idx.msk [tilespmem:v60+s1+$0x0], $0xffff  }
0x108: {  	v61 =	vor.u32 s17, v0;
	_ =	sdelay $0x3  }
0x109: {  	[tilespmem:s13+$0xCA0] =	vst v48  }
0x10a: {  	v48 =	vld.idx.msk [tilespmem:v61+s1+$0x0], $0xffff  }
0x10b: {  	v62 =	vor.u32 s17, v4;
	_ =	sdelay $0x3  }
0x10c: {  	[tilespmem:s13+$0x8B0] =	vst v48  }
0x10d: {  	v48 =	vld.idx.msk [tilespmem:v62+s1+$0x0], $0xffff  }
0x10e: {  	v63 =	vor.u32 s17, v5;
	_ =	sdelay $0x3  }
0x10f: {  	[tilespmem:s13+$0xAB0] =	vst v48  }
0x110: {  	s17 =	sor.u32 $0x300, s15;
	v48 =	vld.idx.msk [tilespmem:v63+s1+$0x0], $0xffff  }
0x111: {  	v52 =	vor.u32 s17, v0;
	_ =	sdelay $0x3  }
0x112: {  	[tilespmem:s13+$0xCB0] =	vst v48  }
0x113: {  	v48 =	vld.idx.msk [tilespmem:v52+s1+$0x0], $0xffff  }
0x114: {  	v53 =	vor.u32 s17, v1;
	_ =	sdelay $0x3  }
0x115: {  	[tilespmem:s13+$0x8C0] =	vst v48  }
0x116: {  	v48 =	vld.idx.msk [tilespmem:v53+s1+$0x0], $0xffff  }
0x117: {  	v54 =	vor.u32 s17, v2;
	_ =	sdelay $0x3  }
0x118: {  	[tilespmem:s13+$0xAC0] =	vst v48  }
0x119: {  	s17 =	sor.u32 $0x340, s15;
	v48 =	vld.idx.msk [tilespmem:v54+s1+$0x0], $0xffff  }
0x11a: {  	v55 =	vor.u32 s17, v0;
	_ =	sdelay $0x3  }
0x11b: {  	[tilespmem:s13+$0xCC0] =	vst v48  }
0x11c: {  	v48 =	vld.idx.msk [tilespmem:v55+s1+$0x0], $0xffff  }
0x11d: {  	v56 =	vor.u32 s17, v4;
	_ =	sdelay $0x3  }
0x11e: {  	[tilespmem:s13+$0x8D0] =	vst v48  }
0x11f: {  	v48 =	vld.idx.msk [tilespmem:v56+s1+$0x0], $0xffff  }
0x120: {  	v57 =	vor.u32 s17, v5;
	_ =	sdelay $0x3  }
0x121: {  	[tilespmem:s13+$0xAD0] =	vst v48  }
0x122: {  	s17 =	sor.u32 $0x380, s15;
	v48 =	vld.idx.msk [tilespmem:v57+s1+$0x0], $0xffff  }
0x123: {  	v58 =	vor.u32 s17, v0;
	_ =	sdelay $0x3  }
0x124: {  	[tilespmem:s13+$0xCD0] =	vst v48  }
0x125: {  	v48 =	vld.idx.msk [tilespmem:v58+s1+$0x0], $0xffff  }
0x126: {  	v59 =	vor.u32 s17, v1;
	_ =	sdelay $0x3  }
0x127: {  	[tilespmem:s13+$0x8E0] =	vst v48  }
0x128: {  	v48 =	vld.idx.msk [tilespmem:v59+s1+$0x0], $0xffff  }
0x129: {  	v60 =	vor.u32 s17, v2;
	_ =	sdelay $0x3  }
0x12a: {  	[tilespmem:s13+$0xAE0] =	vst v48  }
0x12b: {  	s15 =	sor.u32 $0x3C0, s15;
	v48 =	vld.idx.msk [tilespmem:v60+s1+$0x0], $0xffff  }
0x12c: {  	v61 =	vor.u32 s15, v0;
	_ =	sdelay $0x3  }
0x12d: {  	[tilespmem:s13+$0xCE0] =	vst v48  }
0x12e: {  	v48 =	vld.idx.msk [tilespmem:v61+s1+$0x0], $0xffff  }
0x12f: {  	v62 =	vor.u32 s15, v4;
	_ =	sdelay $0x3  }
0x130: {  	[tilespmem:s13+$0x8F0] =	vst v48  }
0x131: {  	v48 =	vld.idx.msk [tilespmem:v62+s1+$0x0], $0xffff  }
0x132: {  	v63 =	vor.u32 s15, v5;
	_ =	sdelay $0x3  }
0x133: {  	[tilespmem:s13+$0xAF0] =	vst v48  }
0x134: {  	v48 =	vld.idx.msk [tilespmem:v63+s1+$0x0], $0xffff;
	_ =	sdelay $0x3  }
0x135: {  	s14 =	sshll.u32 s14, $0xE  }
0x136: {  	s17 =	sor.u32 $0xE00, s14;
	s15 =	sor.u32 $0x800, s13;
	[tilespmem:s13+$0xCF0] =	vst v48  }
0x137: {  	[tilespmem:s17], [sflag:$0x1] =	stream.indirect.gather [hbm4b:s3+s12], $0x40, s15, s12, $0xb8;
	[tilespmem:$0x18E00] =	vst v63  }
0x138: {  	s15 =	sor.u32 $0xA00, s13;
	s17 =	sor.u32 $0x8E00, s14  }
0x139: {  	[tilespmem:s17], [sflag:$0x2] =	stream.indirect.gather [hbm4b:s4+s12], $0x40, s15, s12, $0xb8;
	[tilespmem:$0x18E00] =	vst v63  }
0x13a: {  	s14 =	sor.u32 $0x10E00, s14;
	s17 =	sor.u32 $0xC00, s13  }
0x13b: {  	[tilespmem:s14], [sflag:$0x3] =	stream.indirect.gather [hbm4b:s4+s12], $0x40, s17, s12, $0xb8;
	[tilespmem:$0x18E00] =	vst v63  }
0x13c: {  	s14 =	sshll.u32 s16, $0x6  }
0x13d: {  	s17 =	sor.u32 $0x880, s13;
	s16 =	sor.u32 $0xE00, s14  }
0x13e: {  	[tilespmem:s16], [sflag:$0x1] =	stream.indirect.gather [hbm4b:s3+s12], $0x40, s17, s12, $0xb8;
	[tilespmem:$0x18E00] =	vst v63  }
.Ltmp5:
0x13f: {  	_ = 	snop;
	(pc) =	sbr.rel .LBB2_4-.Ltmp5, $4  }
0x140: {  	s16 =	sor.u32 $0xA80, s13;
	s17 =	sor.u32 $0x8E00, s14  }
0x141: {  	[tilespmem:s17], [sflag:$0x2] =	stream.indirect.gather [hbm4b:s4+s12], $0x40, s16, s12, $0xb8;
	[tilespmem:$0x18E00] =	vst v63  }
0x142: {  	s13 =	sor.u32 $0xC80, s13;
	s14 =	sor.u32 $0x10E00, s14  }
0x143: {  	[tilespmem:s14], [sflag:$0x3] =	stream.indirect.gather [hbm4b:s4+s12], $0x40, s13, s12, $0xb8;
	[tilespmem:$0x18E00] =	vst v63  }
.LBB2_6:
0x144: {  	_ =	sfence.sel $0x180000  }
0x145: {  	[bflag:$0x0] =	sbarrier.arrive $0xFFFF  }
0x146: {  	_ =	strace $0x9000004A  }
0x147: {  	s0 =	stileid.u32;
	[bflag:$0x2] =	sbarrier.arrive $0xFFFF  }
0x148: {  	p0 =	sne.s32 s0, $0x0;
	s0 =	rddreg [dreg:$0x1]  }
0x149: {  	s0 =	sadd.s32 @!p0 $0x100000, s0  }
0x14a: {  	[sflag:s0] =	ssyncadd.tile.s32 @!p0 $0x1;
	_ =	shalt  }
.Lfunc_end2:
_tile_overlayer_lowered:
.L_overlay_start_2:
0x14b: {  	(tag) =	ssettag $0x2  }
0x14c: {  	s0 =	rddreg [dreg:$0x0];
	s2 =	stileid.u32  }
0x14d: {  	s1 =	rddreg [dreg:$0x1];
	p0 =	sne.s32 s2, $0x0  }
0x14e: {  	s3 =	rddreg [dreg:$0x2];
	[bflag:$0x3] =	sbarrier.arrive $0xFFFF;
	s2 =	simm.s32 @!p0 $0x1C04  }
0x14f: {  	[timem:s3], [sflag:s2] =	dma.local @!p0 [hbm:s0], s1  }
0x150: {  	s0 =	simm.s32 @!p0 $0x4  }
0x151: {  	_ =	swait.ge @!p0 [sflag:s0], s1  }
0x152: {  	s1 =	ssub.s32 @!p0 $0x0, s1;
	[sflag:s0] =	ssyncset.done @!p0 $0x0  }
0x153: {  	[sflag:s0] =	ssyncadd.s32 @!p0 s1  }
0x154: {  	[bflag:$0x3] =	sbarrier.arrive $0xFFFF  }
0x155: {  	_ =	shalt  }

</sc_bundles>
